<compile_context>
chip_gen: v7x
topology: tpu7x:2x2x1
jax: 0.10.2.dev20260603
libtpu: 0.0.44.dev20260713+nightly
codegen_flags: <defaults>
</compile_context>

<pallas_src>
import functools

import jax
import jax.numpy as jnp
from jax import lax
from jax.experimental import pallas as pl
from jax.experimental.pallas import tpu as pltpu
from jax.experimental.pallas import tpu_sc as plsc

_NC = 2
_NS = 16
_NW = _NC * _NS
_LANES = 16


def _sc_dispatch_gather(inputs, tok, outidx, n_pad):
    _, d_in = inputs.shape
    R = tok.shape[0]
    rpw = R // _NW
    chunk = 32
    n_chunks = rpw // chunk
    mesh = plsc.VectorSubcoreMesh(core_axis_name="c", subcore_axis_name="s")

    @functools.partial(
        pl.kernel,
        out_type=jax.ShapeDtypeStruct((n_pad, d_in), jnp.float32),
        mesh=mesh,
        scratch_types=(
            pltpu.VMEM((rpw,), jnp.int32),
            pltpu.VMEM((n_chunks, chunk), jnp.int32),
            pltpu.VMEM((3, chunk, d_in), jnp.float32),
            pltpu.SemaphoreType.DMA,
            pltpu.SemaphoreType.DMA,
            pltpu.SemaphoreType.DMA,
            pltpu.SemaphoreType.DMA,
            pltpu.SemaphoreType.DMA,
            pltpu.SemaphoreType.DMA,
        ),
    )
    def run(inputs_hbm, tok_hbm, outidx_hbm, xpad_hbm, idx_v, oidx_v, rows_v,
            gsem0, gsem1, gsem2, ssem0, ssem1, ssem2):
        wid = lax.axis_index("s") * _NC + lax.axis_index("c")
        base = wid * rpw
        pltpu.sync_copy(tok_hbm.at[pl.ds(base, rpw)], idx_v)
        pltpu.sync_copy(outidx_hbm.at[wid], oidx_v)
        gsems = (gsem0, gsem1, gsem2)
        ssems = (ssem0, ssem1, ssem2)

        def start_gather(c):
            b = c % 3
            return pltpu.async_copy(
                inputs_hbm.at[idx_v.at[pl.ds(c * chunk, chunk)]],
                rows_v.at[b], gsems[b])

        gh = {0: start_gather(0)}
        sh = {}
        for c in range(n_chunks):
            b = c % 3
            if c + 1 < n_chunks:
                if c - 2 >= 0:
                    sh.pop(c - 2).wait()
                gh[c + 1] = start_gather(c + 1)
            gh.pop(c).wait()
            sh[c] = pltpu.async_copy(
                rows_v.at[b], xpad_hbm.at[oidx_v.at[c]], ssems[b])
        for c in sorted(sh):
            sh.pop(c).wait()

    return run(inputs, tok, outidx)


def _sc_combine(y, inv, gates_flat, n_tokens, kk):
    R, d_out = y.shape
    tpw = n_tokens // _NW
    ct = _LANES // kk
    n_chunks = tpw // ct
    vregs = d_out // _LANES
    mesh = plsc.VectorSubcoreMesh(core_axis_name="c", subcore_axis_name="s")

    @functools.partial(
        pl.kernel,
        out_type=jax.ShapeDtypeStruct((n_tokens, d_out), jnp.float32),
        mesh=mesh,
        scratch_types=(
            pltpu.VMEM((tpw * kk,), jnp.int32),
            pltpu.VMEM((tpw * kk,), jnp.float32),
            pltpu.VMEM((2, ct * kk, d_out), jnp.float32),
            pltpu.VMEM((2, ct, d_out), jnp.float32),
            pltpu.SemaphoreType.DMA,
            pltpu.SemaphoreType.DMA,
            pltpu.SemaphoreType.DMA,
            pltpu.SemaphoreType.DMA,
        ),
    )
    def run(y_hbm, inv_hbm, gates_hbm, res_hbm, idx_v, g_v, ybuf_v, obuf_v,
            gsem0, gsem1, ssem0, ssem1):
        wid = lax.axis_index("s") * _NC + lax.axis_index("c")
        tbase = wid * tpw
        pltpu.sync_copy(inv_hbm.at[pl.ds(tbase * kk, tpw * kk)], idx_v)
        pltpu.sync_copy(gates_hbm.at[pl.ds(tbase * kk, tpw * kk)], g_v)
        gsems = (gsem0, gsem1)
        ssems = (ssem0, ssem1)

        def start_gather(c):
            b = c % 2
            return pltpu.async_copy(
                y_hbm.at[idx_v.at[pl.ds(c * ct * kk, ct * kk)]],
                ybuf_v.at[b], gsems[b])

        gh = {0: start_gather(0)}
        sh = {}
        for c in range(n_chunks):
            b = c % 2
            if c + 1 < n_chunks:
                gh[c + 1] = start_gather(c + 1)
            gh.pop(c).wait()
            if c >= 2:
                sh.pop(c - 2).wait()
            greg = g_v[pl.ds(c * ct * kk, _LANES)]
            gs = [greg[i] for i in range(ct * kk)]

            def body(j, _):
                for t in range(ct):
                    acc = gs[t * kk] * ybuf_v[b, t * kk,
                                              pl.ds(j * _LANES, _LANES)]
                    for jj in range(1, kk):
                        acc = acc + gs[t * kk + jj] * ybuf_v[
                            b, t * kk + jj, pl.ds(j * _LANES, _LANES)]
                    obuf_v[b, t, pl.ds(j * _LANES, _LANES)] = acc
                return 0

            lax.fori_loop(0, vregs, body, 0)
            sh[c] = pltpu.async_copy(
                obuf_v.at[b], res_hbm.at[pl.ds(tbase + c * ct, ct)], ssems[b])
        for c in sorted(sh):
            sh.pop(c).wait()

    return run(y, inv, gates_flat)


def _padded_matmul(x_pad, weight, blk_expert, *, br):
    P, d_in = x_pad.shape
    E, d_out, _ = weight.shape
    nb = P // br

    def body(eid, x_ref, w_ref, y_ref):
        del eid
        y_ref[...] = jax.lax.dot_general(
            x_ref[...], w_ref[0], (((1,), (1,)), ((), ())),
            preferred_element_type=jnp.float32)

    grid_spec = pltpu.PrefetchScalarGridSpec(
        num_scalar_prefetch=1,
        grid=(nb,),
        in_specs=[
            pl.BlockSpec((br, d_in), lambda i, eid: (i, 0)),
            pl.BlockSpec((1, d_out, d_in), lambda i, eid: (eid[i], 0, 0)),
        ],
        out_specs=pl.BlockSpec((br, d_out), lambda i, eid: (i, 0)),
    )
    return pl.pallas_call(
        body,
        grid_spec=grid_spec,
        out_shape=jax.ShapeDtypeStruct((P, d_out), jnp.float32),
        compiler_params=pltpu.CompilerParams(
            dimension_semantics=("parallel",)),
    )(blk_expert, x_pad, weight)


def kernel(inputs, weight, gates, k, sorted_expert_idxs, sorted_scattered_idxs,
           expert_offsets):
    del k, sorted_expert_idxs
    n, kk = gates.shape
    E = weight.shape[0]
    br = 256
    ssi = sorted_scattered_idxs.astype(jnp.int32)
    ends = expert_offsets.astype(jnp.int32)
    starts = jnp.concatenate([jnp.zeros((1,), jnp.int32), ends[:-1]])
    counts = ends - starts
    n_rows = n * kk
    n_pad = n_rows + E * br

    pcounts = ((counts + br - 1) // br) * br
    pends = jnp.cumsum(pcounts)
    pstarts = pends - pcounts
    padoff = pstarts - starts

    r = jnp.arange(n_rows, dtype=jnp.int32)
    e_r = jnp.minimum(
        (ends[None, :] <= r[:, None]).sum(axis=1).astype(jnp.int32), E - 1)
    outidx = (r + padoff[e_r]).reshape(_NW, -1, 32)
    tok = ssi // kk

    bstart = jnp.arange(n_pad // br, dtype=jnp.int32) * br
    blk_expert = jnp.minimum(
        (pends[None, :] <= bstart[:, None]).sum(axis=1).astype(jnp.int32),
        E - 1)

    x_pad = _sc_dispatch_gather(inputs, tok, outidx, n_pad)
    y_pad = _padded_matmul(x_pad, weight, blk_expert, br=br)

    inv = jnp.zeros((n_rows,), jnp.int32).at[ssi].set(
        jnp.arange(n_rows, dtype=jnp.int32), unique_indices=True)
    e_s = jnp.minimum(
        (ends[None, :] <= inv[:, None]).sum(axis=1).astype(jnp.int32), E - 1)
    inv_pad = inv + padoff[e_s]
    return _sc_combine(y_pad, inv_pad, gates.reshape(-1), n, kk)

# --- scband reference (transcript-rebuilt; emitter-appended) ---
"""Pipeline reference for scband-parallel-experts-75428215653130 (READ-ONLY COPY).

The authoritative reference and input builder live on the scoring server;
editing this copy changes nothing except your own understanding.
"""

import jax, jax.numpy as jnp
import numpy as np

E = 8
K = 2
N = 2048
D_IN = 1024
D_OUT = 2048


def setup_inputs(seed: int = 0) -> dict:
    key = jax.random.key(seed)
    k1, k2, k3, k4 = jax.random.split(key, 4)
    x = jax.random.normal(k1, (N, D_IN), dtype=jnp.float32)
    weight = jax.random.normal(k2, (E, D_OUT, D_IN), dtype=jnp.float32) * 0.02
    gates_raw = jax.random.uniform(k3, (N, K), dtype=jnp.float32) + 1e-3
    gates = gates_raw / gates_raw.sum(axis=-1, keepdims=True)
    expert_idxs = jax.random.randint(k4, (N * K,), 0, E)
    sorted_expert_idxs = jnp.sort(expert_idxs)
    sorted_scattered_idxs = jnp.argsort(expert_idxs)
    counts = jnp.bincount(expert_idxs, length=E)
    expert_offsets = jnp.cumsum(counts)
    return {
        "inputs": x,
        "weight": weight,
        "gates": gates,
        "k": K,
        "sorted_expert_idxs": sorted_expert_idxs,
        "sorted_scattered_idxs": sorted_scattered_idxs,
        "expert_offsets": expert_offsets,
    }


def reference(inputs, weight, gates, k, sorted_expert_idxs, sorted_scattered_idxs, expert_offsets):
    # ParallelExperts.forward: W = weight.permute(0, 2, 1) -> [E, d_in, d_out]
    W = jnp.transpose(weight, (0, 2, 1))
    # scatter2scatter with x_grouped=False: gather input rows for each expanded slot
    x_rows = jnp.take(inputs, sorted_scattered_idxs // k, axis=0)  # [N*k, d_in]
    # expert-segmented matmul (rows are sorted by expert; offsets give segment ends)
    n_rows = x_rows.shape[0]
    row_expert = jnp.searchsorted(expert_offsets, jnp.arange(n_rows), side='right')
    y_grouped = jnp.zeros((n_rows, W.shape[2]), dtype=x_rows.dtype)
    for e in range(W.shape[0]):
        mask = (row_expert == e).astype(x_rows.dtype)
        y_grouped = y_grouped + mask[:, None] * (x_rows @ W[e])
    # y_grouped=False: scatter rows back to original expanded positions
    out = jnp.zeros_like(y_grouped).at[sorted_scattered_idxs].set(y_grouped)
    # gates combine: (gates.unsqueeze(1) @ out.view(N, k, d_out)).squeeze(1)
    out_expanded = out.reshape(gates.shape[0], gates.shape[1], -1)
    result = jnp.einsum('nk,nkd->nd', gates, out_expanded)
    return result

if __name__ == "__main__":
    import jax
    _d = setup_inputs()
    print(jax.jit(kernel)(*tuple(_d.values())))

</pallas_src>

<mosaic_0001>
#map = affine_map<(d0, d1) -> (0, 0)>
#map1 = affine_map<(d0, d1) -> (0)>
module attributes {stable_mosaic.version = 14 : i64} {
  func.func @run(%arg0: i32, %arg1: i32, %arg2: memref<6144x2048xf32, #tpu.memory_space<hbm>>, %arg3: memref<4096xi32, #tpu.memory_space<hbm>>, %arg4: memref<4096xf32, #tpu.memory_space<hbm>>, %arg5: memref<2048x2048xf32, #tpu.memory_space<hbm>>, %arg6: memref<128xi32, #tpu.memory_space<vmem>>, %arg7: memref<128xf32, #tpu.memory_space<vmem>>, %arg8: memref<2x16x2048xf32, #tpu.memory_space<vmem>>, %arg9: memref<2x8x2048xf32, #tpu.memory_space<vmem>>, %arg10: memref<!tpu.dma_semaphore, #tpu.memory_space<semaphore_mem>>, %arg11: memref<!tpu.dma_semaphore, #tpu.memory_space<semaphore_mem>>, %arg12: memref<!tpu.dma_semaphore, #tpu.memory_space<semaphore_mem>>, %arg13: memref<!tpu.dma_semaphore, #tpu.memory_space<semaphore_mem>>) attributes {dimension_semantics = [#tpu.dimension_semantics<core_parallel>, #tpu.dimension_semantics<subcore_parallel>], iteration_bounds = array<i64: 2, 16>, scalar_prefetch = 0 : i64, scratch_operands = 8 : i64, tpu.core_type = #tpu.core_type<sc_vector_subcore>, window_params = [{transform_indices = #map}, {transform_indices = #map1}, {transform_indices = #map1}, {transform_indices = #map}]} {
    %mul3A = arith.constant 2 : i32
    %mul3A_0 = arith.muli %arg1, %mul3A : i32
    %add3A = arith.addi %mul3A_0, %arg0 : i32
    %mul3A_1 = arith.constant 64 : i32
    %mul3A_2 = arith.muli %add3A, %mul3A_1 : i32
    %mul3A_3 = arith.constant 2 : i32
    %mul3A_4 = arith.muli %mul3A_2, %mul3A_3 : i32
    "tpu.region"() ({
      %run_scoped3A = tpu.sem_alloc : memref<!tpu.dma_semaphore, #tpu.memory_space<semaphore_mem>>
      %dma_start3A_721 = tpu.memref_slice %arg3[%mul3A_4] : memref<4096xi32, #tpu.memory_space<hbm>> -> memref<128xi32, #tpu.memory_space<hbm>>
      %dma_start3A_722 = tpu.memref_slice %arg3[%mul3A_4] : memref<4096xi32, #tpu.memory_space<hbm>> -> memref<128xi32, #tpu.memory_space<hbm>>
      tpu.enqueue_dma source(%dma_start3A_722 : memref<128xi32, #tpu.memory_space<hbm>>) target(%arg6 : memref<128xi32, #tpu.memory_space<vmem>>) target_semaphore(%run_scoped3A : memref<!tpu.dma_semaphore, #tpu.memory_space<semaphore_mem>>)
      %dma_wait3A_723 = tpu.memref_slice %arg3[%mul3A_4] : memref<4096xi32, #tpu.memory_space<hbm>> -> memref<128xi32, #tpu.memory_space<hbm>>
      %dma_wait3A_724 = tpu.memref_slice %arg3[%mul3A_4] : memref<4096xi32, #tpu.memory_space<hbm>> -> memref<128xi32, #tpu.memory_space<hbm>>
      tpu.wait_dma2 semaphore(%run_scoped3A : memref<!tpu.dma_semaphore, #tpu.memory_space<semaphore_mem>>) src(%dma_wait3A_724 : memref<128xi32, #tpu.memory_space<hbm>>) dst(%arg6 : memref<128xi32, #tpu.memory_space<vmem>>)
      tpu.yield
    }) : () -> ()
    %mul3A_5 = arith.constant 2 : i32
    %mul3A_6 = arith.muli %mul3A_2, %mul3A_5 : i32
    "tpu.region"() ({
      %run_scoped3A = tpu.sem_alloc : memref<!tpu.dma_semaphore, #tpu.memory_space<semaphore_mem>>
      %dma_start3A_721 = tpu.memref_slice %arg4[%mul3A_6] : memref<4096xf32, #tpu.memory_space<hbm>> -> memref<128xf32, #tpu.memory_space<hbm>>
      %dma_start3A_722 = tpu.memref_slice %arg4[%mul3A_6] : memref<4096xf32, #tpu.memory_space<hbm>> -> memref<128xf32, #tpu.memory_space<hbm>>
      tpu.enqueue_dma source(%dma_start3A_722 : memref<128xf32, #tpu.memory_space<hbm>>) target(%arg7 : memref<128xf32, #tpu.memory_space<vmem>>) target_semaphore(%run_scoped3A : memref<!tpu.dma_semaphore, #tpu.memory_space<semaphore_mem>>)
      %dma_wait3A_723 = tpu.memref_slice %arg4[%mul3A_6] : memref<4096xf32, #tpu.memory_space<hbm>> -> memref<128xf32, #tpu.memory_space<hbm>>
      %dma_wait3A_724 = tpu.memref_slice %arg4[%mul3A_6] : memref<4096xf32, #tpu.memory_space<hbm>> -> memref<128xf32, #tpu.memory_space<hbm>>
      tpu.wait_dma2 semaphore(%run_scoped3A : memref<!tpu.dma_semaphore, #tpu.memory_space<semaphore_mem>>) src(%dma_wait3A_724 : memref<128xf32, #tpu.memory_space<hbm>>) dst(%arg7 : memref<128xf32, #tpu.memory_space<vmem>>)
      tpu.yield
    }) : () -> ()
    %dma_start3A = arith.constant 0 : i32
    %dma_start3A_7 = arith.constant 0 : i32
    %dma_start3A_8 = arith.constant 0 : i32
    %dma_start3A_9 = tpu.memref_slice %arg8[%dma_start3A, %dma_start3A_7, %dma_start3A_8] : memref<2x16x2048xf32, #tpu.memory_space<vmem>> -> memref<1x16x2048xf32, #tpu.memory_space<vmem>>
    %dma_start3A_10 = tpu.memref_squeeze %dma_start3A_9 : memref<1x16x2048xf32, #tpu.memory_space<vmem>> -> memref<16x2048xf32, #tpu.memory_space<vmem>>
    %dma_start3A_11 = arith.constant 0 : i32
    %dma_start3A_12 = tpu.memref_slice %arg6[%dma_start3A_11] : memref<128xi32, #tpu.memory_space<vmem>> -> memref<16xi32, #tpu.memory_space<vmem>>
    %dma_start3A_13 = arith.constant 0 : i32
    %dma_start3A_14 = arith.constant 0 : i32
    %dma_start3A_15 = tpu.memref_slice %arg2[%dma_start3A_13, %dma_start3A_14] : memref<6144x2048xf32, #tpu.memory_space<hbm>> -> memref<6144x2048xf32, #tpu.memory_space<hbm>>
    tpu.enqueue_indirect_dma source(%dma_start3A_15 : memref<6144x2048xf32, #tpu.memory_space<hbm>>) target(%dma_start3A_10 : memref<16x2048xf32, #tpu.memory_space<vmem>>) offsets(%dma_start3A_12 : memref<16xi32, #tpu.memory_space<vmem>>) semaphore(%arg10 : memref<!tpu.dma_semaphore, #tpu.memory_space<semaphore_mem>>)
    %dma_start3A_16 = arith.constant 1 : i32
    %dma_start3A_17 = arith.constant 0 : i32
    %dma_start3A_18 = arith.constant 0 : i32
    %dma_start3A_19 = tpu.memref_slice %arg8[%dma_start3A_16, %dma_start3A_17, %dma_start3A_18] : memref<2x16x2048xf32, #tpu.memory_space<vmem>> -> memref<1x16x2048xf32, #tpu.memory_space<vmem>>
    %dma_start3A_20 = tpu.memref_squeeze %dma_start3A_19 : memref<1x16x2048xf32, #tpu.memory_space<vmem>> -> memref<16x2048xf32, #tpu.memory_space<vmem>>
    %dma_start3A_21 = arith.constant 16 : i32
    %dma_start3A_22 = tpu.memref_slice %arg6[%dma_start3A_21] : memref<128xi32, #tpu.memory_space<vmem>> -> memref<16xi32, #tpu.memory_space<vmem>>
    %dma_start3A_23 = arith.constant 0 : i32
    %dma_start3A_24 = arith.constant 0 : i32
    %dma_start3A_25 = tpu.memref_slice %arg2[%dma_start3A_23, %dma_start3A_24] : memref<6144x2048xf32, #tpu.memory_space<hbm>> -> memref<6144x2048xf32, #tpu.memory_space<hbm>>
    tpu.enqueue_indirect_dma source(%dma_start3A_25 : memref<6144x2048xf32, #tpu.memory_space<hbm>>) target(%dma_start3A_20 : memref<16x2048xf32, #tpu.memory_space<vmem>>) offsets(%dma_start3A_22 : memref<16xi32, #tpu.memory_space<vmem>>) semaphore(%arg11 : memref<!tpu.dma_semaphore, #tpu.memory_space<semaphore_mem>>)
    %dma_wait3A = arith.constant 0 : i32
    %dma_wait3A_26 = arith.constant 0 : i32
    %dma_wait3A_27 = arith.constant 0 : i32
    %dma_wait3A_28 = tpu.memref_slice %arg8[%dma_wait3A, %dma_wait3A_26, %dma_wait3A_27] : memref<2x16x2048xf32, #tpu.memory_space<vmem>> -> memref<1x16x2048xf32, #tpu.memory_space<vmem>>
    %dma_wait3A_29 = tpu.memref_squeeze %dma_wait3A_28 : memref<1x16x2048xf32, #tpu.memory_space<vmem>> -> memref<16x2048xf32, #tpu.memory_space<vmem>>
    %dma_wait3A_30 = arith.constant 0 : i32
    %dma_wait3A_31 = tpu.memref_slice %arg6[%dma_wait3A_30] : memref<128xi32, #tpu.memory_space<vmem>> -> memref<16xi32, #tpu.memory_space<vmem>>
    %dma_wait3A_32 = arith.constant 0 : i32
    %dma_wait3A_33 = arith.constant 0 : i32
    %dma_wait3A_34 = tpu.memref_slice %arg2[%dma_wait3A_32, %dma_wait3A_33] : memref<6144x2048xf32, #tpu.memory_space<hbm>> -> memref<6144x2048xf32, #tpu.memory_space<hbm>>
    tpu.wait_indirect_dma semaphore(%arg10 : memref<!tpu.dma_semaphore, #tpu.memory_space<semaphore_mem>>) src(%dma_wait3A_34 : memref<6144x2048xf32, #tpu.memory_space<hbm>>) dst(%dma_wait3A_29 : memref<16x2048xf32, #tpu.memory_space<vmem>>)
    %get3A = arith.constant 0 : index
    %get3A_35 = tpu.vector_load %arg7[%get3A] {strides = array<i32>} : memref<128xf32, #tpu.memory_space<vmem>>, vector<16xf32>,
    %get3A_36 = vector.shape_cast %get3A_35 : vector<16xf32> to vector<16xf32>
    %slice3A = vector.extract_strided_slice %get3A_36 {offsets = [0], sizes = [1], strides = [1]} : vector<16xf32> to vector<1xf32>
    %squeeze3A = vector.extract %slice3A[0] : f32 from vector<1xf32>
    %slice3A_37 = vector.extract_strided_slice %get3A_36 {offsets = [1], sizes = [1], strides = [1]} : vector<16xf32> to vector<1xf32>
    %squeeze3A_38 = vector.extract %slice3A_37[0] : f32 from vector<1xf32>
    %slice3A_39 = vector.extract_strided_slice %get3A_36 {offsets = [2], sizes = [1], strides = [1]} : vector<16xf32> to vector<1xf32>
    %squeeze3A_40 = vector.extract %slice3A_39[0] : f32 from vector<1xf32>
    %slice3A_41 = vector.extract_strided_slice %get3A_36 {offsets = [3], sizes = [1], strides = [1]} : vector<16xf32> to vector<1xf32>
    %squeeze3A_42 = vector.extract %slice3A_41[0] : f32 from vector<1xf32>
    %slice3A_43 = vector.extract_strided_slice %get3A_36 {offsets = [4], sizes = [1], strides = [1]} : vector<16xf32> to vector<1xf32>
    %squeeze3A_44 = vector.extract %slice3A_43[0] : f32 from vector<1xf32>
    %slice3A_45 = vector.extract_strided_slice %get3A_36 {offsets = [5], sizes = [1], strides = [1]} : vector<16xf32> to vector<1xf32>
    %squeeze3A_46 = vector.extract %slice3A_45[0] : f32 from vector<1xf32>
    %slice3A_47 = vector.extract_strided_slice %get3A_36 {offsets = [6], sizes = [1], strides = [1]} : vector<16xf32> to vector<1xf32>
    %squeeze3A_48 = vector.extract %slice3A_47[0] : f32 from vector<1xf32>
    %slice3A_49 = vector.extract_strided_slice %get3A_36 {offsets = [7], sizes = [1], strides = [1]} : vector<16xf32> to vector<1xf32>
    %squeeze3A_50 = vector.extract %slice3A_49[0] : f32 from vector<1xf32>
    %slice3A_51 = vector.extract_strided_slice %get3A_36 {offsets = [8], sizes = [1], strides = [1]} : vector<16xf32> to vector<1xf32>
    %squeeze3A_52 = vector.extract %slice3A_51[0] : f32 from vector<1xf32>
    %slice3A_53 = vector.extract_strided_slice %get3A_36 {offsets = [9], sizes = [1], strides = [1]} : vector<16xf32> to vector<1xf32>
    %squeeze3A_54 = vector.extract %slice3A_53[0] : f32 from vector<1xf32>
    %slice3A_55 = vector.extract_strided_slice %get3A_36 {offsets = [10], sizes = [1], strides = [1]} : vector<16xf32> to vector<1xf32>
    %squeeze3A_56 = vector.extract %slice3A_55[0] : f32 from vector<1xf32>
    %slice3A_57 = vector.extract_strided_slice %get3A_36 {offsets = [11], sizes = [1], strides = [1]} : vector<16xf32> to vector<1xf32>
    %squeeze3A_58 = vector.extract %slice3A_57[0] : f32 from vector<1xf32>
    %slice3A_59 = vector.extract_strided_slice %get3A_36 {offsets = [12], sizes = [1], strides = [1]} : vector<16xf32> to vector<1xf32>
    %squeeze3A_60 = vector.extract %slice3A_59[0] : f32 from vector<1xf32>
    %slice3A_61 = vector.extract_strided_slice %get3A_36 {offsets = [13], sizes = [1], strides = [1]} : vector<16xf32> to vector<1xf32>
    %squeeze3A_62 = vector.extract %slice3A_61[0] : f32 from vector<1xf32>
    %slice3A_63 = vector.extract_strided_slice %get3A_36 {offsets = [14], sizes = [1], strides = [1]} : vector<16xf32> to vector<1xf32>
    %squeeze3A_64 = vector.extract %slice3A_63[0] : f32 from vector<1xf32>
    %slice3A_65 = vector.extract_strided_slice %get3A_36 {offsets = [15], sizes = [1], strides = [1]} : vector<16xf32> to vector<1xf32>
    %squeeze3A_66 = vector.extract %slice3A_65[0] : f32 from vector<1xf32>
    %scan3A = arith.constant 0 : i32
    %scan3A_67 = arith.constant 0 : i32
    %scan3A_68 = arith.constant 128 : i32
    %scan3A_69 = arith.addi %scan3A_67, %scan3A_68 : i32
    %scan3A_70 = arith.constant 1 : i32
    %scan3A_71 = scf.for %scan3A_721 = %scan3A_67 to %scan3A_69 step %scan3A_70 iter_args(%scan3A_722 = %scan3A) -> (i32)  : i32 {
      %mul3A_723 = arith.constant 16 : i32
      %mul3A_724 = arith.muli %scan3A_721, %mul3A_723 : i32
      %get3A_725 = arith.constant 0 : i32
      %get3A_726 = arith.constant 0 : i32
      %get3A_727 = arith.index_cast %get3A_725 : i32 to index
      %get3A_728 = arith.index_cast %get3A_726 : i32 to index
      %get3A_729 = arith.index_cast %mul3A_724 : i32 to index
      %get3A_730 = tpu.vector_load %arg8[%get3A_727, %get3A_728, %get3A_729] {strides = array<i32>} : memref<2x16x2048xf32, #tpu.memory_space<vmem>>, vector<1x1x16xf32>,
      %get3A_731 = vector.shape_cast %get3A_730 : vector<1x1x16xf32> to vector<16xf32>
      %mul3A_732 = vector.broadcast %squeeze3A : f32 to vector<16xf32>
      %mul3A_733 = arith.mulf %mul3A_732, %get3A_731 : vector<16xf32>
      %mul3A_734 = arith.constant 16 : i32
      %mul3A_735 = arith.muli %scan3A_721, %mul3A_734 : i32
      %get3A_736 = arith.constant 0 : i32
      %get3A_737 = arith.constant 1 : i32
      %get3A_738 = arith.index_cast %get3A_736 : i32 to index
      %get3A_739 = arith.index_cast %get3A_737 : i32 to index
      %get3A_740 = arith.index_cast %mul3A_735 : i32 to index
      %get3A_741 = tpu.vector_load %arg8[%get3A_738, %get3A_739, %get3A_740] {strides = array<i32>} : memref<2x16x2048xf32, #tpu.memory_space<vmem>>, vector<1x1x16xf32>,
      %get3A_742 = vector.shape_cast %get3A_741 : vector<1x1x16xf32> to vector<16xf32>
      %mul3A_743 = vector.broadcast %squeeze3A_38 : f32 to vector<16xf32>
      %mul3A_744 = arith.mulf %mul3A_743, %get3A_742 : vector<16xf32>
      %add3A_745 = arith.addf %mul3A_733, %mul3A_744 : vector<16xf32>
      %mul3A_746 = arith.constant 16 : i32
      %mul3A_747 = arith.muli %scan3A_721, %mul3A_746 : i32
      %swap3A = arith.constant 0 : i32
      %swap3A_748 = arith.constant 0 : i32
      %swap3A_749 = arith.index_cast %swap3A : i32 to index
      %swap3A_750 = arith.index_cast %swap3A_748 : i32 to index
      %swap3A_751 = arith.index_cast %mul3A_747 : i32 to index
      %swap3A_752 = tpu.vector_load %arg9[%swap3A_749, %swap3A_750, %swap3A_751] {strides = array<i32>} : memref<2x8x2048xf32, #tpu.memory_space<vmem>>, vector<1x1x16xf32>,
      %swap3A_753 = vector.shape_cast %swap3A_752 : vector<1x1x16xf32> to vector<16xf32>
      %swap3A_754 = vector.shape_cast %add3A_745 : vector<16xf32> to vector<1x1x16xf32>
      tpu.vector_store %arg9[%swap3A_749, %swap3A_750, %swap3A_751], %swap3A_754 {strides = array<i32>} : memref<2x8x2048xf32, #tpu.memory_space<vmem>>, vector<1x1x16xf32>,
      %mul3A_755 = arith.constant 16 : i32
      %mul3A_756 = arith.muli %scan3A_721, %mul3A_755 : i32
      %get3A_757 = arith.constant 0 : i32
      %get3A_758 = arith.constant 2 : i32
      %get3A_759 = arith.index_cast %get3A_757 : i32 to index
      %get3A_760 = arith.index_cast %get3A_758 : i32 to index
      %get3A_761 = arith.index_cast %mul3A_756 : i32 to index
      %get3A_762 = tpu.vector_load %arg8[%get3A_759, %get3A_760, %get3A_761] {strides = array<i32>} : memref<2x16x2048xf32, #tpu.memory_space<vmem>>, vector<1x1x16xf32>,
      %get3A_763 = vector.shape_cast %get3A_762 : vector<1x1x16xf32> to vector<16xf32>
      %mul3A_764 = vector.broadcast %squeeze3A_40 : f32 to vector<16xf32>
      %mul3A_765 = arith.mulf %mul3A_764, %get3A_763 : vector<16xf32>
      %mul3A_766 = arith.constant 16 : i32
      %mul3A_767 = arith.muli %scan3A_721, %mul3A_766 : i32
      %get3A_768 = arith.constant 0 : i32
      %get3A_769 = arith.constant 3 : i32
      %get3A_770 = arith.index_cast %get3A_768 : i32 to index
      %get3A_771 = arith.index_cast %get3A_769 : i32 to index
      %get3A_772 = arith.index_cast %mul3A_767 : i32 to index
      %get3A_773 = tpu.vector_load %arg8[%get3A_770, %get3A_771, %get3A_772] {strides = array<i32>} : memref<2x16x2048xf32, #tpu.memory_space<vmem>>, vector<1x1x16xf32>,
      %get3A_774 = vector.shape_cast %get3A_773 : vector<1x1x16xf32> to vector<16xf32>
      %mul3A_775 = vector.broadcast %squeeze3A_42 : f32 to vector<16xf32>
      %mul3A_776 = arith.mulf %mul3A_775, %get3A_774 : vector<16xf32>
      %add3A_777 = arith.addf %mul3A_765, %mul3A_776 : vector<16xf32>
      %mul3A_778 = arith.constant 16 : i32
      %mul3A_779 = arith.muli %scan3A_721, %mul3A_778 : i32
      %swap3A_780 = arith.constant 0 : i32
      %swap3A_781 = arith.constant 1 : i32
      %swap3A_782 = arith.index_cast %swap3A_780 : i32 to index
      %swap3A_783 = arith.index_cast %swap3A_781 : i32 to index
      %swap3A_784 = arith.index_cast %mul3A_779 : i32 to index
      %swap3A_785 = tpu.vector_load %arg9[%swap3A_782, %swap3A_783, %swap3A_784] {strides = array<i32>} : memref<2x8x2048xf32, #tpu.memory_space<vmem>>, vector<1x1x16xf32>,
      %swap3A_786 = vector.shape_cast %swap3A_785 : vector<1x1x16xf32> to vector<16xf32>
      %swap3A_787 = vector.shape_cast %add3A_777 : vector<16xf32> to vector<1x1x16xf32>
      tpu.vector_store %arg9[%swap3A_782, %swap3A_783, %swap3A_784], %swap3A_787 {strides = array<i32>} : memref<2x8x2048xf32, #tpu.memory_space<vmem>>, vector<1x1x16xf32>,
      %mul3A_788 = arith.constant 16 : i32
      %mul3A_789 = arith.muli %scan3A_721, %mul3A_788 : i32
      %get3A_790 = arith.constant 0 : i32
      %get3A_791 = arith.constant 4 : i32
      %get3A_792 = arith.index_cast %get3A_790 : i32 to index
      %get3A_793 = arith.index_cast %get3A_791 : i32 to index
      %get3A_794 = arith.index_cast %mul3A_789 : i32 to index
      %get3A_795 = tpu.vector_load %arg8[%get3A_792, %get3A_793, %get3A_794] {strides = array<i32>} : memref<2x16x2048xf32, #tpu.memory_space<vmem>>, vector<1x1x16xf32>,
      %get3A_796 = vector.shape_cast %get3A_795 : vector<1x1x16xf32> to vector<16xf32>
      %mul3A_797 = vector.broadcast %squeeze3A_44 : f32 to vector<16xf32>
      %mul3A_798 = arith.mulf %mul3A_797, %get3A_796 : vector<16xf32>
      %mul3A_799 = arith.constant 16 : i32
      %mul3A_800 = arith.muli %scan3A_721, %mul3A_799 : i32
      %get3A_801 = arith.constant 0 : i32
      %get3A_802 = arith.constant 5 : i32
      %get3A_803 = arith.index_cast %get3A_801 : i32 to index
      %get3A_804 = arith.index_cast %get3A_802 : i32 to index
      %get3A_805 = arith.index_cast %mul3A_800 : i32 to index
      %get3A_806 = tpu.vector_load %arg8[%get3A_803, %get3A_804, %get3A_805] {strides = array<i32>} : memref<2x16x2048xf32, #tpu.memory_space<vmem>>, vector<1x1x16xf32>,
      %get3A_807 = vector.shape_cast %get3A_806 : vector<1x1x16xf32> to vector<16xf32>
      %mul3A_808 = vector.broadcast %squeeze3A_46 : f32 to vector<16xf32>
      %mul3A_809 = arith.mulf %mul3A_808, %get3A_807 : vector<16xf32>
      %add3A_810 = arith.addf %mul3A_798, %mul3A_809 : vector<16xf32>
      %mul3A_811 = arith.constant 16 : i32
      %mul3A_812 = arith.muli %scan3A_721, %mul3A_811 : i32
      %swap3A_813 = arith.constant 0 : i32
      %swap3A_814 = arith.constant 2 : i32
      %swap3A_815 = arith.index_cast %swap3A_813 : i32 to index
      %swap3A_816 = arith.index_cast %swap3A_814 : i32 to index
      %swap3A_817 = arith.index_cast %mul3A_812 : i32 to index
      %swap3A_818 = tpu.vector_load %arg9[%swap3A_815, %swap3A_816, %swap3A_817] {strides = array<i32>} : memref<2x8x2048xf32, #tpu.memory_space<vmem>>, vector<1x1x16xf32>,
      %swap3A_819 = vector.shape_cast %swap3A_818 : vector<1x1x16xf32> to vector<16xf32>
      %swap3A_820 = vector.shape_cast %add3A_810 : vector<16xf32> to vector<1x1x16xf32>
      tpu.vector_store %arg9[%swap3A_815, %swap3A_816, %swap3A_817], %swap3A_820 {strides = array<i32>} : memref<2x8x2048xf32, #tpu.memory_space<vmem>>, vector<1x1x16xf32>,
      %mul3A_821 = arith.constant 16 : i32
      %mul3A_822 = arith.muli %scan3A_721, %mul3A_821 : i32
      %get3A_823 = arith.constant 0 : i32
      %get3A_824 = arith.constant 6 : i32
      %get3A_825 = arith.index_cast %get3A_823 : i32 to index
      %get3A_826 = arith.index_cast %get3A_824 : i32 to index
      %get3A_827 = arith.index_cast %mul3A_822 : i32 to index
      %get3A_828 = tpu.vector_load %arg8[%get3A_825, %get3A_826, %get3A_827] {strides = array<i32>} : memref<2x16x2048xf32, #tpu.memory_space<vmem>>, vector<1x1x16xf32>,
      %get3A_829 = vector.shape_cast %get3A_828 : vector<1x1x16xf32> to vector<16xf32>
      %mul3A_830 = vector.broadcast %squeeze3A_48 : f32 to vector<16xf32>
      %mul3A_831 = arith.mulf %mul3A_830, %get3A_829 : vector<16xf32>
      %mul3A_832 = arith.constant 16 : i32
      %mul3A_833 = arith.muli %scan3A_721, %mul3A_832 : i32
      %get3A_834 = arith.constant 0 : i32
      %get3A_835 = arith.constant 7 : i32
      %get3A_836 = arith.index_cast %get3A_834 : i32 to index
      %get3A_837 = arith.index_cast %get3A_835 : i32 to index
      %get3A_838 = arith.index_cast %mul3A_833 : i32 to index
      %get3A_839 = tpu.vector_load %arg8[%get3A_836, %get3A_837, %get3A_838] {strides = array<i32>} : memref<2x16x2048xf32, #tpu.memory_space<vmem>>, vector<1x1x16xf32>,
      %get3A_840 = vector.shape_cast %get3A_839 : vector<1x1x16xf32> to vector<16xf32>
      %mul3A_841 = vector.broadcast %squeeze3A_50 : f32 to vector<16xf32>
      %mul3A_842 = arith.mulf %mul3A_841, %get3A_840 : vector<16xf32>
      %add3A_843 = arith.addf %mul3A_831, %mul3A_842 : vector<16xf32>
      %mul3A_844 = arith.constant 16 : i32
      %mul3A_845 = arith.muli %scan3A_721, %mul3A_844 : i32
      %swap3A_846 = arith.constant 0 : i32
      %swap3A_847 = arith.constant 3 : i32
      %swap3A_848 = arith.index_cast %swap3A_846 : i32 to index
      %swap3A_849 = arith.index_cast %swap3A_847 : i32 to index
      %swap3A_850 = arith.index_cast %mul3A_845 : i32 to index
      %swap3A_851 = tpu.vector_load %arg9[%swap3A_848, %swap3A_849, %swap3A_850] {strides = array<i32>} : memref<2x8x2048xf32, #tpu.memory_space<vmem>>, vector<1x1x16xf32>,
      %swap3A_852 = vector.shape_cast %swap3A_851 : vector<1x1x16xf32> to vector<16xf32>
      %swap3A_853 = vector.shape_cast %add3A_843 : vector<16xf32> to vector<1x1x16xf32>
      tpu.vector_store %arg9[%swap3A_848, %swap3A_849, %swap3A_850], %swap3A_853 {strides = array<i32>} : memref<2x8x2048xf32, #tpu.memory_space<vmem>>, vector<1x1x16xf32>,
      %mul3A_854 = arith.constant 16 : i32
      %mul3A_855 = arith.muli %scan3A_721, %mul3A_854 : i32
      %get3A_856 = arith.constant 0 : i32
      %get3A_857 = arith.constant 8 : i32
      %get3A_858 = arith.index_cast %get3A_856 : i32 to index
      %get3A_859 = arith.index_cast %get3A_857 : i32 to index
      %get3A_860 = arith.index_cast %mul3A_855 : i32 to index
      %get3A_861 = tpu.vector_load %arg8[%get3A_858, %get3A_859, %get3A_860] {strides = array<i32>} : memref<2x16x2048xf32, #tpu.memory_space<vmem>>, vector<1x1x16xf32>,
      %get3A_862 = vector.shape_cast %get3A_861 : vector<1x1x16xf32> to vector<16xf32>
      %mul3A_863 = vector.broadcast %squeeze3A_52 : f32 to vector<16xf32>
      %mul3A_864 = arith.mulf %mul3A_863, %get3A_862 : vector<16xf32>
      %mul3A_865 = arith.constant 16 : i32
      %mul3A_866 = arith.muli %scan3A_721, %mul3A_865 : i32
      %get3A_867 = arith.constant 0 : i32
      %get3A_868 = arith.constant 9 : i32
      %get3A_869 = arith.index_cast %get3A_867 : i32 to index
      %get3A_870 = arith.index_cast %get3A_868 : i32 to index
      %get3A_871 = arith.index_cast %mul3A_866 : i32 to index
      %get3A_872 = tpu.vector_load %arg8[%get3A_869, %get3A_870, %get3A_871] {strides = array<i32>} : memref<2x16x2048xf32, #tpu.memory_space<vmem>>, vector<1x1x16xf32>,
      %get3A_873 = vector.shape_cast %get3A_872 : vector<1x1x16xf32> to vector<16xf32>
      %mul3A_874 = vector.broadcast %squeeze3A_54 : f32 to vector<16xf32>
      %mul3A_875 = arith.mulf %mul3A_874, %get3A_873 : vector<16xf32>
      %add3A_876 = arith.addf %mul3A_864, %mul3A_875 : vector<16xf32>
      %mul3A_877 = arith.constant 16 : i32
      %mul3A_878 = arith.muli %scan3A_721, %mul3A_877 : i32
      %swap3A_879 = arith.constant 0 : i32
      %swap3A_880 = arith.constant 4 : i32
      %swap3A_881 = arith.index_cast %swap3A_879 : i32 to index
      %swap3A_882 = arith.index_cast %swap3A_880 : i32 to index
      %swap3A_883 = arith.index_cast %mul3A_878 : i32 to index
      %swap3A_884 = tpu.vector_load %arg9[%swap3A_881, %swap3A_882, %swap3A_883] {strides = array<i32>} : memref<2x8x2048xf32, #tpu.memory_space<vmem>>, vector<1x1x16xf32>,
      %swap3A_885 = vector.shape_cast %swap3A_884 : vector<1x1x16xf32> to vector<16xf32>
      %swap3A_886 = vector.shape_cast %add3A_876 : vector<16xf32> to vector<1x1x16xf32>
      tpu.vector_store %arg9[%swap3A_881, %swap3A_882, %swap3A_883], %swap3A_886 {strides = array<i32>} : memref<2x8x2048xf32, #tpu.memory_space<vmem>>, vector<1x1x16xf32>,
      %mul3A_887 = arith.constant 16 : i32
      %mul3A_888 = arith.muli %scan3A_721, %mul3A_887 : i32
      %get3A_889 = arith.constant 0 : i32
      %get3A_890 = arith.constant 10 : i32
      %get3A_891 = arith.index_cast %get3A_889 : i32 to index
      %get3A_892 = arith.index_cast %get3A_890 : i32 to index
      %get3A_893 = arith.index_cast %mul3A_888 : i32 to index
      %get3A_894 = tpu.vector_load %arg8[%get3A_891, %get3A_892, %get3A_893] {strides = array<i32>} : memref<2x16x2048xf32, #tpu.memory_space<vmem>>, vector<1x1x16xf32>,
      %get3A_895 = vector.shape_cast %get3A_894 : vector<1x1x16xf32> to vector<16xf32>
      %mul3A_896 = vector.broadcast %squeeze3A_56 : f32 to vector<16xf32>
      %mul3A_897 = arith.mulf %mul3A_896, %get3A_895 : vector<16xf32>
      %mul3A_898 = arith.constant 16 : i32
      %mul3A_899 = arith.muli %scan3A_721, %mul3A_898 : i32
      %get3A_900 = arith.constant 0 : i32
      %get3A_901 = arith.constant 11 : i32
      %get3A_902 = arith.index_cast %get3A_900 : i32 to index
      %get3A_903 = arith.index_cast %get3A_901 : i32 to index
      %get3A_904 = arith.index_cast %mul3A_899 : i32 to index
      %get3A_905 = tpu.vector_load %arg8[%get3A_902, %get3A_903, %get3A_904] {strides = array<i32>} : memref<2x16x2048xf32, #tpu.memory_space<vmem>>, vector<1x1x16xf32>,
      %get3A_906 = vector.shape_cast %get3A_905 : vector<1x1x16xf32> to vector<16xf32>
      %mul3A_907 = vector.broadcast %squeeze3A_58 : f32 to vector<16xf32>
      %mul3A_908 = arith.mulf %mul3A_907, %get3A_906 : vector<16xf32>
      %add3A_909 = arith.addf %mul3A_897, %mul3A_908 : vector<16xf32>
      %mul3A_910 = arith.constant 16 : i32
      %mul3A_911 = arith.muli %scan3A_721, %mul3A_910 : i32
      %swap3A_912 = arith.constant 0 : i32
      %swap3A_913 = arith.constant 5 : i32
      %swap3A_914 = arith.index_cast %swap3A_912 : i32 to index
      %swap3A_915 = arith.index_cast %swap3A_913 : i32 to index
      %swap3A_916 = arith.index_cast %mul3A_911 : i32 to index
      %swap3A_917 = tpu.vector_load %arg9[%swap3A_914, %swap3A_915, %swap3A_916] {strides = array<i32>} : memref<2x8x2048xf32, #tpu.memory_space<vmem>>, vector<1x1x16xf32>,
      %swap3A_918 = vector.shape_cast %swap3A_917 : vector<1x1x16xf32> to vector<16xf32>
      %swap3A_919 = vector.shape_cast %add3A_909 : vector<16xf32> to vector<1x1x16xf32>
      tpu.vector_store %arg9[%swap3A_914, %swap3A_915, %swap3A_916], %swap3A_919 {strides = array<i32>} : memref<2x8x2048xf32, #tpu.memory_space<vmem>>, vector<1x1x16xf32>,
      %mul3A_920 = arith.constant 16 : i32
      %mul3A_921 = arith.muli %scan3A_721, %mul3A_920 : i32
      %get3A_922 = arith.constant 0 : i32
      %get3A_923 = arith.constant 12 : i32
      %get3A_924 = arith.index_cast %get3A_922 : i32 to index
      %get3A_925 = arith.index_cast %get3A_923 : i32 to index
      %get3A_926 = arith.index_cast %mul3A_921 : i32 to index
      %get3A_927 = tpu.vector_load %arg8[%get3A_924, %get3A_925, %get3A_926] {strides = array<i32>} : memref<2x16x2048xf32, #tpu.memory_space<vmem>>, vector<1x1x16xf32>,
      %get3A_928 = vector.shape_cast %get3A_927 : vector<1x1x16xf32> to vector<16xf32>
      %mul3A_929 = vector.broadcast %squeeze3A_60 : f32 to vector<16xf32>
      %mul3A_930 = arith.mulf %mul3A_929, %get3A_928 : vector<16xf32>
      %mul3A_931 = arith.constant 16 : i32
      %mul3A_932 = arith.muli %scan3A_721, %mul3A_931 : i32
      %get3A_933 = arith.constant 0 : i32
      %get3A_934 = arith.constant 13 : i32
      %get3A_935 = arith.index_cast %get3A_933 : i32 to index
      %get3A_936 = arith.index_cast %get3A_934 : i32 to index
      %get3A_937 = arith.index_cast %mul3A_932 : i32 to index
      %get3A_938 = tpu.vector_load %arg8[%get3A_935, %get3A_936, %get3A_937] {strides = array<i32>} : memref<2x16x2048xf32, #tpu.memory_space<vmem>>, vector<1x1x16xf32>,
      %get3A_939 = vector.shape_cast %get3A_938 : vector<1x1x16xf32> to vector<16xf32>
      %mul3A_940 = vector.broadcast %squeeze3A_62 : f32 to vector<16xf32>
      %mul3A_941 = arith.mulf %mul3A_940, %get3A_939 : vector<16xf32>
      %add3A_942 = arith.addf %mul3A_930, %mul3A_941 : vector<16xf32>
      %mul3A_943 = arith.constant 16 : i32
      %mul3A_944 = arith.muli %scan3A_721, %mul3A_943 : i32
      %swap3A_945 = arith.constant 0 : i32
      %swap3A_946 = arith.constant 6 : i32
      %swap3A_947 = arith.index_cast %swap3A_945 : i32 to index
      %swap3A_948 = arith.index_cast %swap3A_946 : i32 to index
      %swap3A_949 = arith.index_cast %mul3A_944 : i32 to index
      %swap3A_950 = tpu.vector_load %arg9[%swap3A_947, %swap3A_948, %swap3A_949] {strides = array<i32>} : memref<2x8x2048xf32, #tpu.memory_space<vmem>>, vector<1x1x16xf32>,
      %swap3A_951 = vector.shape_cast %swap3A_950 : vector<1x1x16xf32> to vector<16xf32>
      %swap3A_952 = vector.shape_cast %add3A_942 : vector<16xf32> to vector<1x1x16xf32>
      tpu.vector_store %arg9[%swap3A_947, %swap3A_948, %swap3A_949], %swap3A_952 {strides = array<i32>} : memref<2x8x2048xf32, #tpu.memory_space<vmem>>, vector<1x1x16xf32>,
      %mul3A_953 = arith.constant 16 : i32
      %mul3A_954 = arith.muli %scan3A_721, %mul3A_953 : i32
      %get3A_955 = arith.constant 0 : i32
      %get3A_956 = arith.constant 14 : i32
      %get3A_957 = arith.index_cast %get3A_955 : i32 to index
      %get3A_958 = arith.index_cast %get3A_956 : i32 to index
      %get3A_959 = arith.index_cast %mul3A_954 : i32 to index
      %get3A_960 = tpu.vector_load %arg8[%get3A_957, %get3A_958, %get3A_959] {strides = array<i32>} : memref<2x16x2048xf32, #tpu.memory_space<vmem>>, vector<1x1x16xf32>,
      %get3A_961 = vector.shape_cast %get3A_960 : vector<1x1x16xf32> to vector<16xf32>
      %mul3A_962 = vector.broadcast %squeeze3A_64 : f32 to vector<16xf32>
      %mul3A_963 = arith.mulf %mul3A_962, %get3A_961 : vector<16xf32>
      %mul3A_964 = arith.constant 16 : i32
      %mul3A_965 = arith.muli %scan3A_721, %mul3A_964 : i32
      %get3A_966 = arith.constant 0 : i32
      %get3A_967 = arith.constant 15 : i32
      %get3A_968 = arith.index_cast %get3A_966 : i32 to index
      %get3A_969 = arith.index_cast %get3A_967 : i32 to index
      %get3A_970 = arith.index_cast %mul3A_965 : i32 to index
      %get3A_971 = tpu.vector_load %arg8[%get3A_968, %get3A_969, %get3A_970] {strides = array<i32>} : memref<2x16x2048xf32, #tpu.memory_space<vmem>>, vector<1x1x16xf32>,
      %get3A_972 = vector.shape_cast %get3A_971 : vector<1x1x16xf32> to vector<16xf32>
      %mul3A_973 = vector.broadcast %squeeze3A_66 : f32 to vector<16xf32>
      %mul3A_974 = arith.mulf %mul3A_973, %get3A_972 : vector<16xf32>
      %add3A_975 = arith.addf %mul3A_963, %mul3A_974 : vector<16xf32>
      %mul3A_976 = arith.constant 16 : i32
      %mul3A_977 = arith.muli %scan3A_721, %mul3A_976 : i32
      %swap3A_978 = arith.constant 0 : i32
      %swap3A_979 = arith.constant 7 : i32
      %swap3A_980 = arith.index_cast %swap3A_978 : i32 to index
      %swap3A_981 = arith.index_cast %swap3A_979 : i32 to index
      %swap3A_982 = arith.index_cast %mul3A_977 : i32 to index
      %swap3A_983 = tpu.vector_load %arg9[%swap3A_980, %swap3A_981, %swap3A_982] {strides = array<i32>} : memref<2x8x2048xf32, #tpu.memory_space<vmem>>, vector<1x1x16xf32>,
      %swap3A_984 = vector.shape_cast %swap3A_983 : vector<1x1x16xf32> to vector<16xf32>
      %swap3A_985 = vector.shape_cast %add3A_975 : vector<16xf32> to vector<1x1x16xf32>
      tpu.vector_store %arg9[%swap3A_980, %swap3A_981, %swap3A_982], %swap3A_985 {strides = array<i32>} : memref<2x8x2048xf32, #tpu.memory_space<vmem>>, vector<1x1x16xf32>,
      %scan3A_986 = arith.constant 0 : i32
      scf.yield %scan3A_986 : i32
    }
    %scan3A_72 = arith.constant 128 : i32
    %add3A_73 = arith.constant 0 : i32
    %add3A_74 = arith.addi %mul3A_2, %add3A_73 : i32
    %dma_start3A_75 = arith.constant 0 : i32
    %dma_start3A_76 = arith.constant 0 : i32
    %dma_start3A_77 = arith.constant 0 : i32
    %dma_start3A_78 = tpu.memref_slice %arg9[%dma_start3A_75, %dma_start3A_76, %dma_start3A_77] : memref<2x8x2048xf32, #tpu.memory_space<vmem>> -> memref<1x8x2048xf32, #tpu.memory_space<vmem>>
    %dma_start3A_79 = tpu.memref_squeeze %dma_start3A_78 : memref<1x8x2048xf32, #tpu.memory_space<vmem>> -> memref<8x2048xf32, #tpu.memory_space<vmem>>
    %dma_start3A_80 = arith.constant 0 : i32
    %dma_start3A_81 = tpu.memref_slice %arg5[%add3A_74, %dma_start3A_80] : memref<2048x2048xf32, #tpu.memory_space<hbm>> -> memref<8x2048xf32, #tpu.memory_space<hbm>>
    %dma_start3A_82 = arith.constant 0 : i32
    %dma_start3A_83 = tpu.memref_slice %arg5[%add3A_74, %dma_start3A_82] : memref<2048x2048xf32, #tpu.memory_space<hbm>> -> memref<8x2048xf32, #tpu.memory_space<hbm>>
    %dma_start3A_84 = arith.constant 0 : i32
    %dma_start3A_85 = arith.constant 0 : i32
    %dma_start3A_86 = tpu.memref_slice %arg9[%dma_start3A_75, %dma_start3A_84, %dma_start3A_85] : memref<2x8x2048xf32, #tpu.memory_space<vmem>> -> memref<1x8x2048xf32, #tpu.memory_space<vmem>>
    %dma_start3A_87 = tpu.memref_squeeze %dma_start3A_86 : memref<1x8x2048xf32, #tpu.memory_space<vmem>> -> memref<8x2048xf32, #tpu.memory_space<vmem>>
    tpu.enqueue_dma source(%dma_start3A_87 : memref<8x2048xf32, #tpu.memory_space<vmem>>) target(%dma_start3A_83 : memref<8x2048xf32, #tpu.memory_space<hbm>>) target_semaphore(%arg12 : memref<!tpu.dma_semaphore, #tpu.memory_space<semaphore_mem>>)
    %dma_start3A_88 = arith.constant 0 : i32
    %dma_start3A_89 = arith.constant 0 : i32
    %dma_start3A_90 = arith.constant 0 : i32
    %dma_start3A_91 = tpu.memref_slice %arg8[%dma_start3A_88, %dma_start3A_89, %dma_start3A_90] : memref<2x16x2048xf32, #tpu.memory_space<vmem>> -> memref<1x16x2048xf32, #tpu.memory_space<vmem>>
    %dma_start3A_92 = tpu.memref_squeeze %dma_start3A_91 : memref<1x16x2048xf32, #tpu.memory_space<vmem>> -> memref<16x2048xf32, #tpu.memory_space<vmem>>
    %dma_start3A_93 = arith.constant 32 : i32
    %dma_start3A_94 = tpu.memref_slice %arg6[%dma_start3A_93] : memref<128xi32, #tpu.memory_space<vmem>> -> memref<16xi32, #tpu.memory_space<vmem>>
    %dma_start3A_95 = arith.constant 0 : i32
    %dma_start3A_96 = arith.constant 0 : i32
    %dma_start3A_97 = tpu.memref_slice %arg2[%dma_start3A_95, %dma_start3A_96] : memref<6144x2048xf32, #tpu.memory_space<hbm>> -> memref<6144x2048xf32, #tpu.memory_space<hbm>>
    tpu.enqueue_indirect_dma source(%dma_start3A_97 : memref<6144x2048xf32, #tpu.memory_space<hbm>>) target(%dma_start3A_92 : memref<16x2048xf32, #tpu.memory_space<vmem>>) offsets(%dma_start3A_94 : memref<16xi32, #tpu.memory_space<vmem>>) semaphore(%arg10 : memref<!tpu.dma_semaphore, #tpu.memory_space<semaphore_mem>>)
    %dma_wait3A_98 = arith.constant 1 : i32
    %dma_wait3A_99 = arith.constant 0 : i32
    %dma_wait3A_100 = arith.constant 0 : i32
    %dma_wait3A_101 = tpu.memref_slice %arg8[%dma_wait3A_98, %dma_wait3A_99, %dma_wait3A_100] : memref<2x16x2048xf32, #tpu.memory_space<vmem>> -> memref<1x16x2048xf32, #tpu.memory_space<vmem>>
    %dma_wait3A_102 = tpu.memref_squeeze %dma_wait3A_101 : memref<1x16x2048xf32, #tpu.memory_space<vmem>> -> memref<16x2048xf32, #tpu.memory_space<vmem>>
    %dma_wait3A_103 = arith.constant 16 : i32
    %dma_wait3A_104 = tpu.memref_slice %arg6[%dma_wait3A_103] : memref<128xi32, #tpu.memory_space<vmem>> -> memref<16xi32, #tpu.memory_space<vmem>>
    %dma_wait3A_105 = arith.constant 0 : i32
    %dma_wait3A_106 = arith.constant 0 : i32
    %dma_wait3A_107 = tpu.memref_slice %arg2[%dma_wait3A_105, %dma_wait3A_106] : memref<6144x2048xf32, #tpu.memory_space<hbm>> -> memref<6144x2048xf32, #tpu.memory_space<hbm>>
    tpu.wait_indirect_dma semaphore(%arg11 : memref<!tpu.dma_semaphore, #tpu.memory_space<semaphore_mem>>) src(%dma_wait3A_107 : memref<6144x2048xf32, #tpu.memory_space<hbm>>) dst(%dma_wait3A_102 : memref<16x2048xf32, #tpu.memory_space<vmem>>)
    %get3A_108 = arith.constant 16 : index
    %get3A_109 = tpu.vector_load %arg7[%get3A_108] {strides = array<i32>} : memref<128xf32, #tpu.memory_space<vmem>>, vector<16xf32>,
    %get3A_110 = vector.shape_cast %get3A_109 : vector<16xf32> to vector<16xf32>
    %slice3A_111 = vector.extract_strided_slice %get3A_110 {offsets = [0], sizes = [1], strides = [1]} : vector<16xf32> to vector<1xf32>
    %squeeze3A_112 = vector.extract %slice3A_111[0] : f32 from vector<1xf32>
    %slice3A_113 = vector.extract_strided_slice %get3A_110 {offsets = [1], sizes = [1], strides = [1]} : vector<16xf32> to vector<1xf32>
    %squeeze3A_114 = vector.extract %slice3A_113[0] : f32 from vector<1xf32>
    %slice3A_115 = vector.extract_strided_slice %get3A_110 {offsets = [2], sizes = [1], strides = [1]} : vector<16xf32> to vector<1xf32>
    %squeeze3A_116 = vector.extract %slice3A_115[0] : f32 from vector<1xf32>
    %slice3A_117 = vector.extract_strided_slice %get3A_110 {offsets = [3], sizes = [1], strides = [1]} : vector<16xf32> to vector<1xf32>
    %squeeze3A_118 = vector.extract %slice3A_117[0] : f32 from vector<1xf32>
    %slice3A_119 = vector.extract_strided_slice %get3A_110 {offsets = [4], sizes = [1], strides = [1]} : vector<16xf32> to vector<1xf32>
    %squeeze3A_120 = vector.extract %slice3A_119[0] : f32 from vector<1xf32>
    %slice3A_121 = vector.extract_strided_slice %get3A_110 {offsets = [5], sizes = [1], strides = [1]} : vector<16xf32> to vector<1xf32>
    %squeeze3A_122 = vector.extract %slice3A_121[0] : f32 from vector<1xf32>
    %slice3A_123 = vector.extract_strided_slice %get3A_110 {offsets = [6], sizes = [1], strides = [1]} : vector<16xf32> to vector<1xf32>
    %squeeze3A_124 = vector.extract %slice3A_123[0] : f32 from vector<1xf32>
    %slice3A_125 = vector.extract_strided_slice %get3A_110 {offsets = [7], sizes = [1], strides = [1]} : vector<16xf32> to vector<1xf32>
    %squeeze3A_126 = vector.extract %slice3A_125[0] : f32 from vector<1xf32>
    %slice3A_127 = vector.extract_strided_slice %get3A_110 {offsets = [8], sizes = [1], strides = [1]} : vector<16xf32> to vector<1xf32>
    %squeeze3A_128 = vector.extract %slice3A_127[0] : f32 from vector<1xf32>
    %slice3A_129 = vector.extract_strided_slice %get3A_110 {offsets = [9], sizes = [1], strides = [1]} : vector<16xf32> to vector<1xf32>
    %squeeze3A_130 = vector.extract %slice3A_129[0] : f32 from vector<1xf32>
    %slice3A_131 = vector.extract_strided_slice %get3A_110 {offsets = [10], sizes = [1], strides = [1]} : vector<16xf32> to vector<1xf32>
    %squeeze3A_132 = vector.extract %slice3A_131[0] : f32 from vector<1xf32>
    %slice3A_133 = vector.extract_strided_slice %get3A_110 {offsets = [11], sizes = [1], strides = [1]} : vector<16xf32> to vector<1xf32>
    %squeeze3A_134 = vector.extract %slice3A_133[0] : f32 from vector<1xf32>
    %slice3A_135 = vector.extract_strided_slice %get3A_110 {offsets = [12], sizes = [1], strides = [1]} : vector<16xf32> to vector<1xf32>
    %squeeze3A_136 = vector.extract %slice3A_135[0] : f32 from vector<1xf32>
    %slice3A_137 = vector.extract_strided_slice %get3A_110 {offsets = [13], sizes = [1], strides = [1]} : vector<16xf32> to vector<1xf32>
    %squeeze3A_138 = vector.extract %slice3A_137[0] : f32 from vector<1xf32>
    %slice3A_139 = vector.extract_strided_slice %get3A_110 {offsets = [14], sizes = [1], strides = [1]} : vector<16xf32> to vector<1xf32>
    %squeeze3A_140 = vector.extract %slice3A_139[0] : f32 from vector<1xf32>
    %slice3A_141 = vector.extract_strided_slice %get3A_110 {offsets = [15], sizes = [1], strides = [1]} : vector<16xf32> to vector<1xf32>
    %squeeze3A_142 = vector.extract %slice3A_141[0] : f32 from vector<1xf32>
    %scan3A_143 = arith.constant 0 : i32
    %scan3A_144 = arith.constant 0 : i32
    %scan3A_145 = arith.constant 128 : i32
    %scan3A_146 = arith.addi %scan3A_144, %scan3A_145 : i32
    %scan3A_147 = arith.constant 1 : i32
    %scan3A_148 = scf.for %scan3A_721 = %scan3A_144 to %scan3A_146 step %scan3A_147 iter_args(%scan3A_722 = %scan3A_143) -> (i32)  : i32 {
      %mul3A_723 = arith.constant 16 : i32
      %mul3A_724 = arith.muli %scan3A_721, %mul3A_723 : i32
      %get3A_725 = arith.constant 1 : i32
      %get3A_726 = arith.constant 0 : i32
      %get3A_727 = arith.index_cast %get3A_725 : i32 to index
      %get3A_728 = arith.index_cast %get3A_726 : i32 to index
      %get3A_729 = arith.index_cast %mul3A_724 : i32 to index
      %get3A_730 = tpu.vector_load %arg8[%get3A_727, %get3A_728, %get3A_729] {strides = array<i32>} : memref<2x16x2048xf32, #tpu.memory_space<vmem>>, vector<1x1x16xf32>,
      %get3A_731 = vector.shape_cast %get3A_730 : vector<1x1x16xf32> to vector<16xf32>
      %mul3A_732 = vector.broadcast %squeeze3A_112 : f32 to vector<16xf32>
      %mul3A_733 = arith.mulf %mul3A_732, %get3A_731 : vector<16xf32>
      %mul3A_734 = arith.constant 16 : i32
      %mul3A_735 = arith.muli %scan3A_721, %mul3A_734 : i32
      %get3A_736 = arith.constant 1 : i32
      %get3A_737 = arith.constant 1 : i32
      %get3A_738 = arith.index_cast %get3A_736 : i32 to index
      %get3A_739 = arith.index_cast %get3A_737 : i32 to index
      %get3A_740 = arith.index_cast %mul3A_735 : i32 to index
      %get3A_741 = tpu.vector_load %arg8[%get3A_738, %get3A_739, %get3A_740] {strides = array<i32>} : memref<2x16x2048xf32, #tpu.memory_space<vmem>>, vector<1x1x16xf32>,
      %get3A_742 = vector.shape_cast %get3A_741 : vector<1x1x16xf32> to vector<16xf32>
      %mul3A_743 = vector.broadcast %squeeze3A_114 : f32 to vector<16xf32>
      %mul3A_744 = arith.mulf %mul3A_743, %get3A_742 : vector<16xf32>
      %add3A_745 = arith.addf %mul3A_733, %mul3A_744 : vector<16xf32>
      %mul3A_746 = arith.constant 16 : i32
      %mul3A_747 = arith.muli %scan3A_721, %mul3A_746 : i32
      %swap3A = arith.constant 1 : i32
      %swap3A_748 = arith.constant 0 : i32
      %swap3A_749 = arith.index_cast %swap3A : i32 to index
      %swap3A_750 = arith.index_cast %swap3A_748 : i32 to index
      %swap3A_751 = arith.index_cast %mul3A_747 : i32 to index
      %swap3A_752 = tpu.vector_load %arg9[%swap3A_749, %swap3A_750, %swap3A_751] {strides = array<i32>} : memref<2x8x2048xf32, #tpu.memory_space<vmem>>, vector<1x1x16xf32>,
      %swap3A_753 = vector.shape_cast %swap3A_752 : vector<1x1x16xf32> to vector<16xf32>
      %swap3A_754 = vector.shape_cast %add3A_745 : vector<16xf32> to vector<1x1x16xf32>
      tpu.vector_store %arg9[%swap3A_749, %swap3A_750, %swap3A_751], %swap3A_754 {strides = array<i32>} : memref<2x8x2048xf32, #tpu.memory_space<vmem>>, vector<1x1x16xf32>,
      %mul3A_755 = arith.constant 16 : i32
      %mul3A_756 = arith.muli %scan3A_721, %mul3A_755 : i32
      %get3A_757 = arith.constant 1 : i32
      %get3A_758 = arith.constant 2 : i32
      %get3A_759 = arith.index_cast %get3A_757 : i32 to index
      %get3A_760 = arith.index_cast %get3A_758 : i32 to index
      %get3A_761 = arith.index_cast %mul3A_756 : i32 to index
      %get3A_762 = tpu.vector_load %arg8[%get3A_759, %get3A_760, %get3A_761] {strides = array<i32>} : memref<2x16x2048xf32, #tpu.memory_space<vmem>>, vector<1x1x16xf32>,
      %get3A_763 = vector.shape_cast %get3A_762 : vector<1x1x16xf32> to vector<16xf32>
      %mul3A_764 = vector.broadcast %squeeze3A_116 : f32 to vector<16xf32>
      %mul3A_765 = arith.mulf %mul3A_764, %get3A_763 : vector<16xf32>
      %mul3A_766 = arith.constant 16 : i32
      %mul3A_767 = arith.muli %scan3A_721, %mul3A_766 : i32
      %get3A_768 = arith.constant 1 : i32
      %get3A_769 = arith.constant 3 : i32
      %get3A_770 = arith.index_cast %get3A_768 : i32 to index
      %get3A_771 = arith.index_cast %get3A_769 : i32 to index
      %get3A_772 = arith.index_cast %mul3A_767 : i32 to index
      %get3A_773 = tpu.vector_load %arg8[%get3A_770, %get3A_771, %get3A_772] {strides = array<i32>} : memref<2x16x2048xf32, #tpu.memory_space<vmem>>, vector<1x1x16xf32>,
      %get3A_774 = vector.shape_cast %get3A_773 : vector<1x1x16xf32> to vector<16xf32>
      %mul3A_775 = vector.broadcast %squeeze3A_118 : f32 to vector<16xf32>
      %mul3A_776 = arith.mulf %mul3A_775, %get3A_774 : vector<16xf32>
      %add3A_777 = arith.addf %mul3A_765, %mul3A_776 : vector<16xf32>
      %mul3A_778 = arith.constant 16 : i32
      %mul3A_779 = arith.muli %scan3A_721, %mul3A_778 : i32
      %swap3A_780 = arith.constant 1 : i32
      %swap3A_781 = arith.constant 1 : i32
      %swap3A_782 = arith.index_cast %swap3A_780 : i32 to index
      %swap3A_783 = arith.index_cast %swap3A_781 : i32 to index
      %swap3A_784 = arith.index_cast %mul3A_779 : i32 to index
      %swap3A_785 = tpu.vector_load %arg9[%swap3A_782, %swap3A_783, %swap3A_784] {strides = array<i32>} : memref<2x8x2048xf32, #tpu.memory_space<vmem>>, vector<1x1x16xf32>,
      %swap3A_786 = vector.shape_cast %swap3A_785 : vector<1x1x16xf32> to vector<16xf32>
      %swap3A_787 = vector.shape_cast %add3A_777 : vector<16xf32> to vector<1x1x16xf32>
      tpu.vector_store %arg9[%swap3A_782, %swap3A_783, %swap3A_784], %swap3A_787 {strides = array<i32>} : memref<2x8x2048xf32, #tpu.memory_space<vmem>>, vector<1x1x16xf32>,
      %mul3A_788 = arith.constant 16 : i32
      %mul3A_789 = arith.muli %scan3A_721, %mul3A_788 : i32
      %get3A_790 = arith.constant 1 : i32
      %get3A_791 = arith.constant 4 : i32
      %get3A_792 = arith.index_cast %get3A_790 : i32 to index
      %get3A_793 = arith.index_cast %get3A_791 : i32 to index
      %get3A_794 = arith.index_cast %mul3A_789 : i32 to index
      %get3A_795 = tpu.vector_load %arg8[%get3A_792, %get3A_793, %get3A_794] {strides = array<i32>} : memref<2x16x2048xf32, #tpu.memory_space<vmem>>, vector<1x1x16xf32>,
      %get3A_796 = vector.shape_cast %get3A_795 : vector<1x1x16xf32> to vector<16xf32>
      %mul3A_797 = vector.broadcast %squeeze3A_120 : f32 to vector<16xf32>
      %mul3A_798 = arith.mulf %mul3A_797, %get3A_796 : vector<16xf32>
      %mul3A_799 = arith.constant 16 : i32
      %mul3A_800 = arith.muli %scan3A_721, %mul3A_799 : i32
      %get3A_801 = arith.constant 1 : i32
      %get3A_802 = arith.constant 5 : i32
      %get3A_803 = arith.index_cast %get3A_801 : i32 to index
      %get3A_804 = arith.index_cast %get3A_802 : i32 to index
      %get3A_805 = arith.index_cast %mul3A_800 : i32 to index
      %get3A_806 = tpu.vector_load %arg8[%get3A_803, %get3A_804, %get3A_805] {strides = array<i32>} : memref<2x16x2048xf32, #tpu.memory_space<vmem>>, vector<1x1x16xf32>,
      %get3A_807 = vector.shape_cast %get3A_806 : vector<1x1x16xf32> to vector<16xf32>
      %mul3A_808 = vector.broadcast %squeeze3A_122 : f32 to vector<16xf32>
      %mul3A_809 = arith.mulf %mul3A_808, %get3A_807 : vector<16xf32>
      %add3A_810 = arith.addf %mul3A_798, %mul3A_809 : vector<16xf32>
      %mul3A_811 = arith.constant 16 : i32
      %mul3A_812 = arith.muli %scan3A_721, %mul3A_811 : i32
      %swap3A_813 = arith.constant 1 : i32
      %swap3A_814 = arith.constant 2 : i32
      %swap3A_815 = arith.index_cast %swap3A_813 : i32 to index
      %swap3A_816 = arith.index_cast %swap3A_814 : i32 to index
      %swap3A_817 = arith.index_cast %mul3A_812 : i32 to index
      %swap3A_818 = tpu.vector_load %arg9[%swap3A_815, %swap3A_816, %swap3A_817] {strides = array<i32>} : memref<2x8x2048xf32, #tpu.memory_space<vmem>>, vector<1x1x16xf32>,
      %swap3A_819 = vector.shape_cast %swap3A_818 : vector<1x1x16xf32> to vector<16xf32>
      %swap3A_820 = vector.shape_cast %add3A_810 : vector<16xf32> to vector<1x1x16xf32>
      tpu.vector_store %arg9[%swap3A_815, %swap3A_816, %swap3A_817], %swap3A_820 {strides = array<i32>} : memref<2x8x2048xf32, #tpu.memory_space<vmem>>, vector<1x1x16xf32>,
      %mul3A_821 = arith.constant 16 : i32
      %mul3A_822 = arith.muli %scan3A_721, %mul3A_821 : i32
      %get3A_823 = arith.constant 1 : i32
      %get3A_824 = arith.constant 6 : i32
      %get3A_825 = arith.index_cast %get3A_823 : i32 to index
      %get3A_826 = arith.index_cast %get3A_824 : i32 to index
      %get3A_827 = arith.index_cast %mul3A_822 : i32 to index
      %get3A_828 = tpu.vector_load %arg8[%get3A_825, %get3A_826, %get3A_827] {strides = array<i32>} : memref<2x16x2048xf32, #tpu.memory_space<vmem>>, vector<1x1x16xf32>,
      %get3A_829 = vector.shape_cast %get3A_828 : vector<1x1x16xf32> to vector<16xf32>
      %mul3A_830 = vector.broadcast %squeeze3A_124 : f32 to vector<16xf32>
      %mul3A_831 = arith.mulf %mul3A_830, %get3A_829 : vector<16xf32>
      %mul3A_832 = arith.constant 16 : i32
      %mul3A_833 = arith.muli %scan3A_721, %mul3A_832 : i32
      %get3A_834 = arith.constant 1 : i32
      %get3A_835 = arith.constant 7 : i32
      %get3A_836 = arith.index_cast %get3A_834 : i32 to index
      %get3A_837 = arith.index_cast %get3A_835 : i32 to index
      %get3A_838 = arith.index_cast %mul3A_833 : i32 to index
      %get3A_839 = tpu.vector_load %arg8[%get3A_836, %get3A_837, %get3A_838] {strides = array<i32>} : memref<2x16x2048xf32, #tpu.memory_space<vmem>>, vector<1x1x16xf32>,
      %get3A_840 = vector.shape_cast %get3A_839 : vector<1x1x16xf32> to vector<16xf32>
      %mul3A_841 = vector.broadcast %squeeze3A_126 : f32 to vector<16xf32>
      %mul3A_842 = arith.mulf %mul3A_841, %get3A_840 : vector<16xf32>
      %add3A_843 = arith.addf %mul3A_831, %mul3A_842 : vector<16xf32>
      %mul3A_844 = arith.constant 16 : i32
      %mul3A_845 = arith.muli %scan3A_721, %mul3A_844 : i32
      %swap3A_846 = arith.constant 1 : i32
      %swap3A_847 = arith.constant 3 : i32
      %swap3A_848 = arith.index_cast %swap3A_846 : i32 to index
      %swap3A_849 = arith.index_cast %swap3A_847 : i32 to index
      %swap3A_850 = arith.index_cast %mul3A_845 : i32 to index
      %swap3A_851 = tpu.vector_load %arg9[%swap3A_848, %swap3A_849, %swap3A_850] {strides = array<i32>} : memref<2x8x2048xf32, #tpu.memory_space<vmem>>, vector<1x1x16xf32>,
      %swap3A_852 = vector.shape_cast %swap3A_851 : vector<1x1x16xf32> to vector<16xf32>
      %swap3A_853 = vector.shape_cast %add3A_843 : vector<16xf32> to vector<1x1x16xf32>
      tpu.vector_store %arg9[%swap3A_848, %swap3A_849, %swap3A_850], %swap3A_853 {strides = array<i32>} : memref<2x8x2048xf32, #tpu.memory_space<vmem>>, vector<1x1x16xf32>,
      %mul3A_854 = arith.constant 16 : i32
      %mul3A_855 = arith.muli %scan3A_721, %mul3A_854 : i32
      %get3A_856 = arith.constant 1 : i32
      %get3A_857 = arith.constant 8 : i32
      %get3A_858 = arith.index_cast %get3A_856 : i32 to index
      %get3A_859 = arith.index_cast %get3A_857 : i32 to index
      %get3A_860 = arith.index_cast %mul3A_855 : i32 to index
      %get3A_861 = tpu.vector_load %arg8[%get3A_858, %get3A_859, %get3A_860] {strides = array<i32>} : memref<2x16x2048xf32, #tpu.memory_space<vmem>>, vector<1x1x16xf32>,
      %get3A_862 = vector.shape_cast %get3A_861 : vector<1x1x16xf32> to vector<16xf32>
      %mul3A_863 = vector.broadcast %squeeze3A_128 : f32 to vector<16xf32>
      %mul3A_864 = arith.mulf %mul3A_863, %get3A_862 : vector<16xf32>
      %mul3A_865 = arith.constant 16 : i32
      %mul3A_866 = arith.muli %scan3A_721, %mul3A_865 : i32
      %get3A_867 = arith.constant 1 : i32
      %get3A_868 = arith.constant 9 : i32
      %get3A_869 = arith.index_cast %get3A_867 : i32 to index
      %get3A_870 = arith.index_cast %get3A_868 : i32 to index
      %get3A_871 = arith.index_cast %mul3A_866 : i32 to index
      %get3A_872 = tpu.vector_load %arg8[%get3A_869, %get3A_870, %get3A_871] {strides = array<i32>} : memref<2x16x2048xf32, #tpu.memory_space<vmem>>, vector<1x1x16xf32>,
      %get3A_873 = vector.shape_cast %get3A_872 : vector<1x1x16xf32> to vector<16xf32>
      %mul3A_874 = vector.broadcast %squeeze3A_130 : f32 to vector<16xf32>
      %mul3A_875 = arith.mulf %mul3A_874, %get3A_873 : vector<16xf32>
      %add3A_876 = arith.addf %mul3A_864, %mul3A_875 : vector<16xf32>
      %mul3A_877 = arith.constant 16 : i32
      %mul3A_878 = arith.muli %scan3A_721, %mul3A_877 : i32
      %swap3A_879 = arith.constant 1 : i32
      %swap3A_880 = arith.constant 4 : i32
      %swap3A_881 = arith.index_cast %swap3A_879 : i32 to index
      %swap3A_882 = arith.index_cast %swap3A_880 : i32 to index
      %swap3A_883 = arith.index_cast %mul3A_878 : i32 to index
      %swap3A_884 = tpu.vector_load %arg9[%swap3A_881, %swap3A_882, %swap3A_883] {strides = array<i32>} : memref<2x8x2048xf32, #tpu.memory_space<vmem>>, vector<1x1x16xf32>,
      %swap3A_885 = vector.shape_cast %swap3A_884 : vector<1x1x16xf32> to vector<16xf32>
      %swap3A_886 = vector.shape_cast %add3A_876 : vector<16xf32> to vector<1x1x16xf32>
      tpu.vector_store %arg9[%swap3A_881, %swap3A_882, %swap3A_883], %swap3A_886 {strides = array<i32>} : memref<2x8x2048xf32, #tpu.memory_space<vmem>>, vector<1x1x16xf32>,
      %mul3A_887 = arith.constant 16 : i32
      %mul3A_888 = arith.muli %scan3A_721, %mul3A_887 : i32
      %get3A_889 = arith.constant 1 : i32
      %get3A_890 = arith.constant 10 : i32
      %get3A_891 = arith.index_cast %get3A_889 : i32 to index
      %get3A_892 = arith.index_cast %get3A_890 : i32 to index
      %get3A_893 = arith.index_cast %mul3A_888 : i32 to index
      %get3A_894 = tpu.vector_load %arg8[%get3A_891, %get3A_892, %get3A_893] {strides = array<i32>} : memref<2x16x2048xf32, #tpu.memory_space<vmem>>, vector<1x1x16xf32>,
      %get3A_895 = vector.shape_cast %get3A_894 : vector<1x1x16xf32> to vector<16xf32>
      %mul3A_896 = vector.broadcast %squeeze3A_132 : f32 to vector<16xf32>
      %mul3A_897 = arith.mulf %mul3A_896, %get3A_895 : vector<16xf32>
      %mul3A_898 = arith.constant 16 : i32
      %mul3A_899 = arith.muli %scan3A_721, %mul3A_898 : i32
      %get3A_900 = arith.constant 1 : i32
      %get3A_901 = arith.constant 11 : i32
      %get3A_902 = arith.index_cast %get3A_900 : i32 to index
      %get3A_903 = arith.index_cast %get3A_901 : i32 to index
      %get3A_904 = arith.index_cast %mul3A_899 : i32 to index
      %get3A_905 = tpu.vector_load %arg8[%get3A_902, %get3A_903, %get3A_904] {strides = array<i32>} : memref<2x16x2048xf32, #tpu.memory_space<vmem>>, vector<1x1x16xf32>,
      %get3A_906 = vector.shape_cast %get3A_905 : vector<1x1x16xf32> to vector<16xf32>
      %mul3A_907 = vector.broadcast %squeeze3A_134 : f32 to vector<16xf32>
      %mul3A_908 = arith.mulf %mul3A_907, %get3A_906 : vector<16xf32>
      %add3A_909 = arith.addf %mul3A_897, %mul3A_908 : vector<16xf32>
      %mul3A_910 = arith.constant 16 : i32
      %mul3A_911 = arith.muli %scan3A_721, %mul3A_910 : i32
      %swap3A_912 = arith.constant 1 : i32
      %swap3A_913 = arith.constant 5 : i32
      %swap3A_914 = arith.index_cast %swap3A_912 : i32 to index
      %swap3A_915 = arith.index_cast %swap3A_913 : i32 to index
      %swap3A_916 = arith.index_cast %mul3A_911 : i32 to index
      %swap3A_917 = tpu.vector_load %arg9[%swap3A_914, %swap3A_915, %swap3A_916] {strides = array<i32>} : memref<2x8x2048xf32, #tpu.memory_space<vmem>>, vector<1x1x16xf32>,
      %swap3A_918 = vector.shape_cast %swap3A_917 : vector<1x1x16xf32> to vector<16xf32>
      %swap3A_919 = vector.shape_cast %add3A_909 : vector<16xf32> to vector<1x1x16xf32>
      tpu.vector_store %arg9[%swap3A_914, %swap3A_915, %swap3A_916], %swap3A_919 {strides = array<i32>} : memref<2x8x2048xf32, #tpu.memory_space<vmem>>, vector<1x1x16xf32>,
      %mul3A_920 = arith.constant 16 : i32
      %mul3A_921 = arith.muli %scan3A_721, %mul3A_920 : i32
      %get3A_922 = arith.constant 1 : i32
      %get3A_923 = arith.constant 12 : i32
      %get3A_924 = arith.index_cast %get3A_922 : i32 to index
      %get3A_925 = arith.index_cast %get3A_923 : i32 to index
      %get3A_926 = arith.index_cast %mul3A_921 : i32 to index
      %get3A_927 = tpu.vector_load %arg8[%get3A_924, %get3A_925, %get3A_926] {strides = array<i32>} : memref<2x16x2048xf32, #tpu.memory_space<vmem>>, vector<1x1x16xf32>,
      %get3A_928 = vector.shape_cast %get3A_927 : vector<1x1x16xf32> to vector<16xf32>
      %mul3A_929 = vector.broadcast %squeeze3A_136 : f32 to vector<16xf32>
      %mul3A_930 = arith.mulf %mul3A_929, %get3A_928 : vector<16xf32>
      %mul3A_931 = arith.constant 16 : i32
      %mul3A_932 = arith.muli %scan3A_721, %mul3A_931 : i32
      %get3A_933 = arith.constant 1 : i32
      %get3A_934 = arith.constant 13 : i32
      %get3A_935 = arith.index_cast %get3A_933 : i32 to index
      %get3A_936 = arith.index_cast %get3A_934 : i32 to index
      %get3A_937 = arith.index_cast %mul3A_932 : i32 to index
      %get3A_938 = tpu.vector_load %arg8[%get3A_935, %get3A_936, %get3A_937] {strides = array<i32>} : memref<2x16x2048xf32, #tpu.memory_space<vmem>>, vector<1x1x16xf32>,
      %get3A_939 = vector.shape_cast %get3A_938 : vector<1x1x16xf32> to vector<16xf32>
      %mul3A_940 = vector.broadcast %squeeze3A_138 : f32 to vector<16xf32>
      %mul3A_941 = arith.mulf %mul3A_940, %get3A_939 : vector<16xf32>
      %add3A_942 = arith.addf %mul3A_930, %mul3A_941 : vector<16xf32>
      %mul3A_943 = arith.constant 16 : i32
      %mul3A_944 = arith.muli %scan3A_721, %mul3A_943 : i32
      %swap3A_945 = arith.constant 1 : i32
      %swap3A_946 = arith.constant 6 : i32
      %swap3A_947 = arith.index_cast %swap3A_945 : i32 to index
      %swap3A_948 = arith.index_cast %swap3A_946 : i32 to index
      %swap3A_949 = arith.index_cast %mul3A_944 : i32 to index
      %swap3A_950 = tpu.vector_load %arg9[%swap3A_947, %swap3A_948, %swap3A_949] {strides = array<i32>} : memref<2x8x2048xf32, #tpu.memory_space<vmem>>, vector<1x1x16xf32>,
      %swap3A_951 = vector.shape_cast %swap3A_950 : vector<1x1x16xf32> to vector<16xf32>
      %swap3A_952 = vector.shape_cast %add3A_942 : vector<16xf32> to vector<1x1x16xf32>
      tpu.vector_store %arg9[%swap3A_947, %swap3A_948, %swap3A_949], %swap3A_952 {strides = array<i32>} : memref<2x8x2048xf32, #tpu.memory_space<vmem>>, vector<1x1x16xf32>,
      %mul3A_953 = arith.constant 16 : i32
      %mul3A_954 = arith.muli %scan3A_721, %mul3A_953 : i32
      %get3A_955 = arith.constant 1 : i32
      %get3A_956 = arith.constant 14 : i32
      %get3A_957 = arith.index_cast %get3A_955 : i32 to index
      %get3A_958 = arith.index_cast %get3A_956 : i32 to index
      %get3A_959 = arith.index_cast %mul3A_954 : i32 to index
      %get3A_960 = tpu.vector_load %arg8[%get3A_957, %get3A_958, %get3A_959] {strides = array<i32>} : memref<2x16x2048xf32, #tpu.memory_space<vmem>>, vector<1x1x16xf32>,
      %get3A_961 = vector.shape_cast %get3A_960 : vector<1x1x16xf32> to vector<16xf32>
      %mul3A_962 = vector.broadcast %squeeze3A_140 : f32 to vector<16xf32>
      %mul3A_963 = arith.mulf %mul3A_962, %get3A_961 : vector<16xf32>
      %mul3A_964 = arith.constant 16 : i32
      %mul3A_965 = arith.muli %scan3A_721, %mul3A_964 : i32
      %get3A_966 = arith.constant 1 : i32
      %get3A_967 = arith.constant 15 : i32
      %get3A_968 = arith.index_cast %get3A_966 : i32 to index
      %get3A_969 = arith.index_cast %get3A_967 : i32 to index
      %get3A_970 = arith.index_cast %mul3A_965 : i32 to index
      %get3A_971 = tpu.vector_load %arg8[%get3A_968, %get3A_969, %get3A_970] {strides = array<i32>} : memref<2x16x2048xf32, #tpu.memory_space<vmem>>, vector<1x1x16xf32>,
      %get3A_972 = vector.shape_cast %get3A_971 : vector<1x1x16xf32> to vector<16xf32>
      %mul3A_973 = vector.broadcast %squeeze3A_142 : f32 to vector<16xf32>
      %mul3A_974 = arith.mulf %mul3A_973, %get3A_972 : vector<16xf32>
      %add3A_975 = arith.addf %mul3A_963, %mul3A_974 : vector<16xf32>
      %mul3A_976 = arith.constant 16 : i32
      %mul3A_977 = arith.muli %scan3A_721, %mul3A_976 : i32
      %swap3A_978 = arith.constant 1 : i32
      %swap3A_979 = arith.constant 7 : i32
      %swap3A_980 = arith.index_cast %swap3A_978 : i32 to index
      %swap3A_981 = arith.index_cast %swap3A_979 : i32 to index
      %swap3A_982 = arith.index_cast %mul3A_977 : i32 to index
      %swap3A_983 = tpu.vector_load %arg9[%swap3A_980, %swap3A_981, %swap3A_982] {strides = array<i32>} : memref<2x8x2048xf32, #tpu.memory_space<vmem>>, vector<1x1x16xf32>,
      %swap3A_984 = vector.shape_cast %swap3A_983 : vector<1x1x16xf32> to vector<16xf32>
      %swap3A_985 = vector.shape_cast %add3A_975 : vector<16xf32> to vector<1x1x16xf32>
      tpu.vector_store %arg9[%swap3A_980, %swap3A_981, %swap3A_982], %swap3A_985 {strides = array<i32>} : memref<2x8x2048xf32, #tpu.memory_space<vmem>>, vector<1x1x16xf32>,
      %scan3A_986 = arith.constant 0 : i32
      scf.yield %scan3A_986 : i32
    }
    %scan3A_149 = arith.constant 128 : i32
    %add3A_150 = arith.constant 8 : i32
    %add3A_151 = arith.addi %mul3A_2, %add3A_150 : i32
    %dma_start3A_152 = arith.constant 1 : i32
    %dma_start3A_153 = arith.constant 0 : i32
    %dma_start3A_154 = arith.constant 0 : i32
    %dma_start3A_155 = tpu.memref_slice %arg9[%dma_start3A_152, %dma_start3A_153, %dma_start3A_154] : memref<2x8x2048xf32, #tpu.memory_space<vmem>> -> memref<1x8x2048xf32, #tpu.memory_space<vmem>>
    %dma_start3A_156 = tpu.memref_squeeze %dma_start3A_155 : memref<1x8x2048xf32, #tpu.memory_space<vmem>> -> memref<8x2048xf32, #tpu.memory_space<vmem>>
    %dma_start3A_157 = arith.constant 0 : i32
    %dma_start3A_158 = tpu.memref_slice %arg5[%add3A_151, %dma_start3A_157] : memref<2048x2048xf32, #tpu.memory_space<hbm>> -> memref<8x2048xf32, #tpu.memory_space<hbm>>
    %dma_start3A_159 = arith.constant 0 : i32
    %dma_start3A_160 = tpu.memref_slice %arg5[%add3A_151, %dma_start3A_159] : memref<2048x2048xf32, #tpu.memory_space<hbm>> -> memref<8x2048xf32, #tpu.memory_space<hbm>>
    %dma_start3A_161 = arith.constant 0 : i32
    %dma_start3A_162 = arith.constant 0 : i32
    %dma_start3A_163 = tpu.memref_slice %arg9[%dma_start3A_152, %dma_start3A_161, %dma_start3A_162] : memref<2x8x2048xf32, #tpu.memory_space<vmem>> -> memref<1x8x2048xf32, #tpu.memory_space<vmem>>
    %dma_start3A_164 = tpu.memref_squeeze %dma_start3A_163 : memref<1x8x2048xf32, #tpu.memory_space<vmem>> -> memref<8x2048xf32, #tpu.memory_space<vmem>>
    tpu.enqueue_dma source(%dma_start3A_164 : memref<8x2048xf32, #tpu.memory_space<vmem>>) target(%dma_start3A_160 : memref<8x2048xf32, #tpu.memory_space<hbm>>) target_semaphore(%arg13 : memref<!tpu.dma_semaphore, #tpu.memory_space<semaphore_mem>>)
    %dma_start3A_165 = arith.constant 1 : i32
    %dma_start3A_166 = arith.constant 0 : i32
    %dma_start3A_167 = arith.constant 0 : i32
    %dma_start3A_168 = tpu.memref_slice %arg8[%dma_start3A_165, %dma_start3A_166, %dma_start3A_167] : memref<2x16x2048xf32, #tpu.memory_space<vmem>> -> memref<1x16x2048xf32, #tpu.memory_space<vmem>>
    %dma_start3A_169 = tpu.memref_squeeze %dma_start3A_168 : memref<1x16x2048xf32, #tpu.memory_space<vmem>> -> memref<16x2048xf32, #tpu.memory_space<vmem>>
    %dma_start3A_170 = arith.constant 48 : i32
    %dma_start3A_171 = tpu.memref_slice %arg6[%dma_start3A_170] : memref<128xi32, #tpu.memory_space<vmem>> -> memref<16xi32, #tpu.memory_space<vmem>>
    %dma_start3A_172 = arith.constant 0 : i32
    %dma_start3A_173 = arith.constant 0 : i32
    %dma_start3A_174 = tpu.memref_slice %arg2[%dma_start3A_172, %dma_start3A_173] : memref<6144x2048xf32, #tpu.memory_space<hbm>> -> memref<6144x2048xf32, #tpu.memory_space<hbm>>
    tpu.enqueue_indirect_dma source(%dma_start3A_174 : memref<6144x2048xf32, #tpu.memory_space<hbm>>) target(%dma_start3A_169 : memref<16x2048xf32, #tpu.memory_space<vmem>>) offsets(%dma_start3A_171 : memref<16xi32, #tpu.memory_space<vmem>>) semaphore(%arg11 : memref<!tpu.dma_semaphore, #tpu.memory_space<semaphore_mem>>)
    %dma_wait3A_175 = arith.constant 0 : i32
    %dma_wait3A_176 = arith.constant 0 : i32
    %dma_wait3A_177 = arith.constant 0 : i32
    %dma_wait3A_178 = tpu.memref_slice %arg8[%dma_wait3A_175, %dma_wait3A_176, %dma_wait3A_177] : memref<2x16x2048xf32, #tpu.memory_space<vmem>> -> memref<1x16x2048xf32, #tpu.memory_space<vmem>>
    %dma_wait3A_179 = tpu.memref_squeeze %dma_wait3A_178 : memref<1x16x2048xf32, #tpu.memory_space<vmem>> -> memref<16x2048xf32, #tpu.memory_space<vmem>>
    %dma_wait3A_180 = arith.constant 32 : i32
    %dma_wait3A_181 = tpu.memref_slice %arg6[%dma_wait3A_180] : memref<128xi32, #tpu.memory_space<vmem>> -> memref<16xi32, #tpu.memory_space<vmem>>
    %dma_wait3A_182 = arith.constant 0 : i32
    %dma_wait3A_183 = arith.constant 0 : i32
    %dma_wait3A_184 = tpu.memref_slice %arg2[%dma_wait3A_182, %dma_wait3A_183] : memref<6144x2048xf32, #tpu.memory_space<hbm>> -> memref<6144x2048xf32, #tpu.memory_space<hbm>>
    tpu.wait_indirect_dma semaphore(%arg10 : memref<!tpu.dma_semaphore, #tpu.memory_space<semaphore_mem>>) src(%dma_wait3A_184 : memref<6144x2048xf32, #tpu.memory_space<hbm>>) dst(%dma_wait3A_179 : memref<16x2048xf32, #tpu.memory_space<vmem>>)
    %dma_wait3A_185 = arith.constant 0 : i32
    %dma_wait3A_186 = arith.constant 0 : i32
    %dma_wait3A_187 = arith.constant 0 : i32
    %dma_wait3A_188 = tpu.memref_slice %arg9[%dma_wait3A_185, %dma_wait3A_186, %dma_wait3A_187] : memref<2x8x2048xf32, #tpu.memory_space<vmem>> -> memref<1x8x2048xf32, #tpu.memory_space<vmem>>
    %dma_wait3A_189 = tpu.memref_squeeze %dma_wait3A_188 : memref<1x8x2048xf32, #tpu.memory_space<vmem>> -> memref<8x2048xf32, #tpu.memory_space<vmem>>
    %dma_wait3A_190 = arith.constant 0 : i32
    %dma_wait3A_191 = tpu.memref_slice %arg5[%add3A_74, %dma_wait3A_190] : memref<2048x2048xf32, #tpu.memory_space<hbm>> -> memref<8x2048xf32, #tpu.memory_space<hbm>>
    %dma_wait3A_192 = arith.constant 0 : i32
    %dma_wait3A_193 = tpu.memref_slice %arg5[%add3A_74, %dma_wait3A_192] : memref<2048x2048xf32, #tpu.memory_space<hbm>> -> memref<8x2048xf32, #tpu.memory_space<hbm>>
    %dma_wait3A_194 = arith.constant 0 : i32
    %dma_wait3A_195 = arith.constant 0 : i32
    %dma_wait3A_196 = tpu.memref_slice %arg9[%dma_wait3A_185, %dma_wait3A_194, %dma_wait3A_195] : memref<2x8x2048xf32, #tpu.memory_space<vmem>> -> memref<1x8x2048xf32, #tpu.memory_space<vmem>>
    %dma_wait3A_197 = tpu.memref_squeeze %dma_wait3A_196 : memref<1x8x2048xf32, #tpu.memory_space<vmem>> -> memref<8x2048xf32, #tpu.memory_space<vmem>>
    tpu.wait_dma2 semaphore(%arg12 : memref<!tpu.dma_semaphore, #tpu.memory_space<semaphore_mem>>) src(%dma_wait3A_197 : memref<8x2048xf32, #tpu.memory_space<vmem>>) dst(%dma_wait3A_193 : memref<8x2048xf32, #tpu.memory_space<hbm>>)
    %get3A_198 = arith.constant 32 : index
    %get3A_199 = tpu.vector_load %arg7[%get3A_198] {strides = array<i32>} : memref<128xf32, #tpu.memory_space<vmem>>, vector<16xf32>,
    %get3A_200 = vector.shape_cast %get3A_199 : vector<16xf32> to vector<16xf32>
    %slice3A_201 = vector.extract_strided_slice %get3A_200 {offsets = [0], sizes = [1], strides = [1]} : vector<16xf32> to vector<1xf32>
    %squeeze3A_202 = vector.extract %slice3A_201[0] : f32 from vector<1xf32>
    %slice3A_203 = vector.extract_strided_slice %get3A_200 {offsets = [1], sizes = [1], strides = [1]} : vector<16xf32> to vector<1xf32>
    %squeeze3A_204 = vector.extract %slice3A_203[0] : f32 from vector<1xf32>
    %slice3A_205 = vector.extract_strided_slice %get3A_200 {offsets = [2], sizes = [1], strides = [1]} : vector<16xf32> to vector<1xf32>
    %squeeze3A_206 = vector.extract %slice3A_205[0] : f32 from vector<1xf32>
    %slice3A_207 = vector.extract_strided_slice %get3A_200 {offsets = [3], sizes = [1], strides = [1]} : vector<16xf32> to vector<1xf32>
    %squeeze3A_208 = vector.extract %slice3A_207[0] : f32 from vector<1xf32>
    %slice3A_209 = vector.extract_strided_slice %get3A_200 {offsets = [4], sizes = [1], strides = [1]} : vector<16xf32> to vector<1xf32>
    %squeeze3A_210 = vector.extract %slice3A_209[0] : f32 from vector<1xf32>
    %slice3A_211 = vector.extract_strided_slice %get3A_200 {offsets = [5], sizes = [1], strides = [1]} : vector<16xf32> to vector<1xf32>
    %squeeze3A_212 = vector.extract %slice3A_211[0] : f32 from vector<1xf32>
    %slice3A_213 = vector.extract_strided_slice %get3A_200 {offsets = [6], sizes = [1], strides = [1]} : vector<16xf32> to vector<1xf32>
    %squeeze3A_214 = vector.extract %slice3A_213[0] : f32 from vector<1xf32>
    %slice3A_215 = vector.extract_strided_slice %get3A_200 {offsets = [7], sizes = [1], strides = [1]} : vector<16xf32> to vector<1xf32>
    %squeeze3A_216 = vector.extract %slice3A_215[0] : f32 from vector<1xf32>
    %slice3A_217 = vector.extract_strided_slice %get3A_200 {offsets = [8], sizes = [1], strides = [1]} : vector<16xf32> to vector<1xf32>
    %squeeze3A_218 = vector.extract %slice3A_217[0] : f32 from vector<1xf32>
    %slice3A_219 = vector.extract_strided_slice %get3A_200 {offsets = [9], sizes = [1], strides = [1]} : vector<16xf32> to vector<1xf32>
    %squeeze3A_220 = vector.extract %slice3A_219[0] : f32 from vector<1xf32>
    %slice3A_221 = vector.extract_strided_slice %get3A_200 {offsets = [10], sizes = [1], strides = [1]} : vector<16xf32> to vector<1xf32>
    %squeeze3A_222 = vector.extract %slice3A_221[0] : f32 from vector<1xf32>
    %slice3A_223 = vector.extract_strided_slice %get3A_200 {offsets = [11], sizes = [1], strides = [1]} : vector<16xf32> to vector<1xf32>
    %squeeze3A_224 = vector.extract %slice3A_223[0] : f32 from vector<1xf32>
    %slice3A_225 = vector.extract_strided_slice %get3A_200 {offsets = [12], sizes = [1], strides = [1]} : vector<16xf32> to vector<1xf32>
    %squeeze3A_226 = vector.extract %slice3A_225[0] : f32 from vector<1xf32>
    %slice3A_227 = vector.extract_strided_slice %get3A_200 {offsets = [13], sizes = [1], strides = [1]} : vector<16xf32> to vector<1xf32>
    %squeeze3A_228 = vector.extract %slice3A_227[0] : f32 from vector<1xf32>
    %slice3A_229 = vector.extract_strided_slice %get3A_200 {offsets = [14], sizes = [1], strides = [1]} : vector<16xf32> to vector<1xf32>
    %squeeze3A_230 = vector.extract %slice3A_229[0] : f32 from vector<1xf32>
    %slice3A_231 = vector.extract_strided_slice %get3A_200 {offsets = [15], sizes = [1], strides = [1]} : vector<16xf32> to vector<1xf32>
    %squeeze3A_232 = vector.extract %slice3A_231[0] : f32 from vector<1xf32>
    %scan3A_233 = arith.constant 0 : i32
    %scan3A_234 = arith.constant 0 : i32
    %scan3A_235 = arith.constant 128 : i32
    %scan3A_236 = arith.addi %scan3A_234, %scan3A_235 : i32
    %scan3A_237 = arith.constant 1 : i32
    %scan3A_238 = scf.for %scan3A_721 = %scan3A_234 to %scan3A_236 step %scan3A_237 iter_args(%scan3A_722 = %scan3A_233) -> (i32)  : i32 {
      %mul3A_723 = arith.constant 16 : i32
      %mul3A_724 = arith.muli %scan3A_721, %mul3A_723 : i32
      %get3A_725 = arith.constant 0 : i32
      %get3A_726 = arith.constant 0 : i32
      %get3A_727 = arith.index_cast %get3A_725 : i32 to index
      %get3A_728 = arith.index_cast %get3A_726 : i32 to index
      %get3A_729 = arith.index_cast %mul3A_724 : i32 to index
      %get3A_730 = tpu.vector_load %arg8[%get3A_727, %get3A_728, %get3A_729] {strides = array<i32>} : memref<2x16x2048xf32, #tpu.memory_space<vmem>>, vector<1x1x16xf32>,
      %get3A_731 = vector.shape_cast %get3A_730 : vector<1x1x16xf32> to vector<16xf32>
      %mul3A_732 = vector.broadcast %squeeze3A_202 : f32 to vector<16xf32>
      %mul3A_733 = arith.mulf %mul3A_732, %get3A_731 : vector<16xf32>
      %mul3A_734 = arith.constant 16 : i32
      %mul3A_735 = arith.muli %scan3A_721, %mul3A_734 : i32
      %get3A_736 = arith.constant 0 : i32
      %get3A_737 = arith.constant 1 : i32
      %get3A_738 = arith.index_cast %get3A_736 : i32 to index
      %get3A_739 = arith.index_cast %get3A_737 : i32 to index
      %get3A_740 = arith.index_cast %mul3A_735 : i32 to index
      %get3A_741 = tpu.vector_load %arg8[%get3A_738, %get3A_739, %get3A_740] {strides = array<i32>} : memref<2x16x2048xf32, #tpu.memory_space<vmem>>, vector<1x1x16xf32>,
      %get3A_742 = vector.shape_cast %get3A_741 : vector<1x1x16xf32> to vector<16xf32>
      %mul3A_743 = vector.broadcast %squeeze3A_204 : f32 to vector<16xf32>
      %mul3A_744 = arith.mulf %mul3A_743, %get3A_742 : vector<16xf32>
      %add3A_745 = arith.addf %mul3A_733, %mul3A_744 : vector<16xf32>
      %mul3A_746 = arith.constant 16 : i32
      %mul3A_747 = arith.muli %scan3A_721, %mul3A_746 : i32
      %swap3A = arith.constant 0 : i32
      %swap3A_748 = arith.constant 0 : i32
      %swap3A_749 = arith.index_cast %swap3A : i32 to index
      %swap3A_750 = arith.index_cast %swap3A_748 : i32 to index
      %swap3A_751 = arith.index_cast %mul3A_747 : i32 to index
      %swap3A_752 = tpu.vector_load %arg9[%swap3A_749, %swap3A_750, %swap3A_751] {strides = array<i32>} : memref<2x8x2048xf32, #tpu.memory_space<vmem>>, vector<1x1x16xf32>,
      %swap3A_753 = vector.shape_cast %swap3A_752 : vector<1x1x16xf32> to vector<16xf32>
      %swap3A_754 = vector.shape_cast %add3A_745 : vector<16xf32> to vector<1x1x16xf32>
      tpu.vector_store %arg9[%swap3A_749, %swap3A_750, %swap3A_751], %swap3A_754 {strides = array<i32>} : memref<2x8x2048xf32, #tpu.memory_space<vmem>>, vector<1x1x16xf32>,
      %mul3A_755 = arith.constant 16 : i32
      %mul3A_756 = arith.muli %scan3A_721, %mul3A_755 : i32
      %get3A_757 = arith.constant 0 : i32
      %get3A_758 = arith.constant 2 : i32
      %get3A_759 = arith.index_cast %get3A_757 : i32 to index
      %get3A_760 = arith.index_cast %get3A_758 : i32 to index
      %get3A_761 = arith.index_cast %mul3A_756 : i32 to index
      %get3A_762 = tpu.vector_load %arg8[%get3A_759, %get3A_760, %get3A_761] {strides = array<i32>} : memref<2x16x2048xf32, #tpu.memory_space<vmem>>, vector<1x1x16xf32>,
      %get3A_763 = vector.shape_cast %get3A_762 : vector<1x1x16xf32> to vector<16xf32>
      %mul3A_764 = vector.broadcast %squeeze3A_206 : f32 to vector<16xf32>
      %mul3A_765 = arith.mulf %mul3A_764, %get3A_763 : vector<16xf32>
      %mul3A_766 = arith.constant 16 : i32
      %mul3A_767 = arith.muli %scan3A_721, %mul3A_766 : i32
      %get3A_768 = arith.constant 0 : i32
      %get3A_769 = arith.constant 3 : i32
      %get3A_770 = arith.index_cast %get3A_768 : i32 to index
      %get3A_771 = arith.index_cast %get3A_769 : i32 to index
      %get3A_772 = arith.index_cast %mul3A_767 : i32 to index
      %get3A_773 = tpu.vector_load %arg8[%get3A_770, %get3A_771, %get3A_772] {strides = array<i32>} : memref<2x16x2048xf32, #tpu.memory_space<vmem>>, vector<1x1x16xf32>,
      %get3A_774 = vector.shape_cast %get3A_773 : vector<1x1x16xf32> to vector<16xf32>
      %mul3A_775 = vector.broadcast %squeeze3A_208 : f32 to vector<16xf32>
      %mul3A_776 = arith.mulf %mul3A_775, %get3A_774 : vector<16xf32>
      %add3A_777 = arith.addf %mul3A_765, %mul3A_776 : vector<16xf32>
      %mul3A_778 = arith.constant 16 : i32
      %mul3A_779 = arith.muli %scan3A_721, %mul3A_778 : i32
      %swap3A_780 = arith.constant 0 : i32
      %swap3A_781 = arith.constant 1 : i32
      %swap3A_782 = arith.index_cast %swap3A_780 : i32 to index
      %swap3A_783 = arith.index_cast %swap3A_781 : i32 to index
      %swap3A_784 = arith.index_cast %mul3A_779 : i32 to index
      %swap3A_785 = tpu.vector_load %arg9[%swap3A_782, %swap3A_783, %swap3A_784] {strides = array<i32>} : memref<2x8x2048xf32, #tpu.memory_space<vmem>>, vector<1x1x16xf32>,
      %swap3A_786 = vector.shape_cast %swap3A_785 : vector<1x1x16xf32> to vector<16xf32>
      %swap3A_787 = vector.shape_cast %add3A_777 : vector<16xf32> to vector<1x1x16xf32>
      tpu.vector_store %arg9[%swap3A_782, %swap3A_783, %swap3A_784], %swap3A_787 {strides = array<i32>} : memref<2x8x2048xf32, #tpu.memory_space<vmem>>, vector<1x1x16xf32>,
      %mul3A_788 = arith.constant 16 : i32
      %mul3A_789 = arith.muli %scan3A_721, %mul3A_788 : i32
      %get3A_790 = arith.constant 0 : i32
      %get3A_791 = arith.constant 4 : i32
      %get3A_792 = arith.index_cast %get3A_790 : i32 to index
      %get3A_793 = arith.index_cast %get3A_791 : i32 to index
      %get3A_794 = arith.index_cast %mul3A_789 : i32 to index
      %get3A_795 = tpu.vector_load %arg8[%get3A_792, %get3A_793, %get3A_794] {strides = array<i32>} : memref<2x16x2048xf32, #tpu.memory_space<vmem>>, vector<1x1x16xf32>,
      %get3A_796 = vector.shape_cast %get3A_795 : vector<1x1x16xf32> to vector<16xf32>
      %mul3A_797 = vector.broadcast %squeeze3A_210 : f32 to vector<16xf32>
      %mul3A_798 = arith.mulf %mul3A_797, %get3A_796 : vector<16xf32>
      %mul3A_799 = arith.constant 16 : i32
      %mul3A_800 = arith.muli %scan3A_721, %mul3A_799 : i32
      %get3A_801 = arith.constant 0 : i32
      %get3A_802 = arith.constant 5 : i32
      %get3A_803 = arith.index_cast %get3A_801 : i32 to index
      %get3A_804 = arith.index_cast %get3A_802 : i32 to index
      %get3A_805 = arith.index_cast %mul3A_800 : i32 to index
      %get3A_806 = tpu.vector_load %arg8[%get3A_803, %get3A_804, %get3A_805] {strides = array<i32>} : memref<2x16x2048xf32, #tpu.memory_space<vmem>>, vector<1x1x16xf32>,
      %get3A_807 = vector.shape_cast %get3A_806 : vector<1x1x16xf32> to vector<16xf32>
      %mul3A_808 = vector.broadcast %squeeze3A_212 : f32 to vector<16xf32>
      %mul3A_809 = arith.mulf %mul3A_808, %get3A_807 : vector<16xf32>
      %add3A_810 = arith.addf %mul3A_798, %mul3A_809 : vector<16xf32>
      %mul3A_811 = arith.constant 16 : i32
      %mul3A_812 = arith.muli %scan3A_721, %mul3A_811 : i32
      %swap3A_813 = arith.constant 0 : i32
      %swap3A_814 = arith.constant 2 : i32
      %swap3A_815 = arith.index_cast %swap3A_813 : i32 to index
      %swap3A_816 = arith.index_cast %swap3A_814 : i32 to index
      %swap3A_817 = arith.index_cast %mul3A_812 : i32 to index
      %swap3A_818 = tpu.vector_load %arg9[%swap3A_815, %swap3A_816, %swap3A_817] {strides = array<i32>} : memref<2x8x2048xf32, #tpu.memory_space<vmem>>, vector<1x1x16xf32>,
      %swap3A_819 = vector.shape_cast %swap3A_818 : vector<1x1x16xf32> to vector<16xf32>
      %swap3A_820 = vector.shape_cast %add3A_810 : vector<16xf32> to vector<1x1x16xf32>
      tpu.vector_store %arg9[%swap3A_815, %swap3A_816, %swap3A_817], %swap3A_820 {strides = array<i32>} : memref<2x8x2048xf32, #tpu.memory_space<vmem>>, vector<1x1x16xf32>,
      %mul3A_821 = arith.constant 16 : i32
      %mul3A_822 = arith.muli %scan3A_721, %mul3A_821 : i32
      %get3A_823 = arith.constant 0 : i32
      %get3A_824 = arith.constant 6 : i32
      %get3A_825 = arith.index_cast %get3A_823 : i32 to index
      %get3A_826 = arith.index_cast %get3A_824 : i32 to index
      %get3A_827 = arith.index_cast %mul3A_822 : i32 to index
      %get3A_828 = tpu.vector_load %arg8[%get3A_825, %get3A_826, %get3A_827] {strides = array<i32>} : memref<2x16x2048xf32, #tpu.memory_space<vmem>>, vector<1x1x16xf32>,
      %get3A_829 = vector.shape_cast %get3A_828 : vector<1x1x16xf32> to vector<16xf32>
      %mul3A_830 = vector.broadcast %squeeze3A_214 : f32 to vector<16xf32>
      %mul3A_831 = arith.mulf %mul3A_830, %get3A_829 : vector<16xf32>
      %mul3A_832 = arith.constant 16 : i32
      %mul3A_833 = arith.muli %scan3A_721, %mul3A_832 : i32
      %get3A_834 = arith.constant 0 : i32
      %get3A_835 = arith.constant 7 : i32
      %get3A_836 = arith.index_cast %get3A_834 : i32 to index
      %get3A_837 = arith.index_cast %get3A_835 : i32 to index
      %get3A_838 = arith.index_cast %mul3A_833 : i32 to index
      %get3A_839 = tpu.vector_load %arg8[%get3A_836, %get3A_837, %get3A_838] {strides = array<i32>} : memref<2x16x2048xf32, #tpu.memory_space<vmem>>, vector<1x1x16xf32>,
      %get3A_840 = vector.shape_cast %get3A_839 : vector<1x1x16xf32> to vector<16xf32>
      %mul3A_841 = vector.broadcast %squeeze3A_216 : f32 to vector<16xf32>
      %mul3A_842 = arith.mulf %mul3A_841, %get3A_840 : vector<16xf32>
      %add3A_843 = arith.addf %mul3A_831, %mul3A_842 : vector<16xf32>
      %mul3A_844 = arith.constant 16 : i32
      %mul3A_845 = arith.muli %scan3A_721, %mul3A_844 : i32
      %swap3A_846 = arith.constant 0 : i32
      %swap3A_847 = arith.constant 3 : i32
      %swap3A_848 = arith.index_cast %swap3A_846 : i32 to index
      %swap3A_849 = arith.index_cast %swap3A_847 : i32 to index
      %swap3A_850 = arith.index_cast %mul3A_845 : i32 to index
      %swap3A_851 = tpu.vector_load %arg9[%swap3A_848, %swap3A_849, %swap3A_850] {strides = array<i32>} : memref<2x8x2048xf32, #tpu.memory_space<vmem>>, vector<1x1x16xf32>,
      %swap3A_852 = vector.shape_cast %swap3A_851 : vector<1x1x16xf32> to vector<16xf32>
      %swap3A_853 = vector.shape_cast %add3A_843 : vector<16xf32> to vector<1x1x16xf32>
      tpu.vector_store %arg9[%swap3A_848, %swap3A_849, %swap3A_850], %swap3A_853 {strides = array<i32>} : memref<2x8x2048xf32, #tpu.memory_space<vmem>>, vector<1x1x16xf32>,
      %mul3A_854 = arith.constant 16 : i32
      %mul3A_855 = arith.muli %scan3A_721, %mul3A_854 : i32
      %get3A_856 = arith.constant 0 : i32
      %get3A_857 = arith.constant 8 : i32
      %get3A_858 = arith.index_cast %get3A_856 : i32 to index
      %get3A_859 = arith.index_cast %get3A_857 : i32 to index
      %get3A_860 = arith.index_cast %mul3A_855 : i32 to index
      %get3A_861 = tpu.vector_load %arg8[%get3A_858, %get3A_859, %get3A_860] {strides = array<i32>} : memref<2x16x2048xf32, #tpu.memory_space<vmem>>, vector<1x1x16xf32>,
      %get3A_862 = vector.shape_cast %get3A_861 : vector<1x1x16xf32> to vector<16xf32>
      %mul3A_863 = vector.broadcast %squeeze3A_218 : f32 to vector<16xf32>
      %mul3A_864 = arith.mulf %mul3A_863, %get3A_862 : vector<16xf32>
      %mul3A_865 = arith.constant 16 : i32
      %mul3A_866 = arith.muli %scan3A_721, %mul3A_865 : i32
      %get3A_867 = arith.constant 0 : i32
      %get3A_868 = arith.constant 9 : i32
      %get3A_869 = arith.index_cast %get3A_867 : i32 to index
      %get3A_870 = arith.index_cast %get3A_868 : i32 to index
      %get3A_871 = arith.index_cast %mul3A_866 : i32 to index
      %get3A_872 = tpu.vector_load %arg8[%get3A_869, %get3A_870, %get3A_871] {strides = array<i32>} : memref<2x16x2048xf32, #tpu.memory_space<vmem>>, vector<1x1x16xf32>,
      %get3A_873 = vector.shape_cast %get3A_872 : vector<1x1x16xf32> to vector<16xf32>
      %mul3A_874 = vector.broadcast %squeeze3A_220 : f32 to vector<16xf32>
      %mul3A_875 = arith.mulf %mul3A_874, %get3A_873 : vector<16xf32>
      %add3A_876 = arith.addf %mul3A_864, %mul3A_875 : vector<16xf32>
      %mul3A_877 = arith.constant 16 : i32
      %mul3A_878 = arith.muli %scan3A_721, %mul3A_877 : i32
      %swap3A_879 = arith.constant 0 : i32
      %swap3A_880 = arith.constant 4 : i32
      %swap3A_881 = arith.index_cast %swap3A_879 : i32 to index
      %swap3A_882 = arith.index_cast %swap3A_880 : i32 to index
      %swap3A_883 = arith.index_cast %mul3A_878 : i32 to index
      %swap3A_884 = tpu.vector_load %arg9[%swap3A_881, %swap3A_882, %swap3A_883] {strides = array<i32>} : memref<2x8x2048xf32, #tpu.memory_space<vmem>>, vector<1x1x16xf32>,
      %swap3A_885 = vector.shape_cast %swap3A_884 : vector<1x1x16xf32> to vector<16xf32>
      %swap3A_886 = vector.shape_cast %add3A_876 : vector<16xf32> to vector<1x1x16xf32>
      tpu.vector_store %arg9[%swap3A_881, %swap3A_882, %swap3A_883], %swap3A_886 {strides = array<i32>} : memref<2x8x2048xf32, #tpu.memory_space<vmem>>, vector<1x1x16xf32>,
      %mul3A_887 = arith.constant 16 : i32
      %mul3A_888 = arith.muli %scan3A_721, %mul3A_887 : i32
      %get3A_889 = arith.constant 0 : i32
      %get3A_890 = arith.constant 10 : i32
      %get3A_891 = arith.index_cast %get3A_889 : i32 to index
      %get3A_892 = arith.index_cast %get3A_890 : i32 to index
      %get3A_893 = arith.index_cast %mul3A_888 : i32 to index
      %get3A_894 = tpu.vector_load %arg8[%get3A_891, %get3A_892, %get3A_893] {strides = array<i32>} : memref<2x16x2048xf32, #tpu.memory_space<vmem>>, vector<1x1x16xf32>,
      %get3A_895 = vector.shape_cast %get3A_894 : vector<1x1x16xf32> to vector<16xf32>
      %mul3A_896 = vector.broadcast %squeeze3A_222 : f32 to vector<16xf32>
      %mul3A_897 = arith.mulf %mul3A_896, %get3A_895 : vector<16xf32>
      %mul3A_898 = arith.constant 16 : i32
      %mul3A_899 = arith.muli %scan3A_721, %mul3A_898 : i32
      %get3A_900 = arith.constant 0 : i32
      %get3A_901 = arith.constant 11 : i32
      %get3A_902 = arith.index_cast %get3A_900 : i32 to index
      %get3A_903 = arith.index_cast %get3A_901 : i32 to index
      %get3A_904 = arith.index_cast %mul3A_899 : i32 to index
      %get3A_905 = tpu.vector_load %arg8[%get3A_902, %get3A_903, %get3A_904] {strides = array<i32>} : memref<2x16x2048xf32, #tpu.memory_space<vmem>>, vector<1x1x16xf32>,
      %get3A_906 = vector.shape_cast %get3A_905 : vector<1x1x16xf32> to vector<16xf32>
      %mul3A_907 = vector.broadcast %squeeze3A_224 : f32 to vector<16xf32>
      %mul3A_908 = arith.mulf %mul3A_907, %get3A_906 : vector<16xf32>
      %add3A_909 = arith.addf %mul3A_897, %mul3A_908 : vector<16xf32>
      %mul3A_910 = arith.constant 16 : i32
      %mul3A_911 = arith.muli %scan3A_721, %mul3A_910 : i32
      %swap3A_912 = arith.constant 0 : i32
      %swap3A_913 = arith.constant 5 : i32
      %swap3A_914 = arith.index_cast %swap3A_912 : i32 to index
      %swap3A_915 = arith.index_cast %swap3A_913 : i32 to index
      %swap3A_916 = arith.index_cast %mul3A_911 : i32 to index
      %swap3A_917 = tpu.vector_load %arg9[%swap3A_914, %swap3A_915, %swap3A_916] {strides = array<i32>} : memref<2x8x2048xf32, #tpu.memory_space<vmem>>, vector<1x1x16xf32>,
      %swap3A_918 = vector.shape_cast %swap3A_917 : vector<1x1x16xf32> to vector<16xf32>
      %swap3A_919 = vector.shape_cast %add3A_909 : vector<16xf32> to vector<1x1x16xf32>
      tpu.vector_store %arg9[%swap3A_914, %swap3A_915, %swap3A_916], %swap3A_919 {strides = array<i32>} : memref<2x8x2048xf32, #tpu.memory_space<vmem>>, vector<1x1x16xf32>,
      %mul3A_920 = arith.constant 16 : i32
      %mul3A_921 = arith.muli %scan3A_721, %mul3A_920 : i32
      %get3A_922 = arith.constant 0 : i32
      %get3A_923 = arith.constant 12 : i32
      %get3A_924 = arith.index_cast %get3A_922 : i32 to index
      %get3A_925 = arith.index_cast %get3A_923 : i32 to index
      %get3A_926 = arith.index_cast %mul3A_921 : i32 to index
      %get3A_927 = tpu.vector_load %arg8[%get3A_924, %get3A_925, %get3A_926] {strides = array<i32>} : memref<2x16x2048xf32, #tpu.memory_space<vmem>>, vector<1x1x16xf32>,
      %get3A_928 = vector.shape_cast %get3A_927 : vector<1x1x16xf32> to vector<16xf32>
      %mul3A_929 = vector.broadcast %squeeze3A_226 : f32 to vector<16xf32>
      %mul3A_930 = arith.mulf %mul3A_929, %get3A_928 : vector<16xf32>
      %mul3A_931 = arith.constant 16 : i32
      %mul3A_932 = arith.muli %scan3A_721, %mul3A_931 : i32
      %get3A_933 = arith.constant 0 : i32
      %get3A_934 = arith.constant 13 : i32
      %get3A_935 = arith.index_cast %get3A_933 : i32 to index
      %get3A_936 = arith.index_cast %get3A_934 : i32 to index
      %get3A_937 = arith.index_cast %mul3A_932 : i32 to index
      %get3A_938 = tpu.vector_load %arg8[%get3A_935, %get3A_936, %get3A_937] {strides = array<i32>} : memref<2x16x2048xf32, #tpu.memory_space<vmem>>, vector<1x1x16xf32>,
      %get3A_939 = vector.shape_cast %get3A_938 : vector<1x1x16xf32> to vector<16xf32>
      %mul3A_940 = vector.broadcast %squeeze3A_228 : f32 to vector<16xf32>
      %mul3A_941 = arith.mulf %mul3A_940, %get3A_939 : vector<16xf32>
      %add3A_942 = arith.addf %mul3A_930, %mul3A_941 : vector<16xf32>
      %mul3A_943 = arith.constant 16 : i32
      %mul3A_944 = arith.muli %scan3A_721, %mul3A_943 : i32
      %swap3A_945 = arith.constant 0 : i32
      %swap3A_946 = arith.constant 6 : i32
      %swap3A_947 = arith.index_cast %swap3A_945 : i32 to index
      %swap3A_948 = arith.index_cast %swap3A_946 : i32 to index
      %swap3A_949 = arith.index_cast %mul3A_944 : i32 to index
      %swap3A_950 = tpu.vector_load %arg9[%swap3A_947, %swap3A_948, %swap3A_949] {strides = array<i32>} : memref<2x8x2048xf32, #tpu.memory_space<vmem>>, vector<1x1x16xf32>,
      %swap3A_951 = vector.shape_cast %swap3A_950 : vector<1x1x16xf32> to vector<16xf32>
      %swap3A_952 = vector.shape_cast %add3A_942 : vector<16xf32> to vector<1x1x16xf32>
      tpu.vector_store %arg9[%swap3A_947, %swap3A_948, %swap3A_949], %swap3A_952 {strides = array<i32>} : memref<2x8x2048xf32, #tpu.memory_space<vmem>>, vector<1x1x16xf32>,
      %mul3A_953 = arith.constant 16 : i32
      %mul3A_954 = arith.muli %scan3A_721, %mul3A_953 : i32
      %get3A_955 = arith.constant 0 : i32
      %get3A_956 = arith.constant 14 : i32
      %get3A_957 = arith.index_cast %get3A_955 : i32 to index
      %get3A_958 = arith.index_cast %get3A_956 : i32 to index
      %get3A_959 = arith.index_cast %mul3A_954 : i32 to index
      %get3A_960 = tpu.vector_load %arg8[%get3A_957, %get3A_958, %get3A_959] {strides = array<i32>} : memref<2x16x2048xf32, #tpu.memory_space<vmem>>, vector<1x1x16xf32>,
      %get3A_961 = vector.shape_cast %get3A_960 : vector<1x1x16xf32> to vector<16xf32>
      %mul3A_962 = vector.broadcast %squeeze3A_230 : f32 to vector<16xf32>
      %mul3A_963 = arith.mulf %mul3A_962, %get3A_961 : vector<16xf32>
      %mul3A_964 = arith.constant 16 : i32
      %mul3A_965 = arith.muli %scan3A_721, %mul3A_964 : i32
      %get3A_966 = arith.constant 0 : i32
      %get3A_967 = arith.constant 15 : i32
      %get3A_968 = arith.index_cast %get3A_966 : i32 to index
      %get3A_969 = arith.index_cast %get3A_967 : i32 to index
      %get3A_970 = arith.index_cast %mul3A_965 : i32 to index
      %get3A_971 = tpu.vector_load %arg8[%get3A_968, %get3A_969, %get3A_970] {strides = array<i32>} : memref<2x16x2048xf32, #tpu.memory_space<vmem>>, vector<1x1x16xf32>,
      %get3A_972 = vector.shape_cast %get3A_971 : vector<1x1x16xf32> to vector<16xf32>
      %mul3A_973 = vector.broadcast %squeeze3A_232 : f32 to vector<16xf32>
      %mul3A_974 = arith.mulf %mul3A_973, %get3A_972 : vector<16xf32>
      %add3A_975 = arith.addf %mul3A_963, %mul3A_974 : vector<16xf32>
      %mul3A_976 = arith.constant 16 : i32
      %mul3A_977 = arith.muli %scan3A_721, %mul3A_976 : i32
      %swap3A_978 = arith.constant 0 : i32
      %swap3A_979 = arith.constant 7 : i32
      %swap3A_980 = arith.index_cast %swap3A_978 : i32 to index
      %swap3A_981 = arith.index_cast %swap3A_979 : i32 to index
      %swap3A_982 = arith.index_cast %mul3A_977 : i32 to index
      %swap3A_983 = tpu.vector_load %arg9[%swap3A_980, %swap3A_981, %swap3A_982] {strides = array<i32>} : memref<2x8x2048xf32, #tpu.memory_space<vmem>>, vector<1x1x16xf32>,
      %swap3A_984 = vector.shape_cast %swap3A_983 : vector<1x1x16xf32> to vector<16xf32>
      %swap3A_985 = vector.shape_cast %add3A_975 : vector<16xf32> to vector<1x1x16xf32>
      tpu.vector_store %arg9[%swap3A_980, %swap3A_981, %swap3A_982], %swap3A_985 {strides = array<i32>} : memref<2x8x2048xf32, #tpu.memory_space<vmem>>, vector<1x1x16xf32>,
      %scan3A_986 = arith.constant 0 : i32
      scf.yield %scan3A_986 : i32
    }
    %scan3A_239 = arith.constant 128 : i32
    %add3A_240 = arith.constant 16 : i32
    %add3A_241 = arith.addi %mul3A_2, %add3A_240 : i32
    %dma_start3A_242 = arith.constant 0 : i32
    %dma_start3A_243 = arith.constant 0 : i32
    %dma_start3A_244 = arith.constant 0 : i32
    %dma_start3A_245 = tpu.memref_slice %arg9[%dma_start3A_242, %dma_start3A_243, %dma_start3A_244] : memref<2x8x2048xf32, #tpu.memory_space<vmem>> -> memref<1x8x2048xf32, #tpu.memory_space<vmem>>
    %dma_start3A_246 = tpu.memref_squeeze %dma_start3A_245 : memref<1x8x2048xf32, #tpu.memory_space<vmem>> -> memref<8x2048xf32, #tpu.memory_space<vmem>>
    %dma_start3A_247 = arith.constant 0 : i32
    %dma_start3A_248 = tpu.memref_slice %arg5[%add3A_241, %dma_start3A_247] : memref<2048x2048xf32, #tpu.memory_space<hbm>> -> memref<8x2048xf32, #tpu.memory_space<hbm>>
    %dma_start3A_249 = arith.constant 0 : i32
    %dma_start3A_250 = tpu.memref_slice %arg5[%add3A_241, %dma_start3A_249] : memref<2048x2048xf32, #tpu.memory_space<hbm>> -> memref<8x2048xf32, #tpu.memory_space<hbm>>
    %dma_start3A_251 = arith.constant 0 : i32
    %dma_start3A_252 = arith.constant 0 : i32
    %dma_start3A_253 = tpu.memref_slice %arg9[%dma_start3A_242, %dma_start3A_251, %dma_start3A_252] : memref<2x8x2048xf32, #tpu.memory_space<vmem>> -> memref<1x8x2048xf32, #tpu.memory_space<vmem>>
    %dma_start3A_254 = tpu.memref_squeeze %dma_start3A_253 : memref<1x8x2048xf32, #tpu.memory_space<vmem>> -> memref<8x2048xf32, #tpu.memory_space<vmem>>
    tpu.enqueue_dma source(%dma_start3A_254 : memref<8x2048xf32, #tpu.memory_space<vmem>>) target(%dma_start3A_250 : memref<8x2048xf32, #tpu.memory_space<hbm>>) target_semaphore(%arg12 : memref<!tpu.dma_semaphore, #tpu.memory_space<semaphore_mem>>)
    %dma_start3A_255 = arith.constant 0 : i32
    %dma_start3A_256 = arith.constant 0 : i32
    %dma_start3A_257 = arith.constant 0 : i32
    %dma_start3A_258 = tpu.memref_slice %arg8[%dma_start3A_255, %dma_start3A_256, %dma_start3A_257] : memref<2x16x2048xf32, #tpu.memory_space<vmem>> -> memref<1x16x2048xf32, #tpu.memory_space<vmem>>
    %dma_start3A_259 = tpu.memref_squeeze %dma_start3A_258 : memref<1x16x2048xf32, #tpu.memory_space<vmem>> -> memref<16x2048xf32, #tpu.memory_space<vmem>>
    %dma_start3A_260 = arith.constant 64 : i32
    %dma_start3A_261 = tpu.memref_slice %arg6[%dma_start3A_260] : memref<128xi32, #tpu.memory_space<vmem>> -> memref<16xi32, #tpu.memory_space<vmem>>
    %dma_start3A_262 = arith.constant 0 : i32
    %dma_start3A_263 = arith.constant 0 : i32
    %dma_start3A_264 = tpu.memref_slice %arg2[%dma_start3A_262, %dma_start3A_263] : memref<6144x2048xf32, #tpu.memory_space<hbm>> -> memref<6144x2048xf32, #tpu.memory_space<hbm>>
    tpu.enqueue_indirect_dma source(%dma_start3A_264 : memref<6144x2048xf32, #tpu.memory_space<hbm>>) target(%dma_start3A_259 : memref<16x2048xf32, #tpu.memory_space<vmem>>) offsets(%dma_start3A_261 : memref<16xi32, #tpu.memory_space<vmem>>) semaphore(%arg10 : memref<!tpu.dma_semaphore, #tpu.memory_space<semaphore_mem>>)
    %dma_wait3A_265 = arith.constant 1 : i32
    %dma_wait3A_266 = arith.constant 0 : i32
    %dma_wait3A_267 = arith.constant 0 : i32
    %dma_wait3A_268 = tpu.memref_slice %arg8[%dma_wait3A_265, %dma_wait3A_266, %dma_wait3A_267] : memref<2x16x2048xf32, #tpu.memory_space<vmem>> -> memref<1x16x2048xf32, #tpu.memory_space<vmem>>
    %dma_wait3A_269 = tpu.memref_squeeze %dma_wait3A_268 : memref<1x16x2048xf32, #tpu.memory_space<vmem>> -> memref<16x2048xf32, #tpu.memory_space<vmem>>
    %dma_wait3A_270 = arith.constant 48 : i32
    %dma_wait3A_271 = tpu.memref_slice %arg6[%dma_wait3A_270] : memref<128xi32, #tpu.memory_space<vmem>> -> memref<16xi32, #tpu.memory_space<vmem>>
    %dma_wait3A_272 = arith.constant 0 : i32
    %dma_wait3A_273 = arith.constant 0 : i32
    %dma_wait3A_274 = tpu.memref_slice %arg2[%dma_wait3A_272, %dma_wait3A_273] : memref<6144x2048xf32, #tpu.memory_space<hbm>> -> memref<6144x2048xf32, #tpu.memory_space<hbm>>
    tpu.wait_indirect_dma semaphore(%arg11 : memref<!tpu.dma_semaphore, #tpu.memory_space<semaphore_mem>>) src(%dma_wait3A_274 : memref<6144x2048xf32, #tpu.memory_space<hbm>>) dst(%dma_wait3A_269 : memref<16x2048xf32, #tpu.memory_space<vmem>>)
    %dma_wait3A_275 = arith.constant 1 : i32
    %dma_wait3A_276 = arith.constant 0 : i32
    %dma_wait3A_277 = arith.constant 0 : i32
    %dma_wait3A_278 = tpu.memref_slice %arg9[%dma_wait3A_275, %dma_wait3A_276, %dma_wait3A_277] : memref<2x8x2048xf32, #tpu.memory_space<vmem>> -> memref<1x8x2048xf32, #tpu.memory_space<vmem>>
    %dma_wait3A_279 = tpu.memref_squeeze %dma_wait3A_278 : memref<1x8x2048xf32, #tpu.memory_space<vmem>> -> memref<8x2048xf32, #tpu.memory_space<vmem>>
    %dma_wait3A_280 = arith.constant 0 : i32
    %dma_wait3A_281 = tpu.memref_slice %arg5[%add3A_151, %dma_wait3A_280] : memref<2048x2048xf32, #tpu.memory_space<hbm>> -> memref<8x2048xf32, #tpu.memory_space<hbm>>
    %dma_wait3A_282 = arith.constant 0 : i32
    %dma_wait3A_283 = tpu.memref_slice %arg5[%add3A_151, %dma_wait3A_282] : memref<2048x2048xf32, #tpu.memory_space<hbm>> -> memref<8x2048xf32, #tpu.memory_space<hbm>>
    %dma_wait3A_284 = arith.constant 0 : i32
    %dma_wait3A_285 = arith.constant 0 : i32
    %dma_wait3A_286 = tpu.memref_slice %arg9[%dma_wait3A_275, %dma_wait3A_284, %dma_wait3A_285] : memref<2x8x2048xf32, #tpu.memory_space<vmem>> -> memref<1x8x2048xf32, #tpu.memory_space<vmem>>
    %dma_wait3A_287 = tpu.memref_squeeze %dma_wait3A_286 : memref<1x8x2048xf32, #tpu.memory_space<vmem>> -> memref<8x2048xf32, #tpu.memory_space<vmem>>
    tpu.wait_dma2 semaphore(%arg13 : memref<!tpu.dma_semaphore, #tpu.memory_space<semaphore_mem>>) src(%dma_wait3A_287 : memref<8x2048xf32, #tpu.memory_space<vmem>>) dst(%dma_wait3A_283 : memref<8x2048xf32, #tpu.memory_space<hbm>>)
    %get3A_288 = arith.constant 48 : index
    %get3A_289 = tpu.vector_load %arg7[%get3A_288] {strides = array<i32>} : memref<128xf32, #tpu.memory_space<vmem>>, vector<16xf32>,
    %get3A_290 = vector.shape_cast %get3A_289 : vector<16xf32> to vector<16xf32>
    %slice3A_291 = vector.extract_strided_slice %get3A_290 {offsets = [0], sizes = [1], strides = [1]} : vector<16xf32> to vector<1xf32>
    %squeeze3A_292 = vector.extract %slice3A_291[0] : f32 from vector<1xf32>
    %slice3A_293 = vector.extract_strided_slice %get3A_290 {offsets = [1], sizes = [1], strides = [1]} : vector<16xf32> to vector<1xf32>
    %squeeze3A_294 = vector.extract %slice3A_293[0] : f32 from vector<1xf32>
    %slice3A_295 = vector.extract_strided_slice %get3A_290 {offsets = [2], sizes = [1], strides = [1]} : vector<16xf32> to vector<1xf32>
    %squeeze3A_296 = vector.extract %slice3A_295[0] : f32 from vector<1xf32>
    %slice3A_297 = vector.extract_strided_slice %get3A_290 {offsets = [3], sizes = [1], strides = [1]} : vector<16xf32> to vector<1xf32>
    %squeeze3A_298 = vector.extract %slice3A_297[0] : f32 from vector<1xf32>
    %slice3A_299 = vector.extract_strided_slice %get3A_290 {offsets = [4], sizes = [1], strides = [1]} : vector<16xf32> to vector<1xf32>
    %squeeze3A_300 = vector.extract %slice3A_299[0] : f32 from vector<1xf32>
    %slice3A_301 = vector.extract_strided_slice %get3A_290 {offsets = [5], sizes = [1], strides = [1]} : vector<16xf32> to vector<1xf32>
    %squeeze3A_302 = vector.extract %slice3A_301[0] : f32 from vector<1xf32>
    %slice3A_303 = vector.extract_strided_slice %get3A_290 {offsets = [6], sizes = [1], strides = [1]} : vector<16xf32> to vector<1xf32>
    %squeeze3A_304 = vector.extract %slice3A_303[0] : f32 from vector<1xf32>
    %slice3A_305 = vector.extract_strided_slice %get3A_290 {offsets = [7], sizes = [1], strides = [1]} : vector<16xf32> to vector<1xf32>
    %squeeze3A_306 = vector.extract %slice3A_305[0] : f32 from vector<1xf32>
    %slice3A_307 = vector.extract_strided_slice %get3A_290 {offsets = [8], sizes = [1], strides = [1]} : vector<16xf32> to vector<1xf32>
    %squeeze3A_308 = vector.extract %slice3A_307[0] : f32 from vector<1xf32>
    %slice3A_309 = vector.extract_strided_slice %get3A_290 {offsets = [9], sizes = [1], strides = [1]} : vector<16xf32> to vector<1xf32>
    %squeeze3A_310 = vector.extract %slice3A_309[0] : f32 from vector<1xf32>
    %slice3A_311 = vector.extract_strided_slice %get3A_290 {offsets = [10], sizes = [1], strides = [1]} : vector<16xf32> to vector<1xf32>
    %squeeze3A_312 = vector.extract %slice3A_311[0] : f32 from vector<1xf32>
    %slice3A_313 = vector.extract_strided_slice %get3A_290 {offsets = [11], sizes = [1], strides = [1]} : vector<16xf32> to vector<1xf32>
    %squeeze3A_314 = vector.extract %slice3A_313[0] : f32 from vector<1xf32>
    %slice3A_315 = vector.extract_strided_slice %get3A_290 {offsets = [12], sizes = [1], strides = [1]} : vector<16xf32> to vector<1xf32>
    %squeeze3A_316 = vector.extract %slice3A_315[0] : f32 from vector<1xf32>
    %slice3A_317 = vector.extract_strided_slice %get3A_290 {offsets = [13], sizes = [1], strides = [1]} : vector<16xf32> to vector<1xf32>
    %squeeze3A_318 = vector.extract %slice3A_317[0] : f32 from vector<1xf32>
    %slice3A_319 = vector.extract_strided_slice %get3A_290 {offsets = [14], sizes = [1], strides = [1]} : vector<16xf32> to vector<1xf32>
    %squeeze3A_320 = vector.extract %slice3A_319[0] : f32 from vector<1xf32>
    %slice3A_321 = vector.extract_strided_slice %get3A_290 {offsets = [15], sizes = [1], strides = [1]} : vector<16xf32> to vector<1xf32>
    %squeeze3A_322 = vector.extract %slice3A_321[0] : f32 from vector<1xf32>
    %scan3A_323 = arith.constant 0 : i32
    %scan3A_324 = arith.constant 0 : i32
    %scan3A_325 = arith.constant 128 : i32
    %scan3A_326 = arith.addi %scan3A_324, %scan3A_325 : i32
    %scan3A_327 = arith.constant 1 : i32
    %scan3A_328 = scf.for %scan3A_721 = %scan3A_324 to %scan3A_326 step %scan3A_327 iter_args(%scan3A_722 = %scan3A_323) -> (i32)  : i32 {
      %mul3A_723 = arith.constant 16 : i32
      %mul3A_724 = arith.muli %scan3A_721, %mul3A_723 : i32
      %get3A_725 = arith.constant 1 : i32
      %get3A_726 = arith.constant 0 : i32
      %get3A_727 = arith.index_cast %get3A_725 : i32 to index
      %get3A_728 = arith.index_cast %get3A_726 : i32 to index
      %get3A_729 = arith.index_cast %mul3A_724 : i32 to index
      %get3A_730 = tpu.vector_load %arg8[%get3A_727, %get3A_728, %get3A_729] {strides = array<i32>} : memref<2x16x2048xf32, #tpu.memory_space<vmem>>, vector<1x1x16xf32>,
      %get3A_731 = vector.shape_cast %get3A_730 : vector<1x1x16xf32> to vector<16xf32>
      %mul3A_732 = vector.broadcast %squeeze3A_292 : f32 to vector<16xf32>
      %mul3A_733 = arith.mulf %mul3A_732, %get3A_731 : vector<16xf32>
      %mul3A_734 = arith.constant 16 : i32
      %mul3A_735 = arith.muli %scan3A_721, %mul3A_734 : i32
      %get3A_736 = arith.constant 1 : i32
      %get3A_737 = arith.constant 1 : i32
      %get3A_738 = arith.index_cast %get3A_736 : i32 to index
      %get3A_739 = arith.index_cast %get3A_737 : i32 to index
      %get3A_740 = arith.index_cast %mul3A_735 : i32 to index
      %get3A_741 = tpu.vector_load %arg8[%get3A_738, %get3A_739, %get3A_740] {strides = array<i32>} : memref<2x16x2048xf32, #tpu.memory_space<vmem>>, vector<1x1x16xf32>,
      %get3A_742 = vector.shape_cast %get3A_741 : vector<1x1x16xf32> to vector<16xf32>
      %mul3A_743 = vector.broadcast %squeeze3A_294 : f32 to vector<16xf32>
      %mul3A_744 = arith.mulf %mul3A_743, %get3A_742 : vector<16xf32>
      %add3A_745 = arith.addf %mul3A_733, %mul3A_744 : vector<16xf32>
      %mul3A_746 = arith.constant 16 : i32
      %mul3A_747 = arith.muli %scan3A_721, %mul3A_746 : i32
      %swap3A = arith.constant 1 : i32
      %swap3A_748 = arith.constant 0 : i32
      %swap3A_749 = arith.index_cast %swap3A : i32 to index
      %swap3A_750 = arith.index_cast %swap3A_748 : i32 to index
      %swap3A_751 = arith.index_cast %mul3A_747 : i32 to index
      %swap3A_752 = tpu.vector_load %arg9[%swap3A_749, %swap3A_750, %swap3A_751] {strides = array<i32>} : memref<2x8x2048xf32, #tpu.memory_space<vmem>>, vector<1x1x16xf32>,
      %swap3A_753 = vector.shape_cast %swap3A_752 : vector<1x1x16xf32> to vector<16xf32>
      %swap3A_754 = vector.shape_cast %add3A_745 : vector<16xf32> to vector<1x1x16xf32>
      tpu.vector_store %arg9[%swap3A_749, %swap3A_750, %swap3A_751], %swap3A_754 {strides = array<i32>} : memref<2x8x2048xf32, #tpu.memory_space<vmem>>, vector<1x1x16xf32>,
      %mul3A_755 = arith.constant 16 : i32
      %mul3A_756 = arith.muli %scan3A_721, %mul3A_755 : i32
      %get3A_757 = arith.constant 1 : i32
      %get3A_758 = arith.constant 2 : i32
      %get3A_759 = arith.index_cast %get3A_757 : i32 to index
      %get3A_760 = arith.index_cast %get3A_758 : i32 to index
      %get3A_761 = arith.index_cast %mul3A_756 : i32 to index
      %get3A_762 = tpu.vector_load %arg8[%get3A_759, %get3A_760, %get3A_761] {strides = array<i32>} : memref<2x16x2048xf32, #tpu.memory_space<vmem>>, vector<1x1x16xf32>,
      %get3A_763 = vector.shape_cast %get3A_762 : vector<1x1x16xf32> to vector<16xf32>
      %mul3A_764 = vector.broadcast %squeeze3A_296 : f32 to vector<16xf32>
      %mul3A_765 = arith.mulf %mul3A_764, %get3A_763 : vector<16xf32>
      %mul3A_766 = arith.constant 16 : i32
      %mul3A_767 = arith.muli %scan3A_721, %mul3A_766 : i32
      %get3A_768 = arith.constant 1 : i32
      %get3A_769 = arith.constant 3 : i32
      %get3A_770 = arith.index_cast %get3A_768 : i32 to index
      %get3A_771 = arith.index_cast %get3A_769 : i32 to index
      %get3A_772 = arith.index_cast %mul3A_767 : i32 to index
      %get3A_773 = tpu.vector_load %arg8[%get3A_770, %get3A_771, %get3A_772] {strides = array<i32>} : memref<2x16x2048xf32, #tpu.memory_space<vmem>>, vector<1x1x16xf32>,
      %get3A_774 = vector.shape_cast %get3A_773 : vector<1x1x16xf32> to vector<16xf32>
      %mul3A_775 = vector.broadcast %squeeze3A_298 : f32 to vector<16xf32>
      %mul3A_776 = arith.mulf %mul3A_775, %get3A_774 : vector<16xf32>
      %add3A_777 = arith.addf %mul3A_765, %mul3A_776 : vector<16xf32>
      %mul3A_778 = arith.constant 16 : i32
      %mul3A_779 = arith.muli %scan3A_721, %mul3A_778 : i32
      %swap3A_780 = arith.constant 1 : i32
      %swap3A_781 = arith.constant 1 : i32
      %swap3A_782 = arith.index_cast %swap3A_780 : i32 to index
      %swap3A_783 = arith.index_cast %swap3A_781 : i32 to index
      %swap3A_784 = arith.index_cast %mul3A_779 : i32 to index
      %swap3A_785 = tpu.vector_load %arg9[%swap3A_782, %swap3A_783, %swap3A_784] {strides = array<i32>} : memref<2x8x2048xf32, #tpu.memory_space<vmem>>, vector<1x1x16xf32>,
      %swap3A_786 = vector.shape_cast %swap3A_785 : vector<1x1x16xf32> to vector<16xf32>
      %swap3A_787 = vector.shape_cast %add3A_777 : vector<16xf32> to vector<1x1x16xf32>
      tpu.vector_store %arg9[%swap3A_782, %swap3A_783, %swap3A_784], %swap3A_787 {strides = array<i32>} : memref<2x8x2048xf32, #tpu.memory_space<vmem>>, vector<1x1x16xf32>,
      %mul3A_788 = arith.constant 16 : i32
      %mul3A_789 = arith.muli %scan3A_721, %mul3A_788 : i32
      %get3A_790 = arith.constant 1 : i32
      %get3A_791 = arith.constant 4 : i32
      %get3A_792 = arith.index_cast %get3A_790 : i32 to index
      %get3A_793 = arith.index_cast %get3A_791 : i32 to index
      %get3A_794 = arith.index_cast %mul3A_789 : i32 to index
      %get3A_795 = tpu.vector_load %arg8[%get3A_792, %get3A_793, %get3A_794] {strides = array<i32>} : memref<2x16x2048xf32, #tpu.memory_space<vmem>>, vector<1x1x16xf32>,
      %get3A_796 = vector.shape_cast %get3A_795 : vector<1x1x16xf32> to vector<16xf32>
      %mul3A_797 = vector.broadcast %squeeze3A_300 : f32 to vector<16xf32>
      %mul3A_798 = arith.mulf %mul3A_797, %get3A_796 : vector<16xf32>
      %mul3A_799 = arith.constant 16 : i32
      %mul3A_800 = arith.muli %scan3A_721, %mul3A_799 : i32
      %get3A_801 = arith.constant 1 : i32
      %get3A_802 = arith.constant 5 : i32
      %get3A_803 = arith.index_cast %get3A_801 : i32 to index
      %get3A_804 = arith.index_cast %get3A_802 : i32 to index
      %get3A_805 = arith.index_cast %mul3A_800 : i32 to index
      %get3A_806 = tpu.vector_load %arg8[%get3A_803, %get3A_804, %get3A_805] {strides = array<i32>} : memref<2x16x2048xf32, #tpu.memory_space<vmem>>, vector<1x1x16xf32>,
      %get3A_807 = vector.shape_cast %get3A_806 : vector<1x1x16xf32> to vector<16xf32>
      %mul3A_808 = vector.broadcast %squeeze3A_302 : f32 to vector<16xf32>
      %mul3A_809 = arith.mulf %mul3A_808, %get3A_807 : vector<16xf32>
      %add3A_810 = arith.addf %mul3A_798, %mul3A_809 : vector<16xf32>
      %mul3A_811 = arith.constant 16 : i32
      %mul3A_812 = arith.muli %scan3A_721, %mul3A_811 : i32
      %swap3A_813 = arith.constant 1 : i32
      %swap3A_814 = arith.constant 2 : i32
      %swap3A_815 = arith.index_cast %swap3A_813 : i32 to index
      %swap3A_816 = arith.index_cast %swap3A_814 : i32 to index
      %swap3A_817 = arith.index_cast %mul3A_812 : i32 to index
      %swap3A_818 = tpu.vector_load %arg9[%swap3A_815, %swap3A_816, %swap3A_817] {strides = array<i32>} : memref<2x8x2048xf32, #tpu.memory_space<vmem>>, vector<1x1x16xf32>,
      %swap3A_819 = vector.shape_cast %swap3A_818 : vector<1x1x16xf32> to vector<16xf32>
      %swap3A_820 = vector.shape_cast %add3A_810 : vector<16xf32> to vector<1x1x16xf32>
      tpu.vector_store %arg9[%swap3A_815, %swap3A_816, %swap3A_817], %swap3A_820 {strides = array<i32>} : memref<2x8x2048xf32, #tpu.memory_space<vmem>>, vector<1x1x16xf32>,
      %mul3A_821 = arith.constant 16 : i32
      %mul3A_822 = arith.muli %scan3A_721, %mul3A_821 : i32
      %get3A_823 = arith.constant 1 : i32
      %get3A_824 = arith.constant 6 : i32
      %get3A_825 = arith.index_cast %get3A_823 : i32 to index
      %get3A_826 = arith.index_cast %get3A_824 : i32 to index
      %get3A_827 = arith.index_cast %mul3A_822 : i32 to index
      %get3A_828 = tpu.vector_load %arg8[%get3A_825, %get3A_826, %get3A_827] {strides = array<i32>} : memref<2x16x2048xf32, #tpu.memory_space<vmem>>, vector<1x1x16xf32>,
      %get3A_829 = vector.shape_cast %get3A_828 : vector<1x1x16xf32> to vector<16xf32>
      %mul3A_830 = vector.broadcast %squeeze3A_304 : f32 to vector<16xf32>
      %mul3A_831 = arith.mulf %mul3A_830, %get3A_829 : vector<16xf32>
      %mul3A_832 = arith.constant 16 : i32
      %mul3A_833 = arith.muli %scan3A_721, %mul3A_832 : i32
      %get3A_834 = arith.constant 1 : i32
      %get3A_835 = arith.constant 7 : i32
      %get3A_836 = arith.index_cast %get3A_834 : i32 to index
      %get3A_837 = arith.index_cast %get3A_835 : i32 to index
      %get3A_838 = arith.index_cast %mul3A_833 : i32 to index
      %get3A_839 = tpu.vector_load %arg8[%get3A_836, %get3A_837, %get3A_838] {strides = array<i32>} : memref<2x16x2048xf32, #tpu.memory_space<vmem>>, vector<1x1x16xf32>,
      %get3A_840 = vector.shape_cast %get3A_839 : vector<1x1x16xf32> to vector<16xf32>
      %mul3A_841 = vector.broadcast %squeeze3A_306 : f32 to vector<16xf32>
      %mul3A_842 = arith.mulf %mul3A_841, %get3A_840 : vector<16xf32>
      %add3A_843 = arith.addf %mul3A_831, %mul3A_842 : vector<16xf32>
      %mul3A_844 = arith.constant 16 : i32
      %mul3A_845 = arith.muli %scan3A_721, %mul3A_844 : i32
      %swap3A_846 = arith.constant 1 : i32
      %swap3A_847 = arith.constant 3 : i32
      %swap3A_848 = arith.index_cast %swap3A_846 : i32 to index
      %swap3A_849 = arith.index_cast %swap3A_847 : i32 to index
      %swap3A_850 = arith.index_cast %mul3A_845 : i32 to index
      %swap3A_851 = tpu.vector_load %arg9[%swap3A_848, %swap3A_849, %swap3A_850] {strides = array<i32>} : memref<2x8x2048xf32, #tpu.memory_space<vmem>>, vector<1x1x16xf32>,
      %swap3A_852 = vector.shape_cast %swap3A_851 : vector<1x1x16xf32> to vector<16xf32>
      %swap3A_853 = vector.shape_cast %add3A_843 : vector<16xf32> to vector<1x1x16xf32>
      tpu.vector_store %arg9[%swap3A_848, %swap3A_849, %swap3A_850], %swap3A_853 {strides = array<i32>} : memref<2x8x2048xf32, #tpu.memory_space<vmem>>, vector<1x1x16xf32>,
      %mul3A_854 = arith.constant 16 : i32
      %mul3A_855 = arith.muli %scan3A_721, %mul3A_854 : i32
      %get3A_856 = arith.constant 1 : i32
      %get3A_857 = arith.constant 8 : i32
      %get3A_858 = arith.index_cast %get3A_856 : i32 to index
      %get3A_859 = arith.index_cast %get3A_857 : i32 to index
      %get3A_860 = arith.index_cast %mul3A_855 : i32 to index
      %get3A_861 = tpu.vector_load %arg8[%get3A_858, %get3A_859, %get3A_860] {strides = array<i32>} : memref<2x16x2048xf32, #tpu.memory_space<vmem>>, vector<1x1x16xf32>,
      %get3A_862 = vector.shape_cast %get3A_861 : vector<1x1x16xf32> to vector<16xf32>
      %mul3A_863 = vector.broadcast %squeeze3A_308 : f32 to vector<16xf32>
      %mul3A_864 = arith.mulf %mul3A_863, %get3A_862 : vector<16xf32>
      %mul3A_865 = arith.constant 16 : i32
      %mul3A_866 = arith.muli %scan3A_721, %mul3A_865 : i32
      %get3A_867 = arith.constant 1 : i32
      %get3A_868 = arith.constant 9 : i32
      %get3A_869 = arith.index_cast %get3A_867 : i32 to index
      %get3A_870 = arith.index_cast %get3A_868 : i32 to index
      %get3A_871 = arith.index_cast %mul3A_866 : i32 to index
      %get3A_872 = tpu.vector_load %arg8[%get3A_869, %get3A_870, %get3A_871] {strides = array<i32>} : memref<2x16x2048xf32, #tpu.memory_space<vmem>>, vector<1x1x16xf32>,
      %get3A_873 = vector.shape_cast %get3A_872 : vector<1x1x16xf32> to vector<16xf32>
      %mul3A_874 = vector.broadcast %squeeze3A_310 : f32 to vector<16xf32>
      %mul3A_875 = arith.mulf %mul3A_874, %get3A_873 : vector<16xf32>
      %add3A_876 = arith.addf %mul3A_864, %mul3A_875 : vector<16xf32>
      %mul3A_877 = arith.constant 16 : i32
      %mul3A_878 = arith.muli %scan3A_721, %mul3A_877 : i32
      %swap3A_879 = arith.constant 1 : i32
      %swap3A_880 = arith.constant 4 : i32
      %swap3A_881 = arith.index_cast %swap3A_879 : i32 to index
      %swap3A_882 = arith.index_cast %swap3A_880 : i32 to index
      %swap3A_883 = arith.index_cast %mul3A_878 : i32 to index
      %swap3A_884 = tpu.vector_load %arg9[%swap3A_881, %swap3A_882, %swap3A_883] {strides = array<i32>} : memref<2x8x2048xf32, #tpu.memory_space<vmem>>, vector<1x1x16xf32>,
      %swap3A_885 = vector.shape_cast %swap3A_884 : vector<1x1x16xf32> to vector<16xf32>
      %swap3A_886 = vector.shape_cast %add3A_876 : vector<16xf32> to vector<1x1x16xf32>
      tpu.vector_store %arg9[%swap3A_881, %swap3A_882, %swap3A_883], %swap3A_886 {strides = array<i32>} : memref<2x8x2048xf32, #tpu.memory_space<vmem>>, vector<1x1x16xf32>,
      %mul3A_887 = arith.constant 16 : i32
      %mul3A_888 = arith.muli %scan3A_721, %mul3A_887 : i32
      %get3A_889 = arith.constant 1 : i32
      %get3A_890 = arith.constant 10 : i32
      %get3A_891 = arith.index_cast %get3A_889 : i32 to index
      %get3A_892 = arith.index_cast %get3A_890 : i32 to index
      %get3A_893 = arith.index_cast %mul3A_888 : i32 to index
      %get3A_894 = tpu.vector_load %arg8[%get3A_891, %get3A_892, %get3A_893] {strides = array<i32>} : memref<2x16x2048xf32, #tpu.memory_space<vmem>>, vector<1x1x16xf32>,
      %get3A_895 = vector.shape_cast %get3A_894 : vector<1x1x16xf32> to vector<16xf32>
      %mul3A_896 = vector.broadcast %squeeze3A_312 : f32 to vector<16xf32>
      %mul3A_897 = arith.mulf %mul3A_896, %get3A_895 : vector<16xf32>
      %mul3A_898 = arith.constant 16 : i32
      %mul3A_899 = arith.muli %scan3A_721, %mul3A_898 : i32
      %get3A_900 = arith.constant 1 : i32
      %get3A_901 = arith.constant 11 : i32
      %get3A_902 = arith.index_cast %get3A_900 : i32 to index
      %get3A_903 = arith.index_cast %get3A_901 : i32 to index
      %get3A_904 = arith.index_cast %mul3A_899 : i32 to index
      %get3A_905 = tpu.vector_load %arg8[%get3A_902, %get3A_903, %get3A_904] {strides = array<i32>} : memref<2x16x2048xf32, #tpu.memory_space<vmem>>, vector<1x1x16xf32>,
      %get3A_906 = vector.shape_cast %get3A_905 : vector<1x1x16xf32> to vector<16xf32>
      %mul3A_907 = vector.broadcast %squeeze3A_314 : f32 to vector<16xf32>
      %mul3A_908 = arith.mulf %mul3A_907, %get3A_906 : vector<16xf32>
      %add3A_909 = arith.addf %mul3A_897, %mul3A_908 : vector<16xf32>
      %mul3A_910 = arith.constant 16 : i32
      %mul3A_911 = arith.muli %scan3A_721, %mul3A_910 : i32
      %swap3A_912 = arith.constant 1 : i32
      %swap3A_913 = arith.constant 5 : i32
      %swap3A_914 = arith.index_cast %swap3A_912 : i32 to index
      %swap3A_915 = arith.index_cast %swap3A_913 : i32 to index
      %swap3A_916 = arith.index_cast %mul3A_911 : i32 to index
      %swap3A_917 = tpu.vector_load %arg9[%swap3A_914, %swap3A_915, %swap3A_916] {strides = array<i32>} : memref<2x8x2048xf32, #tpu.memory_space<vmem>>, vector<1x1x16xf32>,
      %swap3A_918 = vector.shape_cast %swap3A_917 : vector<1x1x16xf32> to vector<16xf32>
      %swap3A_919 = vector.shape_cast %add3A_909 : vector<16xf32> to vector<1x1x16xf32>
      tpu.vector_store %arg9[%swap3A_914, %swap3A_915, %swap3A_916], %swap3A_919 {strides = array<i32>} : memref<2x8x2048xf32, #tpu.memory_space<vmem>>, vector<1x1x16xf32>,
      %mul3A_920 = arith.constant 16 : i32
      %mul3A_921 = arith.muli %scan3A_721, %mul3A_920 : i32
      %get3A_922 = arith.constant 1 : i32
      %get3A_923 = arith.constant 12 : i32
      %get3A_924 = arith.index_cast %get3A_922 : i32 to index
      %get3A_925 = arith.index_cast %get3A_923 : i32 to index
      %get3A_926 = arith.index_cast %mul3A_921 : i32 to index
      %get3A_927 = tpu.vector_load %arg8[%get3A_924, %get3A_925, %get3A_926] {strides = array<i32>} : memref<2x16x2048xf32, #tpu.memory_space<vmem>>, vector<1x1x16xf32>,
      %get3A_928 = vector.shape_cast %get3A_927 : vector<1x1x16xf32> to vector<16xf32>
      %mul3A_929 = vector.broadcast %squeeze3A_316 : f32 to vector<16xf32>
      %mul3A_930 = arith.mulf %mul3A_929, %get3A_928 : vector<16xf32>
      %mul3A_931 = arith.constant 16 : i32
      %mul3A_932 = arith.muli %scan3A_721, %mul3A_931 : i32
      %get3A_933 = arith.constant 1 : i32
      %get3A_934 = arith.constant 13 : i32
      %get3A_935 = arith.index_cast %get3A_933 : i32 to index
      %get3A_936 = arith.index_cast %get3A_934 : i32 to index
      %get3A_937 = arith.index_cast %mul3A_932 : i32 to index
      %get3A_938 = tpu.vector_load %arg8[%get3A_935, %get3A_936, %get3A_937] {strides = array<i32>} : memref<2x16x2048xf32, #tpu.memory_space<vmem>>, vector<1x1x16xf32>,
      %get3A_939 = vector.shape_cast %get3A_938 : vector<1x1x16xf32> to vector<16xf32>
      %mul3A_940 = vector.broadcast %squeeze3A_318 : f32 to vector<16xf32>
      %mul3A_941 = arith.mulf %mul3A_940, %get3A_939 : vector<16xf32>
      %add3A_942 = arith.addf %mul3A_930, %mul3A_941 : vector<16xf32>
      %mul3A_943 = arith.constant 16 : i32
      %mul3A_944 = arith.muli %scan3A_721, %mul3A_943 : i32
      %swap3A_945 = arith.constant 1 : i32
      %swap3A_946 = arith.constant 6 : i32
      %swap3A_947 = arith.index_cast %swap3A_945 : i32 to index
      %swap3A_948 = arith.index_cast %swap3A_946 : i32 to index
      %swap3A_949 = arith.index_cast %mul3A_944 : i32 to index
      %swap3A_950 = tpu.vector_load %arg9[%swap3A_947, %swap3A_948, %swap3A_949] {strides = array<i32>} : memref<2x8x2048xf32, #tpu.memory_space<vmem>>, vector<1x1x16xf32>,
      %swap3A_951 = vector.shape_cast %swap3A_950 : vector<1x1x16xf32> to vector<16xf32>
      %swap3A_952 = vector.shape_cast %add3A_942 : vector<16xf32> to vector<1x1x16xf32>
      tpu.vector_store %arg9[%swap3A_947, %swap3A_948, %swap3A_949], %swap3A_952 {strides = array<i32>} : memref<2x8x2048xf32, #tpu.memory_space<vmem>>, vector<1x1x16xf32>,
      %mul3A_953 = arith.constant 16 : i32
      %mul3A_954 = arith.muli %scan3A_721, %mul3A_953 : i32
      %get3A_955 = arith.constant 1 : i32
      %get3A_956 = arith.constant 14 : i32
      %get3A_957 = arith.index_cast %get3A_955 : i32 to index
      %get3A_958 = arith.index_cast %get3A_956 : i32 to index
      %get3A_959 = arith.index_cast %mul3A_954 : i32 to index
      %get3A_960 = tpu.vector_load %arg8[%get3A_957, %get3A_958, %get3A_959] {strides = array<i32>} : memref<2x16x2048xf32, #tpu.memory_space<vmem>>, vector<1x1x16xf32>,
      %get3A_961 = vector.shape_cast %get3A_960 : vector<1x1x16xf32> to vector<16xf32>
      %mul3A_962 = vector.broadcast %squeeze3A_320 : f32 to vector<16xf32>
      %mul3A_963 = arith.mulf %mul3A_962, %get3A_961 : vector<16xf32>
      %mul3A_964 = arith.constant 16 : i32
      %mul3A_965 = arith.muli %scan3A_721, %mul3A_964 : i32
      %get3A_966 = arith.constant 1 : i32
      %get3A_967 = arith.constant 15 : i32
      %get3A_968 = arith.index_cast %get3A_966 : i32 to index
      %get3A_969 = arith.index_cast %get3A_967 : i32 to index
      %get3A_970 = arith.index_cast %mul3A_965 : i32 to index
      %get3A_971 = tpu.vector_load %arg8[%get3A_968, %get3A_969, %get3A_970] {strides = array<i32>} : memref<2x16x2048xf32, #tpu.memory_space<vmem>>, vector<1x1x16xf32>,
      %get3A_972 = vector.shape_cast %get3A_971 : vector<1x1x16xf32> to vector<16xf32>
      %mul3A_973 = vector.broadcast %squeeze3A_322 : f32 to vector<16xf32>
      %mul3A_974 = arith.mulf %mul3A_973, %get3A_972 : vector<16xf32>
      %add3A_975 = arith.addf %mul3A_963, %mul3A_974 : vector<16xf32>
      %mul3A_976 = arith.constant 16 : i32
      %mul3A_977 = arith.muli %scan3A_721, %mul3A_976 : i32
      %swap3A_978 = arith.constant 1 : i32
      %swap3A_979 = arith.constant 7 : i32
      %swap3A_980 = arith.index_cast %swap3A_978 : i32 to index
      %swap3A_981 = arith.index_cast %swap3A_979 : i32 to index
      %swap3A_982 = arith.index_cast %mul3A_977 : i32 to index
      %swap3A_983 = tpu.vector_load %arg9[%swap3A_980, %swap3A_981, %swap3A_982] {strides = array<i32>} : memref<2x8x2048xf32, #tpu.memory_space<vmem>>, vector<1x1x16xf32>,
      %swap3A_984 = vector.shape_cast %swap3A_983 : vector<1x1x16xf32> to vector<16xf32>
      %swap3A_985 = vector.shape_cast %add3A_975 : vector<16xf32> to vector<1x1x16xf32>
      tpu.vector_store %arg9[%swap3A_980, %swap3A_981, %swap3A_982], %swap3A_985 {strides = array<i32>} : memref<2x8x2048xf32, #tpu.memory_space<vmem>>, vector<1x1x16xf32>,
      %scan3A_986 = arith.constant 0 : i32
      scf.yield %scan3A_986 : i32
    }
    %scan3A_329 = arith.constant 128 : i32
    %add3A_330 = arith.constant 24 : i32
    %add3A_331 = arith.addi %mul3A_2, %add3A_330 : i32
    %dma_start3A_332 = arith.constant 1 : i32
    %dma_start3A_333 = arith.constant 0 : i32
    %dma_start3A_334 = arith.constant 0 : i32
    %dma_start3A_335 = tpu.memref_slice %arg9[%dma_start3A_332, %dma_start3A_333, %dma_start3A_334] : memref<2x8x2048xf32, #tpu.memory_space<vmem>> -> memref<1x8x2048xf32, #tpu.memory_space<vmem>>
    %dma_start3A_336 = tpu.memref_squeeze %dma_start3A_335 : memref<1x8x2048xf32, #tpu.memory_space<vmem>> -> memref<8x2048xf32, #tpu.memory_space<vmem>>
    %dma_start3A_337 = arith.constant 0 : i32
    %dma_start3A_338 = tpu.memref_slice %arg5[%add3A_331, %dma_start3A_337] : memref<2048x2048xf32, #tpu.memory_space<hbm>> -> memref<8x2048xf32, #tpu.memory_space<hbm>>
    %dma_start3A_339 = arith.constant 0 : i32
    %dma_start3A_340 = tpu.memref_slice %arg5[%add3A_331, %dma_start3A_339] : memref<2048x2048xf32, #tpu.memory_space<hbm>> -> memref<8x2048xf32, #tpu.memory_space<hbm>>
    %dma_start3A_341 = arith.constant 0 : i32
    %dma_start3A_342 = arith.constant 0 : i32
    %dma_start3A_343 = tpu.memref_slice %arg9[%dma_start3A_332, %dma_start3A_341, %dma_start3A_342] : memref<2x8x2048xf32, #tpu.memory_space<vmem>> -> memref<1x8x2048xf32, #tpu.memory_space<vmem>>
    %dma_start3A_344 = tpu.memref_squeeze %dma_start3A_343 : memref<1x8x2048xf32, #tpu.memory_space<vmem>> -> memref<8x2048xf32, #tpu.memory_space<vmem>>
    tpu.enqueue_dma source(%dma_start3A_344 : memref<8x2048xf32, #tpu.memory_space<vmem>>) target(%dma_start3A_340 : memref<8x2048xf32, #tpu.memory_space<hbm>>) target_semaphore(%arg13 : memref<!tpu.dma_semaphore, #tpu.memory_space<semaphore_mem>>)
    %dma_start3A_345 = arith.constant 1 : i32
    %dma_start3A_346 = arith.constant 0 : i32
    %dma_start3A_347 = arith.constant 0 : i32
    %dma_start3A_348 = tpu.memref_slice %arg8[%dma_start3A_345, %dma_start3A_346, %dma_start3A_347] : memref<2x16x2048xf32, #tpu.memory_space<vmem>> -> memref<1x16x2048xf32, #tpu.memory_space<vmem>>
    %dma_start3A_349 = tpu.memref_squeeze %dma_start3A_348 : memref<1x16x2048xf32, #tpu.memory_space<vmem>> -> memref<16x2048xf32, #tpu.memory_space<vmem>>
    %dma_start3A_350 = arith.constant 80 : i32
    %dma_start3A_351 = tpu.memref_slice %arg6[%dma_start3A_350] : memref<128xi32, #tpu.memory_space<vmem>> -> memref<16xi32, #tpu.memory_space<vmem>>
    %dma_start3A_352 = arith.constant 0 : i32
    %dma_start3A_353 = arith.constant 0 : i32
    %dma_start3A_354 = tpu.memref_slice %arg2[%dma_start3A_352, %dma_start3A_353] : memref<6144x2048xf32, #tpu.memory_space<hbm>> -> memref<6144x2048xf32, #tpu.memory_space<hbm>>
    tpu.enqueue_indirect_dma source(%dma_start3A_354 : memref<6144x2048xf32, #tpu.memory_space<hbm>>) target(%dma_start3A_349 : memref<16x2048xf32, #tpu.memory_space<vmem>>) offsets(%dma_start3A_351 : memref<16xi32, #tpu.memory_space<vmem>>) semaphore(%arg11 : memref<!tpu.dma_semaphore, #tpu.memory_space<semaphore_mem>>)
    %dma_wait3A_355 = arith.constant 0 : i32
    %dma_wait3A_356 = arith.constant 0 : i32
    %dma_wait3A_357 = arith.constant 0 : i32
    %dma_wait3A_358 = tpu.memref_slice %arg8[%dma_wait3A_355, %dma_wait3A_356, %dma_wait3A_357] : memref<2x16x2048xf32, #tpu.memory_space<vmem>> -> memref<1x16x2048xf32, #tpu.memory_space<vmem>>
    %dma_wait3A_359 = tpu.memref_squeeze %dma_wait3A_358 : memref<1x16x2048xf32, #tpu.memory_space<vmem>> -> memref<16x2048xf32, #tpu.memory_space<vmem>>
    %dma_wait3A_360 = arith.constant 64 : i32
    %dma_wait3A_361 = tpu.memref_slice %arg6[%dma_wait3A_360] : memref<128xi32, #tpu.memory_space<vmem>> -> memref<16xi32, #tpu.memory_space<vmem>>
    %dma_wait3A_362 = arith.constant 0 : i32
    %dma_wait3A_363 = arith.constant 0 : i32
    %dma_wait3A_364 = tpu.memref_slice %arg2[%dma_wait3A_362, %dma_wait3A_363] : memref<6144x2048xf32, #tpu.memory_space<hbm>> -> memref<6144x2048xf32, #tpu.memory_space<hbm>>
    tpu.wait_indirect_dma semaphore(%arg10 : memref<!tpu.dma_semaphore, #tpu.memory_space<semaphore_mem>>) src(%dma_wait3A_364 : memref<6144x2048xf32, #tpu.memory_space<hbm>>) dst(%dma_wait3A_359 : memref<16x2048xf32, #tpu.memory_space<vmem>>)
    %dma_wait3A_365 = arith.constant 0 : i32
    %dma_wait3A_366 = arith.constant 0 : i32
    %dma_wait3A_367 = arith.constant 0 : i32
    %dma_wait3A_368 = tpu.memref_slice %arg9[%dma_wait3A_365, %dma_wait3A_366, %dma_wait3A_367] : memref<2x8x2048xf32, #tpu.memory_space<vmem>> -> memref<1x8x2048xf32, #tpu.memory_space<vmem>>
    %dma_wait3A_369 = tpu.memref_squeeze %dma_wait3A_368 : memref<1x8x2048xf32, #tpu.memory_space<vmem>> -> memref<8x2048xf32, #tpu.memory_space<vmem>>
    %dma_wait3A_370 = arith.constant 0 : i32
    %dma_wait3A_371 = tpu.memref_slice %arg5[%add3A_241, %dma_wait3A_370] : memref<2048x2048xf32, #tpu.memory_space<hbm>> -> memref<8x2048xf32, #tpu.memory_space<hbm>>
    %dma_wait3A_372 = arith.constant 0 : i32
    %dma_wait3A_373 = tpu.memref_slice %arg5[%add3A_241, %dma_wait3A_372] : memref<2048x2048xf32, #tpu.memory_space<hbm>> -> memref<8x2048xf32, #tpu.memory_space<hbm>>
    %dma_wait3A_374 = arith.constant 0 : i32
    %dma_wait3A_375 = arith.constant 0 : i32
    %dma_wait3A_376 = tpu.memref_slice %arg9[%dma_wait3A_365, %dma_wait3A_374, %dma_wait3A_375] : memref<2x8x2048xf32, #tpu.memory_space<vmem>> -> memref<1x8x2048xf32, #tpu.memory_space<vmem>>
    %dma_wait3A_377 = tpu.memref_squeeze %dma_wait3A_376 : memref<1x8x2048xf32, #tpu.memory_space<vmem>> -> memref<8x2048xf32, #tpu.memory_space<vmem>>
    tpu.wait_dma2 semaphore(%arg12 : memref<!tpu.dma_semaphore, #tpu.memory_space<semaphore_mem>>) src(%dma_wait3A_377 : memref<8x2048xf32, #tpu.memory_space<vmem>>) dst(%dma_wait3A_373 : memref<8x2048xf32, #tpu.memory_space<hbm>>)
    %get3A_378 = arith.constant 64 : index
    %get3A_379 = tpu.vector_load %arg7[%get3A_378] {strides = array<i32>} : memref<128xf32, #tpu.memory_space<vmem>>, vector<16xf32>,
    %get3A_380 = vector.shape_cast %get3A_379 : vector<16xf32> to vector<16xf32>
    %slice3A_381 = vector.extract_strided_slice %get3A_380 {offsets = [0], sizes = [1], strides = [1]} : vector<16xf32> to vector<1xf32>
    %squeeze3A_382 = vector.extract %slice3A_381[0] : f32 from vector<1xf32>
    %slice3A_383 = vector.extract_strided_slice %get3A_380 {offsets = [1], sizes = [1], strides = [1]} : vector<16xf32> to vector<1xf32>
    %squeeze3A_384 = vector.extract %slice3A_383[0] : f32 from vector<1xf32>
    %slice3A_385 = vector.extract_strided_slice %get3A_380 {offsets = [2], sizes = [1], strides = [1]} : vector<16xf32> to vector<1xf32>
    %squeeze3A_386 = vector.extract %slice3A_385[0] : f32 from vector<1xf32>
    %slice3A_387 = vector.extract_strided_slice %get3A_380 {offsets = [3], sizes = [1], strides = [1]} : vector<16xf32> to vector<1xf32>
    %squeeze3A_388 = vector.extract %slice3A_387[0] : f32 from vector<1xf32>
    %slice3A_389 = vector.extract_strided_slice %get3A_380 {offsets = [4], sizes = [1], strides = [1]} : vector<16xf32> to vector<1xf32>
    %squeeze3A_390 = vector.extract %slice3A_389[0] : f32 from vector<1xf32>
    %slice3A_391 = vector.extract_strided_slice %get3A_380 {offsets = [5], sizes = [1], strides = [1]} : vector<16xf32> to vector<1xf32>
    %squeeze3A_392 = vector.extract %slice3A_391[0] : f32 from vector<1xf32>
    %slice3A_393 = vector.extract_strided_slice %get3A_380 {offsets = [6], sizes = [1], strides = [1]} : vector<16xf32> to vector<1xf32>
    %squeeze3A_394 = vector.extract %slice3A_393[0] : f32 from vector<1xf32>
    %slice3A_395 = vector.extract_strided_slice %get3A_380 {offsets = [7], sizes = [1], strides = [1]} : vector<16xf32> to vector<1xf32>
    %squeeze3A_396 = vector.extract %slice3A_395[0] : f32 from vector<1xf32>
    %slice3A_397 = vector.extract_strided_slice %get3A_380 {offsets = [8], sizes = [1], strides = [1]} : vector<16xf32> to vector<1xf32>
    %squeeze3A_398 = vector.extract %slice3A_397[0] : f32 from vector<1xf32>
    %slice3A_399 = vector.extract_strided_slice %get3A_380 {offsets = [9], sizes = [1], strides = [1]} : vector<16xf32> to vector<1xf32>
    %squeeze3A_400 = vector.extract %slice3A_399[0] : f32 from vector<1xf32>
    %slice3A_401 = vector.extract_strided_slice %get3A_380 {offsets = [10], sizes = [1], strides = [1]} : vector<16xf32> to vector<1xf32>
    %squeeze3A_402 = vector.extract %slice3A_401[0] : f32 from vector<1xf32>
    %slice3A_403 = vector.extract_strided_slice %get3A_380 {offsets = [11], sizes = [1], strides = [1]} : vector<16xf32> to vector<1xf32>
    %squeeze3A_404 = vector.extract %slice3A_403[0] : f32 from vector<1xf32>
    %slice3A_405 = vector.extract_strided_slice %get3A_380 {offsets = [12], sizes = [1], strides = [1]} : vector<16xf32> to vector<1xf32>
    %squeeze3A_406 = vector.extract %slice3A_405[0] : f32 from vector<1xf32>
    %slice3A_407 = vector.extract_strided_slice %get3A_380 {offsets = [13], sizes = [1], strides = [1]} : vector<16xf32> to vector<1xf32>
    %squeeze3A_408 = vector.extract %slice3A_407[0] : f32 from vector<1xf32>
    %slice3A_409 = vector.extract_strided_slice %get3A_380 {offsets = [14], sizes = [1], strides = [1]} : vector<16xf32> to vector<1xf32>
    %squeeze3A_410 = vector.extract %slice3A_409[0] : f32 from vector<1xf32>
    %slice3A_411 = vector.extract_strided_slice %get3A_380 {offsets = [15], sizes = [1], strides = [1]} : vector<16xf32> to vector<1xf32>
    %squeeze3A_412 = vector.extract %slice3A_411[0] : f32 from vector<1xf32>
    %scan3A_413 = arith.constant 0 : i32
    %scan3A_414 = arith.constant 0 : i32
    %scan3A_415 = arith.constant 128 : i32
    %scan3A_416 = arith.addi %scan3A_414, %scan3A_415 : i32
    %scan3A_417 = arith.constant 1 : i32
    %scan3A_418 = scf.for %scan3A_721 = %scan3A_414 to %scan3A_416 step %scan3A_417 iter_args(%scan3A_722 = %scan3A_413) -> (i32)  : i32 {
      %mul3A_723 = arith.constant 16 : i32
      %mul3A_724 = arith.muli %scan3A_721, %mul3A_723 : i32
      %get3A_725 = arith.constant 0 : i32
      %get3A_726 = arith.constant 0 : i32
      %get3A_727 = arith.index_cast %get3A_725 : i32 to index
      %get3A_728 = arith.index_cast %get3A_726 : i32 to index
      %get3A_729 = arith.index_cast %mul3A_724 : i32 to index
      %get3A_730 = tpu.vector_load %arg8[%get3A_727, %get3A_728, %get3A_729] {strides = array<i32>} : memref<2x16x2048xf32, #tpu.memory_space<vmem>>, vector<1x1x16xf32>,
      %get3A_731 = vector.shape_cast %get3A_730 : vector<1x1x16xf32> to vector<16xf32>
      %mul3A_732 = vector.broadcast %squeeze3A_382 : f32 to vector<16xf32>
      %mul3A_733 = arith.mulf %mul3A_732, %get3A_731 : vector<16xf32>
      %mul3A_734 = arith.constant 16 : i32
      %mul3A_735 = arith.muli %scan3A_721, %mul3A_734 : i32
      %get3A_736 = arith.constant 0 : i32
      %get3A_737 = arith.constant 1 : i32
      %get3A_738 = arith.index_cast %get3A_736 : i32 to index
      %get3A_739 = arith.index_cast %get3A_737 : i32 to index
      %get3A_740 = arith.index_cast %mul3A_735 : i32 to index
      %get3A_741 = tpu.vector_load %arg8[%get3A_738, %get3A_739, %get3A_740] {strides = array<i32>} : memref<2x16x2048xf32, #tpu.memory_space<vmem>>, vector<1x1x16xf32>,
      %get3A_742 = vector.shape_cast %get3A_741 : vector<1x1x16xf32> to vector<16xf32>
      %mul3A_743 = vector.broadcast %squeeze3A_384 : f32 to vector<16xf32>
      %mul3A_744 = arith.mulf %mul3A_743, %get3A_742 : vector<16xf32>
      %add3A_745 = arith.addf %mul3A_733, %mul3A_744 : vector<16xf32>
      %mul3A_746 = arith.constant 16 : i32
      %mul3A_747 = arith.muli %scan3A_721, %mul3A_746 : i32
      %swap3A = arith.constant 0 : i32
      %swap3A_748 = arith.constant 0 : i32
      %swap3A_749 = arith.index_cast %swap3A : i32 to index
      %swap3A_750 = arith.index_cast %swap3A_748 : i32 to index
      %swap3A_751 = arith.index_cast %mul3A_747 : i32 to index
      %swap3A_752 = tpu.vector_load %arg9[%swap3A_749, %swap3A_750, %swap3A_751] {strides = array<i32>} : memref<2x8x2048xf32, #tpu.memory_space<vmem>>, vector<1x1x16xf32>,
      %swap3A_753 = vector.shape_cast %swap3A_752 : vector<1x1x16xf32> to vector<16xf32>
      %swap3A_754 = vector.shape_cast %add3A_745 : vector<16xf32> to vector<1x1x16xf32>
      tpu.vector_store %arg9[%swap3A_749, %swap3A_750, %swap3A_751], %swap3A_754 {strides = array<i32>} : memref<2x8x2048xf32, #tpu.memory_space<vmem>>, vector<1x1x16xf32>,
      %mul3A_755 = arith.constant 16 : i32
      %mul3A_756 = arith.muli %scan3A_721, %mul3A_755 : i32
      %get3A_757 = arith.constant 0 : i32
      %get3A_758 = arith.constant 2 : i32
      %get3A_759 = arith.index_cast %get3A_757 : i32 to index
      %get3A_760 = arith.index_cast %get3A_758 : i32 to index
      %get3A_761 = arith.index_cast %mul3A_756 : i32 to index
      %get3A_762 = tpu.vector_load %arg8[%get3A_759, %get3A_760, %get3A_761] {strides = array<i32>} : memref<2x16x2048xf32, #tpu.memory_space<vmem>>, vector<1x1x16xf32>,
      %get3A_763 = vector.shape_cast %get3A_762 : vector<1x1x16xf32> to vector<16xf32>
      %mul3A_764 = vector.broadcast %squeeze3A_386 : f32 to vector<16xf32>
      %mul3A_765 = arith.mulf %mul3A_764, %get3A_763 : vector<16xf32>
      %mul3A_766 = arith.constant 16 : i32
      %mul3A_767 = arith.muli %scan3A_721, %mul3A_766 : i32
      %get3A_768 = arith.constant 0 : i32
      %get3A_769 = arith.constant 3 : i32
      %get3A_770 = arith.index_cast %get3A_768 : i32 to index
      %get3A_771 = arith.index_cast %get3A_769 : i32 to index
      %get3A_772 = arith.index_cast %mul3A_767 : i32 to index
      %get3A_773 = tpu.vector_load %arg8[%get3A_770, %get3A_771, %get3A_772] {strides = array<i32>} : memref<2x16x2048xf32, #tpu.memory_space<vmem>>, vector<1x1x16xf32>,
      %get3A_774 = vector.shape_cast %get3A_773 : vector<1x1x16xf32> to vector<16xf32>
      %mul3A_775 = vector.broadcast %squeeze3A_388 : f32 to vector<16xf32>
      %mul3A_776 = arith.mulf %mul3A_775, %get3A_774 : vector<16xf32>
      %add3A_777 = arith.addf %mul3A_765, %mul3A_776 : vector<16xf32>
      %mul3A_778 = arith.constant 16 : i32
      %mul3A_779 = arith.muli %scan3A_721, %mul3A_778 : i32
      %swap3A_780 = arith.constant 0 : i32
      %swap3A_781 = arith.constant 1 : i32
      %swap3A_782 = arith.index_cast %swap3A_780 : i32 to index
      %swap3A_783 = arith.index_cast %swap3A_781 : i32 to index
      %swap3A_784 = arith.index_cast %mul3A_779 : i32 to index
      %swap3A_785 = tpu.vector_load %arg9[%swap3A_782, %swap3A_783, %swap3A_784] {strides = array<i32>} : memref<2x8x2048xf32, #tpu.memory_space<vmem>>, vector<1x1x16xf32>,
      %swap3A_786 = vector.shape_cast %swap3A_785 : vector<1x1x16xf32> to vector<16xf32>
      %swap3A_787 = vector.shape_cast %add3A_777 : vector<16xf32> to vector<1x1x16xf32>
      tpu.vector_store %arg9[%swap3A_782, %swap3A_783, %swap3A_784], %swap3A_787 {strides = array<i32>} : memref<2x8x2048xf32, #tpu.memory_space<vmem>>, vector<1x1x16xf32>,
      %mul3A_788 = arith.constant 16 : i32
      %mul3A_789 = arith.muli %scan3A_721, %mul3A_788 : i32
      %get3A_790 = arith.constant 0 : i32
      %get3A_791 = arith.constant 4 : i32
      %get3A_792 = arith.index_cast %get3A_790 : i32 to index
      %get3A_793 = arith.index_cast %get3A_791 : i32 to index
      %get3A_794 = arith.index_cast %mul3A_789 : i32 to index
      %get3A_795 = tpu.vector_load %arg8[%get3A_792, %get3A_793, %get3A_794] {strides = array<i32>} : memref<2x16x2048xf32, #tpu.memory_space<vmem>>, vector<1x1x16xf32>,
      %get3A_796 = vector.shape_cast %get3A_795 : vector<1x1x16xf32> to vector<16xf32>
      %mul3A_797 = vector.broadcast %squeeze3A_390 : f32 to vector<16xf32>
      %mul3A_798 = arith.mulf %mul3A_797, %get3A_796 : vector<16xf32>
      %mul3A_799 = arith.constant 16 : i32
      %mul3A_800 = arith.muli %scan3A_721, %mul3A_799 : i32
      %get3A_801 = arith.constant 0 : i32
      %get3A_802 = arith.constant 5 : i32
      %get3A_803 = arith.index_cast %get3A_801 : i32 to index
      %get3A_804 = arith.index_cast %get3A_802 : i32 to index
      %get3A_805 = arith.index_cast %mul3A_800 : i32 to index
      %get3A_806 = tpu.vector_load %arg8[%get3A_803, %get3A_804, %get3A_805] {strides = array<i32>} : memref<2x16x2048xf32, #tpu.memory_space<vmem>>, vector<1x1x16xf32>,
      %get3A_807 = vector.shape_cast %get3A_806 : vector<1x1x16xf32> to vector<16xf32>
      %mul3A_808 = vector.broadcast %squeeze3A_392 : f32 to vector<16xf32>
      %mul3A_809 = arith.mulf %mul3A_808, %get3A_807 : vector<16xf32>
      %add3A_810 = arith.addf %mul3A_798, %mul3A_809 : vector<16xf32>
      %mul3A_811 = arith.constant 16 : i32
      %mul3A_812 = arith.muli %scan3A_721, %mul3A_811 : i32
      %swap3A_813 = arith.constant 0 : i32
      %swap3A_814 = arith.constant 2 : i32
      %swap3A_815 = arith.index_cast %swap3A_813 : i32 to index
      %swap3A_816 = arith.index_cast %swap3A_814 : i32 to index
      %swap3A_817 = arith.index_cast %mul3A_812 : i32 to index
      %swap3A_818 = tpu.vector_load %arg9[%swap3A_815, %swap3A_816, %swap3A_817] {strides = array<i32>} : memref<2x8x2048xf32, #tpu.memory_space<vmem>>, vector<1x1x16xf32>,
      %swap3A_819 = vector.shape_cast %swap3A_818 : vector<1x1x16xf32> to vector<16xf32>
      %swap3A_820 = vector.shape_cast %add3A_810 : vector<16xf32> to vector<1x1x16xf32>
      tpu.vector_store %arg9[%swap3A_815, %swap3A_816, %swap3A_817], %swap3A_820 {strides = array<i32>} : memref<2x8x2048xf32, #tpu.memory_space<vmem>>, vector<1x1x16xf32>,
      %mul3A_821 = arith.constant 16 : i32
      %mul3A_822 = arith.muli %scan3A_721, %mul3A_821 : i32
      %get3A_823 = arith.constant 0 : i32
      %get3A_824 = arith.constant 6 : i32
      %get3A_825 = arith.index_cast %get3A_823 : i32 to index
      %get3A_826 = arith.index_cast %get3A_824 : i32 to index
      %get3A_827 = arith.index_cast %mul3A_822 : i32 to index
      %get3A_828 = tpu.vector_load %arg8[%get3A_825, %get3A_826, %get3A_827] {strides = array<i32>} : memref<2x16x2048xf32, #tpu.memory_space<vmem>>, vector<1x1x16xf32>,
      %get3A_829 = vector.shape_cast %get3A_828 : vector<1x1x16xf32> to vector<16xf32>
      %mul3A_830 = vector.broadcast %squeeze3A_394 : f32 to vector<16xf32>
      %mul3A_831 = arith.mulf %mul3A_830, %get3A_829 : vector<16xf32>
      %mul3A_832 = arith.constant 16 : i32
      %mul3A_833 = arith.muli %scan3A_721, %mul3A_832 : i32
      %get3A_834 = arith.constant 0 : i32
      %get3A_835 = arith.constant 7 : i32
      %get3A_836 = arith.index_cast %get3A_834 : i32 to index
      %get3A_837 = arith.index_cast %get3A_835 : i32 to index
      %get3A_838 = arith.index_cast %mul3A_833 : i32 to index
      %get3A_839 = tpu.vector_load %arg8[%get3A_836, %get3A_837, %get3A_838] {strides = array<i32>} : memref<2x16x2048xf32, #tpu.memory_space<vmem>>, vector<1x1x16xf32>,
      %get3A_840 = vector.shape_cast %get3A_839 : vector<1x1x16xf32> to vector<16xf32>
      %mul3A_841 = vector.broadcast %squeeze3A_396 : f32 to vector<16xf32>
      %mul3A_842 = arith.mulf %mul3A_841, %get3A_840 : vector<16xf32>
      %add3A_843 = arith.addf %mul3A_831, %mul3A_842 : vector<16xf32>
      %mul3A_844 = arith.constant 16 : i32
      %mul3A_845 = arith.muli %scan3A_721, %mul3A_844 : i32
      %swap3A_846 = arith.constant 0 : i32
      %swap3A_847 = arith.constant 3 : i32
      %swap3A_848 = arith.index_cast %swap3A_846 : i32 to index
      %swap3A_849 = arith.index_cast %swap3A_847 : i32 to index
      %swap3A_850 = arith.index_cast %mul3A_845 : i32 to index
      %swap3A_851 = tpu.vector_load %arg9[%swap3A_848, %swap3A_849, %swap3A_850] {strides = array<i32>} : memref<2x8x2048xf32, #tpu.memory_space<vmem>>, vector<1x1x16xf32>,
      %swap3A_852 = vector.shape_cast %swap3A_851 : vector<1x1x16xf32> to vector<16xf32>
      %swap3A_853 = vector.shape_cast %add3A_843 : vector<16xf32> to vector<1x1x16xf32>
      tpu.vector_store %arg9[%swap3A_848, %swap3A_849, %swap3A_850], %swap3A_853 {strides = array<i32>} : memref<2x8x2048xf32, #tpu.memory_space<vmem>>, vector<1x1x16xf32>,
      %mul3A_854 = arith.constant 16 : i32
      %mul3A_855 = arith.muli %scan3A_721, %mul3A_854 : i32
      %get3A_856 = arith.constant 0 : i32
      %get3A_857 = arith.constant 8 : i32
      %get3A_858 = arith.index_cast %get3A_856 : i32 to index
      %get3A_859 = arith.index_cast %get3A_857 : i32 to index
      %get3A_860 = arith.index_cast %mul3A_855 : i32 to index
      %get3A_861 = tpu.vector_load %arg8[%get3A_858, %get3A_859, %get3A_860] {strides = array<i32>} : memref<2x16x2048xf32, #tpu.memory_space<vmem>>, vector<1x1x16xf32>,
      %get3A_862 = vector.shape_cast %get3A_861 : vector<1x1x16xf32> to vector<16xf32>
      %mul3A_863 = vector.broadcast %squeeze3A_398 : f32 to vector<16xf32>
      %mul3A_864 = arith.mulf %mul3A_863, %get3A_862 : vector<16xf32>
      %mul3A_865 = arith.constant 16 : i32
      %mul3A_866 = arith.muli %scan3A_721, %mul3A_865 : i32
      %get3A_867 = arith.constant 0 : i32
      %get3A_868 = arith.constant 9 : i32
      %get3A_869 = arith.index_cast %get3A_867 : i32 to index
      %get3A_870 = arith.index_cast %get3A_868 : i32 to index
      %get3A_871 = arith.index_cast %mul3A_866 : i32 to index
      %get3A_872 = tpu.vector_load %arg8[%get3A_869, %get3A_870, %get3A_871] {strides = array<i32>} : memref<2x16x2048xf32, #tpu.memory_space<vmem>>, vector<1x1x16xf32>,
      %get3A_873 = vector.shape_cast %get3A_872 : vector<1x1x16xf32> to vector<16xf32>
      %mul3A_874 = vector.broadcast %squeeze3A_400 : f32 to vector<16xf32>
      %mul3A_875 = arith.mulf %mul3A_874, %get3A_873 : vector<16xf32>
      %add3A_876 = arith.addf %mul3A_864, %mul3A_875 : vector<16xf32>
      %mul3A_877 = arith.constant 16 : i32
      %mul3A_878 = arith.muli %scan3A_721, %mul3A_877 : i32
      %swap3A_879 = arith.constant 0 : i32
      %swap3A_880 = arith.constant 4 : i32
      %swap3A_881 = arith.index_cast %swap3A_879 : i32 to index
      %swap3A_882 = arith.index_cast %swap3A_880 : i32 to index
      %swap3A_883 = arith.index_cast %mul3A_878 : i32 to index
      %swap3A_884 = tpu.vector_load %arg9[%swap3A_881, %swap3A_882, %swap3A_883] {strides = array<i32>} : memref<2x8x2048xf32, #tpu.memory_space<vmem>>, vector<1x1x16xf32>,
      %swap3A_885 = vector.shape_cast %swap3A_884 : vector<1x1x16xf32> to vector<16xf32>
      %swap3A_886 = vector.shape_cast %add3A_876 : vector<16xf32> to vector<1x1x16xf32>
      tpu.vector_store %arg9[%swap3A_881, %swap3A_882, %swap3A_883], %swap3A_886 {strides = array<i32>} : memref<2x8x2048xf32, #tpu.memory_space<vmem>>, vector<1x1x16xf32>,
      %mul3A_887 = arith.constant 16 : i32
      %mul3A_888 = arith.muli %scan3A_721, %mul3A_887 : i32
      %get3A_889 = arith.constant 0 : i32
      %get3A_890 = arith.constant 10 : i32
      %get3A_891 = arith.index_cast %get3A_889 : i32 to index
      %get3A_892 = arith.index_cast %get3A_890 : i32 to index
      %get3A_893 = arith.index_cast %mul3A_888 : i32 to index
      %get3A_894 = tpu.vector_load %arg8[%get3A_891, %get3A_892, %get3A_893] {strides = array<i32>} : memref<2x16x2048xf32, #tpu.memory_space<vmem>>, vector<1x1x16xf32>,
      %get3A_895 = vector.shape_cast %get3A_894 : vector<1x1x16xf32> to vector<16xf32>
      %mul3A_896 = vector.broadcast %squeeze3A_402 : f32 to vector<16xf32>
      %mul3A_897 = arith.mulf %mul3A_896, %get3A_895 : vector<16xf32>
      %mul3A_898 = arith.constant 16 : i32
      %mul3A_899 = arith.muli %scan3A_721, %mul3A_898 : i32
      %get3A_900 = arith.constant 0 : i32
      %get3A_901 = arith.constant 11 : i32
      %get3A_902 = arith.index_cast %get3A_900 : i32 to index
      %get3A_903 = arith.index_cast %get3A_901 : i32 to index
      %get3A_904 = arith.index_cast %mul3A_899 : i32 to index
      %get3A_905 = tpu.vector_load %arg8[%get3A_902, %get3A_903, %get3A_904] {strides = array<i32>} : memref<2x16x2048xf32, #tpu.memory_space<vmem>>, vector<1x1x16xf32>,
      %get3A_906 = vector.shape_cast %get3A_905 : vector<1x1x16xf32> to vector<16xf32>
      %mul3A_907 = vector.broadcast %squeeze3A_404 : f32 to vector<16xf32>
      %mul3A_908 = arith.mulf %mul3A_907, %get3A_906 : vector<16xf32>
      %add3A_909 = arith.addf %mul3A_897, %mul3A_908 : vector<16xf32>
      %mul3A_910 = arith.constant 16 : i32
      %mul3A_911 = arith.muli %scan3A_721, %mul3A_910 : i32
      %swap3A_912 = arith.constant 0 : i32
      %swap3A_913 = arith.constant 5 : i32
      %swap3A_914 = arith.index_cast %swap3A_912 : i32 to index
      %swap3A_915 = arith.index_cast %swap3A_913 : i32 to index
      %swap3A_916 = arith.index_cast %mul3A_911 : i32 to index
      %swap3A_917 = tpu.vector_load %arg9[%swap3A_914, %swap3A_915, %swap3A_916] {strides = array<i32>} : memref<2x8x2048xf32, #tpu.memory_space<vmem>>, vector<1x1x16xf32>,
      %swap3A_918 = vector.shape_cast %swap3A_917 : vector<1x1x16xf32> to vector<16xf32>
      %swap3A_919 = vector.shape_cast %add3A_909 : vector<16xf32> to vector<1x1x16xf32>
      tpu.vector_store %arg9[%swap3A_914, %swap3A_915, %swap3A_916], %swap3A_919 {strides = array<i32>} : memref<2x8x2048xf32, #tpu.memory_space<vmem>>, vector<1x1x16xf32>,
      %mul3A_920 = arith.constant 16 : i32
      %mul3A_921 = arith.muli %scan3A_721, %mul3A_920 : i32
      %get3A_922 = arith.constant 0 : i32
      %get3A_923 = arith.constant 12 : i32
      %get3A_924 = arith.index_cast %get3A_922 : i32 to index
      %get3A_925 = arith.index_cast %get3A_923 : i32 to index
      %get3A_926 = arith.index_cast %mul3A_921 : i32 to index
      %get3A_927 = tpu.vector_load %arg8[%get3A_924, %get3A_925, %get3A_926] {strides = array<i32>} : memref<2x16x2048xf32, #tpu.memory_space<vmem>>, vector<1x1x16xf32>,
      %get3A_928 = vector.shape_cast %get3A_927 : vector<1x1x16xf32> to vector<16xf32>
      %mul3A_929 = vector.broadcast %squeeze3A_406 : f32 to vector<16xf32>
      %mul3A_930 = arith.mulf %mul3A_929, %get3A_928 : vector<16xf32>
      %mul3A_931 = arith.constant 16 : i32
      %mul3A_932 = arith.muli %scan3A_721, %mul3A_931 : i32
      %get3A_933 = arith.constant 0 : i32
      %get3A_934 = arith.constant 13 : i32
      %get3A_935 = arith.index_cast %get3A_933 : i32 to index
      %get3A_936 = arith.index_cast %get3A_934 : i32 to index
      %get3A_937 = arith.index_cast %mul3A_932 : i32 to index
      %get3A_938 = tpu.vector_load %arg8[%get3A_935, %get3A_936, %get3A_937] {strides = array<i32>} : memref<2x16x2048xf32, #tpu.memory_space<vmem>>, vector<1x1x16xf32>,
      %get3A_939 = vector.shape_cast %get3A_938 : vector<1x1x16xf32> to vector<16xf32>
      %mul3A_940 = vector.broadcast %squeeze3A_408 : f32 to vector<16xf32>
      %mul3A_941 = arith.mulf %mul3A_940, %get3A_939 : vector<16xf32>
      %add3A_942 = arith.addf %mul3A_930, %mul3A_941 : vector<16xf32>
      %mul3A_943 = arith.constant 16 : i32
      %mul3A_944 = arith.muli %scan3A_721, %mul3A_943 : i32
      %swap3A_945 = arith.constant 0 : i32
      %swap3A_946 = arith.constant 6 : i32
      %swap3A_947 = arith.index_cast %swap3A_945 : i32 to index
      %swap3A_948 = arith.index_cast %swap3A_946 : i32 to index
      %swap3A_949 = arith.index_cast %mul3A_944 : i32 to index
      %swap3A_950 = tpu.vector_load %arg9[%swap3A_947, %swap3A_948, %swap3A_949] {strides = array<i32>} : memref<2x8x2048xf32, #tpu.memory_space<vmem>>, vector<1x1x16xf32>,
      %swap3A_951 = vector.shape_cast %swap3A_950 : vector<1x1x16xf32> to vector<16xf32>
      %swap3A_952 = vector.shape_cast %add3A_942 : vector<16xf32> to vector<1x1x16xf32>
      tpu.vector_store %arg9[%swap3A_947, %swap3A_948, %swap3A_949], %swap3A_952 {strides = array<i32>} : memref<2x8x2048xf32, #tpu.memory_space<vmem>>, vector<1x1x16xf32>,
      %mul3A_953 = arith.constant 16 : i32
      %mul3A_954 = arith.muli %scan3A_721, %mul3A_953 : i32
      %get3A_955 = arith.constant 0 : i32
      %get3A_956 = arith.constant 14 : i32
      %get3A_957 = arith.index_cast %get3A_955 : i32 to index
      %get3A_958 = arith.index_cast %get3A_956 : i32 to index
      %get3A_959 = arith.index_cast %mul3A_954 : i32 to index
      %get3A_960 = tpu.vector_load %arg8[%get3A_957, %get3A_958, %get3A_959] {strides = array<i32>} : memref<2x16x2048xf32, #tpu.memory_space<vmem>>, vector<1x1x16xf32>,
      %get3A_961 = vector.shape_cast %get3A_960 : vector<1x1x16xf32> to vector<16xf32>
      %mul3A_962 = vector.broadcast %squeeze3A_410 : f32 to vector<16xf32>
      %mul3A_963 = arith.mulf %mul3A_962, %get3A_961 : vector<16xf32>
      %mul3A_964 = arith.constant 16 : i32
      %mul3A_965 = arith.muli %scan3A_721, %mul3A_964 : i32
      %get3A_966 = arith.constant 0 : i32
      %get3A_967 = arith.constant 15 : i32
      %get3A_968 = arith.index_cast %get3A_966 : i32 to index
      %get3A_969 = arith.index_cast %get3A_967 : i32 to index
      %get3A_970 = arith.index_cast %mul3A_965 : i32 to index
      %get3A_971 = tpu.vector_load %arg8[%get3A_968, %get3A_969, %get3A_970] {strides = array<i32>} : memref<2x16x2048xf32, #tpu.memory_space<vmem>>, vector<1x1x16xf32>,
      %get3A_972 = vector.shape_cast %get3A_971 : vector<1x1x16xf32> to vector<16xf32>
      %mul3A_973 = vector.broadcast %squeeze3A_412 : f32 to vector<16xf32>
      %mul3A_974 = arith.mulf %mul3A_973, %get3A_972 : vector<16xf32>
      %add3A_975 = arith.addf %mul3A_963, %mul3A_974 : vector<16xf32>
      %mul3A_976 = arith.constant 16 : i32
      %mul3A_977 = arith.muli %scan3A_721, %mul3A_976 : i32
      %swap3A_978 = arith.constant 0 : i32
      %swap3A_979 = arith.constant 7 : i32
      %swap3A_980 = arith.index_cast %swap3A_978 : i32 to index
      %swap3A_981 = arith.index_cast %swap3A_979 : i32 to index
      %swap3A_982 = arith.index_cast %mul3A_977 : i32 to index
      %swap3A_983 = tpu.vector_load %arg9[%swap3A_980, %swap3A_981, %swap3A_982] {strides = array<i32>} : memref<2x8x2048xf32, #tpu.memory_space<vmem>>, vector<1x1x16xf32>,
      %swap3A_984 = vector.shape_cast %swap3A_983 : vector<1x1x16xf32> to vector<16xf32>
      %swap3A_985 = vector.shape_cast %add3A_975 : vector<16xf32> to vector<1x1x16xf32>
      tpu.vector_store %arg9[%swap3A_980, %swap3A_981, %swap3A_982], %swap3A_985 {strides = array<i32>} : memref<2x8x2048xf32, #tpu.memory_space<vmem>>, vector<1x1x16xf32>,
      %scan3A_986 = arith.constant 0 : i32
      scf.yield %scan3A_986 : i32
    }
    %scan3A_419 = arith.constant 128 : i32
    %add3A_420 = arith.constant 32 : i32
    %add3A_421 = arith.addi %mul3A_2, %add3A_420 : i32
    %dma_start3A_422 = arith.constant 0 : i32
    %dma_start3A_423 = arith.constant 0 : i32
    %dma_start3A_424 = arith.constant 0 : i32
    %dma_start3A_425 = tpu.memref_slice %arg9[%dma_start3A_422, %dma_start3A_423, %dma_start3A_424] : memref<2x8x2048xf32, #tpu.memory_space<vmem>> -> memref<1x8x2048xf32, #tpu.memory_space<vmem>>
    %dma_start3A_426 = tpu.memref_squeeze %dma_start3A_425 : memref<1x8x2048xf32, #tpu.memory_space<vmem>> -> memref<8x2048xf32, #tpu.memory_space<vmem>>
    %dma_start3A_427 = arith.constant 0 : i32
    %dma_start3A_428 = tpu.memref_slice %arg5[%add3A_421, %dma_start3A_427] : memref<2048x2048xf32, #tpu.memory_space<hbm>> -> memref<8x2048xf32, #tpu.memory_space<hbm>>
    %dma_start3A_429 = arith.constant 0 : i32
    %dma_start3A_430 = tpu.memref_slice %arg5[%add3A_421, %dma_start3A_429] : memref<2048x2048xf32, #tpu.memory_space<hbm>> -> memref<8x2048xf32, #tpu.memory_space<hbm>>
    %dma_start3A_431 = arith.constant 0 : i32
    %dma_start3A_432 = arith.constant 0 : i32
    %dma_start3A_433 = tpu.memref_slice %arg9[%dma_start3A_422, %dma_start3A_431, %dma_start3A_432] : memref<2x8x2048xf32, #tpu.memory_space<vmem>> -> memref<1x8x2048xf32, #tpu.memory_space<vmem>>
    %dma_start3A_434 = tpu.memref_squeeze %dma_start3A_433 : memref<1x8x2048xf32, #tpu.memory_space<vmem>> -> memref<8x2048xf32, #tpu.memory_space<vmem>>
    tpu.enqueue_dma source(%dma_start3A_434 : memref<8x2048xf32, #tpu.memory_space<vmem>>) target(%dma_start3A_430 : memref<8x2048xf32, #tpu.memory_space<hbm>>) target_semaphore(%arg12 : memref<!tpu.dma_semaphore, #tpu.memory_space<semaphore_mem>>)
    %dma_start3A_435 = arith.constant 0 : i32
    %dma_start3A_436 = arith.constant 0 : i32
    %dma_start3A_437 = arith.constant 0 : i32
    %dma_start3A_438 = tpu.memref_slice %arg8[%dma_start3A_435, %dma_start3A_436, %dma_start3A_437] : memref<2x16x2048xf32, #tpu.memory_space<vmem>> -> memref<1x16x2048xf32, #tpu.memory_space<vmem>>
    %dma_start3A_439 = tpu.memref_squeeze %dma_start3A_438 : memref<1x16x2048xf32, #tpu.memory_space<vmem>> -> memref<16x2048xf32, #tpu.memory_space<vmem>>
    %dma_start3A_440 = arith.constant 96 : i32
    %dma_start3A_441 = tpu.memref_slice %arg6[%dma_start3A_440] : memref<128xi32, #tpu.memory_space<vmem>> -> memref<16xi32, #tpu.memory_space<vmem>>
    %dma_start3A_442 = arith.constant 0 : i32
    %dma_start3A_443 = arith.constant 0 : i32
    %dma_start3A_444 = tpu.memref_slice %arg2[%dma_start3A_442, %dma_start3A_443] : memref<6144x2048xf32, #tpu.memory_space<hbm>> -> memref<6144x2048xf32, #tpu.memory_space<hbm>>
    tpu.enqueue_indirect_dma source(%dma_start3A_444 : memref<6144x2048xf32, #tpu.memory_space<hbm>>) target(%dma_start3A_439 : memref<16x2048xf32, #tpu.memory_space<vmem>>) offsets(%dma_start3A_441 : memref<16xi32, #tpu.memory_space<vmem>>) semaphore(%arg10 : memref<!tpu.dma_semaphore, #tpu.memory_space<semaphore_mem>>)
    %dma_wait3A_445 = arith.constant 1 : i32
    %dma_wait3A_446 = arith.constant 0 : i32
    %dma_wait3A_447 = arith.constant 0 : i32
    %dma_wait3A_448 = tpu.memref_slice %arg8[%dma_wait3A_445, %dma_wait3A_446, %dma_wait3A_447] : memref<2x16x2048xf32, #tpu.memory_space<vmem>> -> memref<1x16x2048xf32, #tpu.memory_space<vmem>>
    %dma_wait3A_449 = tpu.memref_squeeze %dma_wait3A_448 : memref<1x16x2048xf32, #tpu.memory_space<vmem>> -> memref<16x2048xf32, #tpu.memory_space<vmem>>
    %dma_wait3A_450 = arith.constant 80 : i32
    %dma_wait3A_451 = tpu.memref_slice %arg6[%dma_wait3A_450] : memref<128xi32, #tpu.memory_space<vmem>> -> memref<16xi32, #tpu.memory_space<vmem>>
    %dma_wait3A_452 = arith.constant 0 : i32
    %dma_wait3A_453 = arith.constant 0 : i32
    %dma_wait3A_454 = tpu.memref_slice %arg2[%dma_wait3A_452, %dma_wait3A_453] : memref<6144x2048xf32, #tpu.memory_space<hbm>> -> memref<6144x2048xf32, #tpu.memory_space<hbm>>
    tpu.wait_indirect_dma semaphore(%arg11 : memref<!tpu.dma_semaphore, #tpu.memory_space<semaphore_mem>>) src(%dma_wait3A_454 : memref<6144x2048xf32, #tpu.memory_space<hbm>>) dst(%dma_wait3A_449 : memref<16x2048xf32, #tpu.memory_space<vmem>>)
    %dma_wait3A_455 = arith.constant 1 : i32
    %dma_wait3A_456 = arith.constant 0 : i32
    %dma_wait3A_457 = arith.constant 0 : i32
    %dma_wait3A_458 = tpu.memref_slice %arg9[%dma_wait3A_455, %dma_wait3A_456, %dma_wait3A_457] : memref<2x8x2048xf32, #tpu.memory_space<vmem>> -> memref<1x8x2048xf32, #tpu.memory_space<vmem>>
    %dma_wait3A_459 = tpu.memref_squeeze %dma_wait3A_458 : memref<1x8x2048xf32, #tpu.memory_space<vmem>> -> memref<8x2048xf32, #tpu.memory_space<vmem>>
    %dma_wait3A_460 = arith.constant 0 : i32
    %dma_wait3A_461 = tpu.memref_slice %arg5[%add3A_331, %dma_wait3A_460] : memref<2048x2048xf32, #tpu.memory_space<hbm>> -> memref<8x2048xf32, #tpu.memory_space<hbm>>
    %dma_wait3A_462 = arith.constant 0 : i32
    %dma_wait3A_463 = tpu.memref_slice %arg5[%add3A_331, %dma_wait3A_462] : memref<2048x2048xf32, #tpu.memory_space<hbm>> -> memref<8x2048xf32, #tpu.memory_space<hbm>>
    %dma_wait3A_464 = arith.constant 0 : i32
    %dma_wait3A_465 = arith.constant 0 : i32
    %dma_wait3A_466 = tpu.memref_slice %arg9[%dma_wait3A_455, %dma_wait3A_464, %dma_wait3A_465] : memref<2x8x2048xf32, #tpu.memory_space<vmem>> -> memref<1x8x2048xf32, #tpu.memory_space<vmem>>
    %dma_wait3A_467 = tpu.memref_squeeze %dma_wait3A_466 : memref<1x8x2048xf32, #tpu.memory_space<vmem>> -> memref<8x2048xf32, #tpu.memory_space<vmem>>
    tpu.wait_dma2 semaphore(%arg13 : memref<!tpu.dma_semaphore, #tpu.memory_space<semaphore_mem>>) src(%dma_wait3A_467 : memref<8x2048xf32, #tpu.memory_space<vmem>>) dst(%dma_wait3A_463 : memref<8x2048xf32, #tpu.memory_space<hbm>>)
    %get3A_468 = arith.constant 80 : index
    %get3A_469 = tpu.vector_load %arg7[%get3A_468] {strides = array<i32>} : memref<128xf32, #tpu.memory_space<vmem>>, vector<16xf32>,
    %get3A_470 = vector.shape_cast %get3A_469 : vector<16xf32> to vector<16xf32>
    %slice3A_471 = vector.extract_strided_slice %get3A_470 {offsets = [0], sizes = [1], strides = [1]} : vector<16xf32> to vector<1xf32>
    %squeeze3A_472 = vector.extract %slice3A_471[0] : f32 from vector<1xf32>
    %slice3A_473 = vector.extract_strided_slice %get3A_470 {offsets = [1], sizes = [1], strides = [1]} : vector<16xf32> to vector<1xf32>
    %squeeze3A_474 = vector.extract %slice3A_473[0] : f32 from vector<1xf32>
    %slice3A_475 = vector.extract_strided_slice %get3A_470 {offsets = [2], sizes = [1], strides = [1]} : vector<16xf32> to vector<1xf32>
    %squeeze3A_476 = vector.extract %slice3A_475[0] : f32 from vector<1xf32>
    %slice3A_477 = vector.extract_strided_slice %get3A_470 {offsets = [3], sizes = [1], strides = [1]} : vector<16xf32> to vector<1xf32>
    %squeeze3A_478 = vector.extract %slice3A_477[0] : f32 from vector<1xf32>
    %slice3A_479 = vector.extract_strided_slice %get3A_470 {offsets = [4], sizes = [1], strides = [1]} : vector<16xf32> to vector<1xf32>
    %squeeze3A_480 = vector.extract %slice3A_479[0] : f32 from vector<1xf32>
    %slice3A_481 = vector.extract_strided_slice %get3A_470 {offsets = [5], sizes = [1], strides = [1]} : vector<16xf32> to vector<1xf32>
    %squeeze3A_482 = vector.extract %slice3A_481[0] : f32 from vector<1xf32>
    %slice3A_483 = vector.extract_strided_slice %get3A_470 {offsets = [6], sizes = [1], strides = [1]} : vector<16xf32> to vector<1xf32>
    %squeeze3A_484 = vector.extract %slice3A_483[0] : f32 from vector<1xf32>
    %slice3A_485 = vector.extract_strided_slice %get3A_470 {offsets = [7], sizes = [1], strides = [1]} : vector<16xf32> to vector<1xf32>
    %squeeze3A_486 = vector.extract %slice3A_485[0] : f32 from vector<1xf32>
    %slice3A_487 = vector.extract_strided_slice %get3A_470 {offsets = [8], sizes = [1], strides = [1]} : vector<16xf32> to vector<1xf32>
    %squeeze3A_488 = vector.extract %slice3A_487[0] : f32 from vector<1xf32>
    %slice3A_489 = vector.extract_strided_slice %get3A_470 {offsets = [9], sizes = [1], strides = [1]} : vector<16xf32> to vector<1xf32>
    %squeeze3A_490 = vector.extract %slice3A_489[0] : f32 from vector<1xf32>
    %slice3A_491 = vector.extract_strided_slice %get3A_470 {offsets = [10], sizes = [1], strides = [1]} : vector<16xf32> to vector<1xf32>
    %squeeze3A_492 = vector.extract %slice3A_491[0] : f32 from vector<1xf32>
    %slice3A_493 = vector.extract_strided_slice %get3A_470 {offsets = [11], sizes = [1], strides = [1]} : vector<16xf32> to vector<1xf32>
    %squeeze3A_494 = vector.extract %slice3A_493[0] : f32 from vector<1xf32>
    %slice3A_495 = vector.extract_strided_slice %get3A_470 {offsets = [12], sizes = [1], strides = [1]} : vector<16xf32> to vector<1xf32>
    %squeeze3A_496 = vector.extract %slice3A_495[0] : f32 from vector<1xf32>
    %slice3A_497 = vector.extract_strided_slice %get3A_470 {offsets = [13], sizes = [1], strides = [1]} : vector<16xf32> to vector<1xf32>
    %squeeze3A_498 = vector.extract %slice3A_497[0] : f32 from vector<1xf32>
    %slice3A_499 = vector.extract_strided_slice %get3A_470 {offsets = [14], sizes = [1], strides = [1]} : vector<16xf32> to vector<1xf32>
    %squeeze3A_500 = vector.extract %slice3A_499[0] : f32 from vector<1xf32>
    %slice3A_501 = vector.extract_strided_slice %get3A_470 {offsets = [15], sizes = [1], strides = [1]} : vector<16xf32> to vector<1xf32>
    %squeeze3A_502 = vector.extract %slice3A_501[0] : f32 from vector<1xf32>
    %scan3A_503 = arith.constant 0 : i32
    %scan3A_504 = arith.constant 0 : i32
    %scan3A_505 = arith.constant 128 : i32
    %scan3A_506 = arith.addi %scan3A_504, %scan3A_505 : i32
    %scan3A_507 = arith.constant 1 : i32
    %scan3A_508 = scf.for %scan3A_721 = %scan3A_504 to %scan3A_506 step %scan3A_507 iter_args(%scan3A_722 = %scan3A_503) -> (i32)  : i32 {
      %mul3A_723 = arith.constant 16 : i32
      %mul3A_724 = arith.muli %scan3A_721, %mul3A_723 : i32
      %get3A_725 = arith.constant 1 : i32
      %get3A_726 = arith.constant 0 : i32
      %get3A_727 = arith.index_cast %get3A_725 : i32 to index
      %get3A_728 = arith.index_cast %get3A_726 : i32 to index
      %get3A_729 = arith.index_cast %mul3A_724 : i32 to index
      %get3A_730 = tpu.vector_load %arg8[%get3A_727, %get3A_728, %get3A_729] {strides = array<i32>} : memref<2x16x2048xf32, #tpu.memory_space<vmem>>, vector<1x1x16xf32>,
      %get3A_731 = vector.shape_cast %get3A_730 : vector<1x1x16xf32> to vector<16xf32>
      %mul3A_732 = vector.broadcast %squeeze3A_472 : f32 to vector<16xf32>
      %mul3A_733 = arith.mulf %mul3A_732, %get3A_731 : vector<16xf32>
      %mul3A_734 = arith.constant 16 : i32
      %mul3A_735 = arith.muli %scan3A_721, %mul3A_734 : i32
      %get3A_736 = arith.constant 1 : i32
      %get3A_737 = arith.constant 1 : i32
      %get3A_738 = arith.index_cast %get3A_736 : i32 to index
      %get3A_739 = arith.index_cast %get3A_737 : i32 to index
      %get3A_740 = arith.index_cast %mul3A_735 : i32 to index
      %get3A_741 = tpu.vector_load %arg8[%get3A_738, %get3A_739, %get3A_740] {strides = array<i32>} : memref<2x16x2048xf32, #tpu.memory_space<vmem>>, vector<1x1x16xf32>,
      %get3A_742 = vector.shape_cast %get3A_741 : vector<1x1x16xf32> to vector<16xf32>
      %mul3A_743 = vector.broadcast %squeeze3A_474 : f32 to vector<16xf32>
      %mul3A_744 = arith.mulf %mul3A_743, %get3A_742 : vector<16xf32>
      %add3A_745 = arith.addf %mul3A_733, %mul3A_744 : vector<16xf32>
      %mul3A_746 = arith.constant 16 : i32
      %mul3A_747 = arith.muli %scan3A_721, %mul3A_746 : i32
      %swap3A = arith.constant 1 : i32
      %swap3A_748 = arith.constant 0 : i32
      %swap3A_749 = arith.index_cast %swap3A : i32 to index
      %swap3A_750 = arith.index_cast %swap3A_748 : i32 to index
      %swap3A_751 = arith.index_cast %mul3A_747 : i32 to index
      %swap3A_752 = tpu.vector_load %arg9[%swap3A_749, %swap3A_750, %swap3A_751] {strides = array<i32>} : memref<2x8x2048xf32, #tpu.memory_space<vmem>>, vector<1x1x16xf32>,
      %swap3A_753 = vector.shape_cast %swap3A_752 : vector<1x1x16xf32> to vector<16xf32>
      %swap3A_754 = vector.shape_cast %add3A_745 : vector<16xf32> to vector<1x1x16xf32>
      tpu.vector_store %arg9[%swap3A_749, %swap3A_750, %swap3A_751], %swap3A_754 {strides = array<i32>} : memref<2x8x2048xf32, #tpu.memory_space<vmem>>, vector<1x1x16xf32>,
      %mul3A_755 = arith.constant 16 : i32
      %mul3A_756 = arith.muli %scan3A_721, %mul3A_755 : i32
      %get3A_757 = arith.constant 1 : i32
      %get3A_758 = arith.constant 2 : i32
      %get3A_759 = arith.index_cast %get3A_757 : i32 to index
      %get3A_760 = arith.index_cast %get3A_758 : i32 to index
      %get3A_761 = arith.index_cast %mul3A_756 : i32 to index
      %get3A_762 = tpu.vector_load %arg8[%get3A_759, %get3A_760, %get3A_761] {strides = array<i32>} : memref<2x16x2048xf32, #tpu.memory_space<vmem>>, vector<1x1x16xf32>,
      %get3A_763 = vector.shape_cast %get3A_762 : vector<1x1x16xf32> to vector<16xf32>
      %mul3A_764 = vector.broadcast %squeeze3A_476 : f32 to vector<16xf32>
      %mul3A_765 = arith.mulf %mul3A_764, %get3A_763 : vector<16xf32>
      %mul3A_766 = arith.constant 16 : i32
      %mul3A_767 = arith.muli %scan3A_721, %mul3A_766 : i32
      %get3A_768 = arith.constant 1 : i32
      %get3A_769 = arith.constant 3 : i32
      %get3A_770 = arith.index_cast %get3A_768 : i32 to index
      %get3A_771 = arith.index_cast %get3A_769 : i32 to index
      %get3A_772 = arith.index_cast %mul3A_767 : i32 to index
      %get3A_773 = tpu.vector_load %arg8[%get3A_770, %get3A_771, %get3A_772] {strides = array<i32>} : memref<2x16x2048xf32, #tpu.memory_space<vmem>>, vector<1x1x16xf32>,
      %get3A_774 = vector.shape_cast %get3A_773 : vector<1x1x16xf32> to vector<16xf32>
      %mul3A_775 = vector.broadcast %squeeze3A_478 : f32 to vector<16xf32>
      %mul3A_776 = arith.mulf %mul3A_775, %get3A_774 : vector<16xf32>
      %add3A_777 = arith.addf %mul3A_765, %mul3A_776 : vector<16xf32>
      %mul3A_778 = arith.constant 16 : i32
      %mul3A_779 = arith.muli %scan3A_721, %mul3A_778 : i32
      %swap3A_780 = arith.constant 1 : i32
      %swap3A_781 = arith.constant 1 : i32
      %swap3A_782 = arith.index_cast %swap3A_780 : i32 to index
      %swap3A_783 = arith.index_cast %swap3A_781 : i32 to index
      %swap3A_784 = arith.index_cast %mul3A_779 : i32 to index
      %swap3A_785 = tpu.vector_load %arg9[%swap3A_782, %swap3A_783, %swap3A_784] {strides = array<i32>} : memref<2x8x2048xf32, #tpu.memory_space<vmem>>, vector<1x1x16xf32>,
      %swap3A_786 = vector.shape_cast %swap3A_785 : vector<1x1x16xf32> to vector<16xf32>
      %swap3A_787 = vector.shape_cast %add3A_777 : vector<16xf32> to vector<1x1x16xf32>
      tpu.vector_store %arg9[%swap3A_782, %swap3A_783, %swap3A_784], %swap3A_787 {strides = array<i32>} : memref<2x8x2048xf32, #tpu.memory_space<vmem>>, vector<1x1x16xf32>,
      %mul3A_788 = arith.constant 16 : i32
      %mul3A_789 = arith.muli %scan3A_721, %mul3A_788 : i32
      %get3A_790 = arith.constant 1 : i32
      %get3A_791 = arith.constant 4 : i32
      %get3A_792 = arith.index_cast %get3A_790 : i32 to index
      %get3A_793 = arith.index_cast %get3A_791 : i32 to index
      %get3A_794 = arith.index_cast %mul3A_789 : i32 to index
      %get3A_795 = tpu.vector_load %arg8[%get3A_792, %get3A_793, %get3A_794] {strides = array<i32>} : memref<2x16x2048xf32, #tpu.memory_space<vmem>>, vector<1x1x16xf32>,
      %get3A_796 = vector.shape_cast %get3A_795 : vector<1x1x16xf32> to vector<16xf32>
      %mul3A_797 = vector.broadcast %squeeze3A_480 : f32 to vector<16xf32>
      %mul3A_798 = arith.mulf %mul3A_797, %get3A_796 : vector<16xf32>
      %mul3A_799 = arith.constant 16 : i32
      %mul3A_800 = arith.muli %scan3A_721, %mul3A_799 : i32
      %get3A_801 = arith.constant 1 : i32
      %get3A_802 = arith.constant 5 : i32
      %get3A_803 = arith.index_cast %get3A_801 : i32 to index
      %get3A_804 = arith.index_cast %get3A_802 : i32 to index
      %get3A_805 = arith.index_cast %mul3A_800 : i32 to index
      %get3A_806 = tpu.vector_load %arg8[%get3A_803, %get3A_804, %get3A_805] {strides = array<i32>} : memref<2x16x2048xf32, #tpu.memory_space<vmem>>, vector<1x1x16xf32>,
      %get3A_807 = vector.shape_cast %get3A_806 : vector<1x1x16xf32> to vector<16xf32>
      %mul3A_808 = vector.broadcast %squeeze3A_482 : f32 to vector<16xf32>
      %mul3A_809 = arith.mulf %mul3A_808, %get3A_807 : vector<16xf32>
      %add3A_810 = arith.addf %mul3A_798, %mul3A_809 : vector<16xf32>
      %mul3A_811 = arith.constant 16 : i32
      %mul3A_812 = arith.muli %scan3A_721, %mul3A_811 : i32
      %swap3A_813 = arith.constant 1 : i32
      %swap3A_814 = arith.constant 2 : i32
      %swap3A_815 = arith.index_cast %swap3A_813 : i32 to index
      %swap3A_816 = arith.index_cast %swap3A_814 : i32 to index
      %swap3A_817 = arith.index_cast %mul3A_812 : i32 to index
      %swap3A_818 = tpu.vector_load %arg9[%swap3A_815, %swap3A_816, %swap3A_817] {strides = array<i32>} : memref<2x8x2048xf32, #tpu.memory_space<vmem>>, vector<1x1x16xf32>,
      %swap3A_819 = vector.shape_cast %swap3A_818 : vector<1x1x16xf32> to vector<16xf32>
      %swap3A_820 = vector.shape_cast %add3A_810 : vector<16xf32> to vector<1x1x16xf32>
      tpu.vector_store %arg9[%swap3A_815, %swap3A_816, %swap3A_817], %swap3A_820 {strides = array<i32>} : memref<2x8x2048xf32, #tpu.memory_space<vmem>>, vector<1x1x16xf32>,
      %mul3A_821 = arith.constant 16 : i32
      %mul3A_822 = arith.muli %scan3A_721, %mul3A_821 : i32
      %get3A_823 = arith.constant 1 : i32
      %get3A_824 = arith.constant 6 : i32
      %get3A_825 = arith.index_cast %get3A_823 : i32 to index
      %get3A_826 = arith.index_cast %get3A_824 : i32 to index
      %get3A_827 = arith.index_cast %mul3A_822 : i32 to index
      %get3A_828 = tpu.vector_load %arg8[%get3A_825, %get3A_826, %get3A_827] {strides = array<i32>} : memref<2x16x2048xf32, #tpu.memory_space<vmem>>, vector<1x1x16xf32>,
      %get3A_829 = vector.shape_cast %get3A_828 : vector<1x1x16xf32> to vector<16xf32>
      %mul3A_830 = vector.broadcast %squeeze3A_484 : f32 to vector<16xf32>
      %mul3A_831 = arith.mulf %mul3A_830, %get3A_829 : vector<16xf32>
      %mul3A_832 = arith.constant 16 : i32
      %mul3A_833 = arith.muli %scan3A_721, %mul3A_832 : i32
      %get3A_834 = arith.constant 1 : i32
      %get3A_835 = arith.constant 7 : i32
      %get3A_836 = arith.index_cast %get3A_834 : i32 to index
      %get3A_837 = arith.index_cast %get3A_835 : i32 to index
      %get3A_838 = arith.index_cast %mul3A_833 : i32 to index
      %get3A_839 = tpu.vector_load %arg8[%get3A_836, %get3A_837, %get3A_838] {strides = array<i32>} : memref<2x16x2048xf32, #tpu.memory_space<vmem>>, vector<1x1x16xf32>,
      %get3A_840 = vector.shape_cast %get3A_839 : vector<1x1x16xf32> to vector<16xf32>
      %mul3A_841 = vector.broadcast %squeeze3A_486 : f32 to vector<16xf32>
      %mul3A_842 = arith.mulf %mul3A_841, %get3A_840 : vector<16xf32>
      %add3A_843 = arith.addf %mul3A_831, %mul3A_842 : vector<16xf32>
      %mul3A_844 = arith.constant 16 : i32
      %mul3A_845 = arith.muli %scan3A_721, %mul3A_844 : i32
      %swap3A_846 = arith.constant 1 : i32
      %swap3A_847 = arith.constant 3 : i32
      %swap3A_848 = arith.index_cast %swap3A_846 : i32 to index
      %swap3A_849 = arith.index_cast %swap3A_847 : i32 to index
      %swap3A_850 = arith.index_cast %mul3A_845 : i32 to index
      %swap3A_851 = tpu.vector_load %arg9[%swap3A_848, %swap3A_849, %swap3A_850] {strides = array<i32>} : memref<2x8x2048xf32, #tpu.memory_space<vmem>>, vector<1x1x16xf32>,
      %swap3A_852 = vector.shape_cast %swap3A_851 : vector<1x1x16xf32> to vector<16xf32>
      %swap3A_853 = vector.shape_cast %add3A_843 : vector<16xf32> to vector<1x1x16xf32>
      tpu.vector_store %arg9[%swap3A_848, %swap3A_849, %swap3A_850], %swap3A_853 {strides = array<i32>} : memref<2x8x2048xf32, #tpu.memory_space<vmem>>, vector<1x1x16xf32>,
      %mul3A_854 = arith.constant 16 : i32
      %mul3A_855 = arith.muli %scan3A_721, %mul3A_854 : i32
      %get3A_856 = arith.constant 1 : i32
      %get3A_857 = arith.constant 8 : i32
      %get3A_858 = arith.index_cast %get3A_856 : i32 to index
      %get3A_859 = arith.index_cast %get3A_857 : i32 to index
      %get3A_860 = arith.index_cast %mul3A_855 : i32 to index
      %get3A_861 = tpu.vector_load %arg8[%get3A_858, %get3A_859, %get3A_860] {strides = array<i32>} : memref<2x16x2048xf32, #tpu.memory_space<vmem>>, vector<1x1x16xf32>,
      %get3A_862 = vector.shape_cast %get3A_861 : vector<1x1x16xf32> to vector<16xf32>
      %mul3A_863 = vector.broadcast %squeeze3A_488 : f32 to vector<16xf32>
      %mul3A_864 = arith.mulf %mul3A_863, %get3A_862 : vector<16xf32>
      %mul3A_865 = arith.constant 16 : i32
      %mul3A_866 = arith.muli %scan3A_721, %mul3A_865 : i32
      %get3A_867 = arith.constant 1 : i32
      %get3A_868 = arith.constant 9 : i32
      %get3A_869 = arith.index_cast %get3A_867 : i32 to index
      %get3A_870 = arith.index_cast %get3A_868 : i32 to index
      %get3A_871 = arith.index_cast %mul3A_866 : i32 to index
      %get3A_872 = tpu.vector_load %arg8[%get3A_869, %get3A_870, %get3A_871] {strides = array<i32>} : memref<2x16x2048xf32, #tpu.memory_space<vmem>>, vector<1x1x16xf32>,
      %get3A_873 = vector.shape_cast %get3A_872 : vector<1x1x16xf32> to vector<16xf32>
      %mul3A_874 = vector.broadcast %squeeze3A_490 : f32 to vector<16xf32>
      %mul3A_875 = arith.mulf %mul3A_874, %get3A_873 : vector<16xf32>
      %add3A_876 = arith.addf %mul3A_864, %mul3A_875 : vector<16xf32>
      %mul3A_877 = arith.constant 16 : i32
      %mul3A_878 = arith.muli %scan3A_721, %mul3A_877 : i32
      %swap3A_879 = arith.constant 1 : i32
      %swap3A_880 = arith.constant 4 : i32
      %swap3A_881 = arith.index_cast %swap3A_879 : i32 to index
      %swap3A_882 = arith.index_cast %swap3A_880 : i32 to index
      %swap3A_883 = arith.index_cast %mul3A_878 : i32 to index
      %swap3A_884 = tpu.vector_load %arg9[%swap3A_881, %swap3A_882, %swap3A_883] {strides = array<i32>} : memref<2x8x2048xf32, #tpu.memory_space<vmem>>, vector<1x1x16xf32>,
      %swap3A_885 = vector.shape_cast %swap3A_884 : vector<1x1x16xf32> to vector<16xf32>
      %swap3A_886 = vector.shape_cast %add3A_876 : vector<16xf32> to vector<1x1x16xf32>
      tpu.vector_store %arg9[%swap3A_881, %swap3A_882, %swap3A_883], %swap3A_886 {strides = array<i32>} : memref<2x8x2048xf32, #tpu.memory_space<vmem>>, vector<1x1x16xf32>,
      %mul3A_887 = arith.constant 16 : i32
      %mul3A_888 = arith.muli %scan3A_721, %mul3A_887 : i32
      %get3A_889 = arith.constant 1 : i32
      %get3A_890 = arith.constant 10 : i32
      %get3A_891 = arith.index_cast %get3A_889 : i32 to index
      %get3A_892 = arith.index_cast %get3A_890 : i32 to index
      %get3A_893 = arith.index_cast %mul3A_888 : i32 to index
      %get3A_894 = tpu.vector_load %arg8[%get3A_891, %get3A_892, %get3A_893] {strides = array<i32>} : memref<2x16x2048xf32, #tpu.memory_space<vmem>>, vector<1x1x16xf32>,
      %get3A_895 = vector.shape_cast %get3A_894 : vector<1x1x16xf32> to vector<16xf32>
      %mul3A_896 = vector.broadcast %squeeze3A_492 : f32 to vector<16xf32>
      %mul3A_897 = arith.mulf %mul3A_896, %get3A_895 : vector<16xf32>
      %mul3A_898 = arith.constant 16 : i32
      %mul3A_899 = arith.muli %scan3A_721, %mul3A_898 : i32
      %get3A_900 = arith.constant 1 : i32
      %get3A_901 = arith.constant 11 : i32
      %get3A_902 = arith.index_cast %get3A_900 : i32 to index
      %get3A_903 = arith.index_cast %get3A_901 : i32 to index
      %get3A_904 = arith.index_cast %mul3A_899 : i32 to index
      %get3A_905 = tpu.vector_load %arg8[%get3A_902, %get3A_903, %get3A_904] {strides = array<i32>} : memref<2x16x2048xf32, #tpu.memory_space<vmem>>, vector<1x1x16xf32>,
      %get3A_906 = vector.shape_cast %get3A_905 : vector<1x1x16xf32> to vector<16xf32>
      %mul3A_907 = vector.broadcast %squeeze3A_494 : f32 to vector<16xf32>
      %mul3A_908 = arith.mulf %mul3A_907, %get3A_906 : vector<16xf32>
      %add3A_909 = arith.addf %mul3A_897, %mul3A_908 : vector<16xf32>
      %mul3A_910 = arith.constant 16 : i32
      %mul3A_911 = arith.muli %scan3A_721, %mul3A_910 : i32
      %swap3A_912 = arith.constant 1 : i32
      %swap3A_913 = arith.constant 5 : i32
      %swap3A_914 = arith.index_cast %swap3A_912 : i32 to index
      %swap3A_915 = arith.index_cast %swap3A_913 : i32 to index
      %swap3A_916 = arith.index_cast %mul3A_911 : i32 to index
      %swap3A_917 = tpu.vector_load %arg9[%swap3A_914, %swap3A_915, %swap3A_916] {strides = array<i32>} : memref<2x8x2048xf32, #tpu.memory_space<vmem>>, vector<1x1x16xf32>,
      %swap3A_918 = vector.shape_cast %swap3A_917 : vector<1x1x16xf32> to vector<16xf32>
      %swap3A_919 = vector.shape_cast %add3A_909 : vector<16xf32> to vector<1x1x16xf32>
      tpu.vector_store %arg9[%swap3A_914, %swap3A_915, %swap3A_916], %swap3A_919 {strides = array<i32>} : memref<2x8x2048xf32, #tpu.memory_space<vmem>>, vector<1x1x16xf32>,
      %mul3A_920 = arith.constant 16 : i32
      %mul3A_921 = arith.muli %scan3A_721, %mul3A_920 : i32
      %get3A_922 = arith.constant 1 : i32
      %get3A_923 = arith.constant 12 : i32
      %get3A_924 = arith.index_cast %get3A_922 : i32 to index
      %get3A_925 = arith.index_cast %get3A_923 : i32 to index
      %get3A_926 = arith.index_cast %mul3A_921 : i32 to index
      %get3A_927 = tpu.vector_load %arg8[%get3A_924, %get3A_925, %get3A_926] {strides = array<i32>} : memref<2x16x2048xf32, #tpu.memory_space<vmem>>, vector<1x1x16xf32>,
      %get3A_928 = vector.shape_cast %get3A_927 : vector<1x1x16xf32> to vector<16xf32>
      %mul3A_929 = vector.broadcast %squeeze3A_496 : f32 to vector<16xf32>
      %mul3A_930 = arith.mulf %mul3A_929, %get3A_928 : vector<16xf32>
      %mul3A_931 = arith.constant 16 : i32
      %mul3A_932 = arith.muli %scan3A_721, %mul3A_931 : i32
      %get3A_933 = arith.constant 1 : i32
      %get3A_934 = arith.constant 13 : i32
      %get3A_935 = arith.index_cast %get3A_933 : i32 to index
      %get3A_936 = arith.index_cast %get3A_934 : i32 to index
      %get3A_937 = arith.index_cast %mul3A_932 : i32 to index
      %get3A_938 = tpu.vector_load %arg8[%get3A_935, %get3A_936, %get3A_937] {strides = array<i32>} : memref<2x16x2048xf32, #tpu.memory_space<vmem>>, vector<1x1x16xf32>,
      %get3A_939 = vector.shape_cast %get3A_938 : vector<1x1x16xf32> to vector<16xf32>
      %mul3A_940 = vector.broadcast %squeeze3A_498 : f32 to vector<16xf32>
      %mul3A_941 = arith.mulf %mul3A_940, %get3A_939 : vector<16xf32>
      %add3A_942 = arith.addf %mul3A_930, %mul3A_941 : vector<16xf32>
      %mul3A_943 = arith.constant 16 : i32
      %mul3A_944 = arith.muli %scan3A_721, %mul3A_943 : i32
      %swap3A_945 = arith.constant 1 : i32
      %swap3A_946 = arith.constant 6 : i32
      %swap3A_947 = arith.index_cast %swap3A_945 : i32 to index
      %swap3A_948 = arith.index_cast %swap3A_946 : i32 to index
      %swap3A_949 = arith.index_cast %mul3A_944 : i32 to index
      %swap3A_950 = tpu.vector_load %arg9[%swap3A_947, %swap3A_948, %swap3A_949] {strides = array<i32>} : memref<2x8x2048xf32, #tpu.memory_space<vmem>>, vector<1x1x16xf32>,
      %swap3A_951 = vector.shape_cast %swap3A_950 : vector<1x1x16xf32> to vector<16xf32>
      %swap3A_952 = vector.shape_cast %add3A_942 : vector<16xf32> to vector<1x1x16xf32>
      tpu.vector_store %arg9[%swap3A_947, %swap3A_948, %swap3A_949], %swap3A_952 {strides = array<i32>} : memref<2x8x2048xf32, #tpu.memory_space<vmem>>, vector<1x1x16xf32>,
      %mul3A_953 = arith.constant 16 : i32
      %mul3A_954 = arith.muli %scan3A_721, %mul3A_953 : i32
      %get3A_955 = arith.constant 1 : i32
      %get3A_956 = arith.constant 14 : i32
      %get3A_957 = arith.index_cast %get3A_955 : i32 to index
      %get3A_958 = arith.index_cast %get3A_956 : i32 to index
      %get3A_959 = arith.index_cast %mul3A_954 : i32 to index
      %get3A_960 = tpu.vector_load %arg8[%get3A_957, %get3A_958, %get3A_959] {strides = array<i32>} : memref<2x16x2048xf32, #tpu.memory_space<vmem>>, vector<1x1x16xf32>,
      %get3A_961 = vector.shape_cast %get3A_960 : vector<1x1x16xf32> to vector<16xf32>
      %mul3A_962 = vector.broadcast %squeeze3A_500 : f32 to vector<16xf32>
      %mul3A_963 = arith.mulf %mul3A_962, %get3A_961 : vector<16xf32>
      %mul3A_964 = arith.constant 16 : i32
      %mul3A_965 = arith.muli %scan3A_721, %mul3A_964 : i32
      %get3A_966 = arith.constant 1 : i32
      %get3A_967 = arith.constant 15 : i32
      %get3A_968 = arith.index_cast %get3A_966 : i32 to index
      %get3A_969 = arith.index_cast %get3A_967 : i32 to index
      %get3A_970 = arith.index_cast %mul3A_965 : i32 to index
      %get3A_971 = tpu.vector_load %arg8[%get3A_968, %get3A_969, %get3A_970] {strides = array<i32>} : memref<2x16x2048xf32, #tpu.memory_space<vmem>>, vector<1x1x16xf32>,
      %get3A_972 = vector.shape_cast %get3A_971 : vector<1x1x16xf32> to vector<16xf32>
      %mul3A_973 = vector.broadcast %squeeze3A_502 : f32 to vector<16xf32>
      %mul3A_974 = arith.mulf %mul3A_973, %get3A_972 : vector<16xf32>
      %add3A_975 = arith.addf %mul3A_963, %mul3A_974 : vector<16xf32>
      %mul3A_976 = arith.constant 16 : i32
      %mul3A_977 = arith.muli %scan3A_721, %mul3A_976 : i32
      %swap3A_978 = arith.constant 1 : i32
      %swap3A_979 = arith.constant 7 : i32
      %swap3A_980 = arith.index_cast %swap3A_978 : i32 to index
      %swap3A_981 = arith.index_cast %swap3A_979 : i32 to index
      %swap3A_982 = arith.index_cast %mul3A_977 : i32 to index
      %swap3A_983 = tpu.vector_load %arg9[%swap3A_980, %swap3A_981, %swap3A_982] {strides = array<i32>} : memref<2x8x2048xf32, #tpu.memory_space<vmem>>, vector<1x1x16xf32>,
      %swap3A_984 = vector.shape_cast %swap3A_983 : vector<1x1x16xf32> to vector<16xf32>
      %swap3A_985 = vector.shape_cast %add3A_975 : vector<16xf32> to vector<1x1x16xf32>
      tpu.vector_store %arg9[%swap3A_980, %swap3A_981, %swap3A_982], %swap3A_985 {strides = array<i32>} : memref<2x8x2048xf32, #tpu.memory_space<vmem>>, vector<1x1x16xf32>,
      %scan3A_986 = arith.constant 0 : i32
      scf.yield %scan3A_986 : i32
    }
    %scan3A_509 = arith.constant 128 : i32
    %add3A_510 = arith.constant 40 : i32
    %add3A_511 = arith.addi %mul3A_2, %add3A_510 : i32
    %dma_start3A_512 = arith.constant 1 : i32
    %dma_start3A_513 = arith.constant 0 : i32
    %dma_start3A_514 = arith.constant 0 : i32
    %dma_start3A_515 = tpu.memref_slice %arg9[%dma_start3A_512, %dma_start3A_513, %dma_start3A_514] : memref<2x8x2048xf32, #tpu.memory_space<vmem>> -> memref<1x8x2048xf32, #tpu.memory_space<vmem>>
    %dma_start3A_516 = tpu.memref_squeeze %dma_start3A_515 : memref<1x8x2048xf32, #tpu.memory_space<vmem>> -> memref<8x2048xf32, #tpu.memory_space<vmem>>
    %dma_start3A_517 = arith.constant 0 : i32
    %dma_start3A_518 = tpu.memref_slice %arg5[%add3A_511, %dma_start3A_517] : memref<2048x2048xf32, #tpu.memory_space<hbm>> -> memref<8x2048xf32, #tpu.memory_space<hbm>>
    %dma_start3A_519 = arith.constant 0 : i32
    %dma_start3A_520 = tpu.memref_slice %arg5[%add3A_511, %dma_start3A_519] : memref<2048x2048xf32, #tpu.memory_space<hbm>> -> memref<8x2048xf32, #tpu.memory_space<hbm>>
    %dma_start3A_521 = arith.constant 0 : i32
    %dma_start3A_522 = arith.constant 0 : i32
    %dma_start3A_523 = tpu.memref_slice %arg9[%dma_start3A_512, %dma_start3A_521, %dma_start3A_522] : memref<2x8x2048xf32, #tpu.memory_space<vmem>> -> memref<1x8x2048xf32, #tpu.memory_space<vmem>>
    %dma_start3A_524 = tpu.memref_squeeze %dma_start3A_523 : memref<1x8x2048xf32, #tpu.memory_space<vmem>> -> memref<8x2048xf32, #tpu.memory_space<vmem>>
    tpu.enqueue_dma source(%dma_start3A_524 : memref<8x2048xf32, #tpu.memory_space<vmem>>) target(%dma_start3A_520 : memref<8x2048xf32, #tpu.memory_space<hbm>>) target_semaphore(%arg13 : memref<!tpu.dma_semaphore, #tpu.memory_space<semaphore_mem>>)
    %dma_start3A_525 = arith.constant 1 : i32
    %dma_start3A_526 = arith.constant 0 : i32
    %dma_start3A_527 = arith.constant 0 : i32
    %dma_start3A_528 = tpu.memref_slice %arg8[%dma_start3A_525, %dma_start3A_526, %dma_start3A_527] : memref<2x16x2048xf32, #tpu.memory_space<vmem>> -> memref<1x16x2048xf32, #tpu.memory_space<vmem>>
    %dma_start3A_529 = tpu.memref_squeeze %dma_start3A_528 : memref<1x16x2048xf32, #tpu.memory_space<vmem>> -> memref<16x2048xf32, #tpu.memory_space<vmem>>
    %dma_start3A_530 = arith.constant 112 : i32
    %dma_start3A_531 = tpu.memref_slice %arg6[%dma_start3A_530] : memref<128xi32, #tpu.memory_space<vmem>> -> memref<16xi32, #tpu.memory_space<vmem>>
    %dma_start3A_532 = arith.constant 0 : i32
    %dma_start3A_533 = arith.constant 0 : i32
    %dma_start3A_534 = tpu.memref_slice %arg2[%dma_start3A_532, %dma_start3A_533] : memref<6144x2048xf32, #tpu.memory_space<hbm>> -> memref<6144x2048xf32, #tpu.memory_space<hbm>>
    tpu.enqueue_indirect_dma source(%dma_start3A_534 : memref<6144x2048xf32, #tpu.memory_space<hbm>>) target(%dma_start3A_529 : memref<16x2048xf32, #tpu.memory_space<vmem>>) offsets(%dma_start3A_531 : memref<16xi32, #tpu.memory_space<vmem>>) semaphore(%arg11 : memref<!tpu.dma_semaphore, #tpu.memory_space<semaphore_mem>>)
    %dma_wait3A_535 = arith.constant 0 : i32
    %dma_wait3A_536 = arith.constant 0 : i32
    %dma_wait3A_537 = arith.constant 0 : i32
    %dma_wait3A_538 = tpu.memref_slice %arg8[%dma_wait3A_535, %dma_wait3A_536, %dma_wait3A_537] : memref<2x16x2048xf32, #tpu.memory_space<vmem>> -> memref<1x16x2048xf32, #tpu.memory_space<vmem>>
    %dma_wait3A_539 = tpu.memref_squeeze %dma_wait3A_538 : memref<1x16x2048xf32, #tpu.memory_space<vmem>> -> memref<16x2048xf32, #tpu.memory_space<vmem>>
    %dma_wait3A_540 = arith.constant 96 : i32
    %dma_wait3A_541 = tpu.memref_slice %arg6[%dma_wait3A_540] : memref<128xi32, #tpu.memory_space<vmem>> -> memref<16xi32, #tpu.memory_space<vmem>>
    %dma_wait3A_542 = arith.constant 0 : i32
    %dma_wait3A_543 = arith.constant 0 : i32
    %dma_wait3A_544 = tpu.memref_slice %arg2[%dma_wait3A_542, %dma_wait3A_543] : memref<6144x2048xf32, #tpu.memory_space<hbm>> -> memref<6144x2048xf32, #tpu.memory_space<hbm>>
    tpu.wait_indirect_dma semaphore(%arg10 : memref<!tpu.dma_semaphore, #tpu.memory_space<semaphore_mem>>) src(%dma_wait3A_544 : memref<6144x2048xf32, #tpu.memory_space<hbm>>) dst(%dma_wait3A_539 : memref<16x2048xf32, #tpu.memory_space<vmem>>)
    %dma_wait3A_545 = arith.constant 0 : i32
    %dma_wait3A_546 = arith.constant 0 : i32
    %dma_wait3A_547 = arith.constant 0 : i32
    %dma_wait3A_548 = tpu.memref_slice %arg9[%dma_wait3A_545, %dma_wait3A_546, %dma_wait3A_547] : memref<2x8x2048xf32, #tpu.memory_space<vmem>> -> memref<1x8x2048xf32, #tpu.memory_space<vmem>>
    %dma_wait3A_549 = tpu.memref_squeeze %dma_wait3A_548 : memref<1x8x2048xf32, #tpu.memory_space<vmem>> -> memref<8x2048xf32, #tpu.memory_space<vmem>>
    %dma_wait3A_550 = arith.constant 0 : i32
    %dma_wait3A_551 = tpu.memref_slice %arg5[%add3A_421, %dma_wait3A_550] : memref<2048x2048xf32, #tpu.memory_space<hbm>> -> memref<8x2048xf32, #tpu.memory_space<hbm>>
    %dma_wait3A_552 = arith.constant 0 : i32
    %dma_wait3A_553 = tpu.memref_slice %arg5[%add3A_421, %dma_wait3A_552] : memref<2048x2048xf32, #tpu.memory_space<hbm>> -> memref<8x2048xf32, #tpu.memory_space<hbm>>
    %dma_wait3A_554 = arith.constant 0 : i32
    %dma_wait3A_555 = arith.constant 0 : i32
    %dma_wait3A_556 = tpu.memref_slice %arg9[%dma_wait3A_545, %dma_wait3A_554, %dma_wait3A_555] : memref<2x8x2048xf32, #tpu.memory_space<vmem>> -> memref<1x8x2048xf32, #tpu.memory_space<vmem>>
    %dma_wait3A_557 = tpu.memref_squeeze %dma_wait3A_556 : memref<1x8x2048xf32, #tpu.memory_space<vmem>> -> memref<8x2048xf32, #tpu.memory_space<vmem>>
    tpu.wait_dma2 semaphore(%arg12 : memref<!tpu.dma_semaphore, #tpu.memory_space<semaphore_mem>>) src(%dma_wait3A_557 : memref<8x2048xf32, #tpu.memory_space<vmem>>) dst(%dma_wait3A_553 : memref<8x2048xf32, #tpu.memory_space<hbm>>)
    %get3A_558 = arith.constant 96 : index
    %get3A_559 = tpu.vector_load %arg7[%get3A_558] {strides = array<i32>} : memref<128xf32, #tpu.memory_space<vmem>>, vector<16xf32>,
    %get3A_560 = vector.shape_cast %get3A_559 : vector<16xf32> to vector<16xf32>
    %slice3A_561 = vector.extract_strided_slice %get3A_560 {offsets = [0], sizes = [1], strides = [1]} : vector<16xf32> to vector<1xf32>
    %squeeze3A_562 = vector.extract %slice3A_561[0] : f32 from vector<1xf32>
    %slice3A_563 = vector.extract_strided_slice %get3A_560 {offsets = [1], sizes = [1], strides = [1]} : vector<16xf32> to vector<1xf32>
    %squeeze3A_564 = vector.extract %slice3A_563[0] : f32 from vector<1xf32>
    %slice3A_565 = vector.extract_strided_slice %get3A_560 {offsets = [2], sizes = [1], strides = [1]} : vector<16xf32> to vector<1xf32>
    %squeeze3A_566 = vector.extract %slice3A_565[0] : f32 from vector<1xf32>
    %slice3A_567 = vector.extract_strided_slice %get3A_560 {offsets = [3], sizes = [1], strides = [1]} : vector<16xf32> to vector<1xf32>
    %squeeze3A_568 = vector.extract %slice3A_567[0] : f32 from vector<1xf32>
    %slice3A_569 = vector.extract_strided_slice %get3A_560 {offsets = [4], sizes = [1], strides = [1]} : vector<16xf32> to vector<1xf32>
    %squeeze3A_570 = vector.extract %slice3A_569[0] : f32 from vector<1xf32>
    %slice3A_571 = vector.extract_strided_slice %get3A_560 {offsets = [5], sizes = [1], strides = [1]} : vector<16xf32> to vector<1xf32>
    %squeeze3A_572 = vector.extract %slice3A_571[0] : f32 from vector<1xf32>
    %slice3A_573 = vector.extract_strided_slice %get3A_560 {offsets = [6], sizes = [1], strides = [1]} : vector<16xf32> to vector<1xf32>
    %squeeze3A_574 = vector.extract %slice3A_573[0] : f32 from vector<1xf32>
    %slice3A_575 = vector.extract_strided_slice %get3A_560 {offsets = [7], sizes = [1], strides = [1]} : vector<16xf32> to vector<1xf32>
    %squeeze3A_576 = vector.extract %slice3A_575[0] : f32 from vector<1xf32>
    %slice3A_577 = vector.extract_strided_slice %get3A_560 {offsets = [8], sizes = [1], strides = [1]} : vector<16xf32> to vector<1xf32>
    %squeeze3A_578 = vector.extract %slice3A_577[0] : f32 from vector<1xf32>
    %slice3A_579 = vector.extract_strided_slice %get3A_560 {offsets = [9], sizes = [1], strides = [1]} : vector<16xf32> to vector<1xf32>
    %squeeze3A_580 = vector.extract %slice3A_579[0] : f32 from vector<1xf32>
    %slice3A_581 = vector.extract_strided_slice %get3A_560 {offsets = [10], sizes = [1], strides = [1]} : vector<16xf32> to vector<1xf32>
    %squeeze3A_582 = vector.extract %slice3A_581[0] : f32 from vector<1xf32>
    %slice3A_583 = vector.extract_strided_slice %get3A_560 {offsets = [11], sizes = [1], strides = [1]} : vector<16xf32> to vector<1xf32>
    %squeeze3A_584 = vector.extract %slice3A_583[0] : f32 from vector<1xf32>
    %slice3A_585 = vector.extract_strided_slice %get3A_560 {offsets = [12], sizes = [1], strides = [1]} : vector<16xf32> to vector<1xf32>
    %squeeze3A_586 = vector.extract %slice3A_585[0] : f32 from vector<1xf32>
    %slice3A_587 = vector.extract_strided_slice %get3A_560 {offsets = [13], sizes = [1], strides = [1]} : vector<16xf32> to vector<1xf32>
    %squeeze3A_588 = vector.extract %slice3A_587[0] : f32 from vector<1xf32>
    %slice3A_589 = vector.extract_strided_slice %get3A_560 {offsets = [14], sizes = [1], strides = [1]} : vector<16xf32> to vector<1xf32>
    %squeeze3A_590 = vector.extract %slice3A_589[0] : f32 from vector<1xf32>
    %slice3A_591 = vector.extract_strided_slice %get3A_560 {offsets = [15], sizes = [1], strides = [1]} : vector<16xf32> to vector<1xf32>
    %squeeze3A_592 = vector.extract %slice3A_591[0] : f32 from vector<1xf32>
    %scan3A_593 = arith.constant 0 : i32
    %scan3A_594 = arith.constant 0 : i32
    %scan3A_595 = arith.constant 128 : i32
    %scan3A_596 = arith.addi %scan3A_594, %scan3A_595 : i32
    %scan3A_597 = arith.constant 1 : i32
    %scan3A_598 = scf.for %scan3A_721 = %scan3A_594 to %scan3A_596 step %scan3A_597 iter_args(%scan3A_722 = %scan3A_593) -> (i32)  : i32 {
      %mul3A_723 = arith.constant 16 : i32
      %mul3A_724 = arith.muli %scan3A_721, %mul3A_723 : i32
      %get3A_725 = arith.constant 0 : i32
      %get3A_726 = arith.constant 0 : i32
      %get3A_727 = arith.index_cast %get3A_725 : i32 to index
      %get3A_728 = arith.index_cast %get3A_726 : i32 to index
      %get3A_729 = arith.index_cast %mul3A_724 : i32 to index
      %get3A_730 = tpu.vector_load %arg8[%get3A_727, %get3A_728, %get3A_729] {strides = array<i32>} : memref<2x16x2048xf32, #tpu.memory_space<vmem>>, vector<1x1x16xf32>,
      %get3A_731 = vector.shape_cast %get3A_730 : vector<1x1x16xf32> to vector<16xf32>
      %mul3A_732 = vector.broadcast %squeeze3A_562 : f32 to vector<16xf32>
      %mul3A_733 = arith.mulf %mul3A_732, %get3A_731 : vector<16xf32>
      %mul3A_734 = arith.constant 16 : i32
      %mul3A_735 = arith.muli %scan3A_721, %mul3A_734 : i32
      %get3A_736 = arith.constant 0 : i32
      %get3A_737 = arith.constant 1 : i32
      %get3A_738 = arith.index_cast %get3A_736 : i32 to index
      %get3A_739 = arith.index_cast %get3A_737 : i32 to index
      %get3A_740 = arith.index_cast %mul3A_735 : i32 to index
      %get3A_741 = tpu.vector_load %arg8[%get3A_738, %get3A_739, %get3A_740] {strides = array<i32>} : memref<2x16x2048xf32, #tpu.memory_space<vmem>>, vector<1x1x16xf32>,
      %get3A_742 = vector.shape_cast %get3A_741 : vector<1x1x16xf32> to vector<16xf32>
      %mul3A_743 = vector.broadcast %squeeze3A_564 : f32 to vector<16xf32>
      %mul3A_744 = arith.mulf %mul3A_743, %get3A_742 : vector<16xf32>
      %add3A_745 = arith.addf %mul3A_733, %mul3A_744 : vector<16xf32>
      %mul3A_746 = arith.constant 16 : i32
      %mul3A_747 = arith.muli %scan3A_721, %mul3A_746 : i32
      %swap3A = arith.constant 0 : i32
      %swap3A_748 = arith.constant 0 : i32
      %swap3A_749 = arith.index_cast %swap3A : i32 to index
      %swap3A_750 = arith.index_cast %swap3A_748 : i32 to index
      %swap3A_751 = arith.index_cast %mul3A_747 : i32 to index
      %swap3A_752 = tpu.vector_load %arg9[%swap3A_749, %swap3A_750, %swap3A_751] {strides = array<i32>} : memref<2x8x2048xf32, #tpu.memory_space<vmem>>, vector<1x1x16xf32>,
      %swap3A_753 = vector.shape_cast %swap3A_752 : vector<1x1x16xf32> to vector<16xf32>
      %swap3A_754 = vector.shape_cast %add3A_745 : vector<16xf32> to vector<1x1x16xf32>
      tpu.vector_store %arg9[%swap3A_749, %swap3A_750, %swap3A_751], %swap3A_754 {strides = array<i32>} : memref<2x8x2048xf32, #tpu.memory_space<vmem>>, vector<1x1x16xf32>,
      %mul3A_755 = arith.constant 16 : i32
      %mul3A_756 = arith.muli %scan3A_721, %mul3A_755 : i32
      %get3A_757 = arith.constant 0 : i32
      %get3A_758 = arith.constant 2 : i32
      %get3A_759 = arith.index_cast %get3A_757 : i32 to index
      %get3A_760 = arith.index_cast %get3A_758 : i32 to index
      %get3A_761 = arith.index_cast %mul3A_756 : i32 to index
      %get3A_762 = tpu.vector_load %arg8[%get3A_759, %get3A_760, %get3A_761] {strides = array<i32>} : memref<2x16x2048xf32, #tpu.memory_space<vmem>>, vector<1x1x16xf32>,
      %get3A_763 = vector.shape_cast %get3A_762 : vector<1x1x16xf32> to vector<16xf32>
      %mul3A_764 = vector.broadcast %squeeze3A_566 : f32 to vector<16xf32>
      %mul3A_765 = arith.mulf %mul3A_764, %get3A_763 : vector<16xf32>
      %mul3A_766 = arith.constant 16 : i32
      %mul3A_767 = arith.muli %scan3A_721, %mul3A_766 : i32
      %get3A_768 = arith.constant 0 : i32
      %get3A_769 = arith.constant 3 : i32
      %get3A_770 = arith.index_cast %get3A_768 : i32 to index
      %get3A_771 = arith.index_cast %get3A_769 : i32 to index
      %get3A_772 = arith.index_cast %mul3A_767 : i32 to index
      %get3A_773 = tpu.vector_load %arg8[%get3A_770, %get3A_771, %get3A_772] {strides = array<i32>} : memref<2x16x2048xf32, #tpu.memory_space<vmem>>, vector<1x1x16xf32>,
      %get3A_774 = vector.shape_cast %get3A_773 : vector<1x1x16xf32> to vector<16xf32>
      %mul3A_775 = vector.broadcast %squeeze3A_568 : f32 to vector<16xf32>
      %mul3A_776 = arith.mulf %mul3A_775, %get3A_774 : vector<16xf32>
      %add3A_777 = arith.addf %mul3A_765, %mul3A_776 : vector<16xf32>
      %mul3A_778 = arith.constant 16 : i32
      %mul3A_779 = arith.muli %scan3A_721, %mul3A_778 : i32
      %swap3A_780 = arith.constant 0 : i32
      %swap3A_781 = arith.constant 1 : i32
      %swap3A_782 = arith.index_cast %swap3A_780 : i32 to index
      %swap3A_783 = arith.index_cast %swap3A_781 : i32 to index
      %swap3A_784 = arith.index_cast %mul3A_779 : i32 to index
      %swap3A_785 = tpu.vector_load %arg9[%swap3A_782, %swap3A_783, %swap3A_784] {strides = array<i32>} : memref<2x8x2048xf32, #tpu.memory_space<vmem>>, vector<1x1x16xf32>,
      %swap3A_786 = vector.shape_cast %swap3A_785 : vector<1x1x16xf32> to vector<16xf32>
      %swap3A_787 = vector.shape_cast %add3A_777 : vector<16xf32> to vector<1x1x16xf32>
      tpu.vector_store %arg9[%swap3A_782, %swap3A_783, %swap3A_784], %swap3A_787 {strides = array<i32>} : memref<2x8x2048xf32, #tpu.memory_space<vmem>>, vector<1x1x16xf32>,
      %mul3A_788 = arith.constant 16 : i32
      %mul3A_789 = arith.muli %scan3A_721, %mul3A_788 : i32
      %get3A_790 = arith.constant 0 : i32
      %get3A_791 = arith.constant 4 : i32
      %get3A_792 = arith.index_cast %get3A_790 : i32 to index
      %get3A_793 = arith.index_cast %get3A_791 : i32 to index
      %get3A_794 = arith.index_cast %mul3A_789 : i32 to index
      %get3A_795 = tpu.vector_load %arg8[%get3A_792, %get3A_793, %get3A_794] {strides = array<i32>} : memref<2x16x2048xf32, #tpu.memory_space<vmem>>, vector<1x1x16xf32>,
      %get3A_796 = vector.shape_cast %get3A_795 : vector<1x1x16xf32> to vector<16xf32>
      %mul3A_797 = vector.broadcast %squeeze3A_570 : f32 to vector<16xf32>
      %mul3A_798 = arith.mulf %mul3A_797, %get3A_796 : vector<16xf32>
      %mul3A_799 = arith.constant 16 : i32
      %mul3A_800 = arith.muli %scan3A_721, %mul3A_799 : i32
      %get3A_801 = arith.constant 0 : i32
      %get3A_802 = arith.constant 5 : i32
      %get3A_803 = arith.index_cast %get3A_801 : i32 to index
      %get3A_804 = arith.index_cast %get3A_802 : i32 to index
      %get3A_805 = arith.index_cast %mul3A_800 : i32 to index
      %get3A_806 = tpu.vector_load %arg8[%get3A_803, %get3A_804, %get3A_805] {strides = array<i32>} : memref<2x16x2048xf32, #tpu.memory_space<vmem>>, vector<1x1x16xf32>,
      %get3A_807 = vector.shape_cast %get3A_806 : vector<1x1x16xf32> to vector<16xf32>
      %mul3A_808 = vector.broadcast %squeeze3A_572 : f32 to vector<16xf32>
      %mul3A_809 = arith.mulf %mul3A_808, %get3A_807 : vector<16xf32>
      %add3A_810 = arith.addf %mul3A_798, %mul3A_809 : vector<16xf32>
      %mul3A_811 = arith.constant 16 : i32
      %mul3A_812 = arith.muli %scan3A_721, %mul3A_811 : i32
      %swap3A_813 = arith.constant 0 : i32
      %swap3A_814 = arith.constant 2 : i32
      %swap3A_815 = arith.index_cast %swap3A_813 : i32 to index
      %swap3A_816 = arith.index_cast %swap3A_814 : i32 to index
      %swap3A_817 = arith.index_cast %mul3A_812 : i32 to index
      %swap3A_818 = tpu.vector_load %arg9[%swap3A_815, %swap3A_816, %swap3A_817] {strides = array<i32>} : memref<2x8x2048xf32, #tpu.memory_space<vmem>>, vector<1x1x16xf32>,
      %swap3A_819 = vector.shape_cast %swap3A_818 : vector<1x1x16xf32> to vector<16xf32>
      %swap3A_820 = vector.shape_cast %add3A_810 : vector<16xf32> to vector<1x1x16xf32>
      tpu.vector_store %arg9[%swap3A_815, %swap3A_816, %swap3A_817], %swap3A_820 {strides = array<i32>} : memref<2x8x2048xf32, #tpu.memory_space<vmem>>, vector<1x1x16xf32>,
      %mul3A_821 = arith.constant 16 : i32
      %mul3A_822 = arith.muli %scan3A_721, %mul3A_821 : i32
      %get3A_823 = arith.constant 0 : i32
      %get3A_824 = arith.constant 6 : i32
      %get3A_825 = arith.index_cast %get3A_823 : i32 to index
      %get3A_826 = arith.index_cast %get3A_824 : i32 to index
      %get3A_827 = arith.index_cast %mul3A_822 : i32 to index
      %get3A_828 = tpu.vector_load %arg8[%get3A_825, %get3A_826, %get3A_827] {strides = array<i32>} : memref<2x16x2048xf32, #tpu.memory_space<vmem>>, vector<1x1x16xf32>,
      %get3A_829 = vector.shape_cast %get3A_828 : vector<1x1x16xf32> to vector<16xf32>
      %mul3A_830 = vector.broadcast %squeeze3A_574 : f32 to vector<16xf32>
      %mul3A_831 = arith.mulf %mul3A_830, %get3A_829 : vector<16xf32>
      %mul3A_832 = arith.constant 16 : i32
      %mul3A_833 = arith.muli %scan3A_721, %mul3A_832 : i32
      %get3A_834 = arith.constant 0 : i32
      %get3A_835 = arith.constant 7 : i32
      %get3A_836 = arith.index_cast %get3A_834 : i32 to index
      %get3A_837 = arith.index_cast %get3A_835 : i32 to index
      %get3A_838 = arith.index_cast %mul3A_833 : i32 to index
      %get3A_839 = tpu.vector_load %arg8[%get3A_836, %get3A_837, %get3A_838] {strides = array<i32>} : memref<2x16x2048xf32, #tpu.memory_space<vmem>>, vector<1x1x16xf32>,
      %get3A_840 = vector.shape_cast %get3A_839 : vector<1x1x16xf32> to vector<16xf32>
      %mul3A_841 = vector.broadcast %squeeze3A_576 : f32 to vector<16xf32>
      %mul3A_842 = arith.mulf %mul3A_841, %get3A_840 : vector<16xf32>
      %add3A_843 = arith.addf %mul3A_831, %mul3A_842 : vector<16xf32>
      %mul3A_844 = arith.constant 16 : i32
      %mul3A_845 = arith.muli %scan3A_721, %mul3A_844 : i32
      %swap3A_846 = arith.constant 0 : i32
      %swap3A_847 = arith.constant 3 : i32
      %swap3A_848 = arith.index_cast %swap3A_846 : i32 to index
      %swap3A_849 = arith.index_cast %swap3A_847 : i32 to index
      %swap3A_850 = arith.index_cast %mul3A_845 : i32 to index
      %swap3A_851 = tpu.vector_load %arg9[%swap3A_848, %swap3A_849, %swap3A_850] {strides = array<i32>} : memref<2x8x2048xf32, #tpu.memory_space<vmem>>, vector<1x1x16xf32>,
      %swap3A_852 = vector.shape_cast %swap3A_851 : vector<1x1x16xf32> to vector<16xf32>
      %swap3A_853 = vector.shape_cast %add3A_843 : vector<16xf32> to vector<1x1x16xf32>
      tpu.vector_store %arg9[%swap3A_848, %swap3A_849, %swap3A_850], %swap3A_853 {strides = array<i32>} : memref<2x8x2048xf32, #tpu.memory_space<vmem>>, vector<1x1x16xf32>,
      %mul3A_854 = arith.constant 16 : i32
      %mul3A_855 = arith.muli %scan3A_721, %mul3A_854 : i32
      %get3A_856 = arith.constant 0 : i32
      %get3A_857 = arith.constant 8 : i32
      %get3A_858 = arith.index_cast %get3A_856 : i32 to index
      %get3A_859 = arith.index_cast %get3A_857 : i32 to index
      %get3A_860 = arith.index_cast %mul3A_855 : i32 to index
      %get3A_861 = tpu.vector_load %arg8[%get3A_858, %get3A_859, %get3A_860] {strides = array<i32>} : memref<2x16x2048xf32, #tpu.memory_space<vmem>>, vector<1x1x16xf32>,
      %get3A_862 = vector.shape_cast %get3A_861 : vector<1x1x16xf32> to vector<16xf32>
      %mul3A_863 = vector.broadcast %squeeze3A_578 : f32 to vector<16xf32>
      %mul3A_864 = arith.mulf %mul3A_863, %get3A_862 : vector<16xf32>
      %mul3A_865 = arith.constant 16 : i32
      %mul3A_866 = arith.muli %scan3A_721, %mul3A_865 : i32
      %get3A_867 = arith.constant 0 : i32
      %get3A_868 = arith.constant 9 : i32
      %get3A_869 = arith.index_cast %get3A_867 : i32 to index
      %get3A_870 = arith.index_cast %get3A_868 : i32 to index
      %get3A_871 = arith.index_cast %mul3A_866 : i32 to index
      %get3A_872 = tpu.vector_load %arg8[%get3A_869, %get3A_870, %get3A_871] {strides = array<i32>} : memref<2x16x2048xf32, #tpu.memory_space<vmem>>, vector<1x1x16xf32>,
      %get3A_873 = vector.shape_cast %get3A_872 : vector<1x1x16xf32> to vector<16xf32>
      %mul3A_874 = vector.broadcast %squeeze3A_580 : f32 to vector<16xf32>
      %mul3A_875 = arith.mulf %mul3A_874, %get3A_873 : vector<16xf32>
      %add3A_876 = arith.addf %mul3A_864, %mul3A_875 : vector<16xf32>
      %mul3A_877 = arith.constant 16 : i32
      %mul3A_878 = arith.muli %scan3A_721, %mul3A_877 : i32
      %swap3A_879 = arith.constant 0 : i32
      %swap3A_880 = arith.constant 4 : i32
      %swap3A_881 = arith.index_cast %swap3A_879 : i32 to index
      %swap3A_882 = arith.index_cast %swap3A_880 : i32 to index
      %swap3A_883 = arith.index_cast %mul3A_878 : i32 to index
      %swap3A_884 = tpu.vector_load %arg9[%swap3A_881, %swap3A_882, %swap3A_883] {strides = array<i32>} : memref<2x8x2048xf32, #tpu.memory_space<vmem>>, vector<1x1x16xf32>,
      %swap3A_885 = vector.shape_cast %swap3A_884 : vector<1x1x16xf32> to vector<16xf32>
      %swap3A_886 = vector.shape_cast %add3A_876 : vector<16xf32> to vector<1x1x16xf32>
      tpu.vector_store %arg9[%swap3A_881, %swap3A_882, %swap3A_883], %swap3A_886 {strides = array<i32>} : memref<2x8x2048xf32, #tpu.memory_space<vmem>>, vector<1x1x16xf32>,
      %mul3A_887 = arith.constant 16 : i32
      %mul3A_888 = arith.muli %scan3A_721, %mul3A_887 : i32
      %get3A_889 = arith.constant 0 : i32
      %get3A_890 = arith.constant 10 : i32
      %get3A_891 = arith.index_cast %get3A_889 : i32 to index
      %get3A_892 = arith.index_cast %get3A_890 : i32 to index
      %get3A_893 = arith.index_cast %mul3A_888 : i32 to index
      %get3A_894 = tpu.vector_load %arg8[%get3A_891, %get3A_892, %get3A_893] {strides = array<i32>} : memref<2x16x2048xf32, #tpu.memory_space<vmem>>, vector<1x1x16xf32>,
      %get3A_895 = vector.shape_cast %get3A_894 : vector<1x1x16xf32> to vector<16xf32>
      %mul3A_896 = vector.broadcast %squeeze3A_582 : f32 to vector<16xf32>
      %mul3A_897 = arith.mulf %mul3A_896, %get3A_895 : vector<16xf32>
      %mul3A_898 = arith.constant 16 : i32
      %mul3A_899 = arith.muli %scan3A_721, %mul3A_898 : i32
      %get3A_900 = arith.constant 0 : i32
      %get3A_901 = arith.constant 11 : i32
      %get3A_902 = arith.index_cast %get3A_900 : i32 to index
      %get3A_903 = arith.index_cast %get3A_901 : i32 to index
      %get3A_904 = arith.index_cast %mul3A_899 : i32 to index
      %get3A_905 = tpu.vector_load %arg8[%get3A_902, %get3A_903, %get3A_904] {strides = array<i32>} : memref<2x16x2048xf32, #tpu.memory_space<vmem>>, vector<1x1x16xf32>,
      %get3A_906 = vector.shape_cast %get3A_905 : vector<1x1x16xf32> to vector<16xf32>
      %mul3A_907 = vector.broadcast %squeeze3A_584 : f32 to vector<16xf32>
      %mul3A_908 = arith.mulf %mul3A_907, %get3A_906 : vector<16xf32>
      %add3A_909 = arith.addf %mul3A_897, %mul3A_908 : vector<16xf32>
      %mul3A_910 = arith.constant 16 : i32
      %mul3A_911 = arith.muli %scan3A_721, %mul3A_910 : i32
      %swap3A_912 = arith.constant 0 : i32
      %swap3A_913 = arith.constant 5 : i32
      %swap3A_914 = arith.index_cast %swap3A_912 : i32 to index
      %swap3A_915 = arith.index_cast %swap3A_913 : i32 to index
      %swap3A_916 = arith.index_cast %mul3A_911 : i32 to index
      %swap3A_917 = tpu.vector_load %arg9[%swap3A_914, %swap3A_915, %swap3A_916] {strides = array<i32>} : memref<2x8x2048xf32, #tpu.memory_space<vmem>>, vector<1x1x16xf32>,
      %swap3A_918 = vector.shape_cast %swap3A_917 : vector<1x1x16xf32> to vector<16xf32>
      %swap3A_919 = vector.shape_cast %add3A_909 : vector<16xf32> to vector<1x1x16xf32>
      tpu.vector_store %arg9[%swap3A_914, %swap3A_915, %swap3A_916], %swap3A_919 {strides = array<i32>} : memref<2x8x2048xf32, #tpu.memory_space<vmem>>, vector<1x1x16xf32>,
      %mul3A_920 = arith.constant 16 : i32
      %mul3A_921 = arith.muli %scan3A_721, %mul3A_920 : i32
      %get3A_922 = arith.constant 0 : i32
      %get3A_923 = arith.constant 12 : i32
      %get3A_924 = arith.index_cast %get3A_922 : i32 to index
      %get3A_925 = arith.index_cast %get3A_923 : i32 to index
      %get3A_926 = arith.index_cast %mul3A_921 : i32 to index
      %get3A_927 = tpu.vector_load %arg8[%get3A_924, %get3A_925, %get3A_926] {strides = array<i32>} : memref<2x16x2048xf32, #tpu.memory_space<vmem>>, vector<1x1x16xf32>,
      %get3A_928 = vector.shape_cast %get3A_927 : vector<1x1x16xf32> to vector<16xf32>
      %mul3A_929 = vector.broadcast %squeeze3A_586 : f32 to vector<16xf32>
      %mul3A_930 = arith.mulf %mul3A_929, %get3A_928 : vector<16xf32>
      %mul3A_931 = arith.constant 16 : i32
      %mul3A_932 = arith.muli %scan3A_721, %mul3A_931 : i32
      %get3A_933 = arith.constant 0 : i32
      %get3A_934 = arith.constant 13 : i32
      %get3A_935 = arith.index_cast %get3A_933 : i32 to index
      %get3A_936 = arith.index_cast %get3A_934 : i32 to index
      %get3A_937 = arith.index_cast %mul3A_932 : i32 to index
      %get3A_938 = tpu.vector_load %arg8[%get3A_935, %get3A_936, %get3A_937] {strides = array<i32>} : memref<2x16x2048xf32, #tpu.memory_space<vmem>>, vector<1x1x16xf32>,
      %get3A_939 = vector.shape_cast %get3A_938 : vector<1x1x16xf32> to vector<16xf32>
      %mul3A_940 = vector.broadcast %squeeze3A_588 : f32 to vector<16xf32>
      %mul3A_941 = arith.mulf %mul3A_940, %get3A_939 : vector<16xf32>
      %add3A_942 = arith.addf %mul3A_930, %mul3A_941 : vector<16xf32>
      %mul3A_943 = arith.constant 16 : i32
      %mul3A_944 = arith.muli %scan3A_721, %mul3A_943 : i32
      %swap3A_945 = arith.constant 0 : i32
      %swap3A_946 = arith.constant 6 : i32
      %swap3A_947 = arith.index_cast %swap3A_945 : i32 to index
      %swap3A_948 = arith.index_cast %swap3A_946 : i32 to index
      %swap3A_949 = arith.index_cast %mul3A_944 : i32 to index
      %swap3A_950 = tpu.vector_load %arg9[%swap3A_947, %swap3A_948, %swap3A_949] {strides = array<i32>} : memref<2x8x2048xf32, #tpu.memory_space<vmem>>, vector<1x1x16xf32>,
      %swap3A_951 = vector.shape_cast %swap3A_950 : vector<1x1x16xf32> to vector<16xf32>
      %swap3A_952 = vector.shape_cast %add3A_942 : vector<16xf32> to vector<1x1x16xf32>
      tpu.vector_store %arg9[%swap3A_947, %swap3A_948, %swap3A_949], %swap3A_952 {strides = array<i32>} : memref<2x8x2048xf32, #tpu.memory_space<vmem>>, vector<1x1x16xf32>,
      %mul3A_953 = arith.constant 16 : i32
      %mul3A_954 = arith.muli %scan3A_721, %mul3A_953 : i32
      %get3A_955 = arith.constant 0 : i32
      %get3A_956 = arith.constant 14 : i32
      %get3A_957 = arith.index_cast %get3A_955 : i32 to index
      %get3A_958 = arith.index_cast %get3A_956 : i32 to index
      %get3A_959 = arith.index_cast %mul3A_954 : i32 to index
      %get3A_960 = tpu.vector_load %arg8[%get3A_957, %get3A_958, %get3A_959] {strides = array<i32>} : memref<2x16x2048xf32, #tpu.memory_space<vmem>>, vector<1x1x16xf32>,
      %get3A_961 = vector.shape_cast %get3A_960 : vector<1x1x16xf32> to vector<16xf32>
      %mul3A_962 = vector.broadcast %squeeze3A_590 : f32 to vector<16xf32>
      %mul3A_963 = arith.mulf %mul3A_962, %get3A_961 : vector<16xf32>
      %mul3A_964 = arith.constant 16 : i32
      %mul3A_965 = arith.muli %scan3A_721, %mul3A_964 : i32
      %get3A_966 = arith.constant 0 : i32
      %get3A_967 = arith.constant 15 : i32
      %get3A_968 = arith.index_cast %get3A_966 : i32 to index
      %get3A_969 = arith.index_cast %get3A_967 : i32 to index
      %get3A_970 = arith.index_cast %mul3A_965 : i32 to index
      %get3A_971 = tpu.vector_load %arg8[%get3A_968, %get3A_969, %get3A_970] {strides = array<i32>} : memref<2x16x2048xf32, #tpu.memory_space<vmem>>, vector<1x1x16xf32>,
      %get3A_972 = vector.shape_cast %get3A_971 : vector<1x1x16xf32> to vector<16xf32>
      %mul3A_973 = vector.broadcast %squeeze3A_592 : f32 to vector<16xf32>
      %mul3A_974 = arith.mulf %mul3A_973, %get3A_972 : vector<16xf32>
      %add3A_975 = arith.addf %mul3A_963, %mul3A_974 : vector<16xf32>
      %mul3A_976 = arith.constant 16 : i32
      %mul3A_977 = arith.muli %scan3A_721, %mul3A_976 : i32
      %swap3A_978 = arith.constant 0 : i32
      %swap3A_979 = arith.constant 7 : i32
      %swap3A_980 = arith.index_cast %swap3A_978 : i32 to index
      %swap3A_981 = arith.index_cast %swap3A_979 : i32 to index
      %swap3A_982 = arith.index_cast %mul3A_977 : i32 to index
      %swap3A_983 = tpu.vector_load %arg9[%swap3A_980, %swap3A_981, %swap3A_982] {strides = array<i32>} : memref<2x8x2048xf32, #tpu.memory_space<vmem>>, vector<1x1x16xf32>,
      %swap3A_984 = vector.shape_cast %swap3A_983 : vector<1x1x16xf32> to vector<16xf32>
      %swap3A_985 = vector.shape_cast %add3A_975 : vector<16xf32> to vector<1x1x16xf32>
      tpu.vector_store %arg9[%swap3A_980, %swap3A_981, %swap3A_982], %swap3A_985 {strides = array<i32>} : memref<2x8x2048xf32, #tpu.memory_space<vmem>>, vector<1x1x16xf32>,
      %scan3A_986 = arith.constant 0 : i32
      scf.yield %scan3A_986 : i32
    }
    %scan3A_599 = arith.constant 128 : i32
    %add3A_600 = arith.constant 48 : i32
    %add3A_601 = arith.addi %mul3A_2, %add3A_600 : i32
    %dma_start3A_602 = arith.constant 0 : i32
    %dma_start3A_603 = arith.constant 0 : i32
    %dma_start3A_604 = arith.constant 0 : i32
    %dma_start3A_605 = tpu.memref_slice %arg9[%dma_start3A_602, %dma_start3A_603, %dma_start3A_604] : memref<2x8x2048xf32, #tpu.memory_space<vmem>> -> memref<1x8x2048xf32, #tpu.memory_space<vmem>>
    %dma_start3A_606 = tpu.memref_squeeze %dma_start3A_605 : memref<1x8x2048xf32, #tpu.memory_space<vmem>> -> memref<8x2048xf32, #tpu.memory_space<vmem>>
    %dma_start3A_607 = arith.constant 0 : i32
    %dma_start3A_608 = tpu.memref_slice %arg5[%add3A_601, %dma_start3A_607] : memref<2048x2048xf32, #tpu.memory_space<hbm>> -> memref<8x2048xf32, #tpu.memory_space<hbm>>
    %dma_start3A_609 = arith.constant 0 : i32
    %dma_start3A_610 = tpu.memref_slice %arg5[%add3A_601, %dma_start3A_609] : memref<2048x2048xf32, #tpu.memory_space<hbm>> -> memref<8x2048xf32, #tpu.memory_space<hbm>>
    %dma_start3A_611 = arith.constant 0 : i32
    %dma_start3A_612 = arith.constant 0 : i32
    %dma_start3A_613 = tpu.memref_slice %arg9[%dma_start3A_602, %dma_start3A_611, %dma_start3A_612] : memref<2x8x2048xf32, #tpu.memory_space<vmem>> -> memref<1x8x2048xf32, #tpu.memory_space<vmem>>
    %dma_start3A_614 = tpu.memref_squeeze %dma_start3A_613 : memref<1x8x2048xf32, #tpu.memory_space<vmem>> -> memref<8x2048xf32, #tpu.memory_space<vmem>>
    tpu.enqueue_dma source(%dma_start3A_614 : memref<8x2048xf32, #tpu.memory_space<vmem>>) target(%dma_start3A_610 : memref<8x2048xf32, #tpu.memory_space<hbm>>) target_semaphore(%arg12 : memref<!tpu.dma_semaphore, #tpu.memory_space<semaphore_mem>>)
    %dma_wait3A_615 = arith.constant 1 : i32
    %dma_wait3A_616 = arith.constant 0 : i32
    %dma_wait3A_617 = arith.constant 0 : i32
    %dma_wait3A_618 = tpu.memref_slice %arg8[%dma_wait3A_615, %dma_wait3A_616, %dma_wait3A_617] : memref<2x16x2048xf32, #tpu.memory_space<vmem>> -> memref<1x16x2048xf32, #tpu.memory_space<vmem>>
    %dma_wait3A_619 = tpu.memref_squeeze %dma_wait3A_618 : memref<1x16x2048xf32, #tpu.memory_space<vmem>> -> memref<16x2048xf32, #tpu.memory_space<vmem>>
    %dma_wait3A_620 = arith.constant 112 : i32
    %dma_wait3A_621 = tpu.memref_slice %arg6[%dma_wait3A_620] : memref<128xi32, #tpu.memory_space<vmem>> -> memref<16xi32, #tpu.memory_space<vmem>>
    %dma_wait3A_622 = arith.constant 0 : i32
    %dma_wait3A_623 = arith.constant 0 : i32
    %dma_wait3A_624 = tpu.memref_slice %arg2[%dma_wait3A_622, %dma_wait3A_623] : memref<6144x2048xf32, #tpu.memory_space<hbm>> -> memref<6144x2048xf32, #tpu.memory_space<hbm>>
    tpu.wait_indirect_dma semaphore(%arg11 : memref<!tpu.dma_semaphore, #tpu.memory_space<semaphore_mem>>) src(%dma_wait3A_624 : memref<6144x2048xf32, #tpu.memory_space<hbm>>) dst(%dma_wait3A_619 : memref<16x2048xf32, #tpu.memory_space<vmem>>)
    %dma_wait3A_625 = arith.constant 1 : i32
    %dma_wait3A_626 = arith.constant 0 : i32
    %dma_wait3A_627 = arith.constant 0 : i32
    %dma_wait3A_628 = tpu.memref_slice %arg9[%dma_wait3A_625, %dma_wait3A_626, %dma_wait3A_627] : memref<2x8x2048xf32, #tpu.memory_space<vmem>> -> memref<1x8x2048xf32, #tpu.memory_space<vmem>>
    %dma_wait3A_629 = tpu.memref_squeeze %dma_wait3A_628 : memref<1x8x2048xf32, #tpu.memory_space<vmem>> -> memref<8x2048xf32, #tpu.memory_space<vmem>>
    %dma_wait3A_630 = arith.constant 0 : i32
    %dma_wait3A_631 = tpu.memref_slice %arg5[%add3A_511, %dma_wait3A_630] : memref<2048x2048xf32, #tpu.memory_space<hbm>> -> memref<8x2048xf32, #tpu.memory_space<hbm>>
    %dma_wait3A_632 = arith.constant 0 : i32
    %dma_wait3A_633 = tpu.memref_slice %arg5[%add3A_511, %dma_wait3A_632] : memref<2048x2048xf32, #tpu.memory_space<hbm>> -> memref<8x2048xf32, #tpu.memory_space<hbm>>
    %dma_wait3A_634 = arith.constant 0 : i32
    %dma_wait3A_635 = arith.constant 0 : i32
    %dma_wait3A_636 = tpu.memref_slice %arg9[%dma_wait3A_625, %dma_wait3A_634, %dma_wait3A_635] : memref<2x8x2048xf32, #tpu.memory_space<vmem>> -> memref<1x8x2048xf32, #tpu.memory_space<vmem>>
    %dma_wait3A_637 = tpu.memref_squeeze %dma_wait3A_636 : memref<1x8x2048xf32, #tpu.memory_space<vmem>> -> memref<8x2048xf32, #tpu.memory_space<vmem>>
    tpu.wait_dma2 semaphore(%arg13 : memref<!tpu.dma_semaphore, #tpu.memory_space<semaphore_mem>>) src(%dma_wait3A_637 : memref<8x2048xf32, #tpu.memory_space<vmem>>) dst(%dma_wait3A_633 : memref<8x2048xf32, #tpu.memory_space<hbm>>)
    %get3A_638 = arith.constant 112 : index
    %get3A_639 = tpu.vector_load %arg7[%get3A_638] {strides = array<i32>} : memref<128xf32, #tpu.memory_space<vmem>>, vector<16xf32>,
    %get3A_640 = vector.shape_cast %get3A_639 : vector<16xf32> to vector<16xf32>
    %slice3A_641 = vector.extract_strided_slice %get3A_640 {offsets = [0], sizes = [1], strides = [1]} : vector<16xf32> to vector<1xf32>
    %squeeze3A_642 = vector.extract %slice3A_641[0] : f32 from vector<1xf32>
    %slice3A_643 = vector.extract_strided_slice %get3A_640 {offsets = [1], sizes = [1], strides = [1]} : vector<16xf32> to vector<1xf32>
    %squeeze3A_644 = vector.extract %slice3A_643[0] : f32 from vector<1xf32>
    %slice3A_645 = vector.extract_strided_slice %get3A_640 {offsets = [2], sizes = [1], strides = [1]} : vector<16xf32> to vector<1xf32>
    %squeeze3A_646 = vector.extract %slice3A_645[0] : f32 from vector<1xf32>
    %slice3A_647 = vector.extract_strided_slice %get3A_640 {offsets = [3], sizes = [1], strides = [1]} : vector<16xf32> to vector<1xf32>
    %squeeze3A_648 = vector.extract %slice3A_647[0] : f32 from vector<1xf32>
    %slice3A_649 = vector.extract_strided_slice %get3A_640 {offsets = [4], sizes = [1], strides = [1]} : vector<16xf32> to vector<1xf32>
    %squeeze3A_650 = vector.extract %slice3A_649[0] : f32 from vector<1xf32>
    %slice3A_651 = vector.extract_strided_slice %get3A_640 {offsets = [5], sizes = [1], strides = [1]} : vector<16xf32> to vector<1xf32>
    %squeeze3A_652 = vector.extract %slice3A_651[0] : f32 from vector<1xf32>
    %slice3A_653 = vector.extract_strided_slice %get3A_640 {offsets = [6], sizes = [1], strides = [1]} : vector<16xf32> to vector<1xf32>
    %squeeze3A_654 = vector.extract %slice3A_653[0] : f32 from vector<1xf32>
    %slice3A_655 = vector.extract_strided_slice %get3A_640 {offsets = [7], sizes = [1], strides = [1]} : vector<16xf32> to vector<1xf32>
    %squeeze3A_656 = vector.extract %slice3A_655[0] : f32 from vector<1xf32>
    %slice3A_657 = vector.extract_strided_slice %get3A_640 {offsets = [8], sizes = [1], strides = [1]} : vector<16xf32> to vector<1xf32>
    %squeeze3A_658 = vector.extract %slice3A_657[0] : f32 from vector<1xf32>
    %slice3A_659 = vector.extract_strided_slice %get3A_640 {offsets = [9], sizes = [1], strides = [1]} : vector<16xf32> to vector<1xf32>
    %squeeze3A_660 = vector.extract %slice3A_659[0] : f32 from vector<1xf32>
    %slice3A_661 = vector.extract_strided_slice %get3A_640 {offsets = [10], sizes = [1], strides = [1]} : vector<16xf32> to vector<1xf32>
    %squeeze3A_662 = vector.extract %slice3A_661[0] : f32 from vector<1xf32>
    %slice3A_663 = vector.extract_strided_slice %get3A_640 {offsets = [11], sizes = [1], strides = [1]} : vector<16xf32> to vector<1xf32>
    %squeeze3A_664 = vector.extract %slice3A_663[0] : f32 from vector<1xf32>
    %slice3A_665 = vector.extract_strided_slice %get3A_640 {offsets = [12], sizes = [1], strides = [1]} : vector<16xf32> to vector<1xf32>
    %squeeze3A_666 = vector.extract %slice3A_665[0] : f32 from vector<1xf32>
    %slice3A_667 = vector.extract_strided_slice %get3A_640 {offsets = [13], sizes = [1], strides = [1]} : vector<16xf32> to vector<1xf32>
    %squeeze3A_668 = vector.extract %slice3A_667[0] : f32 from vector<1xf32>
    %slice3A_669 = vector.extract_strided_slice %get3A_640 {offsets = [14], sizes = [1], strides = [1]} : vector<16xf32> to vector<1xf32>
    %squeeze3A_670 = vector.extract %slice3A_669[0] : f32 from vector<1xf32>
    %slice3A_671 = vector.extract_strided_slice %get3A_640 {offsets = [15], sizes = [1], strides = [1]} : vector<16xf32> to vector<1xf32>
    %squeeze3A_672 = vector.extract %slice3A_671[0] : f32 from vector<1xf32>
    %scan3A_673 = arith.constant 0 : i32
    %scan3A_674 = arith.constant 0 : i32
    %scan3A_675 = arith.constant 128 : i32
    %scan3A_676 = arith.addi %scan3A_674, %scan3A_675 : i32
    %scan3A_677 = arith.constant 1 : i32
    %scan3A_678 = scf.for %scan3A_721 = %scan3A_674 to %scan3A_676 step %scan3A_677 iter_args(%scan3A_722 = %scan3A_673) -> (i32)  : i32 {
      %mul3A_723 = arith.constant 16 : i32
      %mul3A_724 = arith.muli %scan3A_721, %mul3A_723 : i32
      %get3A_725 = arith.constant 1 : i32
      %get3A_726 = arith.constant 0 : i32
      %get3A_727 = arith.index_cast %get3A_725 : i32 to index
      %get3A_728 = arith.index_cast %get3A_726 : i32 to index
      %get3A_729 = arith.index_cast %mul3A_724 : i32 to index
      %get3A_730 = tpu.vector_load %arg8[%get3A_727, %get3A_728, %get3A_729] {strides = array<i32>} : memref<2x16x2048xf32, #tpu.memory_space<vmem>>, vector<1x1x16xf32>,
      %get3A_731 = vector.shape_cast %get3A_730 : vector<1x1x16xf32> to vector<16xf32>
      %mul3A_732 = vector.broadcast %squeeze3A_642 : f32 to vector<16xf32>
      %mul3A_733 = arith.mulf %mul3A_732, %get3A_731 : vector<16xf32>
      %mul3A_734 = arith.constant 16 : i32
      %mul3A_735 = arith.muli %scan3A_721, %mul3A_734 : i32
      %get3A_736 = arith.constant 1 : i32
      %get3A_737 = arith.constant 1 : i32
      %get3A_738 = arith.index_cast %get3A_736 : i32 to index
      %get3A_739 = arith.index_cast %get3A_737 : i32 to index
      %get3A_740 = arith.index_cast %mul3A_735 : i32 to index
      %get3A_741 = tpu.vector_load %arg8[%get3A_738, %get3A_739, %get3A_740] {strides = array<i32>} : memref<2x16x2048xf32, #tpu.memory_space<vmem>>, vector<1x1x16xf32>,
      %get3A_742 = vector.shape_cast %get3A_741 : vector<1x1x16xf32> to vector<16xf32>
      %mul3A_743 = vector.broadcast %squeeze3A_644 : f32 to vector<16xf32>
      %mul3A_744 = arith.mulf %mul3A_743, %get3A_742 : vector<16xf32>
      %add3A_745 = arith.addf %mul3A_733, %mul3A_744 : vector<16xf32>
      %mul3A_746 = arith.constant 16 : i32
      %mul3A_747 = arith.muli %scan3A_721, %mul3A_746 : i32
      %swap3A = arith.constant 1 : i32
      %swap3A_748 = arith.constant 0 : i32
      %swap3A_749 = arith.index_cast %swap3A : i32 to index
      %swap3A_750 = arith.index_cast %swap3A_748 : i32 to index
      %swap3A_751 = arith.index_cast %mul3A_747 : i32 to index
      %swap3A_752 = tpu.vector_load %arg9[%swap3A_749, %swap3A_750, %swap3A_751] {strides = array<i32>} : memref<2x8x2048xf32, #tpu.memory_space<vmem>>, vector<1x1x16xf32>,
      %swap3A_753 = vector.shape_cast %swap3A_752 : vector<1x1x16xf32> to vector<16xf32>
      %swap3A_754 = vector.shape_cast %add3A_745 : vector<16xf32> to vector<1x1x16xf32>
      tpu.vector_store %arg9[%swap3A_749, %swap3A_750, %swap3A_751], %swap3A_754 {strides = array<i32>} : memref<2x8x2048xf32, #tpu.memory_space<vmem>>, vector<1x1x16xf32>,
      %mul3A_755 = arith.constant 16 : i32
      %mul3A_756 = arith.muli %scan3A_721, %mul3A_755 : i32
      %get3A_757 = arith.constant 1 : i32
      %get3A_758 = arith.constant 2 : i32
      %get3A_759 = arith.index_cast %get3A_757 : i32 to index
      %get3A_760 = arith.index_cast %get3A_758 : i32 to index
      %get3A_761 = arith.index_cast %mul3A_756 : i32 to index
      %get3A_762 = tpu.vector_load %arg8[%get3A_759, %get3A_760, %get3A_761] {strides = array<i32>} : memref<2x16x2048xf32, #tpu.memory_space<vmem>>, vector<1x1x16xf32>,
      %get3A_763 = vector.shape_cast %get3A_762 : vector<1x1x16xf32> to vector<16xf32>
      %mul3A_764 = vector.broadcast %squeeze3A_646 : f32 to vector<16xf32>
      %mul3A_765 = arith.mulf %mul3A_764, %get3A_763 : vector<16xf32>
      %mul3A_766 = arith.constant 16 : i32
      %mul3A_767 = arith.muli %scan3A_721, %mul3A_766 : i32
      %get3A_768 = arith.constant 1 : i32
      %get3A_769 = arith.constant 3 : i32
      %get3A_770 = arith.index_cast %get3A_768 : i32 to index
      %get3A_771 = arith.index_cast %get3A_769 : i32 to index
      %get3A_772 = arith.index_cast %mul3A_767 : i32 to index
      %get3A_773 = tpu.vector_load %arg8[%get3A_770, %get3A_771, %get3A_772] {strides = array<i32>} : memref<2x16x2048xf32, #tpu.memory_space<vmem>>, vector<1x1x16xf32>,
      %get3A_774 = vector.shape_cast %get3A_773 : vector<1x1x16xf32> to vector<16xf32>
      %mul3A_775 = vector.broadcast %squeeze3A_648 : f32 to vector<16xf32>
      %mul3A_776 = arith.mulf %mul3A_775, %get3A_774 : vector<16xf32>
      %add3A_777 = arith.addf %mul3A_765, %mul3A_776 : vector<16xf32>
      %mul3A_778 = arith.constant 16 : i32
      %mul3A_779 = arith.muli %scan3A_721, %mul3A_778 : i32
      %swap3A_780 = arith.constant 1 : i32
      %swap3A_781 = arith.constant 1 : i32
      %swap3A_782 = arith.index_cast %swap3A_780 : i32 to index
      %swap3A_783 = arith.index_cast %swap3A_781 : i32 to index
      %swap3A_784 = arith.index_cast %mul3A_779 : i32 to index
      %swap3A_785 = tpu.vector_load %arg9[%swap3A_782, %swap3A_783, %swap3A_784] {strides = array<i32>} : memref<2x8x2048xf32, #tpu.memory_space<vmem>>, vector<1x1x16xf32>,
      %swap3A_786 = vector.shape_cast %swap3A_785 : vector<1x1x16xf32> to vector<16xf32>
      %swap3A_787 = vector.shape_cast %add3A_777 : vector<16xf32> to vector<1x1x16xf32>
      tpu.vector_store %arg9[%swap3A_782, %swap3A_783, %swap3A_784], %swap3A_787 {strides = array<i32>} : memref<2x8x2048xf32, #tpu.memory_space<vmem>>, vector<1x1x16xf32>,
      %mul3A_788 = arith.constant 16 : i32
      %mul3A_789 = arith.muli %scan3A_721, %mul3A_788 : i32
      %get3A_790 = arith.constant 1 : i32
      %get3A_791 = arith.constant 4 : i32
      %get3A_792 = arith.index_cast %get3A_790 : i32 to index
      %get3A_793 = arith.index_cast %get3A_791 : i32 to index
      %get3A_794 = arith.index_cast %mul3A_789 : i32 to index
      %get3A_795 = tpu.vector_load %arg8[%get3A_792, %get3A_793, %get3A_794] {strides = array<i32>} : memref<2x16x2048xf32, #tpu.memory_space<vmem>>, vector<1x1x16xf32>,
      %get3A_796 = vector.shape_cast %get3A_795 : vector<1x1x16xf32> to vector<16xf32>
      %mul3A_797 = vector.broadcast %squeeze3A_650 : f32 to vector<16xf32>
      %mul3A_798 = arith.mulf %mul3A_797, %get3A_796 : vector<16xf32>
      %mul3A_799 = arith.constant 16 : i32
      %mul3A_800 = arith.muli %scan3A_721, %mul3A_799 : i32
      %get3A_801 = arith.constant 1 : i32
      %get3A_802 = arith.constant 5 : i32
      %get3A_803 = arith.index_cast %get3A_801 : i32 to index
      %get3A_804 = arith.index_cast %get3A_802 : i32 to index
      %get3A_805 = arith.index_cast %mul3A_800 : i32 to index
      %get3A_806 = tpu.vector_load %arg8[%get3A_803, %get3A_804, %get3A_805] {strides = array<i32>} : memref<2x16x2048xf32, #tpu.memory_space<vmem>>, vector<1x1x16xf32>,
      %get3A_807 = vector.shape_cast %get3A_806 : vector<1x1x16xf32> to vector<16xf32>
      %mul3A_808 = vector.broadcast %squeeze3A_652 : f32 to vector<16xf32>
      %mul3A_809 = arith.mulf %mul3A_808, %get3A_807 : vector<16xf32>
      %add3A_810 = arith.addf %mul3A_798, %mul3A_809 : vector<16xf32>
      %mul3A_811 = arith.constant 16 : i32
      %mul3A_812 = arith.muli %scan3A_721, %mul3A_811 : i32
      %swap3A_813 = arith.constant 1 : i32
      %swap3A_814 = arith.constant 2 : i32
      %swap3A_815 = arith.index_cast %swap3A_813 : i32 to index
      %swap3A_816 = arith.index_cast %swap3A_814 : i32 to index
      %swap3A_817 = arith.index_cast %mul3A_812 : i32 to index
      %swap3A_818 = tpu.vector_load %arg9[%swap3A_815, %swap3A_816, %swap3A_817] {strides = array<i32>} : memref<2x8x2048xf32, #tpu.memory_space<vmem>>, vector<1x1x16xf32>,
      %swap3A_819 = vector.shape_cast %swap3A_818 : vector<1x1x16xf32> to vector<16xf32>
      %swap3A_820 = vector.shape_cast %add3A_810 : vector<16xf32> to vector<1x1x16xf32>
      tpu.vector_store %arg9[%swap3A_815, %swap3A_816, %swap3A_817], %swap3A_820 {strides = array<i32>} : memref<2x8x2048xf32, #tpu.memory_space<vmem>>, vector<1x1x16xf32>,
      %mul3A_821 = arith.constant 16 : i32
      %mul3A_822 = arith.muli %scan3A_721, %mul3A_821 : i32
      %get3A_823 = arith.constant 1 : i32
      %get3A_824 = arith.constant 6 : i32
      %get3A_825 = arith.index_cast %get3A_823 : i32 to index
      %get3A_826 = arith.index_cast %get3A_824 : i32 to index
      %get3A_827 = arith.index_cast %mul3A_822 : i32 to index
      %get3A_828 = tpu.vector_load %arg8[%get3A_825, %get3A_826, %get3A_827] {strides = array<i32>} : memref<2x16x2048xf32, #tpu.memory_space<vmem>>, vector<1x1x16xf32>,
      %get3A_829 = vector.shape_cast %get3A_828 : vector<1x1x16xf32> to vector<16xf32>
      %mul3A_830 = vector.broadcast %squeeze3A_654 : f32 to vector<16xf32>
      %mul3A_831 = arith.mulf %mul3A_830, %get3A_829 : vector<16xf32>
      %mul3A_832 = arith.constant 16 : i32
      %mul3A_833 = arith.muli %scan3A_721, %mul3A_832 : i32
      %get3A_834 = arith.constant 1 : i32
      %get3A_835 = arith.constant 7 : i32
      %get3A_836 = arith.index_cast %get3A_834 : i32 to index
      %get3A_837 = arith.index_cast %get3A_835 : i32 to index
      %get3A_838 = arith.index_cast %mul3A_833 : i32 to index
      %get3A_839 = tpu.vector_load %arg8[%get3A_836, %get3A_837, %get3A_838] {strides = array<i32>} : memref<2x16x2048xf32, #tpu.memory_space<vmem>>, vector<1x1x16xf32>,
      %get3A_840 = vector.shape_cast %get3A_839 : vector<1x1x16xf32> to vector<16xf32>
      %mul3A_841 = vector.broadcast %squeeze3A_656 : f32 to vector<16xf32>
      %mul3A_842 = arith.mulf %mul3A_841, %get3A_840 : vector<16xf32>
      %add3A_843 = arith.addf %mul3A_831, %mul3A_842 : vector<16xf32>
      %mul3A_844 = arith.constant 16 : i32
      %mul3A_845 = arith.muli %scan3A_721, %mul3A_844 : i32
      %swap3A_846 = arith.constant 1 : i32
      %swap3A_847 = arith.constant 3 : i32
      %swap3A_848 = arith.index_cast %swap3A_846 : i32 to index
      %swap3A_849 = arith.index_cast %swap3A_847 : i32 to index
      %swap3A_850 = arith.index_cast %mul3A_845 : i32 to index
      %swap3A_851 = tpu.vector_load %arg9[%swap3A_848, %swap3A_849, %swap3A_850] {strides = array<i32>} : memref<2x8x2048xf32, #tpu.memory_space<vmem>>, vector<1x1x16xf32>,
      %swap3A_852 = vector.shape_cast %swap3A_851 : vector<1x1x16xf32> to vector<16xf32>
      %swap3A_853 = vector.shape_cast %add3A_843 : vector<16xf32> to vector<1x1x16xf32>
      tpu.vector_store %arg9[%swap3A_848, %swap3A_849, %swap3A_850], %swap3A_853 {strides = array<i32>} : memref<2x8x2048xf32, #tpu.memory_space<vmem>>, vector<1x1x16xf32>,
      %mul3A_854 = arith.constant 16 : i32
      %mul3A_855 = arith.muli %scan3A_721, %mul3A_854 : i32
      %get3A_856 = arith.constant 1 : i32
      %get3A_857 = arith.constant 8 : i32
      %get3A_858 = arith.index_cast %get3A_856 : i32 to index
      %get3A_859 = arith.index_cast %get3A_857 : i32 to index
      %get3A_860 = arith.index_cast %mul3A_855 : i32 to index
      %get3A_861 = tpu.vector_load %arg8[%get3A_858, %get3A_859, %get3A_860] {strides = array<i32>} : memref<2x16x2048xf32, #tpu.memory_space<vmem>>, vector<1x1x16xf32>,
      %get3A_862 = vector.shape_cast %get3A_861 : vector<1x1x16xf32> to vector<16xf32>
      %mul3A_863 = vector.broadcast %squeeze3A_658 : f32 to vector<16xf32>
      %mul3A_864 = arith.mulf %mul3A_863, %get3A_862 : vector<16xf32>
      %mul3A_865 = arith.constant 16 : i32
      %mul3A_866 = arith.muli %scan3A_721, %mul3A_865 : i32
      %get3A_867 = arith.constant 1 : i32
      %get3A_868 = arith.constant 9 : i32
      %get3A_869 = arith.index_cast %get3A_867 : i32 to index
      %get3A_870 = arith.index_cast %get3A_868 : i32 to index
      %get3A_871 = arith.index_cast %mul3A_866 : i32 to index
      %get3A_872 = tpu.vector_load %arg8[%get3A_869, %get3A_870, %get3A_871] {strides = array<i32>} : memref<2x16x2048xf32, #tpu.memory_space<vmem>>, vector<1x1x16xf32>,
      %get3A_873 = vector.shape_cast %get3A_872 : vector<1x1x16xf32> to vector<16xf32>
      %mul3A_874 = vector.broadcast %squeeze3A_660 : f32 to vector<16xf32>
      %mul3A_875 = arith.mulf %mul3A_874, %get3A_873 : vector<16xf32>
      %add3A_876 = arith.addf %mul3A_864, %mul3A_875 : vector<16xf32>
      %mul3A_877 = arith.constant 16 : i32
      %mul3A_878 = arith.muli %scan3A_721, %mul3A_877 : i32
      %swap3A_879 = arith.constant 1 : i32
      %swap3A_880 = arith.constant 4 : i32
      %swap3A_881 = arith.index_cast %swap3A_879 : i32 to index
      %swap3A_882 = arith.index_cast %swap3A_880 : i32 to index
      %swap3A_883 = arith.index_cast %mul3A_878 : i32 to index
      %swap3A_884 = tpu.vector_load %arg9[%swap3A_881, %swap3A_882, %swap3A_883] {strides = array<i32>} : memref<2x8x2048xf32, #tpu.memory_space<vmem>>, vector<1x1x16xf32>,
      %swap3A_885 = vector.shape_cast %swap3A_884 : vector<1x1x16xf32> to vector<16xf32>
      %swap3A_886 = vector.shape_cast %add3A_876 : vector<16xf32> to vector<1x1x16xf32>
      tpu.vector_store %arg9[%swap3A_881, %swap3A_882, %swap3A_883], %swap3A_886 {strides = array<i32>} : memref<2x8x2048xf32, #tpu.memory_space<vmem>>, vector<1x1x16xf32>,
      %mul3A_887 = arith.constant 16 : i32
      %mul3A_888 = arith.muli %scan3A_721, %mul3A_887 : i32
      %get3A_889 = arith.constant 1 : i32
      %get3A_890 = arith.constant 10 : i32
      %get3A_891 = arith.index_cast %get3A_889 : i32 to index
      %get3A_892 = arith.index_cast %get3A_890 : i32 to index
      %get3A_893 = arith.index_cast %mul3A_888 : i32 to index
      %get3A_894 = tpu.vector_load %arg8[%get3A_891, %get3A_892, %get3A_893] {strides = array<i32>} : memref<2x16x2048xf32, #tpu.memory_space<vmem>>, vector<1x1x16xf32>,
      %get3A_895 = vector.shape_cast %get3A_894 : vector<1x1x16xf32> to vector<16xf32>
      %mul3A_896 = vector.broadcast %squeeze3A_662 : f32 to vector<16xf32>
      %mul3A_897 = arith.mulf %mul3A_896, %get3A_895 : vector<16xf32>
      %mul3A_898 = arith.constant 16 : i32
      %mul3A_899 = arith.muli %scan3A_721, %mul3A_898 : i32
      %get3A_900 = arith.constant 1 : i32
      %get3A_901 = arith.constant 11 : i32
      %get3A_902 = arith.index_cast %get3A_900 : i32 to index
      %get3A_903 = arith.index_cast %get3A_901 : i32 to index
      %get3A_904 = arith.index_cast %mul3A_899 : i32 to index
      %get3A_905 = tpu.vector_load %arg8[%get3A_902, %get3A_903, %get3A_904] {strides = array<i32>} : memref<2x16x2048xf32, #tpu.memory_space<vmem>>, vector<1x1x16xf32>,
      %get3A_906 = vector.shape_cast %get3A_905 : vector<1x1x16xf32> to vector<16xf32>
      %mul3A_907 = vector.broadcast %squeeze3A_664 : f32 to vector<16xf32>
      %mul3A_908 = arith.mulf %mul3A_907, %get3A_906 : vector<16xf32>
      %add3A_909 = arith.addf %mul3A_897, %mul3A_908 : vector<16xf32>
      %mul3A_910 = arith.constant 16 : i32
      %mul3A_911 = arith.muli %scan3A_721, %mul3A_910 : i32
      %swap3A_912 = arith.constant 1 : i32
      %swap3A_913 = arith.constant 5 : i32
      %swap3A_914 = arith.index_cast %swap3A_912 : i32 to index
      %swap3A_915 = arith.index_cast %swap3A_913 : i32 to index
      %swap3A_916 = arith.index_cast %mul3A_911 : i32 to index
      %swap3A_917 = tpu.vector_load %arg9[%swap3A_914, %swap3A_915, %swap3A_916] {strides = array<i32>} : memref<2x8x2048xf32, #tpu.memory_space<vmem>>, vector<1x1x16xf32>,
      %swap3A_918 = vector.shape_cast %swap3A_917 : vector<1x1x16xf32> to vector<16xf32>
      %swap3A_919 = vector.shape_cast %add3A_909 : vector<16xf32> to vector<1x1x16xf32>
      tpu.vector_store %arg9[%swap3A_914, %swap3A_915, %swap3A_916], %swap3A_919 {strides = array<i32>} : memref<2x8x2048xf32, #tpu.memory_space<vmem>>, vector<1x1x16xf32>,
      %mul3A_920 = arith.constant 16 : i32
      %mul3A_921 = arith.muli %scan3A_721, %mul3A_920 : i32
      %get3A_922 = arith.constant 1 : i32
      %get3A_923 = arith.constant 12 : i32
      %get3A_924 = arith.index_cast %get3A_922 : i32 to index
      %get3A_925 = arith.index_cast %get3A_923 : i32 to index
      %get3A_926 = arith.index_cast %mul3A_921 : i32 to index
      %get3A_927 = tpu.vector_load %arg8[%get3A_924, %get3A_925, %get3A_926] {strides = array<i32>} : memref<2x16x2048xf32, #tpu.memory_space<vmem>>, vector<1x1x16xf32>,
      %get3A_928 = vector.shape_cast %get3A_927 : vector<1x1x16xf32> to vector<16xf32>
      %mul3A_929 = vector.broadcast %squeeze3A_666 : f32 to vector<16xf32>
      %mul3A_930 = arith.mulf %mul3A_929, %get3A_928 : vector<16xf32>
      %mul3A_931 = arith.constant 16 : i32
      %mul3A_932 = arith.muli %scan3A_721, %mul3A_931 : i32
      %get3A_933 = arith.constant 1 : i32
      %get3A_934 = arith.constant 13 : i32
      %get3A_935 = arith.index_cast %get3A_933 : i32 to index
      %get3A_936 = arith.index_cast %get3A_934 : i32 to index
      %get3A_937 = arith.index_cast %mul3A_932 : i32 to index
      %get3A_938 = tpu.vector_load %arg8[%get3A_935, %get3A_936, %get3A_937] {strides = array<i32>} : memref<2x16x2048xf32, #tpu.memory_space<vmem>>, vector<1x1x16xf32>,
      %get3A_939 = vector.shape_cast %get3A_938 : vector<1x1x16xf32> to vector<16xf32>
      %mul3A_940 = vector.broadcast %squeeze3A_668 : f32 to vector<16xf32>
      %mul3A_941 = arith.mulf %mul3A_940, %get3A_939 : vector<16xf32>
      %add3A_942 = arith.addf %mul3A_930, %mul3A_941 : vector<16xf32>
      %mul3A_943 = arith.constant 16 : i32
      %mul3A_944 = arith.muli %scan3A_721, %mul3A_943 : i32
      %swap3A_945 = arith.constant 1 : i32
      %swap3A_946 = arith.constant 6 : i32
      %swap3A_947 = arith.index_cast %swap3A_945 : i32 to index
      %swap3A_948 = arith.index_cast %swap3A_946 : i32 to index
      %swap3A_949 = arith.index_cast %mul3A_944 : i32 to index
      %swap3A_950 = tpu.vector_load %arg9[%swap3A_947, %swap3A_948, %swap3A_949] {strides = array<i32>} : memref<2x8x2048xf32, #tpu.memory_space<vmem>>, vector<1x1x16xf32>,
      %swap3A_951 = vector.shape_cast %swap3A_950 : vector<1x1x16xf32> to vector<16xf32>
      %swap3A_952 = vector.shape_cast %add3A_942 : vector<16xf32> to vector<1x1x16xf32>
      tpu.vector_store %arg9[%swap3A_947, %swap3A_948, %swap3A_949], %swap3A_952 {strides = array<i32>} : memref<2x8x2048xf32, #tpu.memory_space<vmem>>, vector<1x1x16xf32>,
      %mul3A_953 = arith.constant 16 : i32
      %mul3A_954 = arith.muli %scan3A_721, %mul3A_953 : i32
      %get3A_955 = arith.constant 1 : i32
      %get3A_956 = arith.constant 14 : i32
      %get3A_957 = arith.index_cast %get3A_955 : i32 to index
      %get3A_958 = arith.index_cast %get3A_956 : i32 to index
      %get3A_959 = arith.index_cast %mul3A_954 : i32 to index
      %get3A_960 = tpu.vector_load %arg8[%get3A_957, %get3A_958, %get3A_959] {strides = array<i32>} : memref<2x16x2048xf32, #tpu.memory_space<vmem>>, vector<1x1x16xf32>,
      %get3A_961 = vector.shape_cast %get3A_960 : vector<1x1x16xf32> to vector<16xf32>
      %mul3A_962 = vector.broadcast %squeeze3A_670 : f32 to vector<16xf32>
      %mul3A_963 = arith.mulf %mul3A_962, %get3A_961 : vector<16xf32>
      %mul3A_964 = arith.constant 16 : i32
      %mul3A_965 = arith.muli %scan3A_721, %mul3A_964 : i32
      %get3A_966 = arith.constant 1 : i32
      %get3A_967 = arith.constant 15 : i32
      %get3A_968 = arith.index_cast %get3A_966 : i32 to index
      %get3A_969 = arith.index_cast %get3A_967 : i32 to index
      %get3A_970 = arith.index_cast %mul3A_965 : i32 to index
      %get3A_971 = tpu.vector_load %arg8[%get3A_968, %get3A_969, %get3A_970] {strides = array<i32>} : memref<2x16x2048xf32, #tpu.memory_space<vmem>>, vector<1x1x16xf32>,
      %get3A_972 = vector.shape_cast %get3A_971 : vector<1x1x16xf32> to vector<16xf32>
      %mul3A_973 = vector.broadcast %squeeze3A_672 : f32 to vector<16xf32>
      %mul3A_974 = arith.mulf %mul3A_973, %get3A_972 : vector<16xf32>
      %add3A_975 = arith.addf %mul3A_963, %mul3A_974 : vector<16xf32>
      %mul3A_976 = arith.constant 16 : i32
      %mul3A_977 = arith.muli %scan3A_721, %mul3A_976 : i32
      %swap3A_978 = arith.constant 1 : i32
      %swap3A_979 = arith.constant 7 : i32
      %swap3A_980 = arith.index_cast %swap3A_978 : i32 to index
      %swap3A_981 = arith.index_cast %swap3A_979 : i32 to index
      %swap3A_982 = arith.index_cast %mul3A_977 : i32 to index
      %swap3A_983 = tpu.vector_load %arg9[%swap3A_980, %swap3A_981, %swap3A_982] {strides = array<i32>} : memref<2x8x2048xf32, #tpu.memory_space<vmem>>, vector<1x1x16xf32>,
      %swap3A_984 = vector.shape_cast %swap3A_983 : vector<1x1x16xf32> to vector<16xf32>
      %swap3A_985 = vector.shape_cast %add3A_975 : vector<16xf32> to vector<1x1x16xf32>
      tpu.vector_store %arg9[%swap3A_980, %swap3A_981, %swap3A_982], %swap3A_985 {strides = array<i32>} : memref<2x8x2048xf32, #tpu.memory_space<vmem>>, vector<1x1x16xf32>,
      %scan3A_986 = arith.constant 0 : i32
      scf.yield %scan3A_986 : i32
    }
    %scan3A_679 = arith.constant 128 : i32
    %add3A_680 = arith.constant 56 : i32
    %add3A_681 = arith.addi %mul3A_2, %add3A_680 : i32
    %dma_start3A_682 = arith.constant 1 : i32
    %dma_start3A_683 = arith.constant 0 : i32
    %dma_start3A_684 = arith.constant 0 : i32
    %dma_start3A_685 = tpu.memref_slice %arg9[%dma_start3A_682, %dma_start3A_683, %dma_start3A_684] : memref<2x8x2048xf32, #tpu.memory_space<vmem>> -> memref<1x8x2048xf32, #tpu.memory_space<vmem>>
    %dma_start3A_686 = tpu.memref_squeeze %dma_start3A_685 : memref<1x8x2048xf32, #tpu.memory_space<vmem>> -> memref<8x2048xf32, #tpu.memory_space<vmem>>
    %dma_start3A_687 = arith.constant 0 : i32
    %dma_start3A_688 = tpu.memref_slice %arg5[%add3A_681, %dma_start3A_687] : memref<2048x2048xf32, #tpu.memory_space<hbm>> -> memref<8x2048xf32, #tpu.memory_space<hbm>>
    %dma_start3A_689 = arith.constant 0 : i32
    %dma_start3A_690 = tpu.memref_slice %arg5[%add3A_681, %dma_start3A_689] : memref<2048x2048xf32, #tpu.memory_space<hbm>> -> memref<8x2048xf32, #tpu.memory_space<hbm>>
    %dma_start3A_691 = arith.constant 0 : i32
    %dma_start3A_692 = arith.constant 0 : i32
    %dma_start3A_693 = tpu.memref_slice %arg9[%dma_start3A_682, %dma_start3A_691, %dma_start3A_692] : memref<2x8x2048xf32, #tpu.memory_space<vmem>> -> memref<1x8x2048xf32, #tpu.memory_space<vmem>>
    %dma_start3A_694 = tpu.memref_squeeze %dma_start3A_693 : memref<1x8x2048xf32, #tpu.memory_space<vmem>> -> memref<8x2048xf32, #tpu.memory_space<vmem>>
    tpu.enqueue_dma source(%dma_start3A_694 : memref<8x2048xf32, #tpu.memory_space<vmem>>) target(%dma_start3A_690 : memref<8x2048xf32, #tpu.memory_space<hbm>>) target_semaphore(%arg13 : memref<!tpu.dma_semaphore, #tpu.memory_space<semaphore_mem>>)
    %dma_wait3A_695 = arith.constant 0 : i32
    %dma_wait3A_696 = arith.constant 0 : i32
    %dma_wait3A_697 = arith.constant 0 : i32
    %dma_wait3A_698 = tpu.memref_slice %arg9[%dma_wait3A_695, %dma_wait3A_696, %dma_wait3A_697] : memref<2x8x2048xf32, #tpu.memory_space<vmem>> -> memref<1x8x2048xf32, #tpu.memory_space<vmem>>
    %dma_wait3A_699 = tpu.memref_squeeze %dma_wait3A_698 : memref<1x8x2048xf32, #tpu.memory_space<vmem>> -> memref<8x2048xf32, #tpu.memory_space<vmem>>
    %dma_wait3A_700 = arith.constant 0 : i32
    %dma_wait3A_701 = tpu.memref_slice %arg5[%add3A_601, %dma_wait3A_700] : memref<2048x2048xf32, #tpu.memory_space<hbm>> -> memref<8x2048xf32, #tpu.memory_space<hbm>>
    %dma_wait3A_702 = arith.constant 0 : i32
    %dma_wait3A_703 = tpu.memref_slice %arg5[%add3A_601, %dma_wait3A_702] : memref<2048x2048xf32, #tpu.memory_space<hbm>> -> memref<8x2048xf32, #tpu.memory_space<hbm>>
    %dma_wait3A_704 = arith.constant 0 : i32
    %dma_wait3A_705 = arith.constant 0 : i32
    %dma_wait3A_706 = tpu.memref_slice %arg9[%dma_wait3A_695, %dma_wait3A_704, %dma_wait3A_705] : memref<2x8x2048xf32, #tpu.memory_space<vmem>> -> memref<1x8x2048xf32, #tpu.memory_space<vmem>>
    %dma_wait3A_707 = tpu.memref_squeeze %dma_wait3A_706 : memref<1x8x2048xf32, #tpu.memory_space<vmem>> -> memref<8x2048xf32, #tpu.memory_space<vmem>>
    tpu.wait_dma2 semaphore(%arg12 : memref<!tpu.dma_semaphore, #tpu.memory_space<semaphore_mem>>) src(%dma_wait3A_707 : memref<8x2048xf32, #tpu.memory_space<vmem>>) dst(%dma_wait3A_703 : memref<8x2048xf32, #tpu.memory_space<hbm>>)
    %dma_wait3A_708 = arith.constant 1 : i32
    %dma_wait3A_709 = arith.constant 0 : i32
    %dma_wait3A_710 = arith.constant 0 : i32
    %dma_wait3A_711 = tpu.memref_slice %arg9[%dma_wait3A_708, %dma_wait3A_709, %dma_wait3A_710] : memref<2x8x2048xf32, #tpu.memory_space<vmem>> -> memref<1x8x2048xf32, #tpu.memory_space<vmem>>
    %dma_wait3A_712 = tpu.memref_squeeze %dma_wait3A_711 : memref<1x8x2048xf32, #tpu.memory_space<vmem>> -> memref<8x2048xf32, #tpu.memory_space<vmem>>
    %dma_wait3A_713 = arith.constant 0 : i32
    %dma_wait3A_714 = tpu.memref_slice %arg5[%add3A_681, %dma_wait3A_713] : memref<2048x2048xf32, #tpu.memory_space<hbm>> -> memref<8x2048xf32, #tpu.memory_space<hbm>>
    %dma_wait3A_715 = arith.constant 0 : i32
    %dma_wait3A_716 = tpu.memref_slice %arg5[%add3A_681, %dma_wait3A_715] : memref<2048x2048xf32, #tpu.memory_space<hbm>> -> memref<8x2048xf32, #tpu.memory_space<hbm>>
    %dma_wait3A_717 = arith.constant 0 : i32
    %dma_wait3A_718 = arith.constant 0 : i32
    %dma_wait3A_719 = tpu.memref_slice %arg9[%dma_wait3A_708, %dma_wait3A_717, %dma_wait3A_718] : memref<2x8x2048xf32, #tpu.memory_space<vmem>> -> memref<1x8x2048xf32, #tpu.memory_space<vmem>>
    %dma_wait3A_720 = tpu.memref_squeeze %dma_wait3A_719 : memref<1x8x2048xf32, #tpu.memory_space<vmem>> -> memref<8x2048xf32, #tpu.memory_space<vmem>>
    tpu.wait_dma2 semaphore(%arg13 : memref<!tpu.dma_semaphore, #tpu.memory_space<semaphore_mem>>) src(%dma_wait3A_720 : memref<8x2048xf32, #tpu.memory_space<vmem>>) dst(%dma_wait3A_716 : memref<8x2048xf32, #tpu.memory_space<hbm>>)
    return
  }
}

#map = affine_map<(d0, d1) -> (0, 0)>
#map1 = affine_map<(d0, d1) -> (0)>
#map2 = affine_map<(d0, d1) -> (0, 0, 0)>
module attributes {stable_mosaic.version = 14 : i64} {
  func.func @run(%arg0: i32, %arg1: i32, %arg2: memref<2048x1024xf32, #tpu.memory_space<hbm>>, %arg3: memref<4096xi32, #tpu.memory_space<hbm>>, %arg4: memref<32x4x32xi32, #tpu.memory_space<hbm>>, %arg5: memref<6144x1024xf32, #tpu.memory_space<hbm>>, %arg6: memref<128xi32, #tpu.memory_space<vmem>>, %arg7: memref<4x32xi32, #tpu.memory_space<vmem>>, %arg8: memref<3x32x1024xf32, #tpu.memory_space<vmem>>, %arg9: memref<!tpu.dma_semaphore, #tpu.memory_space<semaphore_mem>>, %arg10: memref<!tpu.dma_semaphore, #tpu.memory_space<semaphore_mem>>, %arg11: memref<!tpu.dma_semaphore, #tpu.memory_space<semaphore_mem>>, %arg12: memref<!tpu.dma_semaphore, #tpu.memory_space<semaphore_mem>>, %arg13: memref<!tpu.dma_semaphore, #tpu.memory_space<semaphore_mem>>, %arg14: memref<!tpu.dma_semaphore, #tpu.memory_space<semaphore_mem>>) attributes {dimension_semantics = [#tpu.dimension_semantics<core_parallel>, #tpu.dimension_semantics<subcore_parallel>], iteration_bounds = array<i64: 2, 16>, scalar_prefetch = 0 : i64, scratch_operands = 9 : i64, tpu.core_type = #tpu.core_type<sc_vector_subcore>, window_params = [{transform_indices = #map}, {transform_indices = #map1}, {transform_indices = #map2}, {transform_indices = #map}]} {
    %mul3A = arith.constant 2 : i32
    %mul3A_0 = arith.muli %arg1, %mul3A : i32
    %add3A = arith.addi %mul3A_0, %arg0 : i32
    %mul3A_1 = arith.constant 128 : i32
    %mul3A_2 = arith.muli %add3A, %mul3A_1 : i32
    "tpu.region"() ({
      %run_scoped3A = tpu.sem_alloc : memref<!tpu.dma_semaphore, #tpu.memory_space<semaphore_mem>>
      %dma_start3A_177 = tpu.memref_slice %arg3[%mul3A_2] : memref<4096xi32, #tpu.memory_space<hbm>> -> memref<128xi32, #tpu.memory_space<hbm>>
      %dma_start3A_178 = tpu.memref_slice %arg3[%mul3A_2] : memref<4096xi32, #tpu.memory_space<hbm>> -> memref<128xi32, #tpu.memory_space<hbm>>
      tpu.enqueue_dma source(%dma_start3A_178 : memref<128xi32, #tpu.memory_space<hbm>>) target(%arg6 : memref<128xi32, #tpu.memory_space<vmem>>) target_semaphore(%run_scoped3A : memref<!tpu.dma_semaphore, #tpu.memory_space<semaphore_mem>>)
      %dma_wait3A_179 = tpu.memref_slice %arg3[%mul3A_2] : memref<4096xi32, #tpu.memory_space<hbm>> -> memref<128xi32, #tpu.memory_space<hbm>>
      %dma_wait3A_180 = tpu.memref_slice %arg3[%mul3A_2] : memref<4096xi32, #tpu.memory_space<hbm>> -> memref<128xi32, #tpu.memory_space<hbm>>
      tpu.wait_dma2 semaphore(%run_scoped3A : memref<!tpu.dma_semaphore, #tpu.memory_space<semaphore_mem>>) src(%dma_wait3A_180 : memref<128xi32, #tpu.memory_space<hbm>>) dst(%arg6 : memref<128xi32, #tpu.memory_space<vmem>>)
      tpu.yield
    }) : () -> ()
    "tpu.region"() ({
      %run_scoped3A = tpu.sem_alloc : memref<!tpu.dma_semaphore, #tpu.memory_space<semaphore_mem>>
      %dma_start3A_177 = arith.constant 0 : i32
      %dma_start3A_178 = arith.constant 0 : i32
      %dma_start3A_179 = tpu.memref_slice %arg4[%add3A, %dma_start3A_177, %dma_start3A_178] : memref<32x4x32xi32, #tpu.memory_space<hbm>> -> memref<1x4x32xi32, #tpu.memory_space<hbm>>
      %dma_start3A_180 = tpu.memref_squeeze %dma_start3A_179 : memref<1x4x32xi32, #tpu.memory_space<hbm>> -> memref<4x32xi32, #tpu.memory_space<hbm>>
      %dma_start3A_181 = arith.constant 0 : i32
      %dma_start3A_182 = arith.constant 0 : i32
      %dma_start3A_183 = tpu.memref_slice %arg4[%add3A, %dma_start3A_181, %dma_start3A_182] : memref<32x4x32xi32, #tpu.memory_space<hbm>> -> memref<1x4x32xi32, #tpu.memory_space<hbm>>
      %dma_start3A_184 = tpu.memref_squeeze %dma_start3A_183 : memref<1x4x32xi32, #tpu.memory_space<hbm>> -> memref<4x32xi32, #tpu.memory_space<hbm>>
      tpu.enqueue_dma source(%dma_start3A_184 : memref<4x32xi32, #tpu.memory_space<hbm>>) target(%arg7 : memref<4x32xi32, #tpu.memory_space<vmem>>) target_semaphore(%run_scoped3A : memref<!tpu.dma_semaphore, #tpu.memory_space<semaphore_mem>>)
      %dma_wait3A_185 = arith.constant 0 : i32
      %dma_wait3A_186 = arith.constant 0 : i32
      %dma_wait3A_187 = tpu.memref_slice %arg4[%add3A, %dma_wait3A_185, %dma_wait3A_186] : memref<32x4x32xi32, #tpu.memory_space<hbm>> -> memref<1x4x32xi32, #tpu.memory_space<hbm>>
      %dma_wait3A_188 = tpu.memref_squeeze %dma_wait3A_187 : memref<1x4x32xi32, #tpu.memory_space<hbm>> -> memref<4x32xi32, #tpu.memory_space<hbm>>
      %dma_wait3A_189 = arith.constant 0 : i32
      %dma_wait3A_190 = arith.constant 0 : i32
      %dma_wait3A_191 = tpu.memref_slice %arg4[%add3A, %dma_wait3A_189, %dma_wait3A_190] : memref<32x4x32xi32, #tpu.memory_space<hbm>> -> memref<1x4x32xi32, #tpu.memory_space<hbm>>
      %dma_wait3A_192 = tpu.memref_squeeze %dma_wait3A_191 : memref<1x4x32xi32, #tpu.memory_space<hbm>> -> memref<4x32xi32, #tpu.memory_space<hbm>>
      tpu.wait_dma2 semaphore(%run_scoped3A : memref<!tpu.dma_semaphore, #tpu.memory_space<semaphore_mem>>) src(%dma_wait3A_192 : memref<4x32xi32, #tpu.memory_space<hbm>>) dst(%arg7 : memref<4x32xi32, #tpu.memory_space<vmem>>)
      tpu.yield
    }) : () -> ()
    %dma_start3A = arith.constant 0 : i32
    %dma_start3A_3 = arith.constant 0 : i32
    %dma_start3A_4 = arith.constant 0 : i32
    %dma_start3A_5 = tpu.memref_slice %arg8[%dma_start3A, %dma_start3A_3, %dma_start3A_4] : memref<3x32x1024xf32, #tpu.memory_space<vmem>> -> memref<1x32x1024xf32, #tpu.memory_space<vmem>>
    %dma_start3A_6 = tpu.memref_squeeze %dma_start3A_5 : memref<1x32x1024xf32, #tpu.memory_space<vmem>> -> memref<32x1024xf32, #tpu.memory_space<vmem>>
    %dma_start3A_7 = arith.constant 0 : i32
    %dma_start3A_8 = tpu.memref_slice %arg6[%dma_start3A_7] : memref<128xi32, #tpu.memory_space<vmem>> -> memref<32xi32, #tpu.memory_space<vmem>>
    %dma_start3A_9 = arith.constant 0 : i32
    %dma_start3A_10 = arith.constant 0 : i32
    %dma_start3A_11 = tpu.memref_slice %arg2[%dma_start3A_9, %dma_start3A_10] : memref<2048x1024xf32, #tpu.memory_space<hbm>> -> memref<2048x1024xf32, #tpu.memory_space<hbm>>
    tpu.enqueue_indirect_dma source(%dma_start3A_11 : memref<2048x1024xf32, #tpu.memory_space<hbm>>) target(%dma_start3A_6 : memref<32x1024xf32, #tpu.memory_space<vmem>>) offsets(%dma_start3A_8 : memref<32xi32, #tpu.memory_space<vmem>>) semaphore(%arg9 : memref<!tpu.dma_semaphore, #tpu.memory_space<semaphore_mem>>)
    %dma_start3A_12 = arith.constant 1 : i32
    %dma_start3A_13 = arith.constant 0 : i32
    %dma_start3A_14 = arith.constant 0 : i32
    %dma_start3A_15 = tpu.memref_slice %arg8[%dma_start3A_12, %dma_start3A_13, %dma_start3A_14] : memref<3x32x1024xf32, #tpu.memory_space<vmem>> -> memref<1x32x1024xf32, #tpu.memory_space<vmem>>
    %dma_start3A_16 = tpu.memref_squeeze %dma_start3A_15 : memref<1x32x1024xf32, #tpu.memory_space<vmem>> -> memref<32x1024xf32, #tpu.memory_space<vmem>>
    %dma_start3A_17 = arith.constant 32 : i32
    %dma_start3A_18 = tpu.memref_slice %arg6[%dma_start3A_17] : memref<128xi32, #tpu.memory_space<vmem>> -> memref<32xi32, #tpu.memory_space<vmem>>
    %dma_start3A_19 = arith.constant 0 : i32
    %dma_start3A_20 = arith.constant 0 : i32
    %dma_start3A_21 = tpu.memref_slice %arg2[%dma_start3A_19, %dma_start3A_20] : memref<2048x1024xf32, #tpu.memory_space<hbm>> -> memref<2048x1024xf32, #tpu.memory_space<hbm>>
    tpu.enqueue_indirect_dma source(%dma_start3A_21 : memref<2048x1024xf32, #tpu.memory_space<hbm>>) target(%dma_start3A_16 : memref<32x1024xf32, #tpu.memory_space<vmem>>) offsets(%dma_start3A_18 : memref<32xi32, #tpu.memory_space<vmem>>) semaphore(%arg10 : memref<!tpu.dma_semaphore, #tpu.memory_space<semaphore_mem>>)
    %dma_wait3A = arith.constant 0 : i32
    %dma_wait3A_22 = arith.constant 0 : i32
    %dma_wait3A_23 = arith.constant 0 : i32
    %dma_wait3A_24 = tpu.memref_slice %arg8[%dma_wait3A, %dma_wait3A_22, %dma_wait3A_23] : memref<3x32x1024xf32, #tpu.memory_space<vmem>> -> memref<1x32x1024xf32, #tpu.memory_space<vmem>>
    %dma_wait3A_25 = tpu.memref_squeeze %dma_wait3A_24 : memref<1x32x1024xf32, #tpu.memory_space<vmem>> -> memref<32x1024xf32, #tpu.memory_space<vmem>>
    %dma_wait3A_26 = arith.constant 0 : i32
    %dma_wait3A_27 = tpu.memref_slice %arg6[%dma_wait3A_26] : memref<128xi32, #tpu.memory_space<vmem>> -> memref<32xi32, #tpu.memory_space<vmem>>
    %dma_wait3A_28 = arith.constant 0 : i32
    %dma_wait3A_29 = arith.constant 0 : i32
    %dma_wait3A_30 = tpu.memref_slice %arg2[%dma_wait3A_28, %dma_wait3A_29] : memref<2048x1024xf32, #tpu.memory_space<hbm>> -> memref<2048x1024xf32, #tpu.memory_space<hbm>>
    tpu.wait_indirect_dma semaphore(%arg9 : memref<!tpu.dma_semaphore, #tpu.memory_space<semaphore_mem>>) src(%dma_wait3A_30 : memref<2048x1024xf32, #tpu.memory_space<hbm>>) dst(%dma_wait3A_25 : memref<32x1024xf32, #tpu.memory_space<vmem>>)
    %dma_start3A_31 = arith.constant 0 : i32
    %dma_start3A_32 = arith.constant 0 : i32
    %dma_start3A_33 = arith.constant 0 : i32
    %dma_start3A_34 = arith.constant 0 : i32
    %dma_start3A_35 = tpu.memref_slice %arg8[%dma_start3A_31, %dma_start3A_33, %dma_start3A_34] : memref<3x32x1024xf32, #tpu.memory_space<vmem>> -> memref<1x32x1024xf32, #tpu.memory_space<vmem>>
    %dma_start3A_36 = tpu.memref_squeeze %dma_start3A_35 : memref<1x32x1024xf32, #tpu.memory_space<vmem>> -> memref<32x1024xf32, #tpu.memory_space<vmem>>
    %dma_start3A_37 = arith.constant 0 : i32
    %dma_start3A_38 = tpu.memref_slice %arg7[%dma_start3A_32, %dma_start3A_37] : memref<4x32xi32, #tpu.memory_space<vmem>> -> memref<1x32xi32, #tpu.memory_space<vmem>>
    %dma_start3A_39 = tpu.memref_squeeze %dma_start3A_38 : memref<1x32xi32, #tpu.memory_space<vmem>> -> memref<32xi32, #tpu.memory_space<vmem>>
    %dma_start3A_40 = arith.constant 0 : i32
    %dma_start3A_41 = arith.constant 0 : i32
    %dma_start3A_42 = tpu.memref_slice %arg5[%dma_start3A_40, %dma_start3A_41] : memref<6144x1024xf32, #tpu.memory_space<hbm>> -> memref<6144x1024xf32, #tpu.memory_space<hbm>>
    tpu.enqueue_indirect_dma source(%dma_start3A_36 : memref<32x1024xf32, #tpu.memory_space<vmem>>) target(%dma_start3A_42 : memref<6144x1024xf32, #tpu.memory_space<hbm>>) offsets(%dma_start3A_39 : memref<32xi32, #tpu.memory_space<vmem>>) semaphore(%arg12 : memref<!tpu.dma_semaphore, #tpu.memory_space<semaphore_mem>>)
    %dma_start3A_43 = arith.constant 2 : i32
    %dma_start3A_44 = arith.constant 0 : i32
    %dma_start3A_45 = arith.constant 0 : i32
    %dma_start3A_46 = tpu.memref_slice %arg8[%dma_start3A_43, %dma_start3A_44, %dma_start3A_45] : memref<3x32x1024xf32, #tpu.memory_space<vmem>> -> memref<1x32x1024xf32, #tpu.memory_space<vmem>>
    %dma_start3A_47 = tpu.memref_squeeze %dma_start3A_46 : memref<1x32x1024xf32, #tpu.memory_space<vmem>> -> memref<32x1024xf32, #tpu.memory_space<vmem>>
    %dma_start3A_48 = arith.constant 64 : i32
    %dma_start3A_49 = tpu.memref_slice %arg6[%dma_start3A_48] : memref<128xi32, #tpu.memory_space<vmem>> -> memref<32xi32, #tpu.memory_space<vmem>>
    %dma_start3A_50 = arith.constant 0 : i32
    %dma_start3A_51 = arith.constant 0 : i32
    %dma_start3A_52 = tpu.memref_slice %arg2[%dma_start3A_50, %dma_start3A_51] : memref<2048x1024xf32, #tpu.memory_space<hbm>> -> memref<2048x1024xf32, #tpu.memory_space<hbm>>
    tpu.enqueue_indirect_dma source(%dma_start3A_52 : memref<2048x1024xf32, #tpu.memory_space<hbm>>) target(%dma_start3A_47 : memref<32x1024xf32, #tpu.memory_space<vmem>>) offsets(%dma_start3A_49 : memref<32xi32, #tpu.memory_space<vmem>>) semaphore(%arg11 : memref<!tpu.dma_semaphore, #tpu.memory_space<semaphore_mem>>)
    %dma_wait3A_53 = arith.constant 1 : i32
    %dma_wait3A_54 = arith.constant 0 : i32
    %dma_wait3A_55 = arith.constant 0 : i32
    %dma_wait3A_56 = tpu.memref_slice %arg8[%dma_wait3A_53, %dma_wait3A_54, %dma_wait3A_55] : memref<3x32x1024xf32, #tpu.memory_space<vmem>> -> memref<1x32x1024xf32, #tpu.memory_space<vmem>>
    %dma_wait3A_57 = tpu.memref_squeeze %dma_wait3A_56 : memref<1x32x1024xf32, #tpu.memory_space<vmem>> -> memref<32x1024xf32, #tpu.memory_space<vmem>>
    %dma_wait3A_58 = arith.constant 32 : i32
    %dma_wait3A_59 = tpu.memref_slice %arg6[%dma_wait3A_58] : memref<128xi32, #tpu.memory_space<vmem>> -> memref<32xi32, #tpu.memory_space<vmem>>
    %dma_wait3A_60 = arith.constant 0 : i32
    %dma_wait3A_61 = arith.constant 0 : i32
    %dma_wait3A_62 = tpu.memref_slice %arg2[%dma_wait3A_60, %dma_wait3A_61] : memref<2048x1024xf32, #tpu.memory_space<hbm>> -> memref<2048x1024xf32, #tpu.memory_space<hbm>>
    tpu.wait_indirect_dma semaphore(%arg10 : memref<!tpu.dma_semaphore, #tpu.memory_space<semaphore_mem>>) src(%dma_wait3A_62 : memref<2048x1024xf32, #tpu.memory_space<hbm>>) dst(%dma_wait3A_57 : memref<32x1024xf32, #tpu.memory_space<vmem>>)
    %dma_start3A_63 = arith.constant 1 : i32
    %dma_start3A_64 = arith.constant 1 : i32
    %dma_start3A_65 = arith.constant 0 : i32
    %dma_start3A_66 = arith.constant 0 : i32
    %dma_start3A_67 = tpu.memref_slice %arg8[%dma_start3A_63, %dma_start3A_65, %dma_start3A_66] : memref<3x32x1024xf32, #tpu.memory_space<vmem>> -> memref<1x32x1024xf32, #tpu.memory_space<vmem>>
    %dma_start3A_68 = tpu.memref_squeeze %dma_start3A_67 : memref<1x32x1024xf32, #tpu.memory_space<vmem>> -> memref<32x1024xf32, #tpu.memory_space<vmem>>
    %dma_start3A_69 = arith.constant 0 : i32
    %dma_start3A_70 = tpu.memref_slice %arg7[%dma_start3A_64, %dma_start3A_69] : memref<4x32xi32, #tpu.memory_space<vmem>> -> memref<1x32xi32, #tpu.memory_space<vmem>>
    %dma_start3A_71 = tpu.memref_squeeze %dma_start3A_70 : memref<1x32xi32, #tpu.memory_space<vmem>> -> memref<32xi32, #tpu.memory_space<vmem>>
    %dma_start3A_72 = arith.constant 0 : i32
    %dma_start3A_73 = arith.constant 0 : i32
    %dma_start3A_74 = tpu.memref_slice %arg5[%dma_start3A_72, %dma_start3A_73] : memref<6144x1024xf32, #tpu.memory_space<hbm>> -> memref<6144x1024xf32, #tpu.memory_space<hbm>>
    tpu.enqueue_indirect_dma source(%dma_start3A_68 : memref<32x1024xf32, #tpu.memory_space<vmem>>) target(%dma_start3A_74 : memref<6144x1024xf32, #tpu.memory_space<hbm>>) offsets(%dma_start3A_71 : memref<32xi32, #tpu.memory_space<vmem>>) semaphore(%arg13 : memref<!tpu.dma_semaphore, #tpu.memory_space<semaphore_mem>>)
    %dma_wait3A_75 = arith.constant 0 : i32
    %dma_wait3A_76 = arith.constant 0 : i32
    %dma_wait3A_77 = arith.constant 0 : i32
    %dma_wait3A_78 = arith.constant 0 : i32
    %dma_wait3A_79 = tpu.memref_slice %arg8[%dma_wait3A_75, %dma_wait3A_77, %dma_wait3A_78] : memref<3x32x1024xf32, #tpu.memory_space<vmem>> -> memref<1x32x1024xf32, #tpu.memory_space<vmem>>
    %dma_wait3A_80 = tpu.memref_squeeze %dma_wait3A_79 : memref<1x32x1024xf32, #tpu.memory_space<vmem>> -> memref<32x1024xf32, #tpu.memory_space<vmem>>
    %dma_wait3A_81 = arith.constant 0 : i32
    %dma_wait3A_82 = tpu.memref_slice %arg7[%dma_wait3A_76, %dma_wait3A_81] : memref<4x32xi32, #tpu.memory_space<vmem>> -> memref<1x32xi32, #tpu.memory_space<vmem>>
    %dma_wait3A_83 = tpu.memref_squeeze %dma_wait3A_82 : memref<1x32xi32, #tpu.memory_space<vmem>> -> memref<32xi32, #tpu.memory_space<vmem>>
    %dma_wait3A_84 = arith.constant 0 : i32
    %dma_wait3A_85 = arith.constant 0 : i32
    %dma_wait3A_86 = tpu.memref_slice %arg5[%dma_wait3A_84, %dma_wait3A_85] : memref<6144x1024xf32, #tpu.memory_space<hbm>> -> memref<6144x1024xf32, #tpu.memory_space<hbm>>
    tpu.wait_indirect_dma semaphore(%arg12 : memref<!tpu.dma_semaphore, #tpu.memory_space<semaphore_mem>>) src(%dma_wait3A_80 : memref<32x1024xf32, #tpu.memory_space<vmem>>) dst(%dma_wait3A_86 : memref<6144x1024xf32, #tpu.memory_space<hbm>>)
    %dma_start3A_87 = arith.constant 0 : i32
    %dma_start3A_88 = arith.constant 0 : i32
    %dma_start3A_89 = arith.constant 0 : i32
    %dma_start3A_90 = tpu.memref_slice %arg8[%dma_start3A_87, %dma_start3A_88, %dma_start3A_89] : memref<3x32x1024xf32, #tpu.memory_space<vmem>> -> memref<1x32x1024xf32, #tpu.memory_space<vmem>>
    %dma_start3A_91 = tpu.memref_squeeze %dma_start3A_90 : memref<1x32x1024xf32, #tpu.memory_space<vmem>> -> memref<32x1024xf32, #tpu.memory_space<vmem>>
    %dma_start3A_92 = arith.constant 96 : i32
    %dma_start3A_93 = tpu.memref_slice %arg6[%dma_start3A_92] : memref<128xi32, #tpu.memory_space<vmem>> -> memref<32xi32, #tpu.memory_space<vmem>>
    %dma_start3A_94 = arith.constant 0 : i32
    %dma_start3A_95 = arith.constant 0 : i32
    %dma_start3A_96 = tpu.memref_slice %arg2[%dma_start3A_94, %dma_start3A_95] : memref<2048x1024xf32, #tpu.memory_space<hbm>> -> memref<2048x1024xf32, #tpu.memory_space<hbm>>
    tpu.enqueue_indirect_dma source(%dma_start3A_96 : memref<2048x1024xf32, #tpu.memory_space<hbm>>) target(%dma_start3A_91 : memref<32x1024xf32, #tpu.memory_space<vmem>>) offsets(%dma_start3A_93 : memref<32xi32, #tpu.memory_space<vmem>>) semaphore(%arg9 : memref<!tpu.dma_semaphore, #tpu.memory_space<semaphore_mem>>)
    %dma_wait3A_97 = arith.constant 2 : i32
    %dma_wait3A_98 = arith.constant 0 : i32
    %dma_wait3A_99 = arith.constant 0 : i32
    %dma_wait3A_100 = tpu.memref_slice %arg8[%dma_wait3A_97, %dma_wait3A_98, %dma_wait3A_99] : memref<3x32x1024xf32, #tpu.memory_space<vmem>> -> memref<1x32x1024xf32, #tpu.memory_space<vmem>>
    %dma_wait3A_101 = tpu.memref_squeeze %dma_wait3A_100 : memref<1x32x1024xf32, #tpu.memory_space<vmem>> -> memref<32x1024xf32, #tpu.memory_space<vmem>>
    %dma_wait3A_102 = arith.constant 64 : i32
    %dma_wait3A_103 = tpu.memref_slice %arg6[%dma_wait3A_102] : memref<128xi32, #tpu.memory_space<vmem>> -> memref<32xi32, #tpu.memory_space<vmem>>
    %dma_wait3A_104 = arith.constant 0 : i32
    %dma_wait3A_105 = arith.constant 0 : i32
    %dma_wait3A_106 = tpu.memref_slice %arg2[%dma_wait3A_104, %dma_wait3A_105] : memref<2048x1024xf32, #tpu.memory_space<hbm>> -> memref<2048x1024xf32, #tpu.memory_space<hbm>>
    tpu.wait_indirect_dma semaphore(%arg11 : memref<!tpu.dma_semaphore, #tpu.memory_space<semaphore_mem>>) src(%dma_wait3A_106 : memref<2048x1024xf32, #tpu.memory_space<hbm>>) dst(%dma_wait3A_101 : memref<32x1024xf32, #tpu.memory_space<vmem>>)
    %dma_start3A_107 = arith.constant 2 : i32
    %dma_start3A_108 = arith.constant 2 : i32
    %dma_start3A_109 = arith.constant 0 : i32
    %dma_start3A_110 = arith.constant 0 : i32
    %dma_start3A_111 = tpu.memref_slice %arg8[%dma_start3A_107, %dma_start3A_109, %dma_start3A_110] : memref<3x32x1024xf32, #tpu.memory_space<vmem>> -> memref<1x32x1024xf32, #tpu.memory_space<vmem>>
    %dma_start3A_112 = tpu.memref_squeeze %dma_start3A_111 : memref<1x32x1024xf32, #tpu.memory_space<vmem>> -> memref<32x1024xf32, #tpu.memory_space<vmem>>
    %dma_start3A_113 = arith.constant 0 : i32
    %dma_start3A_114 = tpu.memref_slice %arg7[%dma_start3A_108, %dma_start3A_113] : memref<4x32xi32, #tpu.memory_space<vmem>> -> memref<1x32xi32, #tpu.memory_space<vmem>>
    %dma_start3A_115 = tpu.memref_squeeze %dma_start3A_114 : memref<1x32xi32, #tpu.memory_space<vmem>> -> memref<32xi32, #tpu.memory_space<vmem>>
    %dma_start3A_116 = arith.constant 0 : i32
    %dma_start3A_117 = arith.constant 0 : i32
    %dma_start3A_118 = tpu.memref_slice %arg5[%dma_start3A_116, %dma_start3A_117] : memref<6144x1024xf32, #tpu.memory_space<hbm>> -> memref<6144x1024xf32, #tpu.memory_space<hbm>>
    tpu.enqueue_indirect_dma source(%dma_start3A_112 : memref<32x1024xf32, #tpu.memory_space<vmem>>) target(%dma_start3A_118 : memref<6144x1024xf32, #tpu.memory_space<hbm>>) offsets(%dma_start3A_115 : memref<32xi32, #tpu.memory_space<vmem>>) semaphore(%arg14 : memref<!tpu.dma_semaphore, #tpu.memory_space<semaphore_mem>>)
    %dma_wait3A_119 = arith.constant 0 : i32
    %dma_wait3A_120 = arith.constant 0 : i32
    %dma_wait3A_121 = arith.constant 0 : i32
    %dma_wait3A_122 = tpu.memref_slice %arg8[%dma_wait3A_119, %dma_wait3A_120, %dma_wait3A_121] : memref<3x32x1024xf32, #tpu.memory_space<vmem>> -> memref<1x32x1024xf32, #tpu.memory_space<vmem>>
    %dma_wait3A_123 = tpu.memref_squeeze %dma_wait3A_122 : memref<1x32x1024xf32, #tpu.memory_space<vmem>> -> memref<32x1024xf32, #tpu.memory_space<vmem>>
    %dma_wait3A_124 = arith.constant 96 : i32
    %dma_wait3A_125 = tpu.memref_slice %arg6[%dma_wait3A_124] : memref<128xi32, #tpu.memory_space<vmem>> -> memref<32xi32, #tpu.memory_space<vmem>>
    %dma_wait3A_126 = arith.constant 0 : i32
    %dma_wait3A_127 = arith.constant 0 : i32
    %dma_wait3A_128 = tpu.memref_slice %arg2[%dma_wait3A_126, %dma_wait3A_127] : memref<2048x1024xf32, #tpu.memory_space<hbm>> -> memref<2048x1024xf32, #tpu.memory_space<hbm>>
    tpu.wait_indirect_dma semaphore(%arg9 : memref<!tpu.dma_semaphore, #tpu.memory_space<semaphore_mem>>) src(%dma_wait3A_128 : memref<2048x1024xf32, #tpu.memory_space<hbm>>) dst(%dma_wait3A_123 : memref<32x1024xf32, #tpu.memory_space<vmem>>)
    %dma_start3A_129 = arith.constant 0 : i32
    %dma_start3A_130 = arith.constant 3 : i32
    %dma_start3A_131 = arith.constant 0 : i32
    %dma_start3A_132 = arith.constant 0 : i32
    %dma_start3A_133 = tpu.memref_slice %arg8[%dma_start3A_129, %dma_start3A_131, %dma_start3A_132] : memref<3x32x1024xf32, #tpu.memory_space<vmem>> -> memref<1x32x1024xf32, #tpu.memory_space<vmem>>
    %dma_start3A_134 = tpu.memref_squeeze %dma_start3A_133 : memref<1x32x1024xf32, #tpu.memory_space<vmem>> -> memref<32x1024xf32, #tpu.memory_space<vmem>>
    %dma_start3A_135 = arith.constant 0 : i32
    %dma_start3A_136 = tpu.memref_slice %arg7[%dma_start3A_130, %dma_start3A_135] : memref<4x32xi32, #tpu.memory_space<vmem>> -> memref<1x32xi32, #tpu.memory_space<vmem>>
    %dma_start3A_137 = tpu.memref_squeeze %dma_start3A_136 : memref<1x32xi32, #tpu.memory_space<vmem>> -> memref<32xi32, #tpu.memory_space<vmem>>
    %dma_start3A_138 = arith.constant 0 : i32
    %dma_start3A_139 = arith.constant 0 : i32
    %dma_start3A_140 = tpu.memref_slice %arg5[%dma_start3A_138, %dma_start3A_139] : memref<6144x1024xf32, #tpu.memory_space<hbm>> -> memref<6144x1024xf32, #tpu.memory_space<hbm>>
    tpu.enqueue_indirect_dma source(%dma_start3A_134 : memref<32x1024xf32, #tpu.memory_space<vmem>>) target(%dma_start3A_140 : memref<6144x1024xf32, #tpu.memory_space<hbm>>) offsets(%dma_start3A_137 : memref<32xi32, #tpu.memory_space<vmem>>) semaphore(%arg12 : memref<!tpu.dma_semaphore, #tpu.memory_space<semaphore_mem>>)
    %dma_wait3A_141 = arith.constant 1 : i32
    %dma_wait3A_142 = arith.constant 1 : i32
    %dma_wait3A_143 = arith.constant 0 : i32
    %dma_wait3A_144 = arith.constant 0 : i32
    %dma_wait3A_145 = tpu.memref_slice %arg8[%dma_wait3A_141, %dma_wait3A_143, %dma_wait3A_144] : memref<3x32x1024xf32, #tpu.memory_space<vmem>> -> memref<1x32x1024xf32, #tpu.memory_space<vmem>>
    %dma_wait3A_146 = tpu.memref_squeeze %dma_wait3A_145 : memref<1x32x1024xf32, #tpu.memory_space<vmem>> -> memref<32x1024xf32, #tpu.memory_space<vmem>>
    %dma_wait3A_147 = arith.constant 0 : i32
    %dma_wait3A_148 = tpu.memref_slice %arg7[%dma_wait3A_142, %dma_wait3A_147] : memref<4x32xi32, #tpu.memory_space<vmem>> -> memref<1x32xi32, #tpu.memory_space<vmem>>
    %dma_wait3A_149 = tpu.memref_squeeze %dma_wait3A_148 : memref<1x32xi32, #tpu.memory_space<vmem>> -> memref<32xi32, #tpu.memory_space<vmem>>
    %dma_wait3A_150 = arith.constant 0 : i32
    %dma_wait3A_151 = arith.constant 0 : i32
    %dma_wait3A_152 = tpu.memref_slice %arg5[%dma_wait3A_150, %dma_wait3A_151] : memref<6144x1024xf32, #tpu.memory_space<hbm>> -> memref<6144x1024xf32, #tpu.memory_space<hbm>>
    tpu.wait_indirect_dma semaphore(%arg13 : memref<!tpu.dma_semaphore, #tpu.memory_space<semaphore_mem>>) src(%dma_wait3A_146 : memref<32x1024xf32, #tpu.memory_space<vmem>>) dst(%dma_wait3A_152 : memref<6144x1024xf32, #tpu.memory_space<hbm>>)
    %dma_wait3A_153 = arith.constant 2 : i32
    %dma_wait3A_154 = arith.constant 2 : i32
    %dma_wait3A_155 = arith.constant 0 : i32
    %dma_wait3A_156 = arith.constant 0 : i32
    %dma_wait3A_157 = tpu.memref_slice %arg8[%dma_wait3A_153, %dma_wait3A_155, %dma_wait3A_156] : memref<3x32x1024xf32, #tpu.memory_space<vmem>> -> memref<1x32x1024xf32, #tpu.memory_space<vmem>>
    %dma_wait3A_158 = tpu.memref_squeeze %dma_wait3A_157 : memref<1x32x1024xf32, #tpu.memory_space<vmem>> -> memref<32x1024xf32, #tpu.memory_space<vmem>>
    %dma_wait3A_159 = arith.constant 0 : i32
    %dma_wait3A_160 = tpu.memref_slice %arg7[%dma_wait3A_154, %dma_wait3A_159] : memref<4x32xi32, #tpu.memory_space<vmem>> -> memref<1x32xi32, #tpu.memory_space<vmem>>
    %dma_wait3A_161 = tpu.memref_squeeze %dma_wait3A_160 : memref<1x32xi32, #tpu.memory_space<vmem>> -> memref<32xi32, #tpu.memory_space<vmem>>
    %dma_wait3A_162 = arith.constant 0 : i32
    %dma_wait3A_163 = arith.constant 0 : i32
    %dma_wait3A_164 = tpu.memref_slice %arg5[%dma_wait3A_162, %dma_wait3A_163] : memref<6144x1024xf32, #tpu.memory_space<hbm>> -> memref<6144x1024xf32, #tpu.memory_space<hbm>>
    tpu.wait_indirect_dma semaphore(%arg14 : memref<!tpu.dma_semaphore, #tpu.memory_space<semaphore_mem>>) src(%dma_wait3A_158 : memref<32x1024xf32, #tpu.memory_space<vmem>>) dst(%dma_wait3A_164 : memref<6144x1024xf32, #tpu.memory_space<hbm>>)
    %dma_wait3A_165 = arith.constant 0 : i32
    %dma_wait3A_166 = arith.constant 3 : i32
    %dma_wait3A_167 = arith.constant 0 : i32
    %dma_wait3A_168 = arith.constant 0 : i32
    %dma_wait3A_169 = tpu.memref_slice %arg8[%dma_wait3A_165, %dma_wait3A_167, %dma_wait3A_168] : memref<3x32x1024xf32, #tpu.memory_space<vmem>> -> memref<1x32x1024xf32, #tpu.memory_space<vmem>>
    %dma_wait3A_170 = tpu.memref_squeeze %dma_wait3A_169 : memref<1x32x1024xf32, #tpu.memory_space<vmem>> -> memref<32x1024xf32, #tpu.memory_space<vmem>>
    %dma_wait3A_171 = arith.constant 0 : i32
    %dma_wait3A_172 = tpu.memref_slice %arg7[%dma_wait3A_166, %dma_wait3A_171] : memref<4x32xi32, #tpu.memory_space<vmem>> -> memref<1x32xi32, #tpu.memory_space<vmem>>
    %dma_wait3A_173 = tpu.memref_squeeze %dma_wait3A_172 : memref<1x32xi32, #tpu.memory_space<vmem>> -> memref<32xi32, #tpu.memory_space<vmem>>
    %dma_wait3A_174 = arith.constant 0 : i32
    %dma_wait3A_175 = arith.constant 0 : i32
    %dma_wait3A_176 = tpu.memref_slice %arg5[%dma_wait3A_174, %dma_wait3A_175] : memref<6144x1024xf32, #tpu.memory_space<hbm>> -> memref<6144x1024xf32, #tpu.memory_space<hbm>>
    tpu.wait_indirect_dma semaphore(%arg12 : memref<!tpu.dma_semaphore, #tpu.memory_space<semaphore_mem>>) src(%dma_wait3A_170 : memref<32x1024xf32, #tpu.memory_space<vmem>>) dst(%dma_wait3A_176 : memref<6144x1024xf32, #tpu.memory_space<hbm>>)
    return
  }
}

module attributes {stable_mosaic.version = 14 : i64} {
  func.func @body(%arg0: i32, %arg1: memref<24xi32, #tpu.memory_space<smem>>, %arg2: memref<256x1024xf32, #tpu.memory_space<vmem>>, %arg3: memref<1x2048x1024xf32, #tpu.memory_space<vmem>>, %arg4: memref<256x2048xf32, #tpu.memory_space<vmem>>) attributes {dimension_semantics = [#tpu.dimension_semantics<parallel>], iteration_bounds = array<i64: 24>, scalar_prefetch = 1 : i64, scratch_operands = 0 : i64, tpu.core_type = #tpu.core_type<tc>, window_params = [{transform_indices = @transform_0, window_bounds = array<i64: 256, 1024>}, {transform_indices = @transform_1, window_bounds = array<i64: 1, 2048, 1024>}, {transform_indices = @transform_2, window_bounds = array<i64: 256, 2048>}]} {
    %get3A = arith.constant 0 : index
    %get3A_0 = arith.constant 0 : index
    %get3A_1 = vector.load %arg2[%get3A, %get3A_0] : memref<256x1024xf32, #tpu.memory_space<vmem>>, vector<256x1024xf32>
    %get3A_2 = arith.constant 0 : index
    %get3A_3 = arith.constant 0 : index
    %get3A_4 = arith.constant 0 : index
    %get3A_5 = vector.load %arg3[%get3A_2, %get3A_3, %get3A_4] : memref<1x2048x1024xf32, #tpu.memory_space<vmem>>, vector<1x2048x1024xf32>
    %get3A_6 = vector.shape_cast %get3A_5 : vector<1x2048x1024xf32> to vector<2048x1024xf32>
    %dot_general3A = arith.constant dense<0.000000e+00> : vector<256x2048xf32>
    %dot_general3A_7 = tpu.matmul %get3A_1, %get3A_6, %dot_general3A {dimension_numbers = #tpu.dot_dimension_numbers<[1], [1], [0], [0], [0, 0, 1, 0], [], []>, transpose_lhs_hint = false} : vector<256x1024xf32>, vector<2048x1024xf32>, vector<256x2048xf32> -> vector<256x2048xf32>
    %swap3A = arith.constant 0 : index
    %swap3A_8 = arith.constant 0 : index
    %swap3A_9 = vector.load %arg4[%swap3A, %swap3A_8] : memref<256x2048xf32, #tpu.memory_space<vmem>>, vector<256x2048xf32>
    tpu.vector_store %arg4[%swap3A, %swap3A_8], %dot_general3A_7 {strides = array<i32>} : memref<256x2048xf32, #tpu.memory_space<vmem>>, vector<256x2048xf32>,
    return
  }
  func.func @transform_0(%arg0: i32, %arg1: memref<24xi32, #tpu.memory_space<smem>>) -> (i32, i32) {
    %c0_i32 = arith.constant 0 : i32
    %c0_i32_0 = arith.constant 0 : i32
    return %arg0, %c0_i32 : i32, i32
  }
  func.func @transform_1(%arg0: i32, %arg1: memref<24xi32, #tpu.memory_space<smem>>) -> (i32, i32, i32) {
    %get3A = arith.index_cast %arg0 : i32 to index
    %get3A_0 = memref.load %arg1[%get3A] : memref<24xi32, #tpu.memory_space<smem>>
    %c0_i32 = arith.constant 0 : i32
    %c0_i32_1 = arith.constant 0 : i32
    %c0_i32_2 = arith.constant 0 : i32
    return %get3A_0, %c0_i32, %c0_i32_1 : i32, i32, i32
  }
  func.func @transform_2(%arg0: i32, %arg1: memref<24xi32, #tpu.memory_space<smem>>) -> (i32, i32) {
    %c0_i32 = arith.constant 0 : i32
    %c0_i32_0 = arith.constant 0 : i32
    return %arg0, %c0_i32 : i32, i32
  }
}

</mosaic_0001>

<sc_bundles>
// kernel: kernel.5.cloned.1.call-start
scs
__scs_entry_jumppad:
0x0: {  	(pc) =	sbr.rel $0x88, $3  }
0x1: {  	(tag) =	ssettag $0x0;
	lr =	simm.s32 $0x1  }
0x2: {  	[smem:$0x3F9C] =	sst lr;
	_ =	strace $0xD0000000  }
0x3: {  	_ = 	snop  }
0x4: {  	_ = 	snop  }
0x5: {  	_ = 	snop  }
0x6: {  	_ = 	snop  }
0x7: {  	_ = 	snop  }
__scs_overlays_trampoline_lowered:
0x8: {  	[smem:$0x3FAB] =	sst s0  }
0x9: {  	[smem:$0x3FAC] =	sst s1  }
0xa: {  	[smem:$0x3FAD] =	sst s2  }
0xb: {  	[smem:$0x3FAE] =	sst s3  }
0xc: {  	[smem:$0x3FAF] =	sst s4  }
0xd: {  	[smem:$0x3FB0] =	sst s5  }
0xe: {  	[smem:$0x3FB1] =	sst s6  }
0xf: {  	[smem:$0x3FB2] =	sst s7  }
0x10: {  	[smem:$0x3FB3] =	sst s8  }
0x11: {  	[smem:$0x3FB4] =	sst s9;
	s0 =	simm.s32 @!p0 $0x0  }
0x12: {  	s1 =	sld [smem:$0x3F9A];
	s0 =	simm.s32 @p0 $0x1  }
0x13: {  	[smem:$0x3FB5] =	sst s0;
	s0 =	simm.s32 @!p1 $0x0  }
0x14: {  	s2 =	sld [smem:$0x3F99];
	s0 =	simm.s32 @p1 $0x1  }
0x15: {  	[smem:$0x3FB6] =	sst s0;
	s0 =	simm.s32 @!p2 $0x0  }
0x16: {  	s3 =	sld [smem:$0x3FDB];
	s0 =	simm.s32 @p2 $0x1  }
0x17: {  	s4 =	simm.s32 $0x1BF5;
	[smem:$0x3FB8] =	sst s0  }
0x18: {  	s0 =	sld [smem:$0x3F9B];
	_ =	swait.ge [sflag:s4], $0x0  }
0x19: {  	s7 =	sld [smem:$0x3F9C]  }
0x1a: {  	s8 =	sadd.s32 $0xFFFFE003, lr  }
0x1b: {  	s9 =	sadd.s32 $0xFFFFFEF7, lr;
	s5 =	simm.s32 $0xFFFFFFFF;
	p2 =	slt.u32 s8, $0xFFFFF086  }
0x1c: {  	p1 =	slt.u32 s9, $0xF7A;
	s5 =	simm.s32 @!p2 $0x0  }
0x1d: {  	s5 =	simm.s32 @p1 $0x1;
	p0 =	seq.s32 s7, s2  }
0x1e: {  	s7 =	smul.u32 @!p0 $0xF7A, s2;
	p2 =	seq.s32 @!p0 s5, $0x0  }
0x1f: {  	s9 =	smul.u32 $0xF7A, s1;
	s8 =	simm.s32 @!p0 $0x1BF5;
	p2 =	por !p2, p0  }
0x20: {  	[sflag:s8] =	ssyncset.s32 @!p0 $0xFFFFF086;
	s6 =	sadd.s32 @!p0 s3, s7;
	s7 =	simm.s32 @!p0 $0x108  }
0x21: {  	s3 =	sadd.s32 s3, s9;
	s6 =	sadd.s32 @!p0 $0x88, s6;
	s7 =	simm.s32 @p2 $0x1082  }
0x22: {  	[simem:s7], [sflag:s8] =	dma.local @!p0 [hbm:s6], $0xF7A  }
0x23: {  	s9 =	sor.u32 $0xD0000000, s2;
	s6 =	simm.s32 $0x108;
	_ =	swait.ge @!p0 [sflag:s8], $0x0  }
0x24: {  	s3 =	sadd.s32 $0x88, s3;
	s6 =	simm.s32 @!p1 $0x1082;
	[sflag:s4] =	ssyncset.s32 $0xFFFFF086  }
0x25: {  	[simem:s6], [sflag:s4] =	dma.local [hbm:s3], $0xF7A  }
0x26: {  	[smem:$0x3F9C] =	sst s1;
	(tag) =	ssettag s2;
	_ =	strace s9  }
0x27: {  	s1 =	sld [smem:$0x3FAC]  }
0x28: {  	s2 =	sld [smem:$0x3FAD]  }
0x29: {  	s4 =	sld [smem:$0x3FAF]  }
0x2a: {  	p0 =	seq.s32 s5, $0x0;
	s5 =	sld [smem:$0x3FB0]  }
0x2b: {  	s6 =	sld [smem:$0x3FB1]  }
0x2c: {  	s7 =	sld [smem:$0x3FB2]  }
0x2d: {  	s3 =	simm.s32 $0x108;
	s8 =	sld [smem:$0x3FB3]  }
0x2e: {  	s3 =	simm.s32 @!p0 $0x1082;
	s9 =	sld [smem:$0x3FB4]  }
0x2f: {  	lr =	sadd.s32 s0, s3;
	s0 =	sld [smem:$0x3FAB]  }
0x30: {  	s3 =	sld [smem:$0x3FAE]  }
0x31: {  	[smem:$0x3FB7] =	sst s10  }
0x32: {  	s10 =	sld [smem:$0x3FB5];
	_ =	sdelay $0x3  }
0x33: {  	p0 =	seq.s32 s10, $0x1;
	s10 =	sld [smem:$0x3FB7];
	_ =	sdelay $0x3  }
0x34: {  	[smem:$0x3FB7] =	sst s10  }
0x35: {  	s10 =	sld [smem:$0x3FB6];
	_ =	sdelay $0x3  }
0x36: {  	p1 =	seq.s32 s10, $0x1;
	s10 =	sld [smem:$0x3FB7];
	_ =	sdelay $0x3  }
0x37: {  	[smem:$0x3FB7] =	sst s10  }
0x38: {  	s10 =	sld [smem:$0x3FB8]  }
0x39: {  	_ = 	snop;
	(pc) =	sbr.ind lr, $3  }
0x3a: {  	_ = 	snop  }
0x3b: {  	_ = 	snop  }
0x3c: {  	p2 =	seq.s32 s10, $0x1;
	s10 =	sld [smem:$0x3FB7]  }
0x3d: {  	_ =	shalt  }
0x3e: {  	_ =	shalt  }
0x3f: {  	_ =	shalt  }
0x40: {  	_ =	shalt  }
0x41: {  	_ =	shalt  }
0x42: {  	_ =	shalt  }
0x43: {  	_ =	shalt  }
0x44: {  	_ =	shalt  }
0x45: {  	_ =	shalt  }
0x46: {  	_ =	shalt  }
0x47: {  	_ =	shalt  }
0x48: {  	_ =	shalt  }
0x49: {  	_ =	shalt  }
0x4a: {  	_ =	shalt  }
0x4b: {  	_ =	shalt  }
0x4c: {  	_ =	shalt  }
0x4d: {  	_ =	shalt  }
0x4e: {  	_ =	shalt  }
0x4f: {  	_ =	shalt  }
0x50: {  	_ =	shalt  }
0x51: {  	_ =	shalt  }
0x52: {  	_ =	shalt  }
0x53: {  	_ =	shalt  }
0x54: {  	_ =	shalt  }
0x55: {  	_ =	shalt  }
0x56: {  	_ =	shalt  }
0x57: {  	_ =	shalt  }
0x58: {  	_ =	shalt  }
0x59: {  	_ =	shalt  }
0x5a: {  	_ =	shalt  }
0x5b: {  	_ =	shalt  }
0x5c: {  	_ =	shalt  }
0x5d: {  	_ =	shalt  }
0x5e: {  	_ =	shalt  }
0x5f: {  	_ =	shalt  }
0x60: {  	_ =	shalt  }
0x61: {  	_ =	shalt  }
0x62: {  	_ =	shalt  }
0x63: {  	_ =	shalt  }
0x64: {  	_ =	shalt  }
0x65: {  	_ =	shalt  }
0x66: {  	_ =	shalt  }
0x67: {  	_ =	shalt  }
0x68: {  	_ =	shalt  }
0x69: {  	_ =	shalt  }
0x6a: {  	_ =	shalt  }
0x6b: {  	_ =	shalt  }
0x6c: {  	_ =	shalt  }
0x6d: {  	_ =	shalt  }
0x6e: {  	_ =	shalt  }
0x6f: {  	_ =	shalt  }
0x70: {  	_ =	shalt  }
0x71: {  	_ =	shalt  }
0x72: {  	_ =	shalt  }
0x73: {  	_ =	shalt  }
0x74: {  	_ =	shalt  }
0x75: {  	_ =	shalt  }
0x76: {  	_ =	shalt  }
0x77: {  	_ =	shalt  }
0x78: {  	_ =	shalt  }
0x79: {  	_ =	shalt  }
0x7a: {  	_ =	shalt  }
0x7b: {  	_ =	shalt  }
0x7c: {  	_ =	shalt  }
0x7d: {  	_ =	shalt  }
0x7e: {  	_ =	shalt  }
0x7f: {  	_ =	shalt  }
0x80: {  	_ =	shalt  }
0x81: {  	_ =	shalt  }
0x82: {  	_ =	shalt  }
0x83: {  	_ =	shalt  }
0x84: {  	_ =	shalt  }
0x85: {  	_ =	shalt  }
0x86: {  	_ =	shalt  }
0x87: {  	_ =	shalt  }
.Lfunc_end0:
.L_simem_size_0:
called_computation_lowered:
.L_overlay_start_0:
0x88: {  	s2 =	sld [smem:$0x3FD9]  }
0x89: {  	s3 =	sld [smem:$0x3FFE];
	_ =	sdelay $0x1  }
0x8a: {  	s1 =	srdreg.scid  }
0x8b: {  	s0 =	sand.u32 $0x1, s1  }
0x8c: {  	s17 =	sshll.u32 s0, $0xA;
	s2 =	sadd.s32 s3, s2  }
0x8d: {  	s2 =	sadd.s32 s2, s17  }
0x8e: {  	[smem:$0x3FC3] =	sst s2  }
0x8f: {  	_ = 	snop  }
0x90: {  	s2 =	sld [smem:$0x3FC9]  }
0x91: {  	s18 =	sld [smem:$0x3FD0];
	(tm) =	ssettm $0x1  }
0x92: {  	s4 =	sld [smem:$0x3FFB];
	_ =	sdelay $0x3  }
0x93: {  	_ =	strace s4  }
0x94: {  	s4 =	sld [smem:$0x3FFC];
	_ =	sdelay $0x3  }
0x95: {  	_ =	strace s4  }
0x96: {  	s4 =	sld [smem:$0x3FFD];
	_ =	sdelay $0x3  }
0x97: {  	_ =	strace s4  }
0x98: {  	_ =	strace $0x8FFFFFFF  }
0x99: {  	s19 =	sld [smem:$0x3FDB];
	_ =	sdelay $0x1  }
0x9a: {  	s5 =	simm.s32 $_scs_section_size  }
0x9b: {  	s6 =	simm.s32 $_size__tile_overlayer_lowered;
	s7 =	simm.s32 $_tile_overlayer_lowered  }
0x9c: {  	s22 =	simm.s32 $0x1BFF;
	s21 =	sshll.u32 s7, $0x1;
	s4 =	sadd.s32 s5, s19  }
0x9d: {  	s8 =	simm.s32 $0x0;
	s20 =	sshll.u32 s6, $0x1;
	s6 =	sadd.s32 s21, s4  }
0x9e: {  	[timem:s8], [sflag:s22] =	dma.local [hbm:s6], s20  }
0x9f: {  	_ =	swait.ge [sflag:s22], s20  }
0xa0: {  	s5 =	ssub.s32 $0x0, s20;
	[sflag:s22] =	ssyncset.done $0x0  }
0xa1: {  	[sflag:s22] =	ssyncadd.s32 s5;
	_ =	sdelay $0x1  }
0xa2: {  	s23 =	simm.s32 $0x1B8B  }
0xa3: {  	_ =	swait.ge [sflag:s23], $0x1  }
0xa4: {  	[sflag:s23] =	ssyncset.done $0x0  }
0xa5: {  	s25 =	simm.s32 $0x1B8E;
	s24 =	sld [smem:$0x3FFE];
	[sflag:s23] =	ssyncadd.s32 $0xFFFFFFFF  }
0xa6: {  	s26 =	simm.s32 $execute0_lowered;
	[smem:$0x3FD2] =	sst s25  }
0xa7: {  	s6 =	sshll.u32 s26, $0x1;
	_ =	strace $0x80000046;
	[dreg:$0x1] =	wrdreg $0xFFFFFFFF  }
0xa8: {  	s28 =	simm.s32 $_size_execute0_lowered;
	s4 =	sadd.s32 s4, s6;
	[dreg:$0x0] =	wrdreg $0x0  }
0xa9: {  	s6 =	sshll.u32 s28, $0x1;
	[dreg:$0x2] =	wrdreg s4  }
0xaa: {  	[dreg:$0x3] =	wrdreg s6  }
0xab: {  	[dreg:$0x4] =	wrdreg $0xC0  }
0xac: {  	_ =	task [dreg:s8], $0x5FFFF  }
0xad: {  	[dreg:$0x1] =	wrdreg $0xFFFFFFFF  }
0xae: {  	[dreg:$0x0] =	wrdreg $0x60  }
0xaf: {  	[dreg:$0x2] =	wrdreg s2  }
0xb0: {  	[dreg:$0x3] =	wrdreg s24  }
0xb1: {  	[dreg:$0x4] =	wrdreg s18  }
0xb2: {  	[dreg:$0x5] =	wrdreg $0x9  }
0xb3: {  	_ =	task.clear_ibuf [dreg:s8], $0x6FFFF;
	_ =	strace $0x90000046  }
0xb4: {  	s29 =	simm.s32 $0x9;
	_ =	strace $0x80000048  }
0xb5: {  	_ =	swait.ge [sflag:s29], $0x1  }
0xb6: {  	[sflag:s29] =	ssyncadd.s32 $0xFFFFFFFF  }
0xb7: {  	_ =	strace $0x90000048  }
0xb8: {  	_ =	sfence  }
0xb9: {  	s30 =	sld [smem:$0x0];
	_ =	sdelay $0x2  }
0xba: {  	s31 =	sshll.u32 s1, $0xD;
	s1 =	sshrl.u32 s1, $0x2  }
0xbb: {  	s3 =	sand.u32 $0x4000, s31;
	s1 =	sadd.s32 s1, s30  }
0xbc: {  	s0 =	sor.u32 s3, s0;
	s1 =	sshll.u32 s1, $0x11  }
0xbd: {  	s0 =	sor.u32 s1, s0  }
0xbe: {  	s0 =	sadd.s32 $0x8F2B, s0  }
0xbf: {  	[sflag:s0] =	ssyncadd.remote.s32 $0x1  }
0xc0: {  	_ =	sfence.sel $0xFFFF  }
0xc1: {  	[dreg:$0x0] =	wrdreg $0xFFFFFFFF;
	(pc) =	sbr.abs _section_cstart, $3  }
0xc2: {  	[dreg:$0x1] =	wrdreg $0xFFFFFFFF  }
0xc3: {  	_ =	task.clear_ibuf [dreg:s8], $0x2FFFF;
	_ =	strace $0x9FFFFFFF  }
0xc4: {  	(tm) =	ssettm $0x7FFFFFFF  }
0xc5: {  	_ =	shalt  }
tec
execute0_lowered:
.L_overlay_start_1:
0x0: {  	(tag) =	ssettag $0x1  }
0x1: {  	s1 =	rddreg [dreg:$0x0]  }
0x2: {  	s0 =	rddreg [dreg:$0x1]  }
0x3: {  	s2 =	srdreg.scid;
	s3 =	stileid.u32  }
0x4: {  	s5 =	rddreg [dreg:$0x2];
	s31 =	simm.s32 $0x80;
	s2 =	sand.u32 $0x1, s2  }
0x5: {  	s4 =	sshll.u32 s3, $0x1;
	s3 =	simm.s32 $0x0;
	s9 =	sadd.s32 $0x1400, s0  }
0x6: {  	s10 =	sadd.s32 $0x1500, s0;
	s6 =	sor.u32 s2, s4;
	[smem:$0x7FF] =	sst s3  }
0x7: {  	s2 =	ssub.s32 $0x2, s2;
	s4 =	sshll.u32 s6, $0x4;
	_ =	strace $0x80000047  }
0x8: {  	s6 =	sshll.u32 s6, $0x6;
	s8 =	sshrl.u32 s2, $0x1;
	[dreg:$0x6] =	wrdreg s31  }
0x9: {  	s7 =	sadd.s32 s4, s0;
	s4 =	sadd.s32 $0x1200, s0;
	s5 =	sadd.s32 s5, s6  }
0xa: {  	v2 =	vlaneseq.u32;
	s2 =	ssub.s32 s2, s8;
	s6 =	sadd.s32 $0x200, s1;
	s8 =	sadd.s32 $0x1300, s0  }
0xb: {  	vm0 =	vmmov $0xffff;
	v1 =	vshrl.u32 v2, $0x3;
	s7 =	sadd.s32 $0x1000, s7;
	[dreg:$0x5] =	wrdreg s5;
	s5 =	sadd.s32 $0x100, s1  }
0xc: {  	v0 =	vand.u32 $0x7, v2;
	v2 =	vor.u32 $0x8, v2;
	v1 =	vmul.u32 $0x8, v1;
	s11 =	smax.u32 s2, $0x1;
	[dreg:$0x4] =	wrdreg s7;
	s7 =	sadd.s32 $0x300, s1  }
.LBB2_1:
0xd: {  	s2 =	rddreg [dreg:$0x4];
	s12 =	simm.s32 $0x7  }
0xe: {  	[tilespmem:s3], [sflag:$0x7] =	stream.linear.gather [hbm4b:s2+s3], $0x80, $0x38;
	[tilespmem:$0x18280] =	vst v63  }
0xf: {  	_ =	swait.ge [sflag:s12], $0x80  }
0x10: {  	s0 =	rddreg [dreg:$0x5];
	[sflag:s12] =	ssyncset.done $0x0  }
0x11: {  	s31 =	rddreg [dreg:$0x6];
	[sflag:s12] =	ssyncadd.s32 $0xFFFFFF80  }
0x12: {  	[tilespmem:s31], [sflag:$0x7] =	stream.linear.gather [hbm4b:s0+s3], $0x200, $0x38;
	[tilespmem:$0x18280] =	vst v63  }
0x13: {  	_ =	swait.ge [sflag:s12], $0x200  }
0x14: {  	[sflag:s12] =	ssyncset.done $0x0  }
0x15: {  	[sflag:s12] =	ssyncadd.s32 $0xFFFFFE00  }
0x16: {  	v3 =	vld [tilespmem:$0x0];
	_ =	sdelay $0x4  }
0x17: {  	v4 =	vshll.u32 v3, $0x3  }
0x18: {  	v3 =	vand.u32 $0x7, v3;
	v4 =	vand.u32 $0xFFFFFFC0, v4  }
0x19: {  	v3 =	vor.u32 v3, v4  }
0x1a: {  	v4 =	vperm.xlane v3, v0;
	_ =	sdelay $0x1  }
0x1b: {  	v4 =	vadd.s32 v1, v4;
	_ =	sdelay $0x3  }
0x1c: {  	s0 =	simm.s32 $0x280  }
0x1d: {  	[tilespmem:s0], [sflag:$0x1] =	stream.indirect_vreg.gather [hbm4b:s1+s3], $0x80, v4, vm0, $0xb8;
	[tilespmem:$0x18280] =	vst v63  }
0x1e: {  	s2 =	simm.s32 $0xA80;
	v3 =	vperm.xlane v3, v2  }
0x1f: {  	[tilespmem:s2], [sflag:$0x1] =	stream.indirect_vreg.gather [hbm4b:s5+s3], $0x80, v4, vm0, $0xb8;
	[tilespmem:$0x18280] =	vst v63  }
0x20: {  	s12 =	simm.s32 $0x1280;
	v3 =	vadd.s32 v1, v3  }
0x21: {  	[tilespmem:s12], [sflag:$0x1] =	stream.indirect_vreg.gather [hbm4b:s6+s3], $0x80, v4, vm0, $0xb8;
	[tilespmem:$0x18280] =	vst v63  }
0x22: {  	s13 =	simm.s32 $0x1A80  }
0x23: {  	[tilespmem:s13], [sflag:$0x1] =	stream.indirect_vreg.gather [hbm4b:s7+s3], $0x80, v4, vm0, $0xb8;
	[tilespmem:$0x18280] =	vst v63  }
0x24: {  	s14 =	simm.s32 $0x2280  }
0x25: {  	[tilespmem:s14], [sflag:$0x1] =	stream.indirect_vreg.gather [hbm4b:s1+s3], $0x80, v3, vm0, $0xb8;
	[tilespmem:$0x18280] =	vst v63  }
0x26: {  	s15 =	simm.s32 $0x2A80  }
0x27: {  	[tilespmem:s15], [sflag:$0x1] =	stream.indirect_vreg.gather [hbm4b:s5+s3], $0x80, v3, vm0, $0xb8;
	[tilespmem:$0x18280] =	vst v63  }
0x28: {  	s16 =	simm.s32 $0x3280  }
0x29: {  	[tilespmem:s16], [sflag:$0x1] =	stream.indirect_vreg.gather [hbm4b:s6+s3], $0x80, v3, vm0, $0xb8;
	[tilespmem:$0x18280] =	vst v63  }
0x2a: {  	s17 =	simm.s32 $0x3A80  }
0x2b: {  	[tilespmem:s17], [sflag:$0x1] =	stream.indirect_vreg.gather [hbm4b:s7+s3], $0x80, v3, vm0, $0xb8;
	[tilespmem:$0x18280] =	vst v63  }
0x2c: {  	v3 =	vld [tilespmem:$0x10];
	_ =	sdelay $0x4  }
0x2d: {  	v49 =	vshll.u32 v3, $0x3  }
0x2e: {  	v3 =	vand.u32 $0x7, v3;
	v4 =	vand.u32 $0xFFFFFFC0, v49  }
0x2f: {  	v3 =	vor.u32 v3, v4  }
0x30: {  	v4 =	vperm.xlane v3, v0;
	_ =	sdelay $0x1  }
0x31: {  	v4 =	vadd.s32 v1, v4;
	_ =	sdelay $0x3  }
0x32: {  	s18 =	simm.s32 $0x4280  }
0x33: {  	[tilespmem:s18], [sflag:$0x1] =	stream.indirect_vreg.gather [hbm4b:s1+s3], $0x80, v4, vm0, $0xb8;
	[tilespmem:$0x18280] =	vst v63  }
0x34: {  	s19 =	simm.s32 $0x4A80;
	v3 =	vperm.xlane v3, v2  }
0x35: {  	[tilespmem:s19], [sflag:$0x1] =	stream.indirect_vreg.gather [hbm4b:s5+s3], $0x80, v4, vm0, $0xb8;
	[tilespmem:$0x18280] =	vst v63  }
0x36: {  	s20 =	simm.s32 $0x5280;
	v3 =	vadd.s32 v1, v3  }
0x37: {  	[tilespmem:s20], [sflag:$0x1] =	stream.indirect_vreg.gather [hbm4b:s6+s3], $0x80, v4, vm0, $0xb8;
	[tilespmem:$0x18280] =	vst v63  }
0x38: {  	s21 =	simm.s32 $0x5A80  }
0x39: {  	[tilespmem:s21], [sflag:$0x1] =	stream.indirect_vreg.gather [hbm4b:s7+s3], $0x80, v4, vm0, $0xb8;
	[tilespmem:$0x18280] =	vst v63  }
0x3a: {  	s22 =	simm.s32 $0x6280  }
0x3b: {  	[tilespmem:s22], [sflag:$0x1] =	stream.indirect_vreg.gather [hbm4b:s1+s3], $0x80, v3, vm0, $0xb8;
	[tilespmem:$0x18280] =	vst v63  }
0x3c: {  	s23 =	simm.s32 $0x6A80  }
0x3d: {  	[tilespmem:s23], [sflag:$0x1] =	stream.indirect_vreg.gather [hbm4b:s5+s3], $0x80, v3, vm0, $0xb8;
	[tilespmem:$0x18280] =	vst v63  }
0x3e: {  	s24 =	simm.s32 $0x7280  }
0x3f: {  	[tilespmem:s24], [sflag:$0x1] =	stream.indirect_vreg.gather [hbm4b:s6+s3], $0x80, v3, vm0, $0xb8;
	[tilespmem:$0x18280] =	vst v63  }
0x40: {  	s25 =	simm.s32 $0x7A80  }
0x41: {  	[tilespmem:s25], [sflag:$0x1] =	stream.indirect_vreg.gather [hbm4b:s7+s3], $0x80, v3, vm0, $0xb8;
	[tilespmem:$0x18280] =	vst v63  }
0x42: {  	v3 =	vld [tilespmem:$0x20];
	_ =	sdelay $0x4  }
0x43: {  	v50 =	vshll.u32 v3, $0x3  }
0x44: {  	v3 =	vand.u32 $0x7, v3;
	v4 =	vand.u32 $0xFFFFFFC0, v50  }
0x45: {  	v3 =	vor.u32 v3, v4  }
0x46: {  	v4 =	vperm.xlane v3, v0;
	_ =	sdelay $0x1  }
0x47: {  	v4 =	vadd.s32 v1, v4;
	_ =	sdelay $0x3  }
0x48: {  	s25 =	simm.s32 $0x8280  }
0x49: {  	[tilespmem:s25], [sflag:$0x2] =	stream.indirect_vreg.gather [hbm4b:s1+s3], $0x80, v4, vm0, $0xb8;
	[tilespmem:$0x18280] =	vst v63  }
0x4a: {  	s31 =	simm.s32 $0x8A80;
	v3 =	vperm.xlane v3, v2  }
0x4b: {  	[tilespmem:s31], [sflag:$0x2] =	stream.indirect_vreg.gather [hbm4b:s5+s3], $0x80, v4, vm0, $0xb8;
	[tilespmem:$0x18280] =	vst v63  }
0x4c: {  	s13 =	simm.s32 $0x9280;
	v3 =	vadd.s32 v1, v3  }
0x4d: {  	[tilespmem:s13], [sflag:$0x2] =	stream.indirect_vreg.gather [hbm4b:s6+s3], $0x80, v4, vm0, $0xb8;
	[tilespmem:$0x18280] =	vst v63  }
0x4e: {  	s30 =	simm.s32 $0x9A80  }
0x4f: {  	[tilespmem:s30], [sflag:$0x2] =	stream.indirect_vreg.gather [hbm4b:s7+s3], $0x80, v4, vm0, $0xb8;
	[tilespmem:$0x18280] =	vst v63  }
0x50: {  	s24 =	simm.s32 $0xA280  }
0x51: {  	[tilespmem:s24], [sflag:$0x2] =	stream.indirect_vreg.gather [hbm4b:s1+s3], $0x80, v3, vm0, $0xb8;
	[tilespmem:$0x18280] =	vst v63  }
0x52: {  	s12 =	simm.s32 $0xAA80  }
0x53: {  	[tilespmem:s12], [sflag:$0x2] =	stream.indirect_vreg.gather [hbm4b:s5+s3], $0x80, v3, vm0, $0xb8;
	[tilespmem:$0x18280] =	vst v63  }
0x54: {  	s14 =	simm.s32 $0xB280  }
0x55: {  	[tilespmem:s14], [sflag:$0x2] =	stream.indirect_vreg.gather [hbm4b:s6+s3], $0x80, v3, vm0, $0xb8;
	[tilespmem:$0x18280] =	vst v63  }
0x56: {  	s15 =	simm.s32 $0xBA80  }
0x57: {  	[tilespmem:s15], [sflag:$0x2] =	stream.indirect_vreg.gather [hbm4b:s7+s3], $0x80, v3, vm0, $0xb8;
	[tilespmem:$0x18280] =	vst v63  }
0x58: {  	v3 =	vld [tilespmem:$0x30];
	_ =	sdelay $0x4  }
0x59: {  	v51 =	vshll.u32 v3, $0x3  }
0x5a: {  	v3 =	vand.u32 $0x7, v3;
	v4 =	vand.u32 $0xFFFFFFC0, v51  }
0x5b: {  	v3 =	vor.u32 v3, v4  }
0x5c: {  	v4 =	vperm.xlane v3, v0;
	_ =	sdelay $0x1  }
0x5d: {  	v4 =	vadd.s32 v1, v4;
	_ =	sdelay $0x3  }
0x5e: {  	s16 =	simm.s32 $0xC280  }
0x5f: {  	[tilespmem:s16], [sflag:$0x2] =	stream.indirect_vreg.gather [hbm4b:s1+s3], $0x80, v4, vm0, $0xb8;
	[tilespmem:$0x18280] =	vst v63  }
0x60: {  	s17 =	simm.s32 $0xCA80;
	v3 =	vperm.xlane v3, v2  }
0x61: {  	[tilespmem:s17], [sflag:$0x2] =	stream.indirect_vreg.gather [hbm4b:s5+s3], $0x80, v4, vm0, $0xb8;
	[tilespmem:$0x18280] =	vst v63  }
0x62: {  	s18 =	simm.s32 $0xD280;
	v3 =	vadd.s32 v1, v3  }
0x63: {  	[tilespmem:s18], [sflag:$0x2] =	stream.indirect_vreg.gather [hbm4b:s6+s3], $0x80, v4, vm0, $0xb8;
	[tilespmem:$0x18280] =	vst v63  }
0x64: {  	s19 =	simm.s32 $0xDA80  }
0x65: {  	[tilespmem:s19], [sflag:$0x2] =	stream.indirect_vreg.gather [hbm4b:s7+s3], $0x80, v4, vm0, $0xb8;
	[tilespmem:$0x18280] =	vst v63  }
0x66: {  	s20 =	simm.s32 $0xE280  }
0x67: {  	[tilespmem:s20], [sflag:$0x2] =	stream.indirect_vreg.gather [hbm4b:s1+s3], $0x80, v3, vm0, $0xb8;
	[tilespmem:$0x18280] =	vst v63  }
0x68: {  	s21 =	simm.s32 $0xEA80  }
0x69: {  	[tilespmem:s21], [sflag:$0x2] =	stream.indirect_vreg.gather [hbm4b:s5+s3], $0x80, v3, vm0, $0xb8;
	[tilespmem:$0x18280] =	vst v63  }
0x6a: {  	s22 =	simm.s32 $0xF280  }
0x6b: {  	[tilespmem:s22], [sflag:$0x2] =	stream.indirect_vreg.gather [hbm4b:s6+s3], $0x80, v3, vm0, $0xb8;
	[tilespmem:$0x18280] =	vst v63  }
0x6c: {  	s2 =	simm.s32 $0x1;
	s23 =	simm.s32 $0xFA80  }
0x6d: {  	[tilespmem:s23], [sflag:$0x2] =	stream.indirect_vreg.gather [hbm4b:s7+s3], $0x80, v3, vm0, $0xb8;
	[tilespmem:$0x18280] =	vst v63  }
0x6e: {  	_ =	swait.ge [sflag:s2], $0x8000  }
0x6f: {  	[sflag:s2] =	ssyncset.done $0x0  }
0x70: {  	[sflag:s2] =	ssyncadd.s32 $0xFFFF8000  }
0x71: {  	v3 =	vld [tilespmem:$0x80];
	_ =	sdelay $0x4  }
0x72: {  	v52 =	vshll.u32 v3, $0x3  }
0x73: {  	v3 =	vand.u32 $0x7, v3;
	v4 =	vand.u32 $0xFFFFFFC0, v52  }
0x74: {  	v3 =	vor.u32 v3, v4  }
0x75: {  	v4 =	vperm.xlane v3, v0;
	_ =	sdelay $0x1  }
0x76: {  	v4 =	vadd.s32 v1, v4;
	_ =	sdelay $0x3  }
0x77: {  	s26 =	simm.s32 $0x280  }
0x78: {  	[hbm4b:s4+s3] =	stream.indirect_vreg.scatter [tilespmem:s26], [sflag:$0x4], $0x80, v4, vm0, $0xb8;
	[tilespmem:$0x18280] =	vst v63  }
0x79: {  	s28 =	simm.s32 $0xA80;
	v3 =	vperm.xlane v3, v2  }
0x7a: {  	[hbm4b:s8+s3] =	stream.indirect_vreg.scatter [tilespmem:s28], [sflag:$0x4], $0x80, v4, vm0, $0xb8;
	[tilespmem:$0x18280] =	vst v63  }
0x7b: {  	v3 =	vadd.s32 v1, v3;
	s28 =	simm.s32 $0x1280  }
0x7c: {  	[hbm4b:s9+s3] =	stream.indirect_vreg.scatter [tilespmem:s28], [sflag:$0x4], $0x80, v4, vm0, $0xb8;
	[tilespmem:$0x18280] =	vst v63  }
0x7d: {  	s28 =	simm.s32 $0x1A80  }
0x7e: {  	[hbm4b:s10+s3] =	stream.indirect_vreg.scatter [tilespmem:s28], [sflag:$0x4], $0x80, v4, vm0, $0xb8;
	[tilespmem:$0x18280] =	vst v63  }
0x7f: {  	s28 =	simm.s32 $0x2280  }
0x80: {  	[hbm4b:s4+s3] =	stream.indirect_vreg.scatter [tilespmem:s28], [sflag:$0x4], $0x80, v3, vm0, $0xb8;
	[tilespmem:$0x18280] =	vst v63  }
0x81: {  	s28 =	simm.s32 $0x2A80  }
0x82: {  	[hbm4b:s8+s3] =	stream.indirect_vreg.scatter [tilespmem:s28], [sflag:$0x4], $0x80, v3, vm0, $0xb8;
	[tilespmem:$0x18280] =	vst v63  }
0x83: {  	s28 =	simm.s32 $0x3280  }
0x84: {  	[hbm4b:s9+s3] =	stream.indirect_vreg.scatter [tilespmem:s28], [sflag:$0x4], $0x80, v3, vm0, $0xb8;
	[tilespmem:$0x18280] =	vst v63  }
0x85: {  	s29 =	simm.s32 $0x3A80  }
0x86: {  	[hbm4b:s10+s3] =	stream.indirect_vreg.scatter [tilespmem:s29], [sflag:$0x4], $0x80, v3, vm0, $0xb8;
	[tilespmem:$0x18280] =	vst v63  }
0x87: {  	v3 =	vld [tilespmem:$0x90];
	_ =	sdelay $0x4  }
0x88: {  	v53 =	vshll.u32 v3, $0x3  }
0x89: {  	v3 =	vand.u32 $0x7, v3;
	v4 =	vand.u32 $0xFFFFFFC0, v53  }
0x8a: {  	v3 =	vor.u32 v3, v4  }
0x8b: {  	v4 =	vperm.xlane v3, v0;
	_ =	sdelay $0x1  }
0x8c: {  	v4 =	vadd.s32 v1, v4;
	_ =	sdelay $0x3  }
0x8d: {  	s28 =	simm.s32 $0x4280  }
0x8e: {  	[hbm4b:s4+s3] =	stream.indirect_vreg.scatter [tilespmem:s28], [sflag:$0x4], $0x80, v4, vm0, $0xb8;
	[tilespmem:$0x18280] =	vst v63  }
0x8f: {  	s29 =	simm.s32 $0x4A80;
	v3 =	vperm.xlane v3, v2  }
0x90: {  	[hbm4b:s8+s3] =	stream.indirect_vreg.scatter [tilespmem:s29], [sflag:$0x4], $0x80, v4, vm0, $0xb8;
	[tilespmem:$0x18280] =	vst v63  }
0x91: {  	v3 =	vadd.s32 v1, v3;
	s28 =	simm.s32 $0x5280  }
0x92: {  	[hbm4b:s9+s3] =	stream.indirect_vreg.scatter [tilespmem:s28], [sflag:$0x4], $0x80, v4, vm0, $0xb8;
	[tilespmem:$0x18280] =	vst v63  }
0x93: {  	s29 =	simm.s32 $0x5A80  }
0x94: {  	[hbm4b:s10+s3] =	stream.indirect_vreg.scatter [tilespmem:s29], [sflag:$0x4], $0x80, v4, vm0, $0xb8;
	[tilespmem:$0x18280] =	vst v63  }
0x95: {  	s28 =	simm.s32 $0x6280  }
0x96: {  	[hbm4b:s4+s3] =	stream.indirect_vreg.scatter [tilespmem:s28], [sflag:$0x4], $0x80, v3, vm0, $0xb8;
	[tilespmem:$0x18280] =	vst v63  }
0x97: {  	s29 =	simm.s32 $0x6A80  }
0x98: {  	[hbm4b:s8+s3] =	stream.indirect_vreg.scatter [tilespmem:s29], [sflag:$0x4], $0x80, v3, vm0, $0xb8;
	[tilespmem:$0x18280] =	vst v63  }
0x99: {  	s28 =	simm.s32 $0x7280  }
0x9a: {  	[hbm4b:s9+s3] =	stream.indirect_vreg.scatter [tilespmem:s28], [sflag:$0x4], $0x80, v3, vm0, $0xb8;
	[tilespmem:$0x18280] =	vst v63  }
0x9b: {  	s0 =	simm.s32 $0x7A80  }
0x9c: {  	[hbm4b:s10+s3] =	stream.indirect_vreg.scatter [tilespmem:s0], [sflag:$0x4], $0x80, v3, vm0, $0xb8;
	[tilespmem:$0x18280] =	vst v63  }
0x9d: {  	v3 =	vld [tilespmem:$0x40];
	_ =	sdelay $0x4  }
0x9e: {  	v54 =	vshll.u32 v3, $0x3  }
0x9f: {  	v3 =	vand.u32 $0x7, v3;
	v4 =	vand.u32 $0xFFFFFFC0, v54  }
0xa0: {  	v3 =	vor.u32 v3, v4  }
0xa1: {  	v4 =	vperm.xlane v3, v0;
	_ =	sdelay $0x1  }
0xa2: {  	v4 =	vadd.s32 v1, v4;
	_ =	sdelay $0x3  }
0xa3: {  	s29 =	simm.s32 $0x10280  }
0xa4: {  	[tilespmem:s29], [sflag:$0x3] =	stream.indirect_vreg.gather [hbm4b:s1+s3], $0x80, v4, vm0, $0xb8;
	[tilespmem:$0x18280] =	vst v63  }
0xa5: {  	s26 =	simm.s32 $0x10A80;
	v3 =	vperm.xlane v3, v2  }
0xa6: {  	[tilespmem:s26], [sflag:$0x3] =	stream.indirect_vreg.gather [hbm4b:s5+s3], $0x80, v4, vm0, $0xb8;
	[tilespmem:$0x18280] =	vst v63  }
0xa7: {  	s28 =	simm.s32 $0x11280;
	v3 =	vadd.s32 v1, v3  }
0xa8: {  	[tilespmem:s28], [sflag:$0x3] =	stream.indirect_vreg.gather [hbm4b:s6+s3], $0x80, v4, vm0, $0xb8;
	[tilespmem:$0x18280] =	vst v63  }
0xa9: {  	s29 =	simm.s32 $0x11A80  }
0xaa: {  	[tilespmem:s29], [sflag:$0x3] =	stream.indirect_vreg.gather [hbm4b:s7+s3], $0x80, v4, vm0, $0xb8;
	[tilespmem:$0x18280] =	vst v63  }
0xab: {  	s0 =	simm.s32 $0x12280  }
0xac: {  	[tilespmem:s0], [sflag:$0x3] =	stream.indirect_vreg.gather [hbm4b:s1+s3], $0x80, v3, vm0, $0xb8;
	[tilespmem:$0x18280] =	vst v63  }
0xad: {  	s0 =	simm.s32 $0x12A80  }
0xae: {  	[tilespmem:s0], [sflag:$0x3] =	stream.indirect_vreg.gather [hbm4b:s5+s3], $0x80, v3, vm0, $0xb8;
	[tilespmem:$0x18280] =	vst v63  }
0xaf: {  	s0 =	simm.s32 $0x13280  }
0xb0: {  	[tilespmem:s0], [sflag:$0x3] =	stream.indirect_vreg.gather [hbm4b:s6+s3], $0x80, v3, vm0, $0xb8;
	[tilespmem:$0x18280] =	vst v63  }
0xb1: {  	s0 =	simm.s32 $0x13A80  }
0xb2: {  	[tilespmem:s0], [sflag:$0x3] =	stream.indirect_vreg.gather [hbm4b:s7+s3], $0x80, v3, vm0, $0xb8;
	[tilespmem:$0x18280] =	vst v63  }
0xb3: {  	v3 =	vld [tilespmem:$0x50];
	_ =	sdelay $0x4  }
0xb4: {  	v55 =	vshll.u32 v3, $0x3  }
0xb5: {  	v3 =	vand.u32 $0x7, v3;
	v4 =	vand.u32 $0xFFFFFFC0, v55  }
0xb6: {  	v3 =	vor.u32 v3, v4  }
0xb7: {  	v4 =	vperm.xlane v3, v0;
	_ =	sdelay $0x1  }
0xb8: {  	v4 =	vadd.s32 v1, v4;
	_ =	sdelay $0x3  }
0xb9: {  	s0 =	simm.s32 $0x14280  }
0xba: {  	[tilespmem:s0], [sflag:$0x3] =	stream.indirect_vreg.gather [hbm4b:s1+s3], $0x80, v4, vm0, $0xb8;
	[tilespmem:$0x18280] =	vst v63  }
0xbb: {  	v3 =	vperm.xlane v3, v2;
	s0 =	simm.s32 $0x14A80  }
0xbc: {  	[tilespmem:s0], [sflag:$0x3] =	stream.indirect_vreg.gather [hbm4b:s5+s3], $0x80, v4, vm0, $0xb8;
	[tilespmem:$0x18280] =	vst v63  }
0xbd: {  	v3 =	vadd.s32 v1, v3;
	s0 =	simm.s32 $0x15280  }
0xbe: {  	[tilespmem:s0], [sflag:$0x3] =	stream.indirect_vreg.gather [hbm4b:s6+s3], $0x80, v4, vm0, $0xb8;
	[tilespmem:$0x18280] =	vst v63  }
0xbf: {  	s0 =	simm.s32 $0x15A80  }
0xc0: {  	[tilespmem:s0], [sflag:$0x3] =	stream.indirect_vreg.gather [hbm4b:s7+s3], $0x80, v4, vm0, $0xb8;
	[tilespmem:$0x18280] =	vst v63  }
0xc1: {  	s0 =	simm.s32 $0x16280  }
0xc2: {  	[tilespmem:s0], [sflag:$0x3] =	stream.indirect_vreg.gather [hbm4b:s1+s3], $0x80, v3, vm0, $0xb8;
	[tilespmem:$0x18280] =	vst v63  }
0xc3: {  	s0 =	simm.s32 $0x16A80  }
0xc4: {  	[tilespmem:s0], [sflag:$0x3] =	stream.indirect_vreg.gather [hbm4b:s5+s3], $0x80, v3, vm0, $0xb8;
	[tilespmem:$0x18280] =	vst v63  }
0xc5: {  	s0 =	simm.s32 $0x17280  }
0xc6: {  	[tilespmem:s0], [sflag:$0x3] =	stream.indirect_vreg.gather [hbm4b:s6+s3], $0x80, v3, vm0, $0xb8;
	[tilespmem:$0x18280] =	vst v63  }
0xc7: {  	s0 =	simm.s32 $0x17A80  }
0xc8: {  	[tilespmem:s0], [sflag:$0x3] =	stream.indirect_vreg.gather [hbm4b:s7+s3], $0x80, v3, vm0, $0xb8;
	[tilespmem:$0x18280] =	vst v63  }
0xc9: {  	s0 =	simm.s32 $0x2  }
0xca: {  	_ =	swait.ge [sflag:s0], $0x8000  }
0xcb: {  	[sflag:s0] =	ssyncset.done $0x0  }
0xcc: {  	[sflag:s0] =	ssyncadd.s32 $0xFFFF8000  }
0xcd: {  	v3 =	vld [tilespmem:$0x100];
	_ =	sdelay $0x4  }
0xce: {  	v56 =	vshll.u32 v3, $0x3  }
0xcf: {  	v3 =	vand.u32 $0x7, v3;
	v4 =	vand.u32 $0xFFFFFFC0, v56  }
0xd0: {  	v3 =	vor.u32 v3, v4  }
0xd1: {  	v4 =	vperm.xlane v3, v0;
	_ =	sdelay $0x1  }
0xd2: {  	v4 =	vadd.s32 v1, v4;
	_ =	sdelay $0x4  }
0xd3: {  	[hbm4b:s4+s3] =	stream.indirect_vreg.scatter [tilespmem:s25], [sflag:$0x5], $0x80, v4, vm0, $0xb8;
	[tilespmem:$0x18280] =	vst v63  }
0xd4: {  	v3 =	vperm.xlane v3, v2  }
0xd5: {  	[hbm4b:s8+s3] =	stream.indirect_vreg.scatter [tilespmem:s31], [sflag:$0x5], $0x80, v4, vm0, $0xb8;
	[tilespmem:$0x18280] =	vst v63  }
0xd6: {  	v3 =	vadd.s32 v1, v3  }
0xd7: {  	[hbm4b:s9+s3] =	stream.indirect_vreg.scatter [tilespmem:s13], [sflag:$0x5], $0x80, v4, vm0, $0xb8;
	[tilespmem:$0x18280] =	vst v63  }
0xd8: {  	_ = 	snop  }
0xd9: {  	[hbm4b:s10+s3] =	stream.indirect_vreg.scatter [tilespmem:s30], [sflag:$0x5], $0x80, v4, vm0, $0xb8;
	[tilespmem:$0x18280] =	vst v63  }
0xda: {  	_ = 	snop  }
0xdb: {  	[hbm4b:s4+s3] =	stream.indirect_vreg.scatter [tilespmem:s24], [sflag:$0x5], $0x80, v3, vm0, $0xb8;
	[tilespmem:$0x18280] =	vst v63  }
0xdc: {  	_ = 	snop  }
0xdd: {  	[hbm4b:s8+s3] =	stream.indirect_vreg.scatter [tilespmem:s12], [sflag:$0x5], $0x80, v3, vm0, $0xb8;
	[tilespmem:$0x18280] =	vst v63  }
0xde: {  	_ = 	snop  }
0xdf: {  	[hbm4b:s9+s3] =	stream.indirect_vreg.scatter [tilespmem:s14], [sflag:$0x5], $0x80, v3, vm0, $0xb8;
	[tilespmem:$0x18280] =	vst v63  }
0xe0: {  	_ = 	snop  }
0xe1: {  	[hbm4b:s10+s3] =	stream.indirect_vreg.scatter [tilespmem:s15], [sflag:$0x5], $0x80, v3, vm0, $0xb8;
	[tilespmem:$0x18280] =	vst v63  }
0xe2: {  	v3 =	vld [tilespmem:$0x110];
	_ =	sdelay $0x4  }
0xe3: {  	v57 =	vshll.u32 v3, $0x3  }
0xe4: {  	v3 =	vand.u32 $0x7, v3;
	v4 =	vand.u32 $0xFFFFFFC0, v57  }
0xe5: {  	v3 =	vor.u32 v3, v4  }
0xe6: {  	v4 =	vperm.xlane v3, v0;
	_ =	sdelay $0x1  }
0xe7: {  	v4 =	vadd.s32 v1, v4;
	_ =	sdelay $0x4  }
0xe8: {  	[hbm4b:s4+s3] =	stream.indirect_vreg.scatter [tilespmem:s16], [sflag:$0x5], $0x80, v4, vm0, $0xb8;
	[tilespmem:$0x18280] =	vst v63  }
0xe9: {  	v3 =	vperm.xlane v3, v2  }
0xea: {  	[hbm4b:s8+s3] =	stream.indirect_vreg.scatter [tilespmem:s17], [sflag:$0x5], $0x80, v4, vm0, $0xb8;
	[tilespmem:$0x18280] =	vst v63  }
0xeb: {  	v3 =	vadd.s32 v1, v3  }
0xec: {  	[hbm4b:s9+s3] =	stream.indirect_vreg.scatter [tilespmem:s18], [sflag:$0x5], $0x80, v4, vm0, $0xb8;
	[tilespmem:$0x18280] =	vst v63  }
0xed: {  	_ = 	snop  }
0xee: {  	[hbm4b:s10+s3] =	stream.indirect_vreg.scatter [tilespmem:s19], [sflag:$0x5], $0x80, v4, vm0, $0xb8;
	[tilespmem:$0x18280] =	vst v63  }
0xef: {  	_ = 	snop  }
0xf0: {  	[hbm4b:s4+s3] =	stream.indirect_vreg.scatter [tilespmem:s20], [sflag:$0x5], $0x80, v3, vm0, $0xb8;
	[tilespmem:$0x18280] =	vst v63  }
0xf1: {  	_ = 	snop  }
0xf2: {  	[hbm4b:s8+s3] =	stream.indirect_vreg.scatter [tilespmem:s21], [sflag:$0x5], $0x80, v3, vm0, $0xb8;
	[tilespmem:$0x18280] =	vst v63  }
0xf3: {  	_ = 	snop  }
0xf4: {  	[hbm4b:s9+s3] =	stream.indirect_vreg.scatter [tilespmem:s22], [sflag:$0x5], $0x80, v3, vm0, $0xb8;
	[tilespmem:$0x18280] =	vst v63  }
0xf5: {  	s0 =	simm.s32 $0x4  }
0xf6: {  	[hbm4b:s10+s3] =	stream.indirect_vreg.scatter [tilespmem:s23], [sflag:$0x5], $0x80, v3, vm0, $0xb8;
	[tilespmem:$0x18280] =	vst v63  }
0xf7: {  	_ =	swait.ge [sflag:s0], $0x8000  }
0xf8: {  	[sflag:s0] =	ssyncset.done $0x0  }
0xf9: {  	[sflag:s0] =	ssyncadd.s32 $0xFFFF8000  }
0xfa: {  	v3 =	vld [tilespmem:$0x60];
	_ =	sdelay $0x4  }
0xfb: {  	v58 =	vshll.u32 v3, $0x3  }
0xfc: {  	v3 =	vand.u32 $0x7, v3;
	v4 =	vand.u32 $0xFFFFFFC0, v58  }
0xfd: {  	v3 =	vor.u32 v3, v4  }
0xfe: {  	v4 =	vperm.xlane v3, v0;
	_ =	sdelay $0x1  }
0xff: {  	v4 =	vadd.s32 v1, v4;
	_ =	sdelay $0x3  }
0x100: {  	s16 =	simm.s32 $0x280  }
0x101: {  	[tilespmem:s16], [sflag:$0x1] =	stream.indirect_vreg.gather [hbm4b:s1+s3], $0x80, v4, vm0, $0xb8;
	[tilespmem:$0x18280] =	vst v63  }
0x102: {  	s17 =	simm.s32 $0xA80;
	v3 =	vperm.xlane v3, v2  }
0x103: {  	[tilespmem:s17], [sflag:$0x1] =	stream.indirect_vreg.gather [hbm4b:s5+s3], $0x80, v4, vm0, $0xb8;
	[tilespmem:$0x18280] =	vst v63  }
0x104: {  	s18 =	simm.s32 $0x1280;
	v3 =	vadd.s32 v1, v3  }
0x105: {  	[tilespmem:s18], [sflag:$0x1] =	stream.indirect_vreg.gather [hbm4b:s6+s3], $0x80, v4, vm0, $0xb8;
	[tilespmem:$0x18280] =	vst v63  }
0x106: {  	s19 =	simm.s32 $0x1A80  }
0x107: {  	[tilespmem:s19], [sflag:$0x1] =	stream.indirect_vreg.gather [hbm4b:s7+s3], $0x80, v4, vm0, $0xb8;
	[tilespmem:$0x18280] =	vst v63  }
0x108: {  	s20 =	simm.s32 $0x2280  }
0x109: {  	[tilespmem:s20], [sflag:$0x1] =	stream.indirect_vreg.gather [hbm4b:s1+s3], $0x80, v3, vm0, $0xb8;
	[tilespmem:$0x18280] =	vst v63  }
0x10a: {  	s21 =	simm.s32 $0x2A80  }
0x10b: {  	[tilespmem:s21], [sflag:$0x1] =	stream.indirect_vreg.gather [hbm4b:s5+s3], $0x80, v3, vm0, $0xb8;
	[tilespmem:$0x18280] =	vst v63  }
0x10c: {  	s22 =	simm.s32 $0x3280  }
0x10d: {  	[tilespmem:s22], [sflag:$0x1] =	stream.indirect_vreg.gather [hbm4b:s6+s3], $0x80, v3, vm0, $0xb8;
	[tilespmem:$0x18280] =	vst v63  }
0x10e: {  	s25 =	simm.s32 $0x3A80  }
0x10f: {  	[tilespmem:s25], [sflag:$0x1] =	stream.indirect_vreg.gather [hbm4b:s7+s3], $0x80, v3, vm0, $0xb8;
	[tilespmem:$0x18280] =	vst v63  }
0x110: {  	v3 =	vld [tilespmem:$0x70];
	_ =	sdelay $0x4  }
0x111: {  	v59 =	vshll.u32 v3, $0x3  }
0x112: {  	v3 =	vand.u32 $0x7, v3;
	v4 =	vand.u32 $0xFFFFFFC0, v59  }
0x113: {  	v3 =	vor.u32 v3, v4  }
0x114: {  	v4 =	vperm.xlane v3, v0;
	_ =	sdelay $0x1  }
0x115: {  	v4 =	vadd.s32 v1, v4;
	_ =	sdelay $0x3  }
0x116: {  	s30 =	simm.s32 $0x4280  }
0x117: {  	[tilespmem:s30], [sflag:$0x1] =	stream.indirect_vreg.gather [hbm4b:s1+s3], $0x80, v4, vm0, $0xb8;
	[tilespmem:$0x18280] =	vst v63  }
0x118: {  	s31 =	simm.s32 $0x4A80;
	v3 =	vperm.xlane v3, v2  }
0x119: {  	[tilespmem:s31], [sflag:$0x1] =	stream.indirect_vreg.gather [hbm4b:s5+s3], $0x80, v4, vm0, $0xb8;
	[tilespmem:$0x18280] =	vst v63  }
0x11a: {  	s18 =	simm.s32 $0x5280;
	v3 =	vadd.s32 v1, v3  }
0x11b: {  	[tilespmem:s18], [sflag:$0x1] =	stream.indirect_vreg.gather [hbm4b:s6+s3], $0x80, v4, vm0, $0xb8;
	[tilespmem:$0x18280] =	vst v63  }
0x11c: {  	s19 =	simm.s32 $0x5A80  }
0x11d: {  	[tilespmem:s19], [sflag:$0x1] =	stream.indirect_vreg.gather [hbm4b:s7+s3], $0x80, v4, vm0, $0xb8;
	[tilespmem:$0x18280] =	vst v63  }
0x11e: {  	s20 =	simm.s32 $0x6280  }
0x11f: {  	[tilespmem:s20], [sflag:$0x1] =	stream.indirect_vreg.gather [hbm4b:s1+s3], $0x80, v3, vm0, $0xb8;
	[tilespmem:$0x18280] =	vst v63  }
0x120: {  	s21 =	simm.s32 $0x6A80  }
0x121: {  	[tilespmem:s21], [sflag:$0x1] =	stream.indirect_vreg.gather [hbm4b:s5+s3], $0x80, v3, vm0, $0xb8;
	[tilespmem:$0x18280] =	vst v63  }
0x122: {  	s22 =	simm.s32 $0x7280  }
0x123: {  	[tilespmem:s22], [sflag:$0x1] =	stream.indirect_vreg.gather [hbm4b:s6+s3], $0x80, v3, vm0, $0xb8;
	[tilespmem:$0x18280] =	vst v63  }
0x124: {  	s12 =	simm.s32 $0x7A80  }
0x125: {  	[tilespmem:s12], [sflag:$0x1] =	stream.indirect_vreg.gather [hbm4b:s7+s3], $0x80, v3, vm0, $0xb8;
	[tilespmem:$0x18280] =	vst v63  }
0x126: {  	s12 =	simm.s32 $0x3  }
0x127: {  	_ =	swait.ge [sflag:s12], $0x8000  }
0x128: {  	[sflag:s12] =	ssyncset.done $0x0  }
0x129: {  	[sflag:s12] =	ssyncadd.s32 $0xFFFF8000  }
0x12a: {  	v3 =	vld [tilespmem:$0x180];
	_ =	sdelay $0x4  }
0x12b: {  	v60 =	vshll.u32 v3, $0x3  }
0x12c: {  	v3 =	vand.u32 $0x7, v3;
	v4 =	vand.u32 $0xFFFFFFC0, v60  }
0x12d: {  	v3 =	vor.u32 v3, v4  }
0x12e: {  	v4 =	vperm.xlane v3, v0;
	_ =	sdelay $0x1  }
0x12f: {  	v4 =	vadd.s32 v1, v4;
	_ =	sdelay $0x3  }
0x130: {  	s12 =	simm.s32 $0x10280  }
0x131: {  	[hbm4b:s4+s3] =	stream.indirect_vreg.scatter [tilespmem:s12], [sflag:$0x6], $0x80, v4, vm0, $0xb8;
	[tilespmem:$0x18280] =	vst v63  }
0x132: {  	v3 =	vperm.xlane v3, v2  }
0x133: {  	[hbm4b:s8+s3] =	stream.indirect_vreg.scatter [tilespmem:s26], [sflag:$0x6], $0x80, v4, vm0, $0xb8;
	[tilespmem:$0x18280] =	vst v63  }
0x134: {  	v3 =	vadd.s32 v1, v3  }
0x135: {  	[hbm4b:s9+s3] =	stream.indirect_vreg.scatter [tilespmem:s28], [sflag:$0x6], $0x80, v4, vm0, $0xb8;
	[tilespmem:$0x18280] =	vst v63  }
0x136: {  	_ = 	snop  }
0x137: {  	[hbm4b:s10+s3] =	stream.indirect_vreg.scatter [tilespmem:s29], [sflag:$0x6], $0x80, v4, vm0, $0xb8;
	[tilespmem:$0x18280] =	vst v63  }
0x138: {  	s29 =	simm.s32 $0x12280  }
0x139: {  	[hbm4b:s4+s3] =	stream.indirect_vreg.scatter [tilespmem:s29], [sflag:$0x6], $0x80, v3, vm0, $0xb8;
	[tilespmem:$0x18280] =	vst v63  }
0x13a: {  	s26 =	simm.s32 $0x12A80  }
0x13b: {  	[hbm4b:s8+s3] =	stream.indirect_vreg.scatter [tilespmem:s26], [sflag:$0x6], $0x80, v3, vm0, $0xb8;
	[tilespmem:$0x18280] =	vst v63  }
0x13c: {  	s28 =	simm.s32 $0x13280  }
0x13d: {  	[hbm4b:s9+s3] =	stream.indirect_vreg.scatter [tilespmem:s28], [sflag:$0x6], $0x80, v3, vm0, $0xb8;
	[tilespmem:$0x18280] =	vst v63  }
0x13e: {  	s29 =	simm.s32 $0x13A80  }
0x13f: {  	[hbm4b:s10+s3] =	stream.indirect_vreg.scatter [tilespmem:s29], [sflag:$0x6], $0x80, v3, vm0, $0xb8;
	[tilespmem:$0x18280] =	vst v63  }
0x140: {  	v3 =	vld [tilespmem:$0x190];
	_ =	sdelay $0x4  }
0x141: {  	v61 =	vshll.u32 v3, $0x3  }
0x142: {  	v3 =	vand.u32 $0x7, v3;
	v4 =	vand.u32 $0xFFFFFFC0, v61  }
0x143: {  	v3 =	vor.u32 v3, v4  }
0x144: {  	v4 =	vperm.xlane v3, v0;
	_ =	sdelay $0x1  }
0x145: {  	v4 =	vadd.s32 v1, v4;
	_ =	sdelay $0x3  }
0x146: {  	s26 =	simm.s32 $0x14280  }
0x147: {  	[hbm4b:s4+s3] =	stream.indirect_vreg.scatter [tilespmem:s26], [sflag:$0x6], $0x80, v4, vm0, $0xb8;
	[tilespmem:$0x18280] =	vst v63  }
0x148: {  	s28 =	simm.s32 $0x14A80;
	v3 =	vperm.xlane v3, v2  }
0x149: {  	[hbm4b:s8+s3] =	stream.indirect_vreg.scatter [tilespmem:s28], [sflag:$0x6], $0x80, v4, vm0, $0xb8;
	[tilespmem:$0x18280] =	vst v63  }
0x14a: {  	s29 =	simm.s32 $0x15280;
	v3 =	vadd.s32 v1, v3  }
0x14b: {  	[hbm4b:s9+s3] =	stream.indirect_vreg.scatter [tilespmem:s29], [sflag:$0x6], $0x80, v4, vm0, $0xb8;
	[tilespmem:$0x18280] =	vst v63  }
0x14c: {  	s26 =	simm.s32 $0x15A80  }
0x14d: {  	[hbm4b:s10+s3] =	stream.indirect_vreg.scatter [tilespmem:s26], [sflag:$0x6], $0x80, v4, vm0, $0xb8;
	[tilespmem:$0x18280] =	vst v63  }
0x14e: {  	s28 =	simm.s32 $0x16280  }
0x14f: {  	[hbm4b:s4+s3] =	stream.indirect_vreg.scatter [tilespmem:s28], [sflag:$0x6], $0x80, v3, vm0, $0xb8;
	[tilespmem:$0x18280] =	vst v63  }
0x150: {  	s29 =	simm.s32 $0x16A80  }
0x151: {  	[hbm4b:s8+s3] =	stream.indirect_vreg.scatter [tilespmem:s29], [sflag:$0x6], $0x80, v3, vm0, $0xb8;
	[tilespmem:$0x18280] =	vst v63  }
0x152: {  	s26 =	simm.s32 $0x17280  }
0x153: {  	[hbm4b:s9+s3] =	stream.indirect_vreg.scatter [tilespmem:s26], [sflag:$0x6], $0x80, v3, vm0, $0xb8;
	[tilespmem:$0x18280] =	vst v63  }
0x154: {  	s28 =	simm.s32 $0x17A80  }
0x155: {  	[hbm4b:s10+s3] =	stream.indirect_vreg.scatter [tilespmem:s28], [sflag:$0x6], $0x80, v3, vm0, $0xb8;
	[tilespmem:$0x18280] =	vst v63  }
0x156: {  	_ =	swait.ge [sflag:s2], $0x8000  }
0x157: {  	[sflag:s2] =	ssyncset.done $0x0  }
0x158: {  	[sflag:s2] =	ssyncadd.s32 $0xFFFF8000  }
0x159: {  	v3 =	vld [tilespmem:$0x200];
	_ =	sdelay $0x4  }
0x15a: {  	v62 =	vshll.u32 v3, $0x3  }
0x15b: {  	v3 =	vand.u32 $0x7, v3;
	v4 =	vand.u32 $0xFFFFFFC0, v62  }
0x15c: {  	v3 =	vor.u32 v3, v4  }
0x15d: {  	v4 =	vperm.xlane v3, v0;
	_ =	sdelay $0x1  }
0x15e: {  	v4 =	vadd.s32 v1, v4;
	_ =	sdelay $0x3  }
0x15f: {  	s23 =	simm.s32 $0x280  }
0x160: {  	[hbm4b:s4+s3] =	stream.indirect_vreg.scatter [tilespmem:s23], [sflag:$0x4], $0x80, v4, vm0, $0xb8;
	[tilespmem:$0x18280] =	vst v63  }
0x161: {  	s24 =	simm.s32 $0xA80;
	v3 =	vperm.xlane v3, v2  }
0x162: {  	[hbm4b:s8+s3] =	stream.indirect_vreg.scatter [tilespmem:s24], [sflag:$0x4], $0x80, v4, vm0, $0xb8;
	[tilespmem:$0x18280] =	vst v63  }
0x163: {  	s13 =	simm.s32 $0x1280;
	v3 =	vadd.s32 v1, v3  }
0x164: {  	[hbm4b:s9+s3] =	stream.indirect_vreg.scatter [tilespmem:s13], [sflag:$0x4], $0x80, v4, vm0, $0xb8;
	[tilespmem:$0x18280] =	vst v63  }
0x165: {  	s14 =	simm.s32 $0x1A80  }
0x166: {  	[hbm4b:s10+s3] =	stream.indirect_vreg.scatter [tilespmem:s14], [sflag:$0x4], $0x80, v4, vm0, $0xb8;
	[tilespmem:$0x18280] =	vst v63  }
0x167: {  	s15 =	simm.s32 $0x2280  }
0x168: {  	[hbm4b:s4+s3] =	stream.indirect_vreg.scatter [tilespmem:s15], [sflag:$0x4], $0x80, v3, vm0, $0xb8;
	[tilespmem:$0x18280] =	vst v63  }
0x169: {  	s16 =	simm.s32 $0x2A80  }
0x16a: {  	[hbm4b:s8+s3] =	stream.indirect_vreg.scatter [tilespmem:s16], [sflag:$0x4], $0x80, v3, vm0, $0xb8;
	[tilespmem:$0x18280] =	vst v63  }
0x16b: {  	s17 =	simm.s32 $0x3280  }
0x16c: {  	[hbm4b:s9+s3] =	stream.indirect_vreg.scatter [tilespmem:s17], [sflag:$0x4], $0x80, v3, vm0, $0xb8;
	[tilespmem:$0x18280] =	vst v63  }
0x16d: {  	s25 =	simm.s32 $0x3A80  }
0x16e: {  	[hbm4b:s10+s3] =	stream.indirect_vreg.scatter [tilespmem:s25], [sflag:$0x4], $0x80, v3, vm0, $0xb8;
	[tilespmem:$0x18280] =	vst v63  }
0x16f: {  	v3 =	vld [tilespmem:$0x210];
	_ =	sdelay $0x4  }
0x170: {  	v63 =	vshll.u32 v3, $0x3  }
0x171: {  	v3 =	vand.u32 $0x7, v3;
	v4 =	vand.u32 $0xFFFFFFC0, v63  }
0x172: {  	v3 =	vor.u32 v3, v4  }
0x173: {  	v4 =	vperm.xlane v3, v0;
	_ =	sdelay $0x1  }
0x174: {  	v4 =	vadd.s32 v1, v4;
	_ =	sdelay $0x3  }
0x175: {  	s30 =	simm.s32 $0x4280  }
0x176: {  	[hbm4b:s4+s3] =	stream.indirect_vreg.scatter [tilespmem:s30], [sflag:$0x4], $0x80, v4, vm0, $0xb8;
	[tilespmem:$0x18280] =	vst v63  }
0x177: {  	s31 =	simm.s32 $0x4A80;
	v3 =	vperm.xlane v3, v2  }
0x178: {  	[hbm4b:s8+s3] =	stream.indirect_vreg.scatter [tilespmem:s31], [sflag:$0x4], $0x80, v4, vm0, $0xb8;
	[tilespmem:$0x18280] =	vst v63  }
0x179: {  	s18 =	simm.s32 $0x5280;
	v3 =	vadd.s32 v1, v3  }
0x17a: {  	[hbm4b:s9+s3] =	stream.indirect_vreg.scatter [tilespmem:s18], [sflag:$0x4], $0x80, v4, vm0, $0xb8;
	[tilespmem:$0x18280] =	vst v63  }
0x17b: {  	s19 =	simm.s32 $0x5A80  }
0x17c: {  	[hbm4b:s10+s3] =	stream.indirect_vreg.scatter [tilespmem:s19], [sflag:$0x4], $0x80, v4, vm0, $0xb8;
	[tilespmem:$0x18280] =	vst v63  }
0x17d: {  	s20 =	simm.s32 $0x6280  }
0x17e: {  	[hbm4b:s4+s3] =	stream.indirect_vreg.scatter [tilespmem:s20], [sflag:$0x4], $0x80, v3, vm0, $0xb8;
	[tilespmem:$0x18280] =	vst v63  }
0x17f: {  	s21 =	simm.s32 $0x6A80  }
0x180: {  	[hbm4b:s8+s3] =	stream.indirect_vreg.scatter [tilespmem:s21], [sflag:$0x4], $0x80, v3, vm0, $0xb8;
	[tilespmem:$0x18280] =	vst v63  }
0x181: {  	s22 =	simm.s32 $0x7280  }
0x182: {  	[hbm4b:s9+s3] =	stream.indirect_vreg.scatter [tilespmem:s22], [sflag:$0x4], $0x80, v3, vm0, $0xb8;
	[tilespmem:$0x18280] =	vst v63  }
0x183: {  	s29 =	simm.s32 $0x7A80;
	s30 =	simm.s32 $0x5  }
0x184: {  	[hbm4b:s10+s3] =	stream.indirect_vreg.scatter [tilespmem:s29], [sflag:$0x4], $0x80, v3, vm0, $0xb8;
	[tilespmem:$0x18280] =	vst v63  }
0x185: {  	_ =	swait.ge [sflag:s30], $0x8000  }
0x186: {  	[sflag:s30] =	ssyncset.done $0x0  }
0x187: {  	s31 =	simm.s32 $0x6;
	[sflag:s30] =	ssyncadd.s32 $0xFFFF8000  }
0x188: {  	p0 =	sne.s32 s11, $0x1;
	_ =	swait.ge [sflag:s31], $0x8000  }
.Ltmp0:
0x189: {  	[sflag:s31] =	ssyncset.done $0x0;
	(pc) =	sbr.rel @p0 .LBB2_1-.Ltmp0, $4  }
0x18a: {  	[sflag:s31] =	ssyncadd.s32 $0xFFFF8000  }
0x18b: {  	_ =	swait.ge [sflag:s0], $0x8000  }
0x18c: {  	[sflag:s0] =	ssyncset.done $0x0  }
0x18d: {  	s11 =	sadd.s32 $0xFFFFFFFF, s11;
	[sflag:s0] =	ssyncadd.s32 $0xFFFF8000  }
0x18e: {  	_ =	sfence.sel $0x180000  }
0x18f: {  	[bflag:$0x0] =	sbarrier.arrive $0xFFFF  }
0x190: {  	_ =	strace $0x90000047  }
0x191: {  	s0 =	stileid.u32;
	[bflag:$0x2] =	sbarrier.arrive $0xFFFF  }
0x192: {  	p0 =	sne.s32 s0, $0x0;
	s0 =	rddreg [dreg:$0x3]  }
0x193: {  	s0 =	sadd.s32 @!p0 $0x100000, s0  }
0x194: {  	[sflag:s0] =	ssyncadd.tile.s32 @!p0 $0x1;
	_ =	shalt  }
.Lfunc_end2:
_tile_overlayer_lowered:
.L_overlay_start_2:
0x195: {  	(tag) =	ssettag $0x2  }
0x196: {  	s0 =	rddreg [dreg:$0x0];
	s2 =	stileid.u32  }
0x197: {  	s1 =	rddreg [dreg:$0x1];
	p0 =	sne.s32 s2, $0x0  }
0x198: {  	s3 =	rddreg [dreg:$0x2];
	[bflag:$0x3] =	sbarrier.arrive $0xFFFF;
	s2 =	simm.s32 @!p0 $0x1C07  }
0x199: {  	[timem:s3], [sflag:s2] =	dma.local @!p0 [hbm:s0], s1  }
0x19a: {  	s0 =	simm.s32 @!p0 $0x7  }
0x19b: {  	_ =	swait.ge @!p0 [sflag:s0], s1  }
0x19c: {  	s1 =	ssub.s32 @!p0 $0x0, s1;
	[sflag:s0] =	ssyncset.done @!p0 $0x0  }
0x19d: {  	[sflag:s0] =	ssyncadd.s32 @!p0 s1  }
0x19e: {  	[bflag:$0x3] =	sbarrier.arrive $0xFFFF  }
0x19f: {  	_ =	shalt  }

// kernel: kernel.8.cloned.1.call-start
scs
__scs_entry_jumppad:
0x0: {  	(pc) =	sbr.rel $0x88, $3  }
0x1: {  	(tag) =	ssettag $0x0;
	lr =	simm.s32 $0x1  }
0x2: {  	[smem:$0x3F9C] =	sst lr;
	_ =	strace $0xD0000000  }
0x3: {  	_ = 	snop  }
0x4: {  	_ = 	snop  }
0x5: {  	_ = 	snop  }
0x6: {  	_ = 	snop  }
0x7: {  	_ = 	snop  }
__scs_overlays_trampoline_lowered:
0x8: {  	[smem:$0x3FAB] =	sst s0  }
0x9: {  	[smem:$0x3FAC] =	sst s1  }
0xa: {  	[smem:$0x3FAD] =	sst s2  }
0xb: {  	[smem:$0x3FAE] =	sst s3  }
0xc: {  	[smem:$0x3FAF] =	sst s4  }
0xd: {  	[smem:$0x3FB0] =	sst s5  }
0xe: {  	[smem:$0x3FB1] =	sst s6  }
0xf: {  	[smem:$0x3FB2] =	sst s7  }
0x10: {  	[smem:$0x3FB3] =	sst s8  }
0x11: {  	[smem:$0x3FB4] =	sst s9;
	s0 =	simm.s32 @!p0 $0x0  }
0x12: {  	s1 =	sld [smem:$0x3F9A];
	s0 =	simm.s32 @p0 $0x1  }
0x13: {  	[smem:$0x3FB5] =	sst s0;
	s0 =	simm.s32 @!p1 $0x0  }
0x14: {  	s2 =	sld [smem:$0x3F99];
	s0 =	simm.s32 @p1 $0x1  }
0x15: {  	[smem:$0x3FB6] =	sst s0;
	s0 =	simm.s32 @!p2 $0x0  }
0x16: {  	s3 =	sld [smem:$0x3FDB];
	s0 =	simm.s32 @p2 $0x1  }
0x17: {  	s4 =	simm.s32 $0x1BF5;
	[smem:$0x3FB8] =	sst s0  }
0x18: {  	s0 =	sld [smem:$0x3F9B];
	_ =	swait.ge [sflag:s4], $0x0  }
0x19: {  	s7 =	sld [smem:$0x3F9C]  }
0x1a: {  	s8 =	sadd.s32 $0xFFFFE003, lr  }
0x1b: {  	s9 =	sadd.s32 $0xFFFFFEF7, lr;
	s5 =	simm.s32 $0xFFFFFFFF;
	p2 =	slt.u32 s8, $0xFFFFF086  }
0x1c: {  	p1 =	slt.u32 s9, $0xF7A;
	s5 =	simm.s32 @!p2 $0x0  }
0x1d: {  	s5 =	simm.s32 @p1 $0x1;
	p0 =	seq.s32 s7, s2  }
0x1e: {  	s7 =	smul.u32 @!p0 $0xF7A, s2;
	p2 =	seq.s32 @!p0 s5, $0x0  }
0x1f: {  	s9 =	smul.u32 $0xF7A, s1;
	s8 =	simm.s32 @!p0 $0x1BF5;
	p2 =	por !p2, p0  }
0x20: {  	[sflag:s8] =	ssyncset.s32 @!p0 $0xFFFFF086;
	s6 =	sadd.s32 @!p0 s3, s7;
	s7 =	simm.s32 @!p0 $0x108  }
0x21: {  	s3 =	sadd.s32 s3, s9;
	s6 =	sadd.s32 @!p0 $0x88, s6;
	s7 =	simm.s32 @p2 $0x1082  }
0x22: {  	[simem:s7], [sflag:s8] =	dma.local @!p0 [hbm:s6], $0xF7A  }
0x23: {  	s9 =	sor.u32 $0xD0000000, s2;
	s6 =	simm.s32 $0x108;
	_ =	swait.ge @!p0 [sflag:s8], $0x0  }
0x24: {  	s3 =	sadd.s32 $0x88, s3;
	s6 =	simm.s32 @!p1 $0x1082;
	[sflag:s4] =	ssyncset.s32 $0xFFFFF086  }
0x25: {  	[simem:s6], [sflag:s4] =	dma.local [hbm:s3], $0xF7A  }
0x26: {  	[smem:$0x3F9C] =	sst s1;
	(tag) =	ssettag s2;
	_ =	strace s9  }
0x27: {  	s1 =	sld [smem:$0x3FAC]  }
0x28: {  	s2 =	sld [smem:$0x3FAD]  }
0x29: {  	s4 =	sld [smem:$0x3FAF]  }
0x2a: {  	p0 =	seq.s32 s5, $0x0;
	s5 =	sld [smem:$0x3FB0]  }
0x2b: {  	s6 =	sld [smem:$0x3FB1]  }
0x2c: {  	s7 =	sld [smem:$0x3FB2]  }
0x2d: {  	s3 =	simm.s32 $0x108;
	s8 =	sld [smem:$0x3FB3]  }
0x2e: {  	s3 =	simm.s32 @!p0 $0x1082;
	s9 =	sld [smem:$0x3FB4]  }
0x2f: {  	lr =	sadd.s32 s0, s3;
	s0 =	sld [smem:$0x3FAB]  }
0x30: {  	s3 =	sld [smem:$0x3FAE]  }
0x31: {  	[smem:$0x3FB7] =	sst s10  }
0x32: {  	s10 =	sld [smem:$0x3FB5];
	_ =	sdelay $0x3  }
0x33: {  	p0 =	seq.s32 s10, $0x1;
	s10 =	sld [smem:$0x3FB7];
	_ =	sdelay $0x3  }
0x34: {  	[smem:$0x3FB7] =	sst s10  }
0x35: {  	s10 =	sld [smem:$0x3FB6];
	_ =	sdelay $0x3  }
0x36: {  	p1 =	seq.s32 s10, $0x1;
	s10 =	sld [smem:$0x3FB7];
	_ =	sdelay $0x3  }
0x37: {  	[smem:$0x3FB7] =	sst s10  }
0x38: {  	s10 =	sld [smem:$0x3FB8]  }
0x39: {  	_ = 	snop;
	(pc) =	sbr.ind lr, $3  }
0x3a: {  	_ = 	snop  }
0x3b: {  	_ = 	snop  }
0x3c: {  	p2 =	seq.s32 s10, $0x1;
	s10 =	sld [smem:$0x3FB7]  }
0x3d: {  	_ =	shalt  }
0x3e: {  	_ =	shalt  }
0x3f: {  	_ =	shalt  }
0x40: {  	_ =	shalt  }
0x41: {  	_ =	shalt  }
0x42: {  	_ =	shalt  }
0x43: {  	_ =	shalt  }
0x44: {  	_ =	shalt  }
0x45: {  	_ =	shalt  }
0x46: {  	_ =	shalt  }
0x47: {  	_ =	shalt  }
0x48: {  	_ =	shalt  }
0x49: {  	_ =	shalt  }
0x4a: {  	_ =	shalt  }
0x4b: {  	_ =	shalt  }
0x4c: {  	_ =	shalt  }
0x4d: {  	_ =	shalt  }
0x4e: {  	_ =	shalt  }
0x4f: {  	_ =	shalt  }
0x50: {  	_ =	shalt  }
0x51: {  	_ =	shalt  }
0x52: {  	_ =	shalt  }
0x53: {  	_ =	shalt  }
0x54: {  	_ =	shalt  }
0x55: {  	_ =	shalt  }
0x56: {  	_ =	shalt  }
0x57: {  	_ =	shalt  }
0x58: {  	_ =	shalt  }
0x59: {  	_ =	shalt  }
0x5a: {  	_ =	shalt  }
0x5b: {  	_ =	shalt  }
0x5c: {  	_ =	shalt  }
0x5d: {  	_ =	shalt  }
0x5e: {  	_ =	shalt  }
0x5f: {  	_ =	shalt  }
0x60: {  	_ =	shalt  }
0x61: {  	_ =	shalt  }
0x62: {  	_ =	shalt  }
0x63: {  	_ =	shalt  }
0x64: {  	_ =	shalt  }
0x65: {  	_ =	shalt  }
0x66: {  	_ =	shalt  }
0x67: {  	_ =	shalt  }
0x68: {  	_ =	shalt  }
0x69: {  	_ =	shalt  }
0x6a: {  	_ =	shalt  }
0x6b: {  	_ =	shalt  }
0x6c: {  	_ =	shalt  }
0x6d: {  	_ =	shalt  }
0x6e: {  	_ =	shalt  }
0x6f: {  	_ =	shalt  }
0x70: {  	_ =	shalt  }
0x71: {  	_ =	shalt  }
0x72: {  	_ =	shalt  }
0x73: {  	_ =	shalt  }
0x74: {  	_ =	shalt  }
0x75: {  	_ =	shalt  }
0x76: {  	_ =	shalt  }
0x77: {  	_ =	shalt  }
0x78: {  	_ =	shalt  }
0x79: {  	_ =	shalt  }
0x7a: {  	_ =	shalt  }
0x7b: {  	_ =	shalt  }
0x7c: {  	_ =	shalt  }
0x7d: {  	_ =	shalt  }
0x7e: {  	_ =	shalt  }
0x7f: {  	_ =	shalt  }
0x80: {  	_ =	shalt  }
0x81: {  	_ =	shalt  }
0x82: {  	_ =	shalt  }
0x83: {  	_ =	shalt  }
0x84: {  	_ =	shalt  }
0x85: {  	_ =	shalt  }
0x86: {  	_ =	shalt  }
0x87: {  	_ =	shalt  }
.Lfunc_end0:
.L_simem_size_0:
called_computation.1_lowered:
.L_overlay_start_0:
0x88: {  	s2 =	sld [smem:$0x3FD9]  }
0x89: {  	s3 =	sld [smem:$0x3FFE];
	_ =	sdelay $0x1  }
0x8a: {  	s1 =	srdreg.scid  }
0x8b: {  	s0 =	sand.u32 $0x1, s1  }
0x8c: {  	s17 =	sshll.u32 s0, $0xA;
	s2 =	sadd.s32 s3, s2  }
0x8d: {  	s2 =	sadd.s32 s2, s17  }
0x8e: {  	[smem:$0x3FC3] =	sst s2  }
0x8f: {  	_ = 	snop  }
0x90: {  	s2 =	sld [smem:$0x3FD0];
	(tm) =	ssettm $0x1  }
0x91: {  	s18 =	sld [smem:$0x3FFB];
	_ =	sdelay $0x3  }
0x92: {  	_ =	strace s18  }
0x93: {  	s3 =	sld [smem:$0x3FFC];
	_ =	sdelay $0x3  }
0x94: {  	_ =	strace s3  }
0x95: {  	s3 =	sld [smem:$0x3FFD];
	_ =	sdelay $0x3  }
0x96: {  	_ =	strace s3  }
0x97: {  	_ =	strace $0x8FFFFFFF  }
0x98: {  	s19 =	sld [smem:$0x3FDB];
	_ =	sdelay $0x1  }
0x99: {  	s4 =	simm.s32 $_scs_section_size  }
0x9a: {  	s5 =	simm.s32 $_size__tile_overlayer_lowered;
	s6 =	simm.s32 $_tile_overlayer_lowered  }
0x9b: {  	s22 =	simm.s32 $0x1BFF;
	s21 =	sshll.u32 s6, $0x1;
	s3 =	sadd.s32 s4, s19  }
0x9c: {  	s7 =	simm.s32 $0x0;
	s20 =	sshll.u32 s5, $0x1;
	s5 =	sadd.s32 s21, s3  }
0x9d: {  	[timem:s7], [sflag:s22] =	dma.local [hbm:s5], s20  }
0x9e: {  	_ =	swait.ge [sflag:s22], s20  }
0x9f: {  	s4 =	ssub.s32 $0x0, s20;
	[sflag:s22] =	ssyncset.done $0x0  }
0xa0: {  	[sflag:s22] =	ssyncadd.s32 s4;
	_ =	sdelay $0x1  }
0xa1: {  	s23 =	simm.s32 $0x1B8B  }
0xa2: {  	_ =	swait.ge [sflag:s23], $0x1  }
0xa3: {  	[sflag:s23] =	ssyncset.done $0x0  }
0xa4: {  	s25 =	simm.s32 $0x1B8E;
	s24 =	sld [smem:$0x3FFE];
	[sflag:s23] =	ssyncadd.s32 $0xFFFFFFFF  }
0xa5: {  	s26 =	simm.s32 $execute0_lowered;
	[smem:$0x3FD2] =	sst s25  }
0xa6: {  	s5 =	sshll.u32 s26, $0x1;
	_ =	strace $0x80000049;
	[dreg:$0x1] =	wrdreg $0xFFFFFFFF  }
0xa7: {  	s28 =	simm.s32 $_size_execute0_lowered;
	s3 =	sadd.s32 s3, s5;
	[dreg:$0x0] =	wrdreg $0x0  }
0xa8: {  	s5 =	sshll.u32 s28, $0x1;
	[dreg:$0x2] =	wrdreg s3  }
0xa9: {  	[dreg:$0x3] =	wrdreg s5  }
0xaa: {  	[dreg:$0x4] =	wrdreg $0xC0  }
0xab: {  	_ =	task [dreg:s7], $0x5FFFF  }
0xac: {  	[dreg:$0x1] =	wrdreg $0xFFFFFFFF  }
0xad: {  	[dreg:$0x0] =	wrdreg $0x60  }
0xae: {  	[dreg:$0x2] =	wrdreg s24  }
0xaf: {  	[dreg:$0x3] =	wrdreg s2  }
0xb0: {  	[dreg:$0x4] =	wrdreg $0x9  }
0xb1: {  	_ =	task.clear_ibuf [dreg:s7], $0x5FFFF;
	_ =	strace $0x90000049  }
0xb2: {  	s29 =	simm.s32 $0x9;
	_ =	strace $0x8000004B  }
0xb3: {  	_ =	swait.ge [sflag:s29], $0x1  }
0xb4: {  	[sflag:s29] =	ssyncadd.s32 $0xFFFFFFFF  }
0xb5: {  	_ =	strace $0x9000004B  }
0xb6: {  	_ =	sfence  }
0xb7: {  	s30 =	sld [smem:$0x0];
	_ =	sdelay $0x2  }
0xb8: {  	s31 =	sshll.u32 s1, $0xD;
	s1 =	sshrl.u32 s1, $0x2  }
0xb9: {  	s3 =	sand.u32 $0x4000, s31;
	s1 =	sadd.s32 s1, s30  }
0xba: {  	s0 =	sor.u32 s3, s0;
	s1 =	sshll.u32 s1, $0x11  }
0xbb: {  	s0 =	sor.u32 s1, s0  }
0xbc: {  	s0 =	sadd.s32 $0x8F2B, s0  }
0xbd: {  	[sflag:s0] =	ssyncadd.remote.s32 $0x1  }
0xbe: {  	_ =	sfence.sel $0xFFFF  }
0xbf: {  	[dreg:$0x0] =	wrdreg $0xFFFFFFFF;
	(pc) =	sbr.abs _section_cstart, $3  }
0xc0: {  	[dreg:$0x1] =	wrdreg $0xFFFFFFFF  }
0xc1: {  	_ =	task.clear_ibuf [dreg:s7], $0x2FFFF;
	_ =	strace $0x9FFFFFFF  }
0xc2: {  	(tm) =	ssettm $0x7FFFFFFF  }
0xc3: {  	_ =	shalt  }
tec
execute0_lowered:
.L_overlay_start_1:
0x0: {  	(tag) =	ssettag $0x1  }
0x1: {  	s0 =	rddreg [dreg:$0x0]  }
0x2: {  	s1 =	rddreg [dreg:$0x1]  }
0x3: {  	s3 =	srdreg.scid;
	s4 =	stileid.u32;
	s2 =	simm.s32 $0x0  }
0x4: {  	s22 =	simm.s32 $0x5;
	s14 =	simm.s32 $0x1;
	s15 =	simm.s32 $0x10100  }
0x5: {  	s16 =	simm.s32 $0x2;
	s3 =	sand.u32 $0x1, s3;
	s4 =	sshll.u32 s4, $0x1  }
0x6: {  	s17 =	simm.s32 $0x14100;
	s18 =	simm.s32 $0x3;
	s4 =	sor.u32 s3, s4  }
0x7: {  	s19 =	simm.s32 $0x4;
	s20 =	simm.s32 $0x0;
	s6 =	sshll.u32 s4, $0x4  }
0x8: {  	[smem:$0x7FF] =	sst s2;
	s4 =	sshll.u32 s4, $0xE;
	s6 =	sadd.s32 s0, s6  }
0x9: {  	_ =	strace $0x8000004A;
	s1 =	sadd.s32 s1, s4;
	[dreg:$0x3] =	wrdreg s6  }
0xa: {  	s8 =	sadd.s32 $0xC1700, s0;
	s6 =	sadd.s32 $0xC1200, s6;
	[dreg:$0x5] =	wrdreg s1  }
0xb: {  	s9 =	sadd.s32 $0xC1800, s0;
	s23 =	sadd.s32 $0x800, s1;
	[dreg:$0x4] =	wrdreg s6  }
0xc: {  	s10 =	sadd.s32 $0xC1900, s0;
	s24 =	sadd.s32 $0x1000, s1;
	[dreg:$0x6] =	wrdreg s23  }
0xd: {  	s12 =	sadd.s32 $0xC1A00, s0;
	s25 =	sadd.s32 $0x1800, s1;
	[dreg:$0x7] =	wrdreg s24  }
0xe: {  	s13 =	sadd.s32 $0xC1B00, s0;
	s26 =	sadd.s32 $0x2000, s1;
	[dreg:$0x8] =	wrdreg s25  }
0xf: {  	s5 =	ssub.s32 $0x2, s3;
	s28 =	sadd.s32 $0x2800, s1;
	[dreg:$0x9] =	wrdreg s26  }
0x10: {  	s7 =	sshrl.u32 s5, $0x1;
	s29 =	sadd.s32 $0x3000, s1;
	[dreg:$0xa] =	wrdreg s28  }
0x11: {  	v2 =	vlaneseq.u32;
	s5 =	ssub.s32 s5, s7;
	s30 =	sadd.s32 $0x3800, s1;
	[dreg:$0xb] =	wrdreg s29  }
0x12: {  	vm0 =	vmmov $0xffff;
	v1 =	vshrl.u32 v2, $0x3;
	s3 =	sadd.s32 $0xC1400, s0;
	s31 =	smax.u32 s5, $0x1;
	[dreg:$0xc] =	wrdreg s30  }
0x13: {  	v0 =	vand.u32 $0x7, v2;
	v2 =	vor.u32 $0x8, v2;
	v1 =	vmul.u32 $0x8, v1;
	s7 =	sadd.s32 $0xC1600, s0;
	s6 =	sadd.s32 $0xC1500, s0;
	[dreg:$0xd] =	wrdreg s31  }
.LBB2_1:
0x14: {  	s0 =	rddreg [dreg:$0x3]  }
0x15: {  	[tilespmem:s2], [sflag:$0x5] =	stream.linear.gather [hbm4b:s0+s2], $0x80, $0x38;
	[tilespmem:$0x18100] =	vst v63  }
0x16: {  	_ =	swait.ge [sflag:s22], $0x80  }
0x17: {  	[sflag:s22] =	ssyncset.done $0x0  }
0x18: {  	s1 =	simm.s32 $0x80;
	s25 =	rddreg [dreg:$0x4];
	[sflag:s22] =	ssyncadd.s32 $0xFFFFFF80  }
0x19: {  	[tilespmem:s1], [sflag:$0x5] =	stream.linear.gather [hbm4b:s25+s2], $0x80, $0x38;
	[tilespmem:$0x18100] =	vst v63  }
0x1a: {  	_ =	swait.ge [sflag:s22], $0x80  }
0x1b: {  	[sflag:s22] =	ssyncset.done $0x0  }
0x1c: {  	[sflag:s22] =	ssyncadd.s32 $0xFFFFFF80  }
0x1d: {  	v3 =	vld [tilespmem:$0x0];
	_ =	sdelay $0x4  }
0x1e: {  	v4 =	vshll.u32 v3, $0x4  }
0x1f: {  	v3 =	vand.u32 $0x7, v3;
	v4 =	vand.u32 $0xFFFFFF80, v4  }
0x20: {  	v3 =	vor.u32 v3, v4  }
0x21: {  	v4 =	vperm.xlane v3, v0;
	_ =	sdelay $0x1  }
0x22: {  	v4 =	vadd.s32 v1, v4;
	_ =	sdelay $0x3  }
0x23: {  	s26 =	simm.s32 $0x100  }
0x24: {  	[tilespmem:s26], [sflag:$0x1] =	stream.indirect_vreg.gather [hbm4b:s3+s2], $0x80, v4, vm0, $0xb8;
	[tilespmem:$0x18100] =	vst v63  }
0x25: {  	s1 =	simm.s32 $0x900  }
0x26: {  	[tilespmem:s1], [sflag:$0x1] =	stream.indirect_vreg.gather [hbm4b:s6+s2], $0x80, v4, vm0, $0xb8;
	[tilespmem:$0x18100] =	vst v63  }
0x27: {  	s4 =	simm.s32 $0x1100  }
0x28: {  	[tilespmem:s4], [sflag:$0x1] =	stream.indirect_vreg.gather [hbm4b:s7+s2], $0x80, v4, vm0, $0xb8;
	[tilespmem:$0x18100] =	vst v63  }
0x29: {  	s5 =	simm.s32 $0x1900  }
0x2a: {  	[tilespmem:s5], [sflag:$0x1] =	stream.indirect_vreg.gather [hbm4b:s8+s2], $0x80, v4, vm0, $0xb8;
	[tilespmem:$0x18100] =	vst v63  }
0x2b: {  	s11 =	simm.s32 $0x2100  }
0x2c: {  	[tilespmem:s11], [sflag:$0x1] =	stream.indirect_vreg.gather [hbm4b:s9+s2], $0x80, v4, vm0, $0xb8;
	[tilespmem:$0x18100] =	vst v63  }
0x2d: {  	s21 =	simm.s32 $0x2900;
	v3 =	vperm.xlane v3, v2  }
0x2e: {  	[tilespmem:s21], [sflag:$0x1] =	stream.indirect_vreg.gather [hbm4b:s10+s2], $0x80, v4, vm0, $0xb8;
	[tilespmem:$0x18100] =	vst v63  }
0x2f: {  	s23 =	simm.s32 $0x3100;
	v3 =	vadd.s32 v1, v3  }
0x30: {  	[tilespmem:s23], [sflag:$0x1] =	stream.indirect_vreg.gather [hbm4b:s12+s2], $0x80, v4, vm0, $0xb8;
	[tilespmem:$0x18100] =	vst v63  }
0x31: {  	s24 =	simm.s32 $0x3900  }
0x32: {  	[tilespmem:s24], [sflag:$0x1] =	stream.indirect_vreg.gather [hbm4b:s13+s2], $0x80, v4, vm0, $0xb8;
	[tilespmem:$0x18100] =	vst v63  }
0x33: {  	s25 =	simm.s32 $0x4100  }
0x34: {  	[tilespmem:s25], [sflag:$0x1] =	stream.indirect_vreg.gather [hbm4b:s3+s2], $0x80, v3, vm0, $0xb8;
	[tilespmem:$0x18100] =	vst v63  }
0x35: {  	s26 =	simm.s32 $0x4900  }
0x36: {  	[tilespmem:s26], [sflag:$0x1] =	stream.indirect_vreg.gather [hbm4b:s6+s2], $0x80, v3, vm0, $0xb8;
	[tilespmem:$0x18100] =	vst v63  }
0x37: {  	s1 =	simm.s32 $0x5100  }
0x38: {  	[tilespmem:s1], [sflag:$0x1] =	stream.indirect_vreg.gather [hbm4b:s7+s2], $0x80, v3, vm0, $0xb8;
	[tilespmem:$0x18100] =	vst v63  }
0x39: {  	s4 =	simm.s32 $0x5900  }
0x3a: {  	[tilespmem:s4], [sflag:$0x1] =	stream.indirect_vreg.gather [hbm4b:s8+s2], $0x80, v3, vm0, $0xb8;
	[tilespmem:$0x18100] =	vst v63  }
0x3b: {  	s5 =	simm.s32 $0x6100  }
0x3c: {  	[tilespmem:s5], [sflag:$0x1] =	stream.indirect_vreg.gather [hbm4b:s9+s2], $0x80, v3, vm0, $0xb8;
	[tilespmem:$0x18100] =	vst v63  }
0x3d: {  	s11 =	simm.s32 $0x6900  }
0x3e: {  	[tilespmem:s11], [sflag:$0x1] =	stream.indirect_vreg.gather [hbm4b:s10+s2], $0x80, v3, vm0, $0xb8;
	[tilespmem:$0x18100] =	vst v63  }
0x3f: {  	s21 =	simm.s32 $0x7100  }
0x40: {  	[tilespmem:s21], [sflag:$0x1] =	stream.indirect_vreg.gather [hbm4b:s12+s2], $0x80, v3, vm0, $0xb8;
	[tilespmem:$0x18100] =	vst v63  }
0x41: {  	s23 =	simm.s32 $0x7900  }
0x42: {  	[tilespmem:s23], [sflag:$0x1] =	stream.indirect_vreg.gather [hbm4b:s13+s2], $0x80, v3, vm0, $0xb8;
	[tilespmem:$0x18100] =	vst v63  }
0x43: {  	v3 =	vld [tilespmem:$0x10];
	_ =	sdelay $0x4  }
0x44: {  	v4 =	vshll.u32 v3, $0x4  }
0x45: {  	v3 =	vand.u32 $0x7, v3;
	v4 =	vand.u32 $0xFFFFFF80, v4  }
0x46: {  	v3 =	vor.u32 v3, v4  }
0x47: {  	v4 =	vperm.xlane v3, v0;
	_ =	sdelay $0x1  }
0x48: {  	v4 =	vadd.s32 v1, v4;
	_ =	sdelay $0x3  }
0x49: {  	s24 =	simm.s32 $0x8100  }
0x4a: {  	[tilespmem:s24], [sflag:$0x2] =	stream.indirect_vreg.gather [hbm4b:s3+s2], $0x80, v4, vm0, $0xb8;
	[tilespmem:$0x18100] =	vst v63  }
0x4b: {  	s25 =	simm.s32 $0x8900  }
0x4c: {  	[tilespmem:s25], [sflag:$0x2] =	stream.indirect_vreg.gather [hbm4b:s6+s2], $0x80, v4, vm0, $0xb8;
	[tilespmem:$0x18100] =	vst v63  }
0x4d: {  	s26 =	simm.s32 $0x9100  }
0x4e: {  	[tilespmem:s26], [sflag:$0x2] =	stream.indirect_vreg.gather [hbm4b:s7+s2], $0x80, v4, vm0, $0xb8;
	[tilespmem:$0x18100] =	vst v63  }
0x4f: {  	s1 =	simm.s32 $0x9900  }
0x50: {  	[tilespmem:s1], [sflag:$0x2] =	stream.indirect_vreg.gather [hbm4b:s8+s2], $0x80, v4, vm0, $0xb8;
	[tilespmem:$0x18100] =	vst v63  }
0x51: {  	s4 =	simm.s32 $0xA100  }
0x52: {  	[tilespmem:s4], [sflag:$0x2] =	stream.indirect_vreg.gather [hbm4b:s9+s2], $0x80, v4, vm0, $0xb8;
	[tilespmem:$0x18100] =	vst v63  }
0x53: {  	s5 =	simm.s32 $0xA900;
	v3 =	vperm.xlane v3, v2  }
0x54: {  	[tilespmem:s5], [sflag:$0x2] =	stream.indirect_vreg.gather [hbm4b:s10+s2], $0x80, v4, vm0, $0xb8;
	[tilespmem:$0x18100] =	vst v63  }
0x55: {  	s11 =	simm.s32 $0xB100;
	v3 =	vadd.s32 v1, v3  }
0x56: {  	[tilespmem:s11], [sflag:$0x2] =	stream.indirect_vreg.gather [hbm4b:s12+s2], $0x80, v4, vm0, $0xb8;
	[tilespmem:$0x18100] =	vst v63  }
0x57: {  	s21 =	simm.s32 $0xB900  }
0x58: {  	[tilespmem:s21], [sflag:$0x2] =	stream.indirect_vreg.gather [hbm4b:s13+s2], $0x80, v4, vm0, $0xb8;
	[tilespmem:$0x18100] =	vst v63  }
0x59: {  	s23 =	simm.s32 $0xC100  }
0x5a: {  	[tilespmem:s23], [sflag:$0x2] =	stream.indirect_vreg.gather [hbm4b:s3+s2], $0x80, v3, vm0, $0xb8;
	[tilespmem:$0x18100] =	vst v63  }
0x5b: {  	s24 =	simm.s32 $0xC900  }
0x5c: {  	[tilespmem:s24], [sflag:$0x2] =	stream.indirect_vreg.gather [hbm4b:s6+s2], $0x80, v3, vm0, $0xb8;
	[tilespmem:$0x18100] =	vst v63  }
0x5d: {  	s25 =	simm.s32 $0xD100  }
0x5e: {  	[tilespmem:s25], [sflag:$0x2] =	stream.indirect_vreg.gather [hbm4b:s7+s2], $0x80, v3, vm0, $0xb8;
	[tilespmem:$0x18100] =	vst v63  }
0x5f: {  	s26 =	simm.s32 $0xD900  }
0x60: {  	[tilespmem:s26], [sflag:$0x2] =	stream.indirect_vreg.gather [hbm4b:s8+s2], $0x80, v3, vm0, $0xb8;
	[tilespmem:$0x18100] =	vst v63  }
0x61: {  	s1 =	simm.s32 $0xE100  }
0x62: {  	[tilespmem:s1], [sflag:$0x2] =	stream.indirect_vreg.gather [hbm4b:s9+s2], $0x80, v3, vm0, $0xb8;
	[tilespmem:$0x18100] =	vst v63  }
0x63: {  	s4 =	simm.s32 $0xE900  }
0x64: {  	[tilespmem:s4], [sflag:$0x2] =	stream.indirect_vreg.gather [hbm4b:s10+s2], $0x80, v3, vm0, $0xb8;
	[tilespmem:$0x18100] =	vst v63  }
0x65: {  	s5 =	simm.s32 $0xF100  }
0x66: {  	[tilespmem:s5], [sflag:$0x2] =	stream.indirect_vreg.gather [hbm4b:s12+s2], $0x80, v3, vm0, $0xb8;
	[tilespmem:$0x18100] =	vst v63  }
0x67: {  	s11 =	simm.s32 $0xF900  }
0x68: {  	[tilespmem:s11], [sflag:$0x2] =	stream.indirect_vreg.gather [hbm4b:s13+s2], $0x80, v3, vm0, $0xb8;
	[tilespmem:$0x18100] =	vst v63  }
0x69: {  	_ =	swait.ge [sflag:s14], $0x8000  }
0x6a: {  	[sflag:s14] =	ssyncset.done $0x0  }
0x6b: {  	s21 =	sand.u32 $0x70, s2;
	s23 =	sand.u32 $0x3C00, s2;
	[sflag:s14] =	ssyncadd.s32 $0xFFFF8000  }
0x6c: {  	s26 =	sor.u32 s21, s23;
	v16 =	vld [tilespmem:$0x80]  }
0x6d: {  	v10 =	vld [tilespmem:s26+$0x280]  }
0x6e: {  	v9 =	vld [tilespmem:s26+$0x300]  }
0x6f: {  	v8 =	vld [tilespmem:s26+$0x380]  }
0x70: {  	v11 =	vld [tilespmem:s26+$0x100]  }
0x71: {  	v3 =	vld [tilespmem:s26+$0x180];
	v6 =	vbroadcast v16, $0x4  }
0x72: {  	s24 =	sand.u32 $0x7, s2;
	v12 =	vld [tilespmem:s26+$0x200];
	v7 =	vbroadcast v16, $0x5;
	v4 =	vbroadcast v16, $0x0  }
0x73: {  	s0 =	sshll.u32 s24, $0x4;
	v5 =	vbroadcast v16, $0x1;
	v13 =	vmul.f32 v9, v6  }
0x74: {  	s31 =	simm.s32 $0x30;
	s29 =	simm.s32 $0x3;
	s0 =	sadd.s32 $0x0, s0;
	v17 =	vld [tilespmem:s26+$0x4280];
	v14 =	vmul.f32 v8, v7;
	v8 =	vbroadcast v16, $0x2  }
0x75: {  	s30 =	simm.s32 $0x180;
	s25 =	simm.s32 $0x1;
	s0 =	sor.u32 $0x380, s0;
	v18 =	vld [tilespmem:s26+$0x4200];
	v9 =	vbroadcast v16, $0x3;
	v11 =	vmul.f32 v11, v4  }
0x76: {  	s21 =	simm.s32 $0x20;
	s23 =	sand.u32 $0x7, s29;
	s1 =	sand.u32 $0x7, s25;
	v19 =	vld [tilespmem:s26+$0x4480];
	v15 =	vmul.f32 v3, v5;
	v3 =	vbroadcast v16, $0x6  }
0x77: {  	s21 =	sand.u32 $0x70, s21;
	s1 =	sshll.u32 s1, $0x4;
	s4 =	simm.s32 $0x10;
	v24 =	vld [tilespmem:s26+$0x4400];
	v13 =	vadd.f32 v14, v13;
	v14 =	vmul.f32 v10, v9;
	v23 =	vmul.f32 v12, v8  }
0x78: {  	s28 =	sadd.s32 $0x80, s1;
	s5 =	simm.s32 $0x2;
	s11 =	simm.s32 $0x80;
	v20 =	vld [tilespmem:s26+$0x4180];
	v15 =	vadd.f32 v15, v11;
	v10 =	vbroadcast v16, $0x7;
	v11 =	vbroadcast v16, $0x8  }
0x79: {  	s4 =	sand.u32 $0x70, s4;
	s1 =	sand.u32 $0x7, s5;
	s11 =	sand.u32 $0x3C00, s11;
	v21 =	vld [tilespmem:s26+$0x4380];
	v12 =	vbroadcast v16, $0xA;
	[tilespmem:s26+$0x10200] =	vst v13;
	v13 =	vbroadcast v16, $0xB  }
0x7a: {  	s5 =	sshll.u32 s23, $0x4;
	s25 =	sor.u32 s4, s11;
	s11 =	simm.s32 $0x100;
	v22 =	vld [tilespmem:s26+$0x4300];
	v23 =	vadd.f32 v14, v23;
	[tilespmem:s26+$0x10100] =	vst v15;
	v15 =	vbroadcast v16, $0x9;
	v14 =	vbroadcast v16, $0xE  }
0x7b: {  	s23 =	sand.u32 $0x3C00, s30;
	s1 =	sshll.u32 s1, $0x4;
	s4 =	sand.u32 $0x3C00, s11;
	v25 =	vld [tilespmem:s26+$0x4100];
	v27 =	vmul.f32 v18, v12;
	v28 =	vmul.f32 v17, v13  }
0x7c: {  	s24 =	sadd.s32 $0x100, s1;
	s11 =	sor.u32 s21, s4;
	s21 =	sand.u32 $0x70, s31;
	v26 =	vld [tilespmem:s26+$0x400];
	v18 =	vbroadcast v16, $0xD;
	[tilespmem:s26+$0x10180] =	vst v23;
	v17 =	vbroadcast v16, $0xC  }
0x7d: {  	s31 =	simm.s32 $0x40;
	s4 =	sadd.s32 $0x180, s5;
	s21 =	sor.u32 s21, s23;
	v16 =	vbroadcast v16, $0xF;
	v24 =	vmul.f32 v24, v14;
	v23 =	vadd.f32 v28, v27;
	v27 =	vld [tilespmem:s0+$0x100]  }
.LBB2_2:
0x7e: {  	p0 =	sne.s32 s31, $0x7F0;
	s30 =	sadd.s32 $0x80, s30;
	s29 =	sadd.s32 $0x1, s29  }
0x7f: {  	v21 =	vmul.f32 v21, v18;
	s23 =	smov.u32 s31;
	s31 =	sadd.s32 $0x10, s31;
	s1 =	sand.u32 $0x7, s29;
	v22 =	vmul.f32 v22, v17  }
0x80: {  	s1 =	sshll.u32 s1, $0x4;
	v25 =	vmul.f32 v25, v11  }
0x81: {  	v20 =	vmul.f32 v20, v15;
	s1 =	sadd.s32 s1, s30;
	v26 =	vmul.f32 v26, v3;
	v21 =	vadd.f32 v21, v22  }
0x82: {  	v19 =	vmul.f32 v19, v16;
	s23 =	sand.u32 $0x70, s23;
	s5 =	sand.u32 $0x3C00, s30;
	v22 =	vmul.f32 v27, v10  }
0x83: {  	s5 =	sor.u32 s23, s5;
	v20 =	vadd.f32 v20, v25;
	[tilespmem:s26+$0x10400] =	vst v21  }
0x84: {  	v19 =	vadd.f32 v19, v24;
	v21 =	vadd.f32 v22, v26;
	[tilespmem:s26+$0x10380] =	vst v23  }
0x85: {  	[tilespmem:s26+$0x10300] =	vst v20  }
0x86: {  	[tilespmem:s26+$0x10280] =	vst v21;
	s26 =	smov.u32 s25;
	s25 =	smov.u32 s11;
	s11 =	smov.u32 s21  }
0x87: {  	s21 =	smov.u32 s5;
	[tilespmem:s0+$0x10100] =	vst v19  }
0x88: {  	v19 =	vld [tilespmem:s26+$0x280]  }
0x89: {  	v20 =	vld [tilespmem:s26+$0x180]  }
0x8a: {  	v21 =	vld [tilespmem:s26+$0x380]  }
0x8b: {  	v22 =	vld [tilespmem:s26+$0x300]  }
0x8c: {  	v23 =	vld [tilespmem:s26+$0x100]  }
0x8d: {  	v24 =	vld [tilespmem:s26+$0x200]  }
0x8e: {  	v25 =	vld [tilespmem:s26+$0x4280]  }
0x8f: {  	v26 =	vmul.f32 v19, v9;
	v27 =	vld [tilespmem:s26+$0x4200]  }
0x90: {  	v21 =	vmul.f32 v21, v7;
	v22 =	vmul.f32 v22, v6;
	v19 =	vld [tilespmem:s26+$0x4480]  }
0x91: {  	v28 =	vmul.f32 v20, v5;
	v23 =	vmul.f32 v23, v4;
	v29 =	vld [tilespmem:s26+$0x4400]  }
0x92: {  	v24 =	vmul.f32 v24, v8;
	v22 =	vadd.f32 v21, v22;
	v20 =	vld [tilespmem:s26+$0x4180]  }
.Ltmp0:
0x93: {  	v23 =	vadd.f32 v28, v23;
	v21 =	vld [tilespmem:s26+$0x4380];
	(pc) =	sbr.rel @p0 .LBB2_2-.Ltmp0, $4  }
0x94: {  	v28 =	vmul.f32 v25, v13;
	v24 =	vadd.f32 v26, v24;
	[tilespmem:s26+$0x10200] =	vst v22;
	v27 =	vmul.f32 v27, v12;
	v22 =	vld [tilespmem:s26+$0x4300]  }
0x95: {  	s0 =	sor.u32 $0x380, s28;
	s28 =	smov.u32 s24;
	s24 =	smov.u32 s4;
	[tilespmem:s26+$0x10100] =	vst v23;
	v25 =	vld [tilespmem:s26+$0x4100]  }
0x96: {  	s4 =	smov.u32 s1;
	[tilespmem:s26+$0x10180] =	vst v24;
	v26 =	vld [tilespmem:s26+$0x400];
	v23 =	vadd.f32 v28, v27;
	v24 =	vmul.f32 v29, v14  }
0x97: {  	v27 =	vld [tilespmem:s0+$0x100]  }
0x98: {  	_ =	sdelay $0x1  }
0x99: {  	v21 =	vmul.f32 v21, v18;
	v22 =	vmul.f32 v22, v17  }
0x9a: {  	v20 =	vmul.f32 v20, v15;
	v25 =	vmul.f32 v25, v11  }
0x9b: {  	v21 =	vadd.f32 v21, v22;
	v22 =	vmul.f32 v26, v3;
	v26 =	vmul.f32 v27, v10  }
0x9c: {  	v19 =	vmul.f32 v19, v16;
	[tilespmem:s26+$0x10380] =	vst v23;
	v20 =	vadd.f32 v20, v25  }
0x9d: {  	[tilespmem:s26+$0x10400] =	vst v21;
	v21 =	vadd.f32 v26, v22  }
0x9e: {  	v19 =	vadd.f32 v19, v24;
	[tilespmem:s26+$0x10300] =	vst v20  }
0x9f: {  	[tilespmem:s26+$0x10280] =	vst v21  }
0xa0: {  	[tilespmem:s0+$0x10100] =	vst v19  }
0xa1: {  	v19 =	vld [tilespmem:s25+$0x280]  }
0xa2: {  	v20 =	vld [tilespmem:s25+$0x180]  }
0xa3: {  	v21 =	vld [tilespmem:s25+$0x380]  }
0xa4: {  	v22 =	vld [tilespmem:s25+$0x300]  }
0xa5: {  	v23 =	vld [tilespmem:s25+$0x100]  }
0xa6: {  	v24 =	vld [tilespmem:s25+$0x200];
	_ =	sdelay $0x1  }
0xa7: {  	v25 =	vld [tilespmem:s25+$0x4280]  }
0xa8: {  	v26 =	vld [tilespmem:s25+$0x4200];
	v22 =	vmul.f32 v22, v6;
	v21 =	vmul.f32 v21, v7  }
0xa9: {  	v27 =	vld [tilespmem:s25+$0x4480];
	v23 =	vmul.f32 v23, v4;
	v20 =	vmul.f32 v20, v5  }
0xaa: {  	v29 =	vld [tilespmem:s25+$0x4380];
	v19 =	vmul.f32 v19, v9;
	v24 =	vmul.f32 v24, v8;
	v21 =	vadd.f32 v21, v22  }
0xab: {  	v22 =	vld [tilespmem:s25+$0x4180];
	v20 =	vadd.f32 v20, v23  }
0xac: {  	v19 =	vadd.f32 v19, v24;
	[tilespmem:s25+$0x10200] =	vst v21;
	v21 =	vld [tilespmem:s25+$0x4300]  }
0xad: {  	[tilespmem:s25+$0x10100] =	vst v20;
	v20 =	vld [tilespmem:s25+$0x4100]  }
0xae: {  	s1 =	sor.u32 $0x380, s28;
	[tilespmem:s25+$0x10180] =	vst v19;
	v19 =	vld [tilespmem:s25+$0x400]  }
0xaf: {  	v23 =	vld [tilespmem:s1+$0x100]  }
0xb0: {  	v28 =	vld [tilespmem:s25+$0x4400]  }
0xb1: {  	v24 =	vmul.f32 v29, v18;
	v21 =	vmul.f32 v21, v17  }
0xb2: {  	v26 =	vmul.f32 v26, v12;
	v25 =	vmul.f32 v25, v13  }
0xb3: {  	v22 =	vmul.f32 v22, v15;
	v20 =	vmul.f32 v20, v11;
	v21 =	vadd.f32 v24, v21  }
0xb4: {  	v19 =	vmul.f32 v19, v3;
	v23 =	vmul.f32 v23, v10;
	v24 =	vadd.f32 v25, v26  }
0xb5: {  	v25 =	vmul.f32 v28, v14;
	v26 =	vmul.f32 v27, v16;
	v20 =	vadd.f32 v22, v20;
	[tilespmem:s25+$0x10400] =	vst v21  }
0xb6: {  	v19 =	vadd.f32 v23, v19;
	[tilespmem:s25+$0x10380] =	vst v24  }
0xb7: {  	v21 =	vadd.f32 v26, v25;
	[tilespmem:s25+$0x10300] =	vst v20  }
0xb8: {  	[tilespmem:s25+$0x10280] =	vst v19  }
0xb9: {  	[tilespmem:s1+$0x10100] =	vst v21  }
0xba: {  	v20 =	vld [tilespmem:s11+$0x180]  }
0xbb: {  	v21 =	vld [tilespmem:s11+$0x380]  }
0xbc: {  	v22 =	vld [tilespmem:s11+$0x300]  }
0xbd: {  	v23 =	vld [tilespmem:s11+$0x100]  }
0xbe: {  	v19 =	vld [tilespmem:s11+$0x280]  }
0xbf: {  	v24 =	vld [tilespmem:s11+$0x200];
	_ =	sdelay $0x1  }
0xc0: {  	v25 =	vld [tilespmem:s11+$0x4280];
	v22 =	vmul.f32 v22, v6;
	v21 =	vmul.f32 v21, v7  }
0xc1: {  	v26 =	vld [tilespmem:s11+$0x4200];
	v23 =	vmul.f32 v23, v4;
	v20 =	vmul.f32 v20, v5  }
0xc2: {  	v27 =	vld [tilespmem:s11+$0x4480];
	v19 =	vmul.f32 v19, v9  }
0xc3: {  	v29 =	vld [tilespmem:s11+$0x4380];
	v21 =	vadd.f32 v21, v22;
	v20 =	vadd.f32 v20, v23;
	v23 =	vmul.f32 v24, v8  }
0xc4: {  	v22 =	vld [tilespmem:s11+$0x4180]  }
0xc5: {  	[tilespmem:s11+$0x10200] =	vst v21;
	v21 =	vld [tilespmem:s11+$0x4300];
	v19 =	vadd.f32 v19, v23  }
0xc6: {  	[tilespmem:s11+$0x10100] =	vst v20;
	v20 =	vld [tilespmem:s11+$0x4100]  }
0xc7: {  	s5 =	sor.u32 $0x380, s24;
	[tilespmem:s11+$0x10180] =	vst v19;
	v19 =	vld [tilespmem:s11+$0x400]  }
0xc8: {  	v23 =	vld [tilespmem:s5+$0x100]  }
0xc9: {  	v28 =	vld [tilespmem:s11+$0x4400]  }
0xca: {  	v24 =	vmul.f32 v29, v18;
	v21 =	vmul.f32 v21, v17  }
0xcb: {  	v26 =	vmul.f32 v26, v12;
	v25 =	vmul.f32 v25, v13  }
0xcc: {  	v22 =	vmul.f32 v22, v15;
	v20 =	vmul.f32 v20, v11;
	v21 =	vadd.f32 v24, v21  }
0xcd: {  	v24 =	vadd.f32 v25, v26;
	v19 =	vmul.f32 v19, v3;
	v23 =	vmul.f32 v23, v10  }
0xce: {  	v25 =	vmul.f32 v28, v14;
	v26 =	vmul.f32 v27, v16;
	v20 =	vadd.f32 v22, v20;
	[tilespmem:s11+$0x10400] =	vst v21  }
0xcf: {  	[tilespmem:s11+$0x10380] =	vst v24;
	v19 =	vadd.f32 v23, v19  }
0xd0: {  	v21 =	vadd.f32 v26, v25;
	[tilespmem:s11+$0x10300] =	vst v20  }
0xd1: {  	[tilespmem:s11+$0x10280] =	vst v19  }
0xd2: {  	[tilespmem:s5+$0x10100] =	vst v21  }
0xd3: {  	v19 =	vld [tilespmem:s21+$0x280]  }
0xd4: {  	v20 =	vld [tilespmem:s21+$0x180]  }
0xd5: {  	v21 =	vld [tilespmem:s21+$0x380]  }
0xd6: {  	v22 =	vld [tilespmem:s21+$0x300]  }
0xd7: {  	v23 =	vld [tilespmem:s21+$0x100]  }
0xd8: {  	v24 =	vld [tilespmem:s21+$0x200];
	_ =	sdelay $0x1  }
0xd9: {  	v25 =	vld [tilespmem:s21+$0x4280]  }
0xda: {  	v26 =	vld [tilespmem:s21+$0x4200];
	v6 =	vmul.f32 v22, v6;
	v7 =	vmul.f32 v21, v7  }
0xdb: {  	v21 =	vld [tilespmem:s21+$0x4480];
	v4 =	vmul.f32 v23, v4;
	v5 =	vmul.f32 v20, v5  }
0xdc: {  	v20 =	vld [tilespmem:s21+$0x4380];
	v9 =	vmul.f32 v19, v9;
	v8 =	vmul.f32 v24, v8;
	v6 =	vadd.f32 v7, v6  }
0xdd: {  	v7 =	vld [tilespmem:s21+$0x4180];
	v4 =	vadd.f32 v5, v4  }
0xde: {  	v5 =	vld [tilespmem:s21+$0x4300];
	[tilespmem:s21+$0x10200] =	vst v6;
	v6 =	vadd.f32 v9, v8  }
0xdf: {  	[tilespmem:s21+$0x10100] =	vst v4;
	v4 =	vld [tilespmem:s21+$0x4100]  }
0xe0: {  	s23 =	sor.u32 $0x380, s4;
	[tilespmem:s21+$0x10180] =	vst v6;
	v6 =	vld [tilespmem:s21+$0x400]  }
0xe1: {  	v8 =	vld [tilespmem:s23+$0x100]  }
0xe2: {  	v22 =	vld [tilespmem:s21+$0x4400]  }
0xe3: {  	v9 =	vmul.f32 v20, v18;
	v5 =	vmul.f32 v5, v17  }
0xe4: {  	v12 =	vmul.f32 v26, v12;
	v13 =	vmul.f32 v25, v13  }
0xe5: {  	v7 =	vmul.f32 v7, v15;
	v4 =	vmul.f32 v4, v11;
	v5 =	vadd.f32 v9, v5  }
0xe6: {  	v9 =	vadd.f32 v13, v12;
	v3 =	vmul.f32 v6, v3;
	v6 =	vmul.f32 v8, v10  }
0xe7: {  	v4 =	vadd.f32 v7, v4;
	[tilespmem:s21+$0x10400] =	vst v5;
	v8 =	vmul.f32 v22, v14;
	v10 =	vmul.f32 v21, v16  }
0xe8: {  	[tilespmem:s21+$0x10380] =	vst v9;
	v3 =	vadd.f32 v6, v3  }
0xe9: {  	[tilespmem:s21+$0x10300] =	vst v4;
	v5 =	vadd.f32 v10, v8  }
0xea: {  	[tilespmem:s21+$0x10280] =	vst v3  }
0xeb: {  	s0 =	simm.s32 $0x0;
	s1 =	rddreg [dreg:$0x5];
	[tilespmem:s23+$0x10100] =	vst v5  }
0xec: {  	[hbm4b:s1+s0] =	stream.linear.scatter [tilespmem:s15], [sflag:$0x3], $0x4000, $0x38;
	[tilespmem:$0x18100] =	vst v63  }
0xed: {  	v3 =	vld [tilespmem:$0x20];
	_ =	sdelay $0x4  }
0xee: {  	v4 =	vshll.u32 v3, $0x4  }
0xef: {  	v3 =	vand.u32 $0x7, v3;
	v4 =	vand.u32 $0xFFFFFF80, v4  }
0xf0: {  	v3 =	vor.u32 v3, v4  }
0xf1: {  	v4 =	vperm.xlane v3, v0;
	_ =	sdelay $0x1  }
0xf2: {  	v4 =	vadd.s32 v1, v4;
	_ =	sdelay $0x3  }
0xf3: {  	s24 =	simm.s32 $0x100  }
0xf4: {  	[tilespmem:s24], [sflag:$0x1] =	stream.indirect_vreg.gather [hbm4b:s3+s0], $0x80, v4, vm0, $0xb8;
	[tilespmem:$0x18100] =	vst v63  }
0xf5: {  	s25 =	simm.s32 $0x900  }
0xf6: {  	[tilespmem:s25], [sflag:$0x1] =	stream.indirect_vreg.gather [hbm4b:s6+s0], $0x80, v4, vm0, $0xb8;
	[tilespmem:$0x18100] =	vst v63  }
0xf7: {  	s26 =	simm.s32 $0x1100  }
0xf8: {  	[tilespmem:s26], [sflag:$0x1] =	stream.indirect_vreg.gather [hbm4b:s7+s0], $0x80, v4, vm0, $0xb8;
	[tilespmem:$0x18100] =	vst v63  }
0xf9: {  	s28 =	simm.s32 $0x1900  }
0xfa: {  	[tilespmem:s28], [sflag:$0x1] =	stream.indirect_vreg.gather [hbm4b:s8+s0], $0x80, v4, vm0, $0xb8;
	[tilespmem:$0x18100] =	vst v63  }
0xfb: {  	s29 =	simm.s32 $0x2100  }
0xfc: {  	[tilespmem:s29], [sflag:$0x1] =	stream.indirect_vreg.gather [hbm4b:s9+s0], $0x80, v4, vm0, $0xb8;
	[tilespmem:$0x18100] =	vst v63  }
0xfd: {  	s30 =	simm.s32 $0x2900;
	v3 =	vperm.xlane v3, v2  }
0xfe: {  	[tilespmem:s30], [sflag:$0x1] =	stream.indirect_vreg.gather [hbm4b:s10+s0], $0x80, v4, vm0, $0xb8;
	[tilespmem:$0x18100] =	vst v63  }
0xff: {  	s31 =	simm.s32 $0x3100;
	v3 =	vadd.s32 v1, v3  }
0x100: {  	[tilespmem:s31], [sflag:$0x1] =	stream.indirect_vreg.gather [hbm4b:s12+s0], $0x80, v4, vm0, $0xb8;
	[tilespmem:$0x18100] =	vst v63  }
0x101: {  	s4 =	simm.s32 $0x3900  }
0x102: {  	[tilespmem:s4], [sflag:$0x1] =	stream.indirect_vreg.gather [hbm4b:s13+s0], $0x80, v4, vm0, $0xb8;
	[tilespmem:$0x18100] =	vst v63  }
0x103: {  	s5 =	simm.s32 $0x4100  }
0x104: {  	[tilespmem:s5], [sflag:$0x1] =	stream.indirect_vreg.gather [hbm4b:s3+s0], $0x80, v3, vm0, $0xb8;
	[tilespmem:$0x18100] =	vst v63  }
0x105: {  	s11 =	simm.s32 $0x4900  }
0x106: {  	[tilespmem:s11], [sflag:$0x1] =	stream.indirect_vreg.gather [hbm4b:s6+s0], $0x80, v3, vm0, $0xb8;
	[tilespmem:$0x18100] =	vst v63  }
0x107: {  	s21 =	simm.s32 $0x5100  }
0x108: {  	[tilespmem:s21], [sflag:$0x1] =	stream.indirect_vreg.gather [hbm4b:s7+s0], $0x80, v3, vm0, $0xb8;
	[tilespmem:$0x18100] =	vst v63  }
0x109: {  	s23 =	simm.s32 $0x5900  }
0x10a: {  	[tilespmem:s23], [sflag:$0x1] =	stream.indirect_vreg.gather [hbm4b:s8+s0], $0x80, v3, vm0, $0xb8;
	[tilespmem:$0x18100] =	vst v63  }
0x10b: {  	s24 =	simm.s32 $0x6100  }
0x10c: {  	[tilespmem:s24], [sflag:$0x1] =	stream.indirect_vreg.gather [hbm4b:s9+s0], $0x80, v3, vm0, $0xb8;
	[tilespmem:$0x18100] =	vst v63  }
0x10d: {  	s25 =	simm.s32 $0x6900  }
0x10e: {  	[tilespmem:s25], [sflag:$0x1] =	stream.indirect_vreg.gather [hbm4b:s10+s0], $0x80, v3, vm0, $0xb8;
	[tilespmem:$0x18100] =	vst v63  }
0x10f: {  	s26 =	simm.s32 $0x7100  }
0x110: {  	[tilespmem:s26], [sflag:$0x1] =	stream.indirect_vreg.gather [hbm4b:s12+s0], $0x80, v3, vm0, $0xb8;
	[tilespmem:$0x18100] =	vst v63  }
0x111: {  	s28 =	simm.s32 $0x7900  }
0x112: {  	[tilespmem:s28], [sflag:$0x1] =	stream.indirect_vreg.gather [hbm4b:s13+s0], $0x80, v3, vm0, $0xb8;
	[tilespmem:$0x18100] =	vst v63  }
0x113: {  	_ =	swait.ge [sflag:s16], $0x8000  }
0x114: {  	[sflag:s16] =	ssyncset.done $0x0  }
0x115: {  	s29 =	sand.u32 $0x70, s0;
	s0 =	sand.u32 $0x3C00, s0;
	[sflag:s16] =	ssyncadd.s32 $0xFFFF8000  }
0x116: {  	s4 =	sor.u32 s29, s0;
	v18 =	vld [tilespmem:$0x90]  }
0x117: {  	v3 =	vld [tilespmem:s4+$0xC400]  }
0x118: {  	v4 =	vld [tilespmem:s4+$0xC480]  }
0x119: {  	v5 =	vld [tilespmem:s4+$0x8100]  }
0x11a: {  	v9 =	vld [tilespmem:s4+$0x8180]  }
0x11b: {  	v10 =	vld [tilespmem:s4+$0x8200];
	v12 =	vbroadcast v18, $0xE  }
0x11c: {  	v11 =	vld [tilespmem:s4+$0x8280];
	v13 =	vbroadcast v18, $0xF;
	v7 =	vbroadcast v18, $0x0  }
0x11d: {  	v8 =	vbroadcast v18, $0x1;
	v6 =	vbroadcast v18, $0x2  }
0x11e: {  	v17 =	vbroadcast v18, $0x3;
	v3 =	vmul.f32 v3, v12  }
0x11f: {  	v22 =	vld [tilespmem:s4+$0x8300];
	v4 =	vmul.f32 v4, v13;
	v14 =	vmul.f32 v5, v7  }
0x120: {  	v23 =	vld [tilespmem:s4+$0x8380];
	v9 =	vmul.f32 v9, v8;
	v5 =	vbroadcast v18, $0x6  }
0x121: {  	v24 =	vld [tilespmem:s4+$0x8400];
	v20 =	vmul.f32 v10, v6;
	v11 =	vmul.f32 v11, v17  }
0x122: {  	v25 =	vld [tilespmem:s4+$0x8480];
	v10 =	vbroadcast v18, $0xA;
	v15 =	vadd.f32 v4, v3;
	v3 =	vbroadcast v18, $0x4  }
0x123: {  	v28 =	vld [tilespmem:s4+$0xC100];
	v4 =	vbroadcast v18, $0x5;
	v16 =	vadd.f32 v9, v14;
	v14 =	vbroadcast v18, $0x7  }
0x124: {  	v19 =	vld [tilespmem:s4+$0xC180];
	v9 =	vbroadcast v18, $0x8;
	v26 =	vadd.f32 v11, v20;
	v11 =	vbroadcast v18, $0xC  }
0x125: {  	v20 =	vld [tilespmem:s4+$0xC200];
	[tilespmem:s4+$0x14480] =	vst v15;
	v27 =	vmul.f32 v22, v3;
	v23 =	vmul.f32 v23, v4  }
0x126: {  	s30 =	simm.s32 $0x10;
	s21 =	simm.s32 $0x80;
	v21 =	vld [tilespmem:s4+$0xC280];
	v24 =	vmul.f32 v24, v5;
	[tilespmem:s4+$0x14100] =	vst v16;
	v15 =	vbroadcast v18, $0x9  }
0x127: {  	s31 =	sand.u32 $0x3C00, s21;
	s0 =	sand.u32 $0x70, s30;
	v16 =	vbroadcast v18, $0xB;
	[tilespmem:s4+$0x14180] =	vst v26;
	v22 =	vld [tilespmem:s4+$0xC300];
	v26 =	vadd.f32 v23, v27;
	v27 =	vmul.f32 v25, v14  }
0x128: {  	s11 =	sor.u32 s0, s31;
	s0 =	simm.s32 $0x20;
	v18 =	vbroadcast v18, $0xD;
	v25 =	vmul.f32 v28, v9;
	v23 =	vld [tilespmem:s4+$0xC380]  }
.LBB2_4:
0x129: {  	p0 =	sne.s32 s0, $0x7F0;
	v28 =	vld [tilespmem:s11+$0xC400];
	[tilespmem:s4+$0x14200] =	vst v26;
	v24 =	vadd.f32 v27, v24;
	v19 =	vmul.f32 v19, v15  }
0x12a: {  	v26 =	vld [tilespmem:s11+$0xC480];
	v20 =	vmul.f32 v20, v10  }
0x12b: {  	v27 =	vld [tilespmem:s11+$0x8100];
	[tilespmem:s4+$0x14280] =	vst v24;
	v19 =	vadd.f32 v19, v25;
	v21 =	vmul.f32 v21, v16  }
0x12c: {  	v24 =	vld [tilespmem:s11+$0x8180];
	v22 =	vmul.f32 v22, v11  }
0x12d: {  	v25 =	vld [tilespmem:s11+$0x8200];
	[tilespmem:s4+$0x14300] =	vst v19;
	v19 =	vadd.f32 v21, v20;
	v20 =	vmul.f32 v23, v18  }
0x12e: {  	v21 =	vld [tilespmem:s11+$0x8280]  }
0x12f: {  	v28 =	vmul.f32 v28, v12;
	v23 =	vld [tilespmem:s11+$0x8300];
	v26 =	vmul.f32 v26, v13;
	[tilespmem:s4+$0x14380] =	vst v19;
	v19 =	vadd.f32 v20, v22  }
0x130: {  	v20 =	vmul.f32 v27, v7;
	v22 =	vld [tilespmem:s11+$0x8380]  }
0x131: {  	v24 =	vmul.f32 v24, v8;
	v27 =	vld [tilespmem:s11+$0x8400];
	v26 =	vadd.f32 v26, v28;
	[tilespmem:s4+$0x14400] =	vst v19;
	s4 =	smov.u32 s11  }
0x132: {  	v25 =	vmul.f32 v25, v6;
	v28 =	vld [tilespmem:s4+$0x8480]  }
0x133: {  	v20 =	vadd.f32 v24, v20;
	v21 =	vmul.f32 v21, v17;
	v29 =	vld [tilespmem:s4+$0xC100];
	[tilespmem:s4+$0x14480] =	vst v26  }
.Ltmp1:
0x134: {  	v23 =	vmul.f32 v23, v3;
	v19 =	vld [tilespmem:s4+$0xC180];
	(pc) =	sbr.rel @p0 .LBB2_4-.Ltmp1, $4  }
0x135: {  	[tilespmem:s4+$0x14100] =	vst v20;
	v25 =	vadd.f32 v21, v25;
	v22 =	vmul.f32 v22, v4;
	v20 =	vld [tilespmem:s4+$0xC200]  }
0x136: {  	s21 =	sadd.s32 $0x80, s21;
	v24 =	vmul.f32 v27, v5;
	v21 =	vld [tilespmem:s4+$0xC280]  }
0x137: {  	s1 =	sand.u32 $0x70, s0;
	s5 =	sand.u32 $0x3C00, s21;
	[tilespmem:s4+$0x14180] =	vst v25;
	v26 =	vadd.f32 v22, v23;
	v27 =	vmul.f32 v28, v14;
	v22 =	vld [tilespmem:s4+$0xC300]  }
0x138: {  	s0 =	sadd.s32 $0x10, s0;
	s11 =	sor.u32 s1, s5;
	v25 =	vmul.f32 v29, v9;
	v23 =	vld [tilespmem:s4+$0xC380]  }
0x139: {  	v28 =	vld [tilespmem:s11+$0xC400];
	[tilespmem:s4+$0x14200] =	vst v26;
	v24 =	vadd.f32 v27, v24;
	v19 =	vmul.f32 v19, v15  }
0x13a: {  	v26 =	vld [tilespmem:s11+$0xC480]  }
0x13b: {  	v27 =	vld [tilespmem:s11+$0x8100];
	v20 =	vmul.f32 v20, v10;
	[tilespmem:s4+$0x14280] =	vst v24;
	v19 =	vadd.f32 v19, v25;
	v21 =	vmul.f32 v21, v16  }
0x13c: {  	v24 =	vld [tilespmem:s11+$0x8180]  }
0x13d: {  	v25 =	vld [tilespmem:s11+$0x8200];
	[tilespmem:s4+$0x14300] =	vst v19;
	v19 =	vadd.f32 v21, v20;
	v21 =	vmul.f32 v22, v11;
	v22 =	vmul.f32 v23, v18  }
0x13e: {  	v20 =	vld [tilespmem:s11+$0x8280]  }
0x13f: {  	v23 =	vld [tilespmem:s11+$0x8300];
	[tilespmem:s4+$0x14380] =	vst v19;
	v19 =	vadd.f32 v22, v21  }
0x140: {  	v12 =	vmul.f32 v28, v12;
	v13 =	vmul.f32 v26, v13;
	v21 =	vld [tilespmem:s11+$0x8380]  }
0x141: {  	v22 =	vld [tilespmem:s11+$0x8400];
	[tilespmem:s4+$0x14400] =	vst v19  }
0x142: {  	v7 =	vmul.f32 v27, v7;
	v8 =	vmul.f32 v24, v8;
	v12 =	vadd.f32 v13, v12;
	v13 =	vld [tilespmem:s11+$0x8480]  }
0x143: {  	v19 =	vld [tilespmem:s11+$0xC100]  }
0x144: {  	v6 =	vmul.f32 v25, v6;
	v7 =	vadd.f32 v8, v7;
	[tilespmem:s11+$0x14480] =	vst v12;
	v8 =	vmul.f32 v20, v17;
	v12 =	vld [tilespmem:s11+$0xC180]  }
0x145: {  	v17 =	vld [tilespmem:s11+$0xC380]  }
0x146: {  	[tilespmem:s11+$0x14100] =	vst v7;
	v6 =	vadd.f32 v8, v6;
	v7 =	vld [tilespmem:s11+$0xC200]  }
0x147: {  	v8 =	vld [tilespmem:s11+$0xC280]  }
0x148: {  	[tilespmem:s11+$0x14180] =	vst v6;
	v6 =	vld [tilespmem:s11+$0xC300]  }
0x149: {  	v3 =	vmul.f32 v23, v3;
	v4 =	vmul.f32 v21, v4  }
0x14a: {  	v5 =	vmul.f32 v22, v5;
	v13 =	vmul.f32 v13, v14  }
0x14b: {  	v3 =	vadd.f32 v4, v3;
	v4 =	vmul.f32 v19, v9;
	v9 =	vmul.f32 v12, v15  }
0x14c: {  	v5 =	vadd.f32 v13, v5;
	v7 =	vmul.f32 v7, v10;
	v8 =	vmul.f32 v8, v16  }
0x14d: {  	[tilespmem:s11+$0x14200] =	vst v3;
	v3 =	vadd.f32 v9, v4;
	v4 =	vmul.f32 v6, v11;
	v6 =	vmul.f32 v17, v18  }
0x14e: {  	[tilespmem:s11+$0x14280] =	vst v5;
	v5 =	vadd.f32 v8, v7  }
0x14f: {  	[tilespmem:s11+$0x14300] =	vst v3;
	v3 =	vadd.f32 v6, v4  }
0x150: {  	[tilespmem:s11+$0x14380] =	vst v5  }
0x151: {  	s0 =	simm.s32 $0x0;
	s1 =	rddreg [dreg:$0x6];
	[tilespmem:s11+$0x14400] =	vst v3  }
0x152: {  	[hbm4b:s1+s0] =	stream.linear.scatter [tilespmem:s17], [sflag:$0x4], $0x4000, $0x38;
	[tilespmem:$0x18100] =	vst v63  }
0x153: {  	v3 =	vld [tilespmem:$0x30];
	_ =	sdelay $0x4  }
0x154: {  	v4 =	vshll.u32 v3, $0x4  }
0x155: {  	v3 =	vand.u32 $0x7, v3;
	v4 =	vand.u32 $0xFFFFFF80, v4  }
0x156: {  	v3 =	vor.u32 v3, v4  }
0x157: {  	v4 =	vperm.xlane v3, v0;
	_ =	sdelay $0x1  }
0x158: {  	v4 =	vadd.s32 v1, v4;
	_ =	sdelay $0x3  }
0x159: {  	s11 =	simm.s32 $0x8100  }
0x15a: {  	[tilespmem:s11], [sflag:$0x2] =	stream.indirect_vreg.gather [hbm4b:s3+s0], $0x80, v4, vm0, $0xb8;
	[tilespmem:$0x18100] =	vst v63  }
0x15b: {  	s21 =	simm.s32 $0x8900  }
0x15c: {  	[tilespmem:s21], [sflag:$0x2] =	stream.indirect_vreg.gather [hbm4b:s6+s0], $0x80, v4, vm0, $0xb8;
	[tilespmem:$0x18100] =	vst v63  }
0x15d: {  	s23 =	simm.s32 $0x9100  }
0x15e: {  	[tilespmem:s23], [sflag:$0x2] =	stream.indirect_vreg.gather [hbm4b:s7+s0], $0x80, v4, vm0, $0xb8;
	[tilespmem:$0x18100] =	vst v63  }
0x15f: {  	s24 =	simm.s32 $0x9900  }
0x160: {  	[tilespmem:s24], [sflag:$0x2] =	stream.indirect_vreg.gather [hbm4b:s8+s0], $0x80, v4, vm0, $0xb8;
	[tilespmem:$0x18100] =	vst v63  }
0x161: {  	s25 =	simm.s32 $0xA100  }
0x162: {  	[tilespmem:s25], [sflag:$0x2] =	stream.indirect_vreg.gather [hbm4b:s9+s0], $0x80, v4, vm0, $0xb8;
	[tilespmem:$0x18100] =	vst v63  }
0x163: {  	s26 =	simm.s32 $0xA900;
	v3 =	vperm.xlane v3, v2  }
0x164: {  	[tilespmem:s26], [sflag:$0x2] =	stream.indirect_vreg.gather [hbm4b:s10+s0], $0x80, v4, vm0, $0xb8;
	[tilespmem:$0x18100] =	vst v63  }
0x165: {  	s4 =	simm.s32 $0xB100;
	v3 =	vadd.s32 v1, v3  }
0x166: {  	[tilespmem:s4], [sflag:$0x2] =	stream.indirect_vreg.gather [hbm4b:s12+s0], $0x80, v4, vm0, $0xb8;
	[tilespmem:$0x18100] =	vst v63  }
0x167: {  	s5 =	simm.s32 $0xB900  }
0x168: {  	[tilespmem:s5], [sflag:$0x2] =	stream.indirect_vreg.gather [hbm4b:s13+s0], $0x80, v4, vm0, $0xb8;
	[tilespmem:$0x18100] =	vst v63  }
0x169: {  	s11 =	simm.s32 $0xC100  }
0x16a: {  	[tilespmem:s11], [sflag:$0x2] =	stream.indirect_vreg.gather [hbm4b:s3+s0], $0x80, v3, vm0, $0xb8;
	[tilespmem:$0x18100] =	vst v63  }
0x16b: {  	s21 =	simm.s32 $0xC900  }
0x16c: {  	[tilespmem:s21], [sflag:$0x2] =	stream.indirect_vreg.gather [hbm4b:s6+s0], $0x80, v3, vm0, $0xb8;
	[tilespmem:$0x18100] =	vst v63  }
0x16d: {  	s23 =	simm.s32 $0xD100  }
0x16e: {  	[tilespmem:s23], [sflag:$0x2] =	stream.indirect_vreg.gather [hbm4b:s7+s0], $0x80, v3, vm0, $0xb8;
	[tilespmem:$0x18100] =	vst v63  }
0x16f: {  	s24 =	simm.s32 $0xD900  }
0x170: {  	[tilespmem:s24], [sflag:$0x2] =	stream.indirect_vreg.gather [hbm4b:s8+s0], $0x80, v3, vm0, $0xb8;
	[tilespmem:$0x18100] =	vst v63  }
0x171: {  	s25 =	simm.s32 $0xE100  }
0x172: {  	[tilespmem:s25], [sflag:$0x2] =	stream.indirect_vreg.gather [hbm4b:s9+s0], $0x80, v3, vm0, $0xb8;
	[tilespmem:$0x18100] =	vst v63  }
0x173: {  	s26 =	simm.s32 $0xE900  }
0x174: {  	[tilespmem:s26], [sflag:$0x2] =	stream.indirect_vreg.gather [hbm4b:s10+s0], $0x80, v3, vm0, $0xb8;
	[tilespmem:$0x18100] =	vst v63  }
0x175: {  	s4 =	simm.s32 $0xF100  }
0x176: {  	[tilespmem:s4], [sflag:$0x2] =	stream.indirect_vreg.gather [hbm4b:s12+s0], $0x80, v3, vm0, $0xb8;
	[tilespmem:$0x18100] =	vst v63  }
0x177: {  	s5 =	simm.s32 $0xF900  }
0x178: {  	[tilespmem:s5], [sflag:$0x2] =	stream.indirect_vreg.gather [hbm4b:s13+s0], $0x80, v3, vm0, $0xb8;
	[tilespmem:$0x18100] =	vst v63  }
0x179: {  	_ =	swait.ge [sflag:s14], $0x8000  }
0x17a: {  	[sflag:s14] =	ssyncset.done $0x0  }
0x17b: {  	[sflag:s14] =	ssyncadd.s32 $0xFFFF8000  }
0x17c: {  	_ =	swait.ge [sflag:s18], $0x4000  }
0x17d: {  	[sflag:s18] =	ssyncset.done $0x0  }
0x17e: {  	s11 =	sand.u32 $0x70, s0;
	s21 =	sand.u32 $0x3C00, s0;
	[sflag:s18] =	ssyncadd.s32 $0xFFFFC000  }
0x17f: {  	s26 =	sor.u32 s11, s21;
	v16 =	vld [tilespmem:$0xA0]  }
0x180: {  	v10 =	vld [tilespmem:s26+$0x280]  }
0x181: {  	v9 =	vld [tilespmem:s26+$0x300]  }
0x182: {  	v8 =	vld [tilespmem:s26+$0x380]  }
0x183: {  	v11 =	vld [tilespmem:s26+$0x100]  }
0x184: {  	v3 =	vld [tilespmem:s26+$0x180];
	v6 =	vbroadcast v16, $0x4  }
0x185: {  	v12 =	vld [tilespmem:s26+$0x200];
	v7 =	vbroadcast v16, $0x5;
	v4 =	vbroadcast v16, $0x0  }
0x186: {  	s29 =	simm.s32 $0x3;
	s23 =	simm.s32 $0x1;
	v5 =	vbroadcast v16, $0x1;
	v13 =	vmul.f32 v9, v6  }
0x187: {  	s30 =	simm.s32 $0x180;
	s1 =	sand.u32 $0x7, s23;
	s23 =	simm.s32 $0x30;
	v17 =	vld [tilespmem:s26+$0x4280];
	v14 =	vmul.f32 v8, v7;
	v8 =	vbroadcast v16, $0x2  }
0x188: {  	s24 =	simm.s32 $0x10;
	s1 =	sshll.u32 s1, $0x4;
	s25 =	simm.s32 $0x2;
	v18 =	vld [tilespmem:s26+$0x4200];
	v9 =	vbroadcast v16, $0x3;
	v11 =	vmul.f32 v11, v4  }
0x189: {  	s28 =	sadd.s32 $0x80, s1;
	s1 =	sand.u32 $0x7, s25;
	s11 =	simm.s32 $0x20;
	v19 =	vld [tilespmem:s26+$0x4480];
	v15 =	vmul.f32 v3, v5;
	v3 =	vbroadcast v16, $0x6  }
0x18a: {  	s21 =	simm.s32 $0x100;
	s1 =	sshll.u32 s1, $0x4;
	s11 =	sand.u32 $0x70, s11;
	v24 =	vld [tilespmem:s26+$0x4400];
	v13 =	vadd.f32 v14, v13;
	v14 =	vmul.f32 v10, v9;
	v23 =	vmul.f32 v12, v8  }
0x18b: {  	s4 =	sand.u32 $0x70, s24;
	s0 =	sand.u32 $0x7, s0;
	s5 =	simm.s32 $0x80;
	v20 =	vld [tilespmem:s26+$0x4180];
	v15 =	vadd.f32 v15, v11;
	v10 =	vbroadcast v16, $0x7;
	v11 =	vbroadcast v16, $0x8  }
0x18c: {  	s24 =	sadd.s32 $0x100, s1;
	s0 =	sshll.u32 s0, $0x4;
	s5 =	sand.u32 $0x3C00, s5;
	v21 =	vld [tilespmem:s26+$0x4380];
	v12 =	vbroadcast v16, $0xA;
	[tilespmem:s26+$0x10200] =	vst v13;
	v13 =	vbroadcast v16, $0xB  }
0x18d: {  	s25 =	sor.u32 s4, s5;
	s4 =	sand.u32 $0x3C00, s21;
	s21 =	sand.u32 $0x7, s29;
	v22 =	vld [tilespmem:s26+$0x4300];
	v23 =	vadd.f32 v14, v23;
	[tilespmem:s26+$0x10100] =	vst v15;
	v15 =	vbroadcast v16, $0x9;
	v14 =	vbroadcast v16, $0xE  }
0x18e: {  	s0 =	sadd.s32 $0x0, s0;
	s1 =	sshll.u32 s21, $0x4;
	s21 =	sand.u32 $0x70, s23;
	v25 =	vld [tilespmem:s26+$0x4100];
	v27 =	vmul.f32 v18, v12;
	v28 =	vmul.f32 v17, v13  }
0x18f: {  	s31 =	simm.s32 $0x40;
	s23 =	sand.u32 $0x3C00, s30;
	s0 =	sor.u32 $0x380, s0;
	v26 =	vld [tilespmem:s26+$0x400];
	v18 =	vbroadcast v16, $0xD;
	[tilespmem:s26+$0x10180] =	vst v23;
	v17 =	vbroadcast v16, $0xC  }
0x190: {  	s11 =	sor.u32 s11, s4;
	s21 =	sor.u32 s21, s23;
	s4 =	sadd.s32 $0x180, s1;
	v16 =	vbroadcast v16, $0xF;
	v24 =	vmul.f32 v24, v14;
	v23 =	vadd.f32 v28, v27;
	v27 =	vld [tilespmem:s0+$0x100]  }
.LBB2_6:
0x191: {  	p0 =	sne.s32 s31, $0x7F0;
	s30 =	sadd.s32 $0x80, s30;
	s29 =	sadd.s32 $0x1, s29  }
0x192: {  	v21 =	vmul.f32 v21, v18;
	s5 =	smov.u32 s31;
	s31 =	sadd.s32 $0x10, s31;
	s1 =	sand.u32 $0x7, s29;
	v22 =	vmul.f32 v22, v17  }
0x193: {  	s1 =	sshll.u32 s1, $0x4;
	v25 =	vmul.f32 v25, v11  }
0x194: {  	v20 =	vmul.f32 v20, v15;
	s1 =	sadd.s32 s1, s30;
	v26 =	vmul.f32 v26, v3;
	v21 =	vadd.f32 v21, v22  }
0x195: {  	v19 =	vmul.f32 v19, v16;
	s5 =	sand.u32 $0x70, s5;
	s23 =	sand.u32 $0x3C00, s30;
	v22 =	vmul.f32 v27, v10  }
0x196: {  	s5 =	sor.u32 s5, s23;
	v20 =	vadd.f32 v20, v25;
	[tilespmem:s26+$0x10400] =	vst v21  }
0x197: {  	v19 =	vadd.f32 v19, v24;
	v21 =	vadd.f32 v22, v26;
	[tilespmem:s26+$0x10380] =	vst v23  }
0x198: {  	[tilespmem:s26+$0x10300] =	vst v20  }
0x199: {  	[tilespmem:s26+$0x10280] =	vst v21;
	s26 =	smov.u32 s25;
	s25 =	smov.u32 s11;
	s11 =	smov.u32 s21  }
0x19a: {  	s21 =	smov.u32 s5;
	[tilespmem:s0+$0x10100] =	vst v19  }
0x19b: {  	v19 =	vld [tilespmem:s26+$0x280]  }
0x19c: {  	v20 =	vld [tilespmem:s26+$0x180]  }
0x19d: {  	v21 =	vld [tilespmem:s26+$0x380]  }
0x19e: {  	v22 =	vld [tilespmem:s26+$0x300]  }
0x19f: {  	v23 =	vld [tilespmem:s26+$0x100]  }
0x1a0: {  	v24 =	vld [tilespmem:s26+$0x200]  }
0x1a1: {  	v25 =	vld [tilespmem:s26+$0x4280]  }
0x1a2: {  	v26 =	vmul.f32 v19, v9;
	v27 =	vld [tilespmem:s26+$0x4200]  }
0x1a3: {  	v21 =	vmul.f32 v21, v7;
	v22 =	vmul.f32 v22, v6;
	v19 =	vld [tilespmem:s26+$0x4480]  }
0x1a4: {  	v28 =	vmul.f32 v20, v5;
	v23 =	vmul.f32 v23, v4;
	v29 =	vld [tilespmem:s26+$0x4400]  }
0x1a5: {  	v24 =	vmul.f32 v24, v8;
	v22 =	vadd.f32 v21, v22;
	v20 =	vld [tilespmem:s26+$0x4180]  }
.Ltmp2:
0x1a6: {  	v23 =	vadd.f32 v28, v23;
	v21 =	vld [tilespmem:s26+$0x4380];
	(pc) =	sbr.rel @p0 .LBB2_6-.Ltmp2, $4  }
0x1a7: {  	v28 =	vmul.f32 v25, v13;
	v24 =	vadd.f32 v26, v24;
	[tilespmem:s26+$0x10200] =	vst v22;
	v27 =	vmul.f32 v27, v12;
	v22 =	vld [tilespmem:s26+$0x4300]  }
0x1a8: {  	s0 =	sor.u32 $0x380, s28;
	s28 =	smov.u32 s24;
	s24 =	smov.u32 s4;
	[tilespmem:s26+$0x10100] =	vst v23;
	v25 =	vld [tilespmem:s26+$0x4100]  }
0x1a9: {  	s4 =	smov.u32 s1;
	[tilespmem:s26+$0x10180] =	vst v24;
	v26 =	vld [tilespmem:s26+$0x400];
	v23 =	vadd.f32 v28, v27;
	v24 =	vmul.f32 v29, v14  }
0x1aa: {  	v27 =	vld [tilespmem:s0+$0x100]  }
0x1ab: {  	_ =	sdelay $0x1  }
0x1ac: {  	v21 =	vmul.f32 v21, v18;
	v22 =	vmul.f32 v22, v17  }
0x1ad: {  	v20 =	vmul.f32 v20, v15;
	v25 =	vmul.f32 v25, v11  }
0x1ae: {  	v21 =	vadd.f32 v21, v22;
	v22 =	vmul.f32 v26, v3;
	v26 =	vmul.f32 v27, v10  }
0x1af: {  	v19 =	vmul.f32 v19, v16;
	[tilespmem:s26+$0x10380] =	vst v23;
	v20 =	vadd.f32 v20, v25  }
0x1b0: {  	[tilespmem:s26+$0x10400] =	vst v21;
	v21 =	vadd.f32 v26, v22  }
0x1b1: {  	v19 =	vadd.f32 v19, v24;
	[tilespmem:s26+$0x10300] =	vst v20  }
0x1b2: {  	[tilespmem:s26+$0x10280] =	vst v21  }
0x1b3: {  	[tilespmem:s0+$0x10100] =	vst v19  }
0x1b4: {  	v19 =	vld [tilespmem:s25+$0x280]  }
0x1b5: {  	v20 =	vld [tilespmem:s25+$0x180]  }
0x1b6: {  	v21 =	vld [tilespmem:s25+$0x380]  }
0x1b7: {  	v22 =	vld [tilespmem:s25+$0x300]  }
0x1b8: {  	v23 =	vld [tilespmem:s25+$0x100]  }
0x1b9: {  	v24 =	vld [tilespmem:s25+$0x200];
	_ =	sdelay $0x1  }
0x1ba: {  	v25 =	vld [tilespmem:s25+$0x4280]  }
0x1bb: {  	v26 =	vld [tilespmem:s25+$0x4200];
	v22 =	vmul.f32 v22, v6;
	v21 =	vmul.f32 v21, v7  }
0x1bc: {  	v27 =	vld [tilespmem:s25+$0x4480];
	v23 =	vmul.f32 v23, v4;
	v20 =	vmul.f32 v20, v5  }
0x1bd: {  	v29 =	vld [tilespmem:s25+$0x4380];
	v19 =	vmul.f32 v19, v9;
	v24 =	vmul.f32 v24, v8;
	v21 =	vadd.f32 v21, v22  }
0x1be: {  	v22 =	vld [tilespmem:s25+$0x4180];
	v20 =	vadd.f32 v20, v23  }
0x1bf: {  	v19 =	vadd.f32 v19, v24;
	[tilespmem:s25+$0x10200] =	vst v21;
	v21 =	vld [tilespmem:s25+$0x4300]  }
0x1c0: {  	[tilespmem:s25+$0x10100] =	vst v20;
	v20 =	vld [tilespmem:s25+$0x4100]  }
0x1c1: {  	s1 =	sor.u32 $0x380, s28;
	[tilespmem:s25+$0x10180] =	vst v19;
	v19 =	vld [tilespmem:s25+$0x400]  }
0x1c2: {  	v23 =	vld [tilespmem:s1+$0x100]  }
0x1c3: {  	v28 =	vld [tilespmem:s25+$0x4400]  }
0x1c4: {  	v24 =	vmul.f32 v29, v18;
	v21 =	vmul.f32 v21, v17  }
0x1c5: {  	v26 =	vmul.f32 v26, v12;
	v25 =	vmul.f32 v25, v13  }
0x1c6: {  	v22 =	vmul.f32 v22, v15;
	v20 =	vmul.f32 v20, v11;
	v21 =	vadd.f32 v24, v21  }
0x1c7: {  	v19 =	vmul.f32 v19, v3;
	v23 =	vmul.f32 v23, v10;
	v24 =	vadd.f32 v25, v26  }
0x1c8: {  	v25 =	vmul.f32 v28, v14;
	v26 =	vmul.f32 v27, v16;
	v20 =	vadd.f32 v22, v20;
	[tilespmem:s25+$0x10400] =	vst v21  }
0x1c9: {  	v19 =	vadd.f32 v23, v19;
	[tilespmem:s25+$0x10380] =	vst v24  }
0x1ca: {  	v21 =	vadd.f32 v26, v25;
	[tilespmem:s25+$0x10300] =	vst v20  }
0x1cb: {  	[tilespmem:s25+$0x10280] =	vst v19  }
0x1cc: {  	[tilespmem:s1+$0x10100] =	vst v21  }
0x1cd: {  	v20 =	vld [tilespmem:s11+$0x180]  }
0x1ce: {  	v21 =	vld [tilespmem:s11+$0x380]  }
0x1cf: {  	v22 =	vld [tilespmem:s11+$0x300]  }
0x1d0: {  	v23 =	vld [tilespmem:s11+$0x100]  }
0x1d1: {  	v19 =	vld [tilespmem:s11+$0x280]  }
0x1d2: {  	v24 =	vld [tilespmem:s11+$0x200];
	_ =	sdelay $0x1  }
0x1d3: {  	v25 =	vld [tilespmem:s11+$0x4280];
	v22 =	vmul.f32 v22, v6;
	v21 =	vmul.f32 v21, v7  }
0x1d4: {  	v26 =	vld [tilespmem:s11+$0x4200];
	v23 =	vmul.f32 v23, v4;
	v20 =	vmul.f32 v20, v5  }
0x1d5: {  	v27 =	vld [tilespmem:s11+$0x4480];
	v19 =	vmul.f32 v19, v9  }
0x1d6: {  	v29 =	vld [tilespmem:s11+$0x4380];
	v21 =	vadd.f32 v21, v22;
	v20 =	vadd.f32 v20, v23;
	v23 =	vmul.f32 v24, v8  }
0x1d7: {  	v22 =	vld [tilespmem:s11+$0x4180]  }
0x1d8: {  	[tilespmem:s11+$0x10200] =	vst v21;
	v21 =	vld [tilespmem:s11+$0x4300];
	v19 =	vadd.f32 v19, v23  }
0x1d9: {  	[tilespmem:s11+$0x10100] =	vst v20;
	v20 =	vld [tilespmem:s11+$0x4100]  }
0x1da: {  	s5 =	sor.u32 $0x380, s24;
	[tilespmem:s11+$0x10180] =	vst v19;
	v19 =	vld [tilespmem:s11+$0x400]  }
0x1db: {  	v23 =	vld [tilespmem:s5+$0x100]  }
0x1dc: {  	v28 =	vld [tilespmem:s11+$0x4400]  }
0x1dd: {  	v24 =	vmul.f32 v29, v18;
	v21 =	vmul.f32 v21, v17  }
0x1de: {  	v26 =	vmul.f32 v26, v12;
	v25 =	vmul.f32 v25, v13  }
0x1df: {  	v22 =	vmul.f32 v22, v15;
	v20 =	vmul.f32 v20, v11;
	v21 =	vadd.f32 v24, v21  }
0x1e0: {  	v24 =	vadd.f32 v25, v26;
	v19 =	vmul.f32 v19, v3;
	v23 =	vmul.f32 v23, v10  }
0x1e1: {  	v25 =	vmul.f32 v28, v14;
	v26 =	vmul.f32 v27, v16;
	v20 =	vadd.f32 v22, v20;
	[tilespmem:s11+$0x10400] =	vst v21  }
0x1e2: {  	[tilespmem:s11+$0x10380] =	vst v24;
	v19 =	vadd.f32 v23, v19  }
0x1e3: {  	v21 =	vadd.f32 v26, v25;
	[tilespmem:s11+$0x10300] =	vst v20  }
0x1e4: {  	[tilespmem:s11+$0x10280] =	vst v19  }
0x1e5: {  	[tilespmem:s5+$0x10100] =	vst v21  }
0x1e6: {  	v19 =	vld [tilespmem:s21+$0x280]  }
0x1e7: {  	v20 =	vld [tilespmem:s21+$0x180]  }
0x1e8: {  	v21 =	vld [tilespmem:s21+$0x380]  }
0x1e9: {  	v22 =	vld [tilespmem:s21+$0x300]  }
0x1ea: {  	v23 =	vld [tilespmem:s21+$0x100]  }
0x1eb: {  	v24 =	vld [tilespmem:s21+$0x200];
	_ =	sdelay $0x1  }
0x1ec: {  	v25 =	vld [tilespmem:s21+$0x4280]  }
0x1ed: {  	v26 =	vld [tilespmem:s21+$0x4200];
	v6 =	vmul.f32 v22, v6;
	v7 =	vmul.f32 v21, v7  }
0x1ee: {  	v21 =	vld [tilespmem:s21+$0x4480];
	v4 =	vmul.f32 v23, v4;
	v5 =	vmul.f32 v20, v5  }
0x1ef: {  	v20 =	vld [tilespmem:s21+$0x4380];
	v9 =	vmul.f32 v19, v9;
	v8 =	vmul.f32 v24, v8;
	v6 =	vadd.f32 v7, v6  }
0x1f0: {  	v7 =	vld [tilespmem:s21+$0x4180];
	v4 =	vadd.f32 v5, v4  }
0x1f1: {  	v5 =	vld [tilespmem:s21+$0x4300];
	[tilespmem:s21+$0x10200] =	vst v6;
	v6 =	vadd.f32 v9, v8  }
0x1f2: {  	[tilespmem:s21+$0x10100] =	vst v4;
	v4 =	vld [tilespmem:s21+$0x4100]  }
0x1f3: {  	s23 =	sor.u32 $0x380, s4;
	[tilespmem:s21+$0x10180] =	vst v6;
	v6 =	vld [tilespmem:s21+$0x400]  }
0x1f4: {  	v8 =	vld [tilespmem:s23+$0x100]  }
0x1f5: {  	v22 =	vld [tilespmem:s21+$0x4400]  }
0x1f6: {  	v9 =	vmul.f32 v20, v18;
	v5 =	vmul.f32 v5, v17  }
0x1f7: {  	v12 =	vmul.f32 v26, v12;
	v13 =	vmul.f32 v25, v13  }
0x1f8: {  	v7 =	vmul.f32 v7, v15;
	v4 =	vmul.f32 v4, v11;
	v5 =	vadd.f32 v9, v5  }
0x1f9: {  	v9 =	vadd.f32 v13, v12;
	v3 =	vmul.f32 v6, v3;
	v6 =	vmul.f32 v8, v10  }
0x1fa: {  	v4 =	vadd.f32 v7, v4;
	[tilespmem:s21+$0x10400] =	vst v5;
	v8 =	vmul.f32 v22, v14;
	v10 =	vmul.f32 v21, v16  }
0x1fb: {  	[tilespmem:s21+$0x10380] =	vst v9;
	v3 =	vadd.f32 v6, v3  }
0x1fc: {  	[tilespmem:s21+$0x10300] =	vst v4;
	v5 =	vadd.f32 v10, v8  }
0x1fd: {  	[tilespmem:s21+$0x10280] =	vst v3  }
0x1fe: {  	s0 =	simm.s32 $0x0;
	s1 =	rddreg [dreg:$0x7];
	[tilespmem:s23+$0x10100] =	vst v5  }
0x1ff: {  	[hbm4b:s1+s0] =	stream.linear.scatter [tilespmem:s15], [sflag:$0x3], $0x4000, $0x38;
	[tilespmem:$0x18100] =	vst v63  }
0x200: {  	v3 =	vld [tilespmem:$0x40];
	_ =	sdelay $0x4  }
0x201: {  	v4 =	vshll.u32 v3, $0x4  }
0x202: {  	v3 =	vand.u32 $0x7, v3;
	v4 =	vand.u32 $0xFFFFFF80, v4  }
0x203: {  	v3 =	vor.u32 v3, v4  }
0x204: {  	v4 =	vperm.xlane v3, v0;
	_ =	sdelay $0x1  }
0x205: {  	v4 =	vadd.s32 v1, v4;
	_ =	sdelay $0x3  }
0x206: {  	s24 =	simm.s32 $0x100  }
0x207: {  	[tilespmem:s24], [sflag:$0x1] =	stream.indirect_vreg.gather [hbm4b:s3+s0], $0x80, v4, vm0, $0xb8;
	[tilespmem:$0x18100] =	vst v63  }
0x208: {  	s25 =	simm.s32 $0x900  }
0x209: {  	[tilespmem:s25], [sflag:$0x1] =	stream.indirect_vreg.gather [hbm4b:s6+s0], $0x80, v4, vm0, $0xb8;
	[tilespmem:$0x18100] =	vst v63  }
0x20a: {  	s26 =	simm.s32 $0x1100  }
0x20b: {  	[tilespmem:s26], [sflag:$0x1] =	stream.indirect_vreg.gather [hbm4b:s7+s0], $0x80, v4, vm0, $0xb8;
	[tilespmem:$0x18100] =	vst v63  }
0x20c: {  	s28 =	simm.s32 $0x1900  }
0x20d: {  	[tilespmem:s28], [sflag:$0x1] =	stream.indirect_vreg.gather [hbm4b:s8+s0], $0x80, v4, vm0, $0xb8;
	[tilespmem:$0x18100] =	vst v63  }
0x20e: {  	s29 =	simm.s32 $0x2100  }
0x20f: {  	[tilespmem:s29], [sflag:$0x1] =	stream.indirect_vreg.gather [hbm4b:s9+s0], $0x80, v4, vm0, $0xb8;
	[tilespmem:$0x18100] =	vst v63  }
0x210: {  	s30 =	simm.s32 $0x2900;
	v3 =	vperm.xlane v3, v2  }
0x211: {  	[tilespmem:s30], [sflag:$0x1] =	stream.indirect_vreg.gather [hbm4b:s10+s0], $0x80, v4, vm0, $0xb8;
	[tilespmem:$0x18100] =	vst v63  }
0x212: {  	s31 =	simm.s32 $0x3100;
	v3 =	vadd.s32 v1, v3  }
0x213: {  	[tilespmem:s31], [sflag:$0x1] =	stream.indirect_vreg.gather [hbm4b:s12+s0], $0x80, v4, vm0, $0xb8;
	[tilespmem:$0x18100] =	vst v63  }
0x214: {  	s4 =	simm.s32 $0x3900  }
0x215: {  	[tilespmem:s4], [sflag:$0x1] =	stream.indirect_vreg.gather [hbm4b:s13+s0], $0x80, v4, vm0, $0xb8;
	[tilespmem:$0x18100] =	vst v63  }
0x216: {  	s5 =	simm.s32 $0x4100  }
0x217: {  	[tilespmem:s5], [sflag:$0x1] =	stream.indirect_vreg.gather [hbm4b:s3+s0], $0x80, v3, vm0, $0xb8;
	[tilespmem:$0x18100] =	vst v63  }
0x218: {  	s11 =	simm.s32 $0x4900  }
0x219: {  	[tilespmem:s11], [sflag:$0x1] =	stream.indirect_vreg.gather [hbm4b:s6+s0], $0x80, v3, vm0, $0xb8;
	[tilespmem:$0x18100] =	vst v63  }
0x21a: {  	s21 =	simm.s32 $0x5100  }
0x21b: {  	[tilespmem:s21], [sflag:$0x1] =	stream.indirect_vreg.gather [hbm4b:s7+s0], $0x80, v3, vm0, $0xb8;
	[tilespmem:$0x18100] =	vst v63  }
0x21c: {  	s23 =	simm.s32 $0x5900  }
0x21d: {  	[tilespmem:s23], [sflag:$0x1] =	stream.indirect_vreg.gather [hbm4b:s8+s0], $0x80, v3, vm0, $0xb8;
	[tilespmem:$0x18100] =	vst v63  }
0x21e: {  	s24 =	simm.s32 $0x6100  }
0x21f: {  	[tilespmem:s24], [sflag:$0x1] =	stream.indirect_vreg.gather [hbm4b:s9+s0], $0x80, v3, vm0, $0xb8;
	[tilespmem:$0x18100] =	vst v63  }
0x220: {  	s25 =	simm.s32 $0x6900  }
0x221: {  	[tilespmem:s25], [sflag:$0x1] =	stream.indirect_vreg.gather [hbm4b:s10+s0], $0x80, v3, vm0, $0xb8;
	[tilespmem:$0x18100] =	vst v63  }
0x222: {  	s26 =	simm.s32 $0x7100  }
0x223: {  	[tilespmem:s26], [sflag:$0x1] =	stream.indirect_vreg.gather [hbm4b:s12+s0], $0x80, v3, vm0, $0xb8;
	[tilespmem:$0x18100] =	vst v63  }
0x224: {  	s28 =	simm.s32 $0x7900  }
0x225: {  	[tilespmem:s28], [sflag:$0x1] =	stream.indirect_vreg.gather [hbm4b:s13+s0], $0x80, v3, vm0, $0xb8;
	[tilespmem:$0x18100] =	vst v63  }
0x226: {  	_ =	swait.ge [sflag:s16], $0x8000  }
0x227: {  	[sflag:s16] =	ssyncset.done $0x0  }
0x228: {  	[sflag:s16] =	ssyncadd.s32 $0xFFFF8000  }
0x229: {  	_ =	swait.ge [sflag:s19], $0x4000  }
0x22a: {  	[sflag:s19] =	ssyncset.done $0x0  }
0x22b: {  	s29 =	sand.u32 $0x70, s0;
	s0 =	sand.u32 $0x3C00, s0;
	[sflag:s19] =	ssyncadd.s32 $0xFFFFC000  }
0x22c: {  	s4 =	sor.u32 s29, s0;
	v18 =	vld [tilespmem:$0xB0]  }
0x22d: {  	v3 =	vld [tilespmem:s4+$0xC400]  }
0x22e: {  	v4 =	vld [tilespmem:s4+$0xC480]  }
0x22f: {  	v5 =	vld [tilespmem:s4+$0x8100]  }
0x230: {  	v9 =	vld [tilespmem:s4+$0x8180]  }
0x231: {  	v10 =	vld [tilespmem:s4+$0x8200];
	v12 =	vbroadcast v18, $0xE  }
0x232: {  	v11 =	vld [tilespmem:s4+$0x8280];
	v13 =	vbroadcast v18, $0xF;
	v7 =	vbroadcast v18, $0x0  }
0x233: {  	v8 =	vbroadcast v18, $0x1;
	v6 =	vbroadcast v18, $0x2  }
0x234: {  	v17 =	vbroadcast v18, $0x3;
	v3 =	vmul.f32 v3, v12  }
0x235: {  	v22 =	vld [tilespmem:s4+$0x8300];
	v4 =	vmul.f32 v4, v13;
	v14 =	vmul.f32 v5, v7  }
0x236: {  	v23 =	vld [tilespmem:s4+$0x8380];
	v9 =	vmul.f32 v9, v8;
	v5 =	vbroadcast v18, $0x6  }
0x237: {  	v24 =	vld [tilespmem:s4+$0x8400];
	v20 =	vmul.f32 v10, v6;
	v11 =	vmul.f32 v11, v17  }
0x238: {  	v25 =	vld [tilespmem:s4+$0x8480];
	v10 =	vbroadcast v18, $0xA;
	v15 =	vadd.f32 v4, v3;
	v3 =	vbroadcast v18, $0x4  }
0x239: {  	v28 =	vld [tilespmem:s4+$0xC100];
	v4 =	vbroadcast v18, $0x5;
	v16 =	vadd.f32 v9, v14;
	v14 =	vbroadcast v18, $0x7  }
0x23a: {  	v19 =	vld [tilespmem:s4+$0xC180];
	v9 =	vbroadcast v18, $0x8;
	v26 =	vadd.f32 v11, v20;
	v11 =	vbroadcast v18, $0xC  }
0x23b: {  	v20 =	vld [tilespmem:s4+$0xC200];
	[tilespmem:s4+$0x14480] =	vst v15;
	v27 =	vmul.f32 v22, v3;
	v23 =	vmul.f32 v23, v4  }
0x23c: {  	s30 =	simm.s32 $0x10;
	s21 =	simm.s32 $0x80;
	v21 =	vld [tilespmem:s4+$0xC280];
	v24 =	vmul.f32 v24, v5;
	[tilespmem:s4+$0x14100] =	vst v16;
	v15 =	vbroadcast v18, $0x9  }
0x23d: {  	s31 =	sand.u32 $0x3C00, s21;
	s0 =	sand.u32 $0x70, s30;
	v16 =	vbroadcast v18, $0xB;
	[tilespmem:s4+$0x14180] =	vst v26;
	v22 =	vld [tilespmem:s4+$0xC300];
	v26 =	vadd.f32 v23, v27;
	v27 =	vmul.f32 v25, v14  }
0x23e: {  	s11 =	sor.u32 s0, s31;
	s0 =	simm.s32 $0x20;
	v18 =	vbroadcast v18, $0xD;
	v25 =	vmul.f32 v28, v9;
	v23 =	vld [tilespmem:s4+$0xC380]  }
.LBB2_8:
0x23f: {  	p0 =	sne.s32 s0, $0x7F0;
	v28 =	vld [tilespmem:s11+$0xC400];
	[tilespmem:s4+$0x14200] =	vst v26;
	v24 =	vadd.f32 v27, v24;
	v19 =	vmul.f32 v19, v15  }
0x240: {  	v26 =	vld [tilespmem:s11+$0xC480];
	v20 =	vmul.f32 v20, v10  }
0x241: {  	v27 =	vld [tilespmem:s11+$0x8100];
	[tilespmem:s4+$0x14280] =	vst v24;
	v19 =	vadd.f32 v19, v25;
	v21 =	vmul.f32 v21, v16  }
0x242: {  	v24 =	vld [tilespmem:s11+$0x8180];
	v22 =	vmul.f32 v22, v11  }
0x243: {  	v25 =	vld [tilespmem:s11+$0x8200];
	[tilespmem:s4+$0x14300] =	vst v19;
	v19 =	vadd.f32 v21, v20;
	v20 =	vmul.f32 v23, v18  }
0x244: {  	v21 =	vld [tilespmem:s11+$0x8280]  }
0x245: {  	v28 =	vmul.f32 v28, v12;
	v23 =	vld [tilespmem:s11+$0x8300];
	v26 =	vmul.f32 v26, v13;
	[tilespmem:s4+$0x14380] =	vst v19;
	v19 =	vadd.f32 v20, v22  }
0x246: {  	v20 =	vmul.f32 v27, v7;
	v22 =	vld [tilespmem:s11+$0x8380]  }
0x247: {  	v24 =	vmul.f32 v24, v8;
	v27 =	vld [tilespmem:s11+$0x8400];
	v26 =	vadd.f32 v26, v28;
	[tilespmem:s4+$0x14400] =	vst v19;
	s4 =	smov.u32 s11  }
0x248: {  	v25 =	vmul.f32 v25, v6;
	v28 =	vld [tilespmem:s4+$0x8480]  }
0x249: {  	v20 =	vadd.f32 v24, v20;
	v21 =	vmul.f32 v21, v17;
	v29 =	vld [tilespmem:s4+$0xC100];
	[tilespmem:s4+$0x14480] =	vst v26  }
.Ltmp3:
0x24a: {  	v23 =	vmul.f32 v23, v3;
	v19 =	vld [tilespmem:s4+$0xC180];
	(pc) =	sbr.rel @p0 .LBB2_8-.Ltmp3, $4  }
0x24b: {  	[tilespmem:s4+$0x14100] =	vst v20;
	v25 =	vadd.f32 v21, v25;
	v22 =	vmul.f32 v22, v4;
	v20 =	vld [tilespmem:s4+$0xC200]  }
0x24c: {  	s21 =	sadd.s32 $0x80, s21;
	v24 =	vmul.f32 v27, v5;
	v21 =	vld [tilespmem:s4+$0xC280]  }
0x24d: {  	s1 =	sand.u32 $0x70, s0;
	s5 =	sand.u32 $0x3C00, s21;
	[tilespmem:s4+$0x14180] =	vst v25;
	v26 =	vadd.f32 v22, v23;
	v27 =	vmul.f32 v28, v14;
	v22 =	vld [tilespmem:s4+$0xC300]  }
0x24e: {  	s0 =	sadd.s32 $0x10, s0;
	s11 =	sor.u32 s1, s5;
	v25 =	vmul.f32 v29, v9;
	v23 =	vld [tilespmem:s4+$0xC380]  }
0x24f: {  	v28 =	vld [tilespmem:s11+$0xC400];
	[tilespmem:s4+$0x14200] =	vst v26;
	v24 =	vadd.f32 v27, v24;
	v19 =	vmul.f32 v19, v15  }
0x250: {  	v26 =	vld [tilespmem:s11+$0xC480]  }
0x251: {  	v27 =	vld [tilespmem:s11+$0x8100];
	v20 =	vmul.f32 v20, v10;
	[tilespmem:s4+$0x14280] =	vst v24;
	v19 =	vadd.f32 v19, v25;
	v21 =	vmul.f32 v21, v16  }
0x252: {  	v24 =	vld [tilespmem:s11+$0x8180]  }
0x253: {  	v25 =	vld [tilespmem:s11+$0x8200];
	[tilespmem:s4+$0x14300] =	vst v19;
	v19 =	vadd.f32 v21, v20;
	v21 =	vmul.f32 v22, v11;
	v22 =	vmul.f32 v23, v18  }
0x254: {  	v20 =	vld [tilespmem:s11+$0x8280]  }
0x255: {  	v23 =	vld [tilespmem:s11+$0x8300];
	[tilespmem:s4+$0x14380] =	vst v19;
	v19 =	vadd.f32 v22, v21  }
0x256: {  	v12 =	vmul.f32 v28, v12;
	v13 =	vmul.f32 v26, v13;
	v21 =	vld [tilespmem:s11+$0x8380]  }
0x257: {  	v22 =	vld [tilespmem:s11+$0x8400];
	[tilespmem:s4+$0x14400] =	vst v19  }
0x258: {  	v7 =	vmul.f32 v27, v7;
	v8 =	vmul.f32 v24, v8;
	v12 =	vadd.f32 v13, v12;
	v13 =	vld [tilespmem:s11+$0x8480]  }
0x259: {  	v19 =	vld [tilespmem:s11+$0xC100]  }
0x25a: {  	v6 =	vmul.f32 v25, v6;
	v7 =	vadd.f32 v8, v7;
	[tilespmem:s11+$0x14480] =	vst v12;
	v8 =	vmul.f32 v20, v17;
	v12 =	vld [tilespmem:s11+$0xC180]  }
0x25b: {  	v17 =	vld [tilespmem:s11+$0xC380]  }
0x25c: {  	[tilespmem:s11+$0x14100] =	vst v7;
	v6 =	vadd.f32 v8, v6;
	v7 =	vld [tilespmem:s11+$0xC200]  }
0x25d: {  	v8 =	vld [tilespmem:s11+$0xC280]  }
0x25e: {  	[tilespmem:s11+$0x14180] =	vst v6;
	v6 =	vld [tilespmem:s11+$0xC300]  }
0x25f: {  	v3 =	vmul.f32 v23, v3;
	v4 =	vmul.f32 v21, v4  }
0x260: {  	v5 =	vmul.f32 v22, v5;
	v13 =	vmul.f32 v13, v14  }
0x261: {  	v3 =	vadd.f32 v4, v3;
	v4 =	vmul.f32 v19, v9;
	v9 =	vmul.f32 v12, v15  }
0x262: {  	v5 =	vadd.f32 v13, v5;
	v7 =	vmul.f32 v7, v10;
	v8 =	vmul.f32 v8, v16  }
0x263: {  	[tilespmem:s11+$0x14200] =	vst v3;
	v3 =	vadd.f32 v9, v4;
	v4 =	vmul.f32 v6, v11;
	v6 =	vmul.f32 v17, v18  }
0x264: {  	[tilespmem:s11+$0x14280] =	vst v5;
	v5 =	vadd.f32 v8, v7  }
0x265: {  	[tilespmem:s11+$0x14300] =	vst v3;
	v3 =	vadd.f32 v6, v4  }
0x266: {  	[tilespmem:s11+$0x14380] =	vst v5  }
0x267: {  	s0 =	simm.s32 $0x0;
	s1 =	rddreg [dreg:$0x8];
	[tilespmem:s11+$0x14400] =	vst v3  }
0x268: {  	[hbm4b:s1+s0] =	stream.linear.scatter [tilespmem:s17], [sflag:$0x4], $0x4000, $0x38;
	[tilespmem:$0x18100] =	vst v63  }
0x269: {  	v3 =	vld [tilespmem:$0x50];
	_ =	sdelay $0x4  }
0x26a: {  	v4 =	vshll.u32 v3, $0x4  }
0x26b: {  	v3 =	vand.u32 $0x7, v3;
	v4 =	vand.u32 $0xFFFFFF80, v4  }
0x26c: {  	v3 =	vor.u32 v3, v4  }
0x26d: {  	v4 =	vperm.xlane v3, v0;
	_ =	sdelay $0x1  }
0x26e: {  	v4 =	vadd.s32 v1, v4;
	_ =	sdelay $0x3  }
0x26f: {  	s11 =	simm.s32 $0x8100  }
0x270: {  	[tilespmem:s11], [sflag:$0x2] =	stream.indirect_vreg.gather [hbm4b:s3+s0], $0x80, v4, vm0, $0xb8;
	[tilespmem:$0x18100] =	vst v63  }
0x271: {  	s21 =	simm.s32 $0x8900  }
0x272: {  	[tilespmem:s21], [sflag:$0x2] =	stream.indirect_vreg.gather [hbm4b:s6+s0], $0x80, v4, vm0, $0xb8;
	[tilespmem:$0x18100] =	vst v63  }
0x273: {  	s23 =	simm.s32 $0x9100  }
0x274: {  	[tilespmem:s23], [sflag:$0x2] =	stream.indirect_vreg.gather [hbm4b:s7+s0], $0x80, v4, vm0, $0xb8;
	[tilespmem:$0x18100] =	vst v63  }
0x275: {  	s24 =	simm.s32 $0x9900  }
0x276: {  	[tilespmem:s24], [sflag:$0x2] =	stream.indirect_vreg.gather [hbm4b:s8+s0], $0x80, v4, vm0, $0xb8;
	[tilespmem:$0x18100] =	vst v63  }
0x277: {  	s25 =	simm.s32 $0xA100  }
0x278: {  	[tilespmem:s25], [sflag:$0x2] =	stream.indirect_vreg.gather [hbm4b:s9+s0], $0x80, v4, vm0, $0xb8;
	[tilespmem:$0x18100] =	vst v63  }
0x279: {  	s26 =	simm.s32 $0xA900;
	v3 =	vperm.xlane v3, v2  }
0x27a: {  	[tilespmem:s26], [sflag:$0x2] =	stream.indirect_vreg.gather [hbm4b:s10+s0], $0x80, v4, vm0, $0xb8;
	[tilespmem:$0x18100] =	vst v63  }
0x27b: {  	s4 =	simm.s32 $0xB100;
	v3 =	vadd.s32 v1, v3  }
0x27c: {  	[tilespmem:s4], [sflag:$0x2] =	stream.indirect_vreg.gather [hbm4b:s12+s0], $0x80, v4, vm0, $0xb8;
	[tilespmem:$0x18100] =	vst v63  }
0x27d: {  	s5 =	simm.s32 $0xB900  }
0x27e: {  	[tilespmem:s5], [sflag:$0x2] =	stream.indirect_vreg.gather [hbm4b:s13+s0], $0x80, v4, vm0, $0xb8;
	[tilespmem:$0x18100] =	vst v63  }
0x27f: {  	s11 =	simm.s32 $0xC100  }
0x280: {  	[tilespmem:s11], [sflag:$0x2] =	stream.indirect_vreg.gather [hbm4b:s3+s0], $0x80, v3, vm0, $0xb8;
	[tilespmem:$0x18100] =	vst v63  }
0x281: {  	s21 =	simm.s32 $0xC900  }
0x282: {  	[tilespmem:s21], [sflag:$0x2] =	stream.indirect_vreg.gather [hbm4b:s6+s0], $0x80, v3, vm0, $0xb8;
	[tilespmem:$0x18100] =	vst v63  }
0x283: {  	s23 =	simm.s32 $0xD100  }
0x284: {  	[tilespmem:s23], [sflag:$0x2] =	stream.indirect_vreg.gather [hbm4b:s7+s0], $0x80, v3, vm0, $0xb8;
	[tilespmem:$0x18100] =	vst v63  }
0x285: {  	s24 =	simm.s32 $0xD900  }
0x286: {  	[tilespmem:s24], [sflag:$0x2] =	stream.indirect_vreg.gather [hbm4b:s8+s0], $0x80, v3, vm0, $0xb8;
	[tilespmem:$0x18100] =	vst v63  }
0x287: {  	s25 =	simm.s32 $0xE100  }
0x288: {  	[tilespmem:s25], [sflag:$0x2] =	stream.indirect_vreg.gather [hbm4b:s9+s0], $0x80, v3, vm0, $0xb8;
	[tilespmem:$0x18100] =	vst v63  }
0x289: {  	s26 =	simm.s32 $0xE900  }
0x28a: {  	[tilespmem:s26], [sflag:$0x2] =	stream.indirect_vreg.gather [hbm4b:s10+s0], $0x80, v3, vm0, $0xb8;
	[tilespmem:$0x18100] =	vst v63  }
0x28b: {  	s4 =	simm.s32 $0xF100  }
0x28c: {  	[tilespmem:s4], [sflag:$0x2] =	stream.indirect_vreg.gather [hbm4b:s12+s0], $0x80, v3, vm0, $0xb8;
	[tilespmem:$0x18100] =	vst v63  }
0x28d: {  	s5 =	simm.s32 $0xF900  }
0x28e: {  	[tilespmem:s5], [sflag:$0x2] =	stream.indirect_vreg.gather [hbm4b:s13+s0], $0x80, v3, vm0, $0xb8;
	[tilespmem:$0x18100] =	vst v63  }
0x28f: {  	_ =	swait.ge [sflag:s14], $0x8000  }
0x290: {  	[sflag:s14] =	ssyncset.done $0x0  }
0x291: {  	[sflag:s14] =	ssyncadd.s32 $0xFFFF8000  }
0x292: {  	_ =	swait.ge [sflag:s18], $0x4000  }
0x293: {  	[sflag:s18] =	ssyncset.done $0x0  }
0x294: {  	s11 =	sand.u32 $0x70, s0;
	s21 =	sand.u32 $0x3C00, s0;
	[sflag:s18] =	ssyncadd.s32 $0xFFFFC000  }
0x295: {  	s26 =	sor.u32 s11, s21;
	v16 =	vld [tilespmem:$0xC0]  }
0x296: {  	v10 =	vld [tilespmem:s26+$0x280]  }
0x297: {  	v9 =	vld [tilespmem:s26+$0x300]  }
0x298: {  	v8 =	vld [tilespmem:s26+$0x380]  }
0x299: {  	v11 =	vld [tilespmem:s26+$0x100]  }
0x29a: {  	v3 =	vld [tilespmem:s26+$0x180];
	v6 =	vbroadcast v16, $0x4  }
0x29b: {  	v12 =	vld [tilespmem:s26+$0x200];
	v7 =	vbroadcast v16, $0x5;
	v4 =	vbroadcast v16, $0x0  }
0x29c: {  	s29 =	simm.s32 $0x3;
	s23 =	simm.s32 $0x1;
	v5 =	vbroadcast v16, $0x1;
	v13 =	vmul.f32 v9, v6  }
0x29d: {  	s30 =	simm.s32 $0x180;
	s1 =	sand.u32 $0x7, s23;
	s23 =	simm.s32 $0x30;
	v17 =	vld [tilespmem:s26+$0x4280];
	v14 =	vmul.f32 v8, v7;
	v8 =	vbroadcast v16, $0x2  }
0x29e: {  	s24 =	simm.s32 $0x10;
	s1 =	sshll.u32 s1, $0x4;
	s25 =	simm.s32 $0x2;
	v18 =	vld [tilespmem:s26+$0x4200];
	v9 =	vbroadcast v16, $0x3;
	v11 =	vmul.f32 v11, v4  }
0x29f: {  	s28 =	sadd.s32 $0x80, s1;
	s1 =	sand.u32 $0x7, s25;
	s11 =	simm.s32 $0x20;
	v19 =	vld [tilespmem:s26+$0x4480];
	v15 =	vmul.f32 v3, v5;
	v3 =	vbroadcast v16, $0x6  }
0x2a0: {  	s21 =	simm.s32 $0x100;
	s1 =	sshll.u32 s1, $0x4;
	s11 =	sand.u32 $0x70, s11;
	v24 =	vld [tilespmem:s26+$0x4400];
	v13 =	vadd.f32 v14, v13;
	v14 =	vmul.f32 v10, v9;
	v23 =	vmul.f32 v12, v8  }
0x2a1: {  	s4 =	sand.u32 $0x70, s24;
	s0 =	sand.u32 $0x7, s0;
	s5 =	simm.s32 $0x80;
	v20 =	vld [tilespmem:s26+$0x4180];
	v15 =	vadd.f32 v15, v11;
	v10 =	vbroadcast v16, $0x7;
	v11 =	vbroadcast v16, $0x8  }
0x2a2: {  	s24 =	sadd.s32 $0x100, s1;
	s0 =	sshll.u32 s0, $0x4;
	s5 =	sand.u32 $0x3C00, s5;
	v21 =	vld [tilespmem:s26+$0x4380];
	v12 =	vbroadcast v16, $0xA;
	[tilespmem:s26+$0x10200] =	vst v13;
	v13 =	vbroadcast v16, $0xB  }
0x2a3: {  	s25 =	sor.u32 s4, s5;
	s4 =	sand.u32 $0x3C00, s21;
	s21 =	sand.u32 $0x7, s29;
	v22 =	vld [tilespmem:s26+$0x4300];
	v23 =	vadd.f32 v14, v23;
	[tilespmem:s26+$0x10100] =	vst v15;
	v15 =	vbroadcast v16, $0x9;
	v14 =	vbroadcast v16, $0xE  }
0x2a4: {  	s0 =	sadd.s32 $0x0, s0;
	s1 =	sshll.u32 s21, $0x4;
	s21 =	sand.u32 $0x70, s23;
	v25 =	vld [tilespmem:s26+$0x4100];
	v27 =	vmul.f32 v18, v12;
	v28 =	vmul.f32 v17, v13  }
0x2a5: {  	s31 =	simm.s32 $0x40;
	s23 =	sand.u32 $0x3C00, s30;
	s0 =	sor.u32 $0x380, s0;
	v26 =	vld [tilespmem:s26+$0x400];
	v18 =	vbroadcast v16, $0xD;
	[tilespmem:s26+$0x10180] =	vst v23;
	v17 =	vbroadcast v16, $0xC  }
0x2a6: {  	s11 =	sor.u32 s11, s4;
	s21 =	sor.u32 s21, s23;
	s4 =	sadd.s32 $0x180, s1;
	v16 =	vbroadcast v16, $0xF;
	v24 =	vmul.f32 v24, v14;
	v23 =	vadd.f32 v28, v27;
	v27 =	vld [tilespmem:s0+$0x100]  }
.LBB2_10:
0x2a7: {  	p0 =	sne.s32 s31, $0x7F0;
	s30 =	sadd.s32 $0x80, s30;
	s29 =	sadd.s32 $0x1, s29  }
0x2a8: {  	v21 =	vmul.f32 v21, v18;
	s5 =	smov.u32 s31;
	s31 =	sadd.s32 $0x10, s31;
	s1 =	sand.u32 $0x7, s29;
	v22 =	vmul.f32 v22, v17  }
0x2a9: {  	s1 =	sshll.u32 s1, $0x4;
	v25 =	vmul.f32 v25, v11  }
0x2aa: {  	v20 =	vmul.f32 v20, v15;
	s1 =	sadd.s32 s1, s30;
	v26 =	vmul.f32 v26, v3;
	v21 =	vadd.f32 v21, v22  }
0x2ab: {  	v19 =	vmul.f32 v19, v16;
	s5 =	sand.u32 $0x70, s5;
	s23 =	sand.u32 $0x3C00, s30;
	v22 =	vmul.f32 v27, v10  }
0x2ac: {  	s5 =	sor.u32 s5, s23;
	v20 =	vadd.f32 v20, v25;
	[tilespmem:s26+$0x10400] =	vst v21  }
0x2ad: {  	v19 =	vadd.f32 v19, v24;
	v21 =	vadd.f32 v22, v26;
	[tilespmem:s26+$0x10380] =	vst v23  }
0x2ae: {  	[tilespmem:s26+$0x10300] =	vst v20  }
0x2af: {  	[tilespmem:s26+$0x10280] =	vst v21;
	s26 =	smov.u32 s25;
	s25 =	smov.u32 s11;
	s11 =	smov.u32 s21  }
0x2b0: {  	s21 =	smov.u32 s5;
	[tilespmem:s0+$0x10100] =	vst v19  }
0x2b1: {  	v19 =	vld [tilespmem:s26+$0x280]  }
0x2b2: {  	v20 =	vld [tilespmem:s26+$0x180]  }
0x2b3: {  	v21 =	vld [tilespmem:s26+$0x380]  }
0x2b4: {  	v22 =	vld [tilespmem:s26+$0x300]  }
0x2b5: {  	v23 =	vld [tilespmem:s26+$0x100]  }
0x2b6: {  	v24 =	vld [tilespmem:s26+$0x200]  }
0x2b7: {  	v25 =	vld [tilespmem:s26+$0x4280]  }
0x2b8: {  	v26 =	vmul.f32 v19, v9;
	v27 =	vld [tilespmem:s26+$0x4200]  }
0x2b9: {  	v21 =	vmul.f32 v21, v7;
	v22 =	vmul.f32 v22, v6;
	v19 =	vld [tilespmem:s26+$0x4480]  }
0x2ba: {  	v28 =	vmul.f32 v20, v5;
	v23 =	vmul.f32 v23, v4;
	v29 =	vld [tilespmem:s26+$0x4400]  }
0x2bb: {  	v24 =	vmul.f32 v24, v8;
	v22 =	vadd.f32 v21, v22;
	v20 =	vld [tilespmem:s26+$0x4180]  }
.Ltmp4:
0x2bc: {  	v23 =	vadd.f32 v28, v23;
	v21 =	vld [tilespmem:s26+$0x4380];
	(pc) =	sbr.rel @p0 .LBB2_10-.Ltmp4, $4  }
0x2bd: {  	v28 =	vmul.f32 v25, v13;
	v24 =	vadd.f32 v26, v24;
	[tilespmem:s26+$0x10200] =	vst v22;
	v27 =	vmul.f32 v27, v12;
	v22 =	vld [tilespmem:s26+$0x4300]  }
0x2be: {  	s0 =	sor.u32 $0x380, s28;
	s28 =	smov.u32 s24;
	s24 =	smov.u32 s4;
	[tilespmem:s26+$0x10100] =	vst v23;
	v25 =	vld [tilespmem:s26+$0x4100]  }
0x2bf: {  	s4 =	smov.u32 s1;
	[tilespmem:s26+$0x10180] =	vst v24;
	v26 =	vld [tilespmem:s26+$0x400];
	v23 =	vadd.f32 v28, v27;
	v24 =	vmul.f32 v29, v14  }
0x2c0: {  	v27 =	vld [tilespmem:s0+$0x100]  }
0x2c1: {  	_ =	sdelay $0x1  }
0x2c2: {  	v21 =	vmul.f32 v21, v18;
	v22 =	vmul.f32 v22, v17  }
0x2c3: {  	v20 =	vmul.f32 v20, v15;
	v25 =	vmul.f32 v25, v11  }
0x2c4: {  	v21 =	vadd.f32 v21, v22;
	v22 =	vmul.f32 v26, v3;
	v26 =	vmul.f32 v27, v10  }
0x2c5: {  	v19 =	vmul.f32 v19, v16;
	[tilespmem:s26+$0x10380] =	vst v23;
	v20 =	vadd.f32 v20, v25  }
0x2c6: {  	[tilespmem:s26+$0x10400] =	vst v21;
	v21 =	vadd.f32 v26, v22  }
0x2c7: {  	v19 =	vadd.f32 v19, v24;
	[tilespmem:s26+$0x10300] =	vst v20  }
0x2c8: {  	[tilespmem:s26+$0x10280] =	vst v21  }
0x2c9: {  	[tilespmem:s0+$0x10100] =	vst v19  }
0x2ca: {  	v19 =	vld [tilespmem:s25+$0x280]  }
0x2cb: {  	v20 =	vld [tilespmem:s25+$0x180]  }
0x2cc: {  	v21 =	vld [tilespmem:s25+$0x380]  }
0x2cd: {  	v22 =	vld [tilespmem:s25+$0x300]  }
0x2ce: {  	v23 =	vld [tilespmem:s25+$0x100]  }
0x2cf: {  	v24 =	vld [tilespmem:s25+$0x200];
	_ =	sdelay $0x1  }
0x2d0: {  	v25 =	vld [tilespmem:s25+$0x4280]  }
0x2d1: {  	v26 =	vld [tilespmem:s25+$0x4200];
	v22 =	vmul.f32 v22, v6;
	v21 =	vmul.f32 v21, v7  }
0x2d2: {  	v27 =	vld [tilespmem:s25+$0x4480];
	v23 =	vmul.f32 v23, v4;
	v20 =	vmul.f32 v20, v5  }
0x2d3: {  	v29 =	vld [tilespmem:s25+$0x4380];
	v19 =	vmul.f32 v19, v9;
	v24 =	vmul.f32 v24, v8;
	v21 =	vadd.f32 v21, v22  }
0x2d4: {  	v22 =	vld [tilespmem:s25+$0x4180];
	v20 =	vadd.f32 v20, v23  }
0x2d5: {  	v19 =	vadd.f32 v19, v24;
	[tilespmem:s25+$0x10200] =	vst v21;
	v21 =	vld [tilespmem:s25+$0x4300]  }
0x2d6: {  	[tilespmem:s25+$0x10100] =	vst v20;
	v20 =	vld [tilespmem:s25+$0x4100]  }
0x2d7: {  	s1 =	sor.u32 $0x380, s28;
	[tilespmem:s25+$0x10180] =	vst v19;
	v19 =	vld [tilespmem:s25+$0x400]  }
0x2d8: {  	v23 =	vld [tilespmem:s1+$0x100]  }
0x2d9: {  	v28 =	vld [tilespmem:s25+$0x4400]  }
0x2da: {  	v24 =	vmul.f32 v29, v18;
	v21 =	vmul.f32 v21, v17  }
0x2db: {  	v26 =	vmul.f32 v26, v12;
	v25 =	vmul.f32 v25, v13  }
0x2dc: {  	v22 =	vmul.f32 v22, v15;
	v20 =	vmul.f32 v20, v11;
	v21 =	vadd.f32 v24, v21  }
0x2dd: {  	v19 =	vmul.f32 v19, v3;
	v23 =	vmul.f32 v23, v10;
	v24 =	vadd.f32 v25, v26  }
0x2de: {  	v25 =	vmul.f32 v28, v14;
	v26 =	vmul.f32 v27, v16;
	v20 =	vadd.f32 v22, v20;
	[tilespmem:s25+$0x10400] =	vst v21  }
0x2df: {  	v19 =	vadd.f32 v23, v19;
	[tilespmem:s25+$0x10380] =	vst v24  }
0x2e0: {  	v21 =	vadd.f32 v26, v25;
	[tilespmem:s25+$0x10300] =	vst v20  }
0x2e1: {  	[tilespmem:s25+$0x10280] =	vst v19  }
0x2e2: {  	[tilespmem:s1+$0x10100] =	vst v21  }
0x2e3: {  	v20 =	vld [tilespmem:s11+$0x180]  }
0x2e4: {  	v21 =	vld [tilespmem:s11+$0x380]  }
0x2e5: {  	v22 =	vld [tilespmem:s11+$0x300]  }
0x2e6: {  	v23 =	vld [tilespmem:s11+$0x100]  }
0x2e7: {  	v19 =	vld [tilespmem:s11+$0x280]  }
0x2e8: {  	v24 =	vld [tilespmem:s11+$0x200];
	_ =	sdelay $0x1  }
0x2e9: {  	v25 =	vld [tilespmem:s11+$0x4280];
	v22 =	vmul.f32 v22, v6;
	v21 =	vmul.f32 v21, v7  }
0x2ea: {  	v26 =	vld [tilespmem:s11+$0x4200];
	v23 =	vmul.f32 v23, v4;
	v20 =	vmul.f32 v20, v5  }
0x2eb: {  	v27 =	vld [tilespmem:s11+$0x4480];
	v19 =	vmul.f32 v19, v9  }
0x2ec: {  	v29 =	vld [tilespmem:s11+$0x4380];
	v21 =	vadd.f32 v21, v22;
	v20 =	vadd.f32 v20, v23;
	v23 =	vmul.f32 v24, v8  }
0x2ed: {  	v22 =	vld [tilespmem:s11+$0x4180]  }
0x2ee: {  	[tilespmem:s11+$0x10200] =	vst v21;
	v21 =	vld [tilespmem:s11+$0x4300];
	v19 =	vadd.f32 v19, v23  }
0x2ef: {  	[tilespmem:s11+$0x10100] =	vst v20;
	v20 =	vld [tilespmem:s11+$0x4100]  }
0x2f0: {  	s5 =	sor.u32 $0x380, s24;
	[tilespmem:s11+$0x10180] =	vst v19;
	v19 =	vld [tilespmem:s11+$0x400]  }
0x2f1: {  	v23 =	vld [tilespmem:s5+$0x100]  }
0x2f2: {  	v28 =	vld [tilespmem:s11+$0x4400]  }
0x2f3: {  	v24 =	vmul.f32 v29, v18;
	v21 =	vmul.f32 v21, v17  }
0x2f4: {  	v26 =	vmul.f32 v26, v12;
	v25 =	vmul.f32 v25, v13  }
0x2f5: {  	v22 =	vmul.f32 v22, v15;
	v20 =	vmul.f32 v20, v11;
	v21 =	vadd.f32 v24, v21  }
0x2f6: {  	v24 =	vadd.f32 v25, v26;
	v19 =	vmul.f32 v19, v3;
	v23 =	vmul.f32 v23, v10  }
0x2f7: {  	v25 =	vmul.f32 v28, v14;
	v26 =	vmul.f32 v27, v16;
	v20 =	vadd.f32 v22, v20;
	[tilespmem:s11+$0x10400] =	vst v21  }
0x2f8: {  	[tilespmem:s11+$0x10380] =	vst v24;
	v19 =	vadd.f32 v23, v19  }
0x2f9: {  	v21 =	vadd.f32 v26, v25;
	[tilespmem:s11+$0x10300] =	vst v20  }
0x2fa: {  	[tilespmem:s11+$0x10280] =	vst v19  }
0x2fb: {  	[tilespmem:s5+$0x10100] =	vst v21  }
0x2fc: {  	v19 =	vld [tilespmem:s21+$0x280]  }
0x2fd: {  	v20 =	vld [tilespmem:s21+$0x180]  }
0x2fe: {  	v21 =	vld [tilespmem:s21+$0x380]  }
0x2ff: {  	v22 =	vld [tilespmem:s21+$0x300]  }
0x300: {  	v23 =	vld [tilespmem:s21+$0x100]  }
0x301: {  	v24 =	vld [tilespmem:s21+$0x200];
	_ =	sdelay $0x1  }
0x302: {  	v25 =	vld [tilespmem:s21+$0x4280]  }
0x303: {  	v26 =	vld [tilespmem:s21+$0x4200];
	v6 =	vmul.f32 v22, v6;
	v7 =	vmul.f32 v21, v7  }
0x304: {  	v21 =	vld [tilespmem:s21+$0x4480];
	v4 =	vmul.f32 v23, v4;
	v5 =	vmul.f32 v20, v5  }
0x305: {  	v20 =	vld [tilespmem:s21+$0x4380];
	v9 =	vmul.f32 v19, v9;
	v8 =	vmul.f32 v24, v8;
	v6 =	vadd.f32 v7, v6  }
0x306: {  	v7 =	vld [tilespmem:s21+$0x4180];
	v4 =	vadd.f32 v5, v4  }
0x307: {  	v5 =	vld [tilespmem:s21+$0x4300];
	[tilespmem:s21+$0x10200] =	vst v6;
	v6 =	vadd.f32 v9, v8  }
0x308: {  	[tilespmem:s21+$0x10100] =	vst v4;
	v4 =	vld [tilespmem:s21+$0x4100]  }
0x309: {  	s23 =	sor.u32 $0x380, s4;
	[tilespmem:s21+$0x10180] =	vst v6;
	v6 =	vld [tilespmem:s21+$0x400]  }
0x30a: {  	v8 =	vld [tilespmem:s23+$0x100]  }
0x30b: {  	v22 =	vld [tilespmem:s21+$0x4400]  }
0x30c: {  	v9 =	vmul.f32 v20, v18;
	v5 =	vmul.f32 v5, v17  }
0x30d: {  	v12 =	vmul.f32 v26, v12;
	v13 =	vmul.f32 v25, v13  }
0x30e: {  	v7 =	vmul.f32 v7, v15;
	v4 =	vmul.f32 v4, v11;
	v5 =	vadd.f32 v9, v5  }
0x30f: {  	v9 =	vadd.f32 v13, v12;
	v3 =	vmul.f32 v6, v3;
	v6 =	vmul.f32 v8, v10  }
0x310: {  	v4 =	vadd.f32 v7, v4;
	[tilespmem:s21+$0x10400] =	vst v5;
	v8 =	vmul.f32 v22, v14;
	v10 =	vmul.f32 v21, v16  }
0x311: {  	[tilespmem:s21+$0x10380] =	vst v9;
	v3 =	vadd.f32 v6, v3  }
0x312: {  	[tilespmem:s21+$0x10300] =	vst v4;
	v5 =	vadd.f32 v10, v8  }
0x313: {  	[tilespmem:s21+$0x10280] =	vst v3  }
0x314: {  	s0 =	simm.s32 $0x0;
	s1 =	rddreg [dreg:$0x9];
	[tilespmem:s23+$0x10100] =	vst v5  }
0x315: {  	[hbm4b:s1+s0] =	stream.linear.scatter [tilespmem:s15], [sflag:$0x3], $0x4000, $0x38;
	[tilespmem:$0x18100] =	vst v63  }
0x316: {  	v3 =	vld [tilespmem:$0x60];
	_ =	sdelay $0x4  }
0x317: {  	v4 =	vshll.u32 v3, $0x4  }
0x318: {  	v3 =	vand.u32 $0x7, v3;
	v4 =	vand.u32 $0xFFFFFF80, v4  }
0x319: {  	v3 =	vor.u32 v3, v4  }
0x31a: {  	v4 =	vperm.xlane v3, v0;
	_ =	sdelay $0x1  }
0x31b: {  	v4 =	vadd.s32 v1, v4;
	_ =	sdelay $0x3  }
0x31c: {  	s24 =	simm.s32 $0x100  }
0x31d: {  	[tilespmem:s24], [sflag:$0x1] =	stream.indirect_vreg.gather [hbm4b:s3+s0], $0x80, v4, vm0, $0xb8;
	[tilespmem:$0x18100] =	vst v63  }
0x31e: {  	s25 =	simm.s32 $0x900  }
0x31f: {  	[tilespmem:s25], [sflag:$0x1] =	stream.indirect_vreg.gather [hbm4b:s6+s0], $0x80, v4, vm0, $0xb8;
	[tilespmem:$0x18100] =	vst v63  }
0x320: {  	s26 =	simm.s32 $0x1100  }
0x321: {  	[tilespmem:s26], [sflag:$0x1] =	stream.indirect_vreg.gather [hbm4b:s7+s0], $0x80, v4, vm0, $0xb8;
	[tilespmem:$0x18100] =	vst v63  }
0x322: {  	s28 =	simm.s32 $0x1900  }
0x323: {  	[tilespmem:s28], [sflag:$0x1] =	stream.indirect_vreg.gather [hbm4b:s8+s0], $0x80, v4, vm0, $0xb8;
	[tilespmem:$0x18100] =	vst v63  }
0x324: {  	s29 =	simm.s32 $0x2100  }
0x325: {  	[tilespmem:s29], [sflag:$0x1] =	stream.indirect_vreg.gather [hbm4b:s9+s0], $0x80, v4, vm0, $0xb8;
	[tilespmem:$0x18100] =	vst v63  }
0x326: {  	s30 =	simm.s32 $0x2900;
	v3 =	vperm.xlane v3, v2  }
0x327: {  	[tilespmem:s30], [sflag:$0x1] =	stream.indirect_vreg.gather [hbm4b:s10+s0], $0x80, v4, vm0, $0xb8;
	[tilespmem:$0x18100] =	vst v63  }
0x328: {  	s31 =	simm.s32 $0x3100;
	v3 =	vadd.s32 v1, v3  }
0x329: {  	[tilespmem:s31], [sflag:$0x1] =	stream.indirect_vreg.gather [hbm4b:s12+s0], $0x80, v4, vm0, $0xb8;
	[tilespmem:$0x18100] =	vst v63  }
0x32a: {  	s4 =	simm.s32 $0x3900  }
0x32b: {  	[tilespmem:s4], [sflag:$0x1] =	stream.indirect_vreg.gather [hbm4b:s13+s0], $0x80, v4, vm0, $0xb8;
	[tilespmem:$0x18100] =	vst v63  }
0x32c: {  	s5 =	simm.s32 $0x4100  }
0x32d: {  	[tilespmem:s5], [sflag:$0x1] =	stream.indirect_vreg.gather [hbm4b:s3+s0], $0x80, v3, vm0, $0xb8;
	[tilespmem:$0x18100] =	vst v63  }
0x32e: {  	s11 =	simm.s32 $0x4900  }
0x32f: {  	[tilespmem:s11], [sflag:$0x1] =	stream.indirect_vreg.gather [hbm4b:s6+s0], $0x80, v3, vm0, $0xb8;
	[tilespmem:$0x18100] =	vst v63  }
0x330: {  	s21 =	simm.s32 $0x5100  }
0x331: {  	[tilespmem:s21], [sflag:$0x1] =	stream.indirect_vreg.gather [hbm4b:s7+s0], $0x80, v3, vm0, $0xb8;
	[tilespmem:$0x18100] =	vst v63  }
0x332: {  	s23 =	simm.s32 $0x5900  }
0x333: {  	[tilespmem:s23], [sflag:$0x1] =	stream.indirect_vreg.gather [hbm4b:s8+s0], $0x80, v3, vm0, $0xb8;
	[tilespmem:$0x18100] =	vst v63  }
0x334: {  	s24 =	simm.s32 $0x6100  }
0x335: {  	[tilespmem:s24], [sflag:$0x1] =	stream.indirect_vreg.gather [hbm4b:s9+s0], $0x80, v3, vm0, $0xb8;
	[tilespmem:$0x18100] =	vst v63  }
0x336: {  	s25 =	simm.s32 $0x6900  }
0x337: {  	[tilespmem:s25], [sflag:$0x1] =	stream.indirect_vreg.gather [hbm4b:s10+s0], $0x80, v3, vm0, $0xb8;
	[tilespmem:$0x18100] =	vst v63  }
0x338: {  	s26 =	simm.s32 $0x7100  }
0x339: {  	[tilespmem:s26], [sflag:$0x1] =	stream.indirect_vreg.gather [hbm4b:s12+s0], $0x80, v3, vm0, $0xb8;
	[tilespmem:$0x18100] =	vst v63  }
0x33a: {  	s28 =	simm.s32 $0x7900  }
0x33b: {  	[tilespmem:s28], [sflag:$0x1] =	stream.indirect_vreg.gather [hbm4b:s13+s0], $0x80, v3, vm0, $0xb8;
	[tilespmem:$0x18100] =	vst v63  }
0x33c: {  	_ =	swait.ge [sflag:s16], $0x8000  }
0x33d: {  	[sflag:s16] =	ssyncset.done $0x0  }
0x33e: {  	[sflag:s16] =	ssyncadd.s32 $0xFFFF8000  }
0x33f: {  	_ =	swait.ge [sflag:s19], $0x4000  }
0x340: {  	[sflag:s19] =	ssyncset.done $0x0  }
0x341: {  	s29 =	sand.u32 $0x70, s0;
	s0 =	sand.u32 $0x3C00, s0;
	[sflag:s19] =	ssyncadd.s32 $0xFFFFC000  }
0x342: {  	s4 =	sor.u32 s29, s0;
	v18 =	vld [tilespmem:$0xD0]  }
0x343: {  	v3 =	vld [tilespmem:s4+$0xC400]  }
0x344: {  	v4 =	vld [tilespmem:s4+$0xC480]  }
0x345: {  	v5 =	vld [tilespmem:s4+$0x8100]  }
0x346: {  	v9 =	vld [tilespmem:s4+$0x8180]  }
0x347: {  	v10 =	vld [tilespmem:s4+$0x8200];
	v12 =	vbroadcast v18, $0xE  }
0x348: {  	v11 =	vld [tilespmem:s4+$0x8280];
	v13 =	vbroadcast v18, $0xF;
	v7 =	vbroadcast v18, $0x0  }
0x349: {  	v8 =	vbroadcast v18, $0x1;
	v6 =	vbroadcast v18, $0x2  }
0x34a: {  	v17 =	vbroadcast v18, $0x3;
	v3 =	vmul.f32 v3, v12  }
0x34b: {  	v22 =	vld [tilespmem:s4+$0x8300];
	v4 =	vmul.f32 v4, v13;
	v14 =	vmul.f32 v5, v7  }
0x34c: {  	v23 =	vld [tilespmem:s4+$0x8380];
	v9 =	vmul.f32 v9, v8;
	v5 =	vbroadcast v18, $0x6  }
0x34d: {  	v24 =	vld [tilespmem:s4+$0x8400];
	v20 =	vmul.f32 v10, v6;
	v11 =	vmul.f32 v11, v17  }
0x34e: {  	v25 =	vld [tilespmem:s4+$0x8480];
	v10 =	vbroadcast v18, $0xA;
	v15 =	vadd.f32 v4, v3;
	v3 =	vbroadcast v18, $0x4  }
0x34f: {  	v28 =	vld [tilespmem:s4+$0xC100];
	v4 =	vbroadcast v18, $0x5;
	v16 =	vadd.f32 v9, v14;
	v14 =	vbroadcast v18, $0x7  }
0x350: {  	v19 =	vld [tilespmem:s4+$0xC180];
	v9 =	vbroadcast v18, $0x8;
	v26 =	vadd.f32 v11, v20;
	v11 =	vbroadcast v18, $0xC  }
0x351: {  	v20 =	vld [tilespmem:s4+$0xC200];
	[tilespmem:s4+$0x14480] =	vst v15;
	v27 =	vmul.f32 v22, v3;
	v23 =	vmul.f32 v23, v4  }
0x352: {  	s30 =	simm.s32 $0x10;
	s21 =	simm.s32 $0x80;
	v21 =	vld [tilespmem:s4+$0xC280];
	v24 =	vmul.f32 v24, v5;
	[tilespmem:s4+$0x14100] =	vst v16;
	v15 =	vbroadcast v18, $0x9  }
0x353: {  	s31 =	sand.u32 $0x3C00, s21;
	s0 =	sand.u32 $0x70, s30;
	v16 =	vbroadcast v18, $0xB;
	[tilespmem:s4+$0x14180] =	vst v26;
	v22 =	vld [tilespmem:s4+$0xC300];
	v26 =	vadd.f32 v23, v27;
	v27 =	vmul.f32 v25, v14  }
0x354: {  	s11 =	sor.u32 s0, s31;
	s0 =	simm.s32 $0x20;
	v18 =	vbroadcast v18, $0xD;
	v25 =	vmul.f32 v28, v9;
	v23 =	vld [tilespmem:s4+$0xC380]  }
.LBB2_12:
0x355: {  	p0 =	sne.s32 s0, $0x7F0;
	v28 =	vld [tilespmem:s11+$0xC400];
	[tilespmem:s4+$0x14200] =	vst v26;
	v24 =	vadd.f32 v27, v24;
	v19 =	vmul.f32 v19, v15  }
0x356: {  	v26 =	vld [tilespmem:s11+$0xC480];
	v20 =	vmul.f32 v20, v10  }
0x357: {  	v27 =	vld [tilespmem:s11+$0x8100];
	[tilespmem:s4+$0x14280] =	vst v24;
	v19 =	vadd.f32 v19, v25;
	v21 =	vmul.f32 v21, v16  }
0x358: {  	v24 =	vld [tilespmem:s11+$0x8180];
	v22 =	vmul.f32 v22, v11  }
0x359: {  	v25 =	vld [tilespmem:s11+$0x8200];
	[tilespmem:s4+$0x14300] =	vst v19;
	v19 =	vadd.f32 v21, v20;
	v20 =	vmul.f32 v23, v18  }
0x35a: {  	v21 =	vld [tilespmem:s11+$0x8280]  }
0x35b: {  	v28 =	vmul.f32 v28, v12;
	v23 =	vld [tilespmem:s11+$0x8300];
	v26 =	vmul.f32 v26, v13;
	[tilespmem:s4+$0x14380] =	vst v19;
	v19 =	vadd.f32 v20, v22  }
0x35c: {  	v20 =	vmul.f32 v27, v7;
	v22 =	vld [tilespmem:s11+$0x8380]  }
0x35d: {  	v24 =	vmul.f32 v24, v8;
	v27 =	vld [tilespmem:s11+$0x8400];
	v26 =	vadd.f32 v26, v28;
	[tilespmem:s4+$0x14400] =	vst v19;
	s4 =	smov.u32 s11  }
0x35e: {  	v25 =	vmul.f32 v25, v6;
	v28 =	vld [tilespmem:s4+$0x8480]  }
0x35f: {  	v20 =	vadd.f32 v24, v20;
	v21 =	vmul.f32 v21, v17;
	v29 =	vld [tilespmem:s4+$0xC100];
	[tilespmem:s4+$0x14480] =	vst v26  }
.Ltmp5:
0x360: {  	v23 =	vmul.f32 v23, v3;
	v19 =	vld [tilespmem:s4+$0xC180];
	(pc) =	sbr.rel @p0 .LBB2_12-.Ltmp5, $4  }
0x361: {  	[tilespmem:s4+$0x14100] =	vst v20;
	v25 =	vadd.f32 v21, v25;
	v22 =	vmul.f32 v22, v4;
	v20 =	vld [tilespmem:s4+$0xC200]  }
0x362: {  	s21 =	sadd.s32 $0x80, s21;
	v24 =	vmul.f32 v27, v5;
	v21 =	vld [tilespmem:s4+$0xC280]  }
0x363: {  	s1 =	sand.u32 $0x70, s0;
	s5 =	sand.u32 $0x3C00, s21;
	[tilespmem:s4+$0x14180] =	vst v25;
	v26 =	vadd.f32 v22, v23;
	v27 =	vmul.f32 v28, v14;
	v22 =	vld [tilespmem:s4+$0xC300]  }
0x364: {  	s0 =	sadd.s32 $0x10, s0;
	s11 =	sor.u32 s1, s5;
	v25 =	vmul.f32 v29, v9;
	v23 =	vld [tilespmem:s4+$0xC380]  }
0x365: {  	v28 =	vld [tilespmem:s11+$0xC400];
	[tilespmem:s4+$0x14200] =	vst v26;
	v24 =	vadd.f32 v27, v24;
	v19 =	vmul.f32 v19, v15  }
0x366: {  	v26 =	vld [tilespmem:s11+$0xC480]  }
0x367: {  	v27 =	vld [tilespmem:s11+$0x8100];
	v20 =	vmul.f32 v20, v10;
	[tilespmem:s4+$0x14280] =	vst v24;
	v19 =	vadd.f32 v19, v25;
	v21 =	vmul.f32 v21, v16  }
0x368: {  	v24 =	vld [tilespmem:s11+$0x8180]  }
0x369: {  	v25 =	vld [tilespmem:s11+$0x8200];
	[tilespmem:s4+$0x14300] =	vst v19;
	v19 =	vadd.f32 v21, v20;
	v21 =	vmul.f32 v22, v11;
	v22 =	vmul.f32 v23, v18  }
0x36a: {  	v20 =	vld [tilespmem:s11+$0x8280]  }
0x36b: {  	v23 =	vld [tilespmem:s11+$0x8300];
	[tilespmem:s4+$0x14380] =	vst v19;
	v19 =	vadd.f32 v22, v21  }
0x36c: {  	v12 =	vmul.f32 v28, v12;
	v13 =	vmul.f32 v26, v13;
	v21 =	vld [tilespmem:s11+$0x8380]  }
0x36d: {  	v22 =	vld [tilespmem:s11+$0x8400];
	[tilespmem:s4+$0x14400] =	vst v19  }
0x36e: {  	v7 =	vmul.f32 v27, v7;
	v8 =	vmul.f32 v24, v8;
	v12 =	vadd.f32 v13, v12;
	v13 =	vld [tilespmem:s11+$0x8480]  }
0x36f: {  	v19 =	vld [tilespmem:s11+$0xC100]  }
0x370: {  	v6 =	vmul.f32 v25, v6;
	v7 =	vadd.f32 v8, v7;
	[tilespmem:s11+$0x14480] =	vst v12;
	v8 =	vmul.f32 v20, v17;
	v12 =	vld [tilespmem:s11+$0xC180]  }
0x371: {  	v17 =	vld [tilespmem:s11+$0xC380]  }
0x372: {  	[tilespmem:s11+$0x14100] =	vst v7;
	v6 =	vadd.f32 v8, v6;
	v7 =	vld [tilespmem:s11+$0xC200]  }
0x373: {  	v8 =	vld [tilespmem:s11+$0xC280]  }
0x374: {  	[tilespmem:s11+$0x14180] =	vst v6;
	v6 =	vld [tilespmem:s11+$0xC300]  }
0x375: {  	v3 =	vmul.f32 v23, v3;
	v4 =	vmul.f32 v21, v4  }
0x376: {  	v5 =	vmul.f32 v22, v5;
	v13 =	vmul.f32 v13, v14  }
0x377: {  	v3 =	vadd.f32 v4, v3;
	v4 =	vmul.f32 v19, v9;
	v9 =	vmul.f32 v12, v15  }
0x378: {  	v5 =	vadd.f32 v13, v5;
	v7 =	vmul.f32 v7, v10;
	v8 =	vmul.f32 v8, v16  }
0x379: {  	[tilespmem:s11+$0x14200] =	vst v3;
	v3 =	vadd.f32 v9, v4;
	v4 =	vmul.f32 v6, v11;
	v6 =	vmul.f32 v17, v18  }
0x37a: {  	[tilespmem:s11+$0x14280] =	vst v5;
	v5 =	vadd.f32 v8, v7  }
0x37b: {  	[tilespmem:s11+$0x14300] =	vst v3;
	v3 =	vadd.f32 v6, v4  }
0x37c: {  	[tilespmem:s11+$0x14380] =	vst v5  }
0x37d: {  	s0 =	simm.s32 $0x0;
	s1 =	rddreg [dreg:$0xa];
	[tilespmem:s11+$0x14400] =	vst v3  }
0x37e: {  	[hbm4b:s1+s0] =	stream.linear.scatter [tilespmem:s17], [sflag:$0x4], $0x4000, $0x38;
	[tilespmem:$0x18100] =	vst v63  }
0x37f: {  	v3 =	vld [tilespmem:$0x70];
	_ =	sdelay $0x4  }
0x380: {  	v4 =	vshll.u32 v3, $0x4  }
0x381: {  	v3 =	vand.u32 $0x7, v3;
	v4 =	vand.u32 $0xFFFFFF80, v4  }
0x382: {  	v3 =	vor.u32 v3, v4  }
0x383: {  	v4 =	vperm.xlane v3, v0;
	_ =	sdelay $0x1  }
0x384: {  	v4 =	vadd.s32 v1, v4;
	_ =	sdelay $0x3  }
0x385: {  	s11 =	simm.s32 $0x8100  }
0x386: {  	[tilespmem:s11], [sflag:$0x2] =	stream.indirect_vreg.gather [hbm4b:s3+s0], $0x80, v4, vm0, $0xb8;
	[tilespmem:$0x18100] =	vst v63  }
0x387: {  	s21 =	simm.s32 $0x8900  }
0x388: {  	[tilespmem:s21], [sflag:$0x2] =	stream.indirect_vreg.gather [hbm4b:s6+s0], $0x80, v4, vm0, $0xb8;
	[tilespmem:$0x18100] =	vst v63  }
0x389: {  	s23 =	simm.s32 $0x9100  }
0x38a: {  	[tilespmem:s23], [sflag:$0x2] =	stream.indirect_vreg.gather [hbm4b:s7+s0], $0x80, v4, vm0, $0xb8;
	[tilespmem:$0x18100] =	vst v63  }
0x38b: {  	s24 =	simm.s32 $0x9900  }
0x38c: {  	[tilespmem:s24], [sflag:$0x2] =	stream.indirect_vreg.gather [hbm4b:s8+s0], $0x80, v4, vm0, $0xb8;
	[tilespmem:$0x18100] =	vst v63  }
0x38d: {  	s25 =	simm.s32 $0xA100  }
0x38e: {  	[tilespmem:s25], [sflag:$0x2] =	stream.indirect_vreg.gather [hbm4b:s9+s0], $0x80, v4, vm0, $0xb8;
	[tilespmem:$0x18100] =	vst v63  }
0x38f: {  	s26 =	simm.s32 $0xA900;
	v3 =	vperm.xlane v3, v2  }
0x390: {  	[tilespmem:s26], [sflag:$0x2] =	stream.indirect_vreg.gather [hbm4b:s10+s0], $0x80, v4, vm0, $0xb8;
	[tilespmem:$0x18100] =	vst v63  }
0x391: {  	s4 =	simm.s32 $0xB100;
	v3 =	vadd.s32 v1, v3  }
0x392: {  	[tilespmem:s4], [sflag:$0x2] =	stream.indirect_vreg.gather [hbm4b:s12+s0], $0x80, v4, vm0, $0xb8;
	[tilespmem:$0x18100] =	vst v63  }
0x393: {  	s5 =	simm.s32 $0xB900  }
0x394: {  	[tilespmem:s5], [sflag:$0x2] =	stream.indirect_vreg.gather [hbm4b:s13+s0], $0x80, v4, vm0, $0xb8;
	[tilespmem:$0x18100] =	vst v63  }
0x395: {  	s11 =	simm.s32 $0xC100  }
0x396: {  	[tilespmem:s11], [sflag:$0x2] =	stream.indirect_vreg.gather [hbm4b:s3+s0], $0x80, v3, vm0, $0xb8;
	[tilespmem:$0x18100] =	vst v63  }
0x397: {  	s21 =	simm.s32 $0xC900  }
0x398: {  	[tilespmem:s21], [sflag:$0x2] =	stream.indirect_vreg.gather [hbm4b:s6+s0], $0x80, v3, vm0, $0xb8;
	[tilespmem:$0x18100] =	vst v63  }
0x399: {  	s23 =	simm.s32 $0xD100  }
0x39a: {  	[tilespmem:s23], [sflag:$0x2] =	stream.indirect_vreg.gather [hbm4b:s7+s0], $0x80, v3, vm0, $0xb8;
	[tilespmem:$0x18100] =	vst v63  }
0x39b: {  	s24 =	simm.s32 $0xD900  }
0x39c: {  	[tilespmem:s24], [sflag:$0x2] =	stream.indirect_vreg.gather [hbm4b:s8+s0], $0x80, v3, vm0, $0xb8;
	[tilespmem:$0x18100] =	vst v63  }
0x39d: {  	s25 =	simm.s32 $0xE100  }
0x39e: {  	[tilespmem:s25], [sflag:$0x2] =	stream.indirect_vreg.gather [hbm4b:s9+s0], $0x80, v3, vm0, $0xb8;
	[tilespmem:$0x18100] =	vst v63  }
0x39f: {  	s26 =	simm.s32 $0xE900  }
0x3a0: {  	[tilespmem:s26], [sflag:$0x2] =	stream.indirect_vreg.gather [hbm4b:s10+s0], $0x80, v3, vm0, $0xb8;
	[tilespmem:$0x18100] =	vst v63  }
0x3a1: {  	s4 =	simm.s32 $0xF100  }
0x3a2: {  	[tilespmem:s4], [sflag:$0x2] =	stream.indirect_vreg.gather [hbm4b:s12+s0], $0x80, v3, vm0, $0xb8;
	[tilespmem:$0x18100] =	vst v63  }
0x3a3: {  	s5 =	simm.s32 $0xF900  }
0x3a4: {  	[tilespmem:s5], [sflag:$0x2] =	stream.indirect_vreg.gather [hbm4b:s13+s0], $0x80, v3, vm0, $0xb8;
	[tilespmem:$0x18100] =	vst v63  }
0x3a5: {  	_ =	swait.ge [sflag:s14], $0x8000  }
0x3a6: {  	[sflag:s14] =	ssyncset.done $0x0  }
0x3a7: {  	[sflag:s14] =	ssyncadd.s32 $0xFFFF8000  }
0x3a8: {  	_ =	swait.ge [sflag:s18], $0x4000  }
0x3a9: {  	[sflag:s18] =	ssyncset.done $0x0  }
0x3aa: {  	s11 =	sand.u32 $0x70, s0;
	s21 =	sand.u32 $0x3C00, s0;
	[sflag:s18] =	ssyncadd.s32 $0xFFFFC000  }
0x3ab: {  	s26 =	sor.u32 s11, s21;
	v16 =	vld [tilespmem:$0xE0]  }
0x3ac: {  	v10 =	vld [tilespmem:s26+$0x280]  }
0x3ad: {  	v9 =	vld [tilespmem:s26+$0x300]  }
0x3ae: {  	v8 =	vld [tilespmem:s26+$0x380]  }
0x3af: {  	v11 =	vld [tilespmem:s26+$0x100]  }
0x3b0: {  	v3 =	vld [tilespmem:s26+$0x180];
	v6 =	vbroadcast v16, $0x4  }
0x3b1: {  	v12 =	vld [tilespmem:s26+$0x200];
	v7 =	vbroadcast v16, $0x5;
	v4 =	vbroadcast v16, $0x0  }
0x3b2: {  	s29 =	simm.s32 $0x3;
	s23 =	simm.s32 $0x1;
	v5 =	vbroadcast v16, $0x1;
	v13 =	vmul.f32 v9, v6  }
0x3b3: {  	s30 =	simm.s32 $0x180;
	s1 =	sand.u32 $0x7, s23;
	s23 =	simm.s32 $0x30;
	v17 =	vld [tilespmem:s26+$0x4280];
	v14 =	vmul.f32 v8, v7;
	v8 =	vbroadcast v16, $0x2  }
0x3b4: {  	s24 =	simm.s32 $0x10;
	s1 =	sshll.u32 s1, $0x4;
	s25 =	simm.s32 $0x2;
	v18 =	vld [tilespmem:s26+$0x4200];
	v9 =	vbroadcast v16, $0x3;
	v11 =	vmul.f32 v11, v4  }
0x3b5: {  	s28 =	sadd.s32 $0x80, s1;
	s1 =	sand.u32 $0x7, s25;
	s11 =	simm.s32 $0x20;
	v19 =	vld [tilespmem:s26+$0x4480];
	v15 =	vmul.f32 v3, v5;
	v3 =	vbroadcast v16, $0x6  }
0x3b6: {  	s21 =	simm.s32 $0x100;
	s1 =	sshll.u32 s1, $0x4;
	s11 =	sand.u32 $0x70, s11;
	v24 =	vld [tilespmem:s26+$0x4400];
	v13 =	vadd.f32 v14, v13;
	v14 =	vmul.f32 v10, v9;
	v23 =	vmul.f32 v12, v8  }
0x3b7: {  	s4 =	sand.u32 $0x70, s24;
	s0 =	sand.u32 $0x7, s0;
	s5 =	simm.s32 $0x80;
	v20 =	vld [tilespmem:s26+$0x4180];
	v15 =	vadd.f32 v15, v11;
	v10 =	vbroadcast v16, $0x7;
	v11 =	vbroadcast v16, $0x8  }
0x3b8: {  	s24 =	sadd.s32 $0x100, s1;
	s0 =	sshll.u32 s0, $0x4;
	s5 =	sand.u32 $0x3C00, s5;
	v21 =	vld [tilespmem:s26+$0x4380];
	v12 =	vbroadcast v16, $0xA;
	[tilespmem:s26+$0x10200] =	vst v13;
	v13 =	vbroadcast v16, $0xB  }
0x3b9: {  	s25 =	sor.u32 s4, s5;
	s4 =	sand.u32 $0x3C00, s21;
	s21 =	sand.u32 $0x7, s29;
	v22 =	vld [tilespmem:s26+$0x4300];
	v23 =	vadd.f32 v14, v23;
	[tilespmem:s26+$0x10100] =	vst v15;
	v15 =	vbroadcast v16, $0x9;
	v14 =	vbroadcast v16, $0xE  }
0x3ba: {  	s0 =	sadd.s32 $0x0, s0;
	s1 =	sshll.u32 s21, $0x4;
	s21 =	sand.u32 $0x70, s23;
	v25 =	vld [tilespmem:s26+$0x4100];
	v27 =	vmul.f32 v18, v12;
	v28 =	vmul.f32 v17, v13  }
0x3bb: {  	s31 =	simm.s32 $0x40;
	s23 =	sand.u32 $0x3C00, s30;
	s0 =	sor.u32 $0x380, s0;
	v26 =	vld [tilespmem:s26+$0x400];
	v18 =	vbroadcast v16, $0xD;
	[tilespmem:s26+$0x10180] =	vst v23;
	v17 =	vbroadcast v16, $0xC  }
0x3bc: {  	s11 =	sor.u32 s11, s4;
	s21 =	sor.u32 s21, s23;
	s4 =	sadd.s32 $0x180, s1;
	v16 =	vbroadcast v16, $0xF;
	v24 =	vmul.f32 v24, v14;
	v23 =	vadd.f32 v28, v27;
	v27 =	vld [tilespmem:s0+$0x100]  }
.LBB2_14:
0x3bd: {  	p0 =	sne.s32 s31, $0x7F0;
	s30 =	sadd.s32 $0x80, s30;
	s29 =	sadd.s32 $0x1, s29  }
0x3be: {  	v21 =	vmul.f32 v21, v18;
	s5 =	smov.u32 s31;
	s31 =	sadd.s32 $0x10, s31;
	s1 =	sand.u32 $0x7, s29;
	v22 =	vmul.f32 v22, v17  }
0x3bf: {  	s1 =	sshll.u32 s1, $0x4;
	v25 =	vmul.f32 v25, v11  }
0x3c0: {  	v20 =	vmul.f32 v20, v15;
	s1 =	sadd.s32 s1, s30;
	v26 =	vmul.f32 v26, v3;
	v21 =	vadd.f32 v21, v22  }
0x3c1: {  	v19 =	vmul.f32 v19, v16;
	s5 =	sand.u32 $0x70, s5;
	s23 =	sand.u32 $0x3C00, s30;
	v22 =	vmul.f32 v27, v10  }
0x3c2: {  	s5 =	sor.u32 s5, s23;
	v20 =	vadd.f32 v20, v25;
	[tilespmem:s26+$0x10400] =	vst v21  }
0x3c3: {  	v19 =	vadd.f32 v19, v24;
	v21 =	vadd.f32 v22, v26;
	[tilespmem:s26+$0x10380] =	vst v23  }
0x3c4: {  	[tilespmem:s26+$0x10300] =	vst v20  }
0x3c5: {  	[tilespmem:s26+$0x10280] =	vst v21;
	s26 =	smov.u32 s25;
	s25 =	smov.u32 s11;
	s11 =	smov.u32 s21  }
0x3c6: {  	s21 =	smov.u32 s5;
	[tilespmem:s0+$0x10100] =	vst v19  }
0x3c7: {  	v19 =	vld [tilespmem:s26+$0x280]  }
0x3c8: {  	v20 =	vld [tilespmem:s26+$0x180]  }
0x3c9: {  	v21 =	vld [tilespmem:s26+$0x380]  }
0x3ca: {  	v22 =	vld [tilespmem:s26+$0x300]  }
0x3cb: {  	v23 =	vld [tilespmem:s26+$0x100]  }
0x3cc: {  	v24 =	vld [tilespmem:s26+$0x200]  }
0x3cd: {  	v25 =	vld [tilespmem:s26+$0x4280]  }
0x3ce: {  	v26 =	vmul.f32 v19, v9;
	v27 =	vld [tilespmem:s26+$0x4200]  }
0x3cf: {  	v21 =	vmul.f32 v21, v7;
	v22 =	vmul.f32 v22, v6;
	v19 =	vld [tilespmem:s26+$0x4480]  }
0x3d0: {  	v28 =	vmul.f32 v20, v5;
	v23 =	vmul.f32 v23, v4;
	v29 =	vld [tilespmem:s26+$0x4400]  }
0x3d1: {  	v24 =	vmul.f32 v24, v8;
	v22 =	vadd.f32 v21, v22;
	v20 =	vld [tilespmem:s26+$0x4180]  }
.Ltmp6:
0x3d2: {  	v23 =	vadd.f32 v28, v23;
	v21 =	vld [tilespmem:s26+$0x4380];
	(pc) =	sbr.rel @p0 .LBB2_14-.Ltmp6, $4  }
0x3d3: {  	v28 =	vmul.f32 v25, v13;
	v24 =	vadd.f32 v26, v24;
	[tilespmem:s26+$0x10200] =	vst v22;
	v27 =	vmul.f32 v27, v12;
	v22 =	vld [tilespmem:s26+$0x4300]  }
0x3d4: {  	s0 =	sor.u32 $0x380, s28;
	s28 =	smov.u32 s24;
	s24 =	smov.u32 s4;
	[tilespmem:s26+$0x10100] =	vst v23;
	v25 =	vld [tilespmem:s26+$0x4100]  }
0x3d5: {  	s4 =	smov.u32 s1;
	[tilespmem:s26+$0x10180] =	vst v24;
	v26 =	vld [tilespmem:s26+$0x400];
	v23 =	vadd.f32 v28, v27;
	v24 =	vmul.f32 v29, v14  }
0x3d6: {  	v27 =	vld [tilespmem:s0+$0x100]  }
0x3d7: {  	_ =	sdelay $0x1  }
0x3d8: {  	v21 =	vmul.f32 v21, v18;
	v22 =	vmul.f32 v22, v17  }
0x3d9: {  	v20 =	vmul.f32 v20, v15;
	v25 =	vmul.f32 v25, v11  }
0x3da: {  	v21 =	vadd.f32 v21, v22;
	v22 =	vmul.f32 v26, v3;
	v26 =	vmul.f32 v27, v10  }
0x3db: {  	v19 =	vmul.f32 v19, v16;
	[tilespmem:s26+$0x10380] =	vst v23;
	v20 =	vadd.f32 v20, v25  }
0x3dc: {  	[tilespmem:s26+$0x10400] =	vst v21;
	v21 =	vadd.f32 v26, v22  }
0x3dd: {  	v19 =	vadd.f32 v19, v24;
	[tilespmem:s26+$0x10300] =	vst v20  }
0x3de: {  	[tilespmem:s26+$0x10280] =	vst v21  }
0x3df: {  	[tilespmem:s0+$0x10100] =	vst v19  }
0x3e0: {  	v19 =	vld [tilespmem:s25+$0x280]  }
0x3e1: {  	v20 =	vld [tilespmem:s25+$0x180]  }
0x3e2: {  	v21 =	vld [tilespmem:s25+$0x380]  }
0x3e3: {  	v22 =	vld [tilespmem:s25+$0x300]  }
0x3e4: {  	v23 =	vld [tilespmem:s25+$0x100]  }
0x3e5: {  	v24 =	vld [tilespmem:s25+$0x200];
	_ =	sdelay $0x1  }
0x3e6: {  	v25 =	vld [tilespmem:s25+$0x4280]  }
0x3e7: {  	v26 =	vld [tilespmem:s25+$0x4200];
	v22 =	vmul.f32 v22, v6;
	v21 =	vmul.f32 v21, v7  }
0x3e8: {  	v27 =	vld [tilespmem:s25+$0x4480];
	v23 =	vmul.f32 v23, v4;
	v20 =	vmul.f32 v20, v5  }
0x3e9: {  	v29 =	vld [tilespmem:s25+$0x4380];
	v19 =	vmul.f32 v19, v9;
	v24 =	vmul.f32 v24, v8;
	v21 =	vadd.f32 v21, v22  }
0x3ea: {  	v22 =	vld [tilespmem:s25+$0x4180];
	v20 =	vadd.f32 v20, v23  }
0x3eb: {  	v19 =	vadd.f32 v19, v24;
	[tilespmem:s25+$0x10200] =	vst v21;
	v21 =	vld [tilespmem:s25+$0x4300]  }
0x3ec: {  	[tilespmem:s25+$0x10100] =	vst v20;
	v20 =	vld [tilespmem:s25+$0x4100]  }
0x3ed: {  	s23 =	sor.u32 $0x380, s28;
	[tilespmem:s25+$0x10180] =	vst v19;
	v19 =	vld [tilespmem:s25+$0x400]  }
0x3ee: {  	v23 =	vld [tilespmem:s23+$0x100]  }
0x3ef: {  	v28 =	vld [tilespmem:s25+$0x4400]  }
0x3f0: {  	v24 =	vmul.f32 v29, v18;
	v21 =	vmul.f32 v21, v17  }
0x3f1: {  	v26 =	vmul.f32 v26, v12;
	v25 =	vmul.f32 v25, v13  }
0x3f2: {  	v22 =	vmul.f32 v22, v15;
	v20 =	vmul.f32 v20, v11;
	v21 =	vadd.f32 v24, v21  }
0x3f3: {  	v19 =	vmul.f32 v19, v3;
	v23 =	vmul.f32 v23, v10;
	v24 =	vadd.f32 v25, v26  }
0x3f4: {  	v25 =	vmul.f32 v28, v14;
	v26 =	vmul.f32 v27, v16;
	v20 =	vadd.f32 v22, v20;
	[tilespmem:s25+$0x10400] =	vst v21  }
0x3f5: {  	v19 =	vadd.f32 v23, v19;
	[tilespmem:s25+$0x10380] =	vst v24  }
0x3f6: {  	v21 =	vadd.f32 v26, v25;
	[tilespmem:s25+$0x10300] =	vst v20  }
0x3f7: {  	[tilespmem:s25+$0x10280] =	vst v19  }
0x3f8: {  	[tilespmem:s23+$0x10100] =	vst v21  }
0x3f9: {  	v20 =	vld [tilespmem:s11+$0x180]  }
0x3fa: {  	v21 =	vld [tilespmem:s11+$0x380]  }
0x3fb: {  	v22 =	vld [tilespmem:s11+$0x300]  }
0x3fc: {  	v23 =	vld [tilespmem:s11+$0x100]  }
0x3fd: {  	v19 =	vld [tilespmem:s11+$0x280]  }
0x3fe: {  	v24 =	vld [tilespmem:s11+$0x200];
	_ =	sdelay $0x1  }
0x3ff: {  	v25 =	vld [tilespmem:s11+$0x4280];
	v22 =	vmul.f32 v22, v6;
	v21 =	vmul.f32 v21, v7  }
0x400: {  	v26 =	vld [tilespmem:s11+$0x4200];
	v23 =	vmul.f32 v23, v4;
	v20 =	vmul.f32 v20, v5  }
0x401: {  	v27 =	vld [tilespmem:s11+$0x4480];
	v19 =	vmul.f32 v19, v9  }
0x402: {  	v29 =	vld [tilespmem:s11+$0x4380];
	v21 =	vadd.f32 v21, v22;
	v20 =	vadd.f32 v20, v23;
	v23 =	vmul.f32 v24, v8  }
0x403: {  	v22 =	vld [tilespmem:s11+$0x4180]  }
0x404: {  	[tilespmem:s11+$0x10200] =	vst v21;
	v21 =	vld [tilespmem:s11+$0x4300];
	v19 =	vadd.f32 v19, v23  }
0x405: {  	[tilespmem:s11+$0x10100] =	vst v20;
	v20 =	vld [tilespmem:s11+$0x4100]  }
0x406: {  	s25 =	sor.u32 $0x380, s24;
	[tilespmem:s11+$0x10180] =	vst v19;
	v19 =	vld [tilespmem:s11+$0x400]  }
0x407: {  	v23 =	vld [tilespmem:s25+$0x100]  }
0x408: {  	v28 =	vld [tilespmem:s11+$0x4400]  }
0x409: {  	v24 =	vmul.f32 v29, v18;
	v21 =	vmul.f32 v21, v17  }
0x40a: {  	v26 =	vmul.f32 v26, v12;
	v25 =	vmul.f32 v25, v13  }
0x40b: {  	v22 =	vmul.f32 v22, v15;
	v20 =	vmul.f32 v20, v11;
	v21 =	vadd.f32 v24, v21  }
0x40c: {  	v24 =	vadd.f32 v25, v26;
	v19 =	vmul.f32 v19, v3;
	v23 =	vmul.f32 v23, v10  }
0x40d: {  	v25 =	vmul.f32 v28, v14;
	v26 =	vmul.f32 v27, v16;
	v20 =	vadd.f32 v22, v20;
	[tilespmem:s11+$0x10400] =	vst v21  }
0x40e: {  	[tilespmem:s11+$0x10380] =	vst v24;
	v19 =	vadd.f32 v23, v19  }
0x40f: {  	v21 =	vadd.f32 v26, v25;
	[tilespmem:s11+$0x10300] =	vst v20  }
0x410: {  	[tilespmem:s11+$0x10280] =	vst v19  }
0x411: {  	[tilespmem:s25+$0x10100] =	vst v21  }
0x412: {  	v19 =	vld [tilespmem:s21+$0x280]  }
0x413: {  	v20 =	vld [tilespmem:s21+$0x180]  }
0x414: {  	v21 =	vld [tilespmem:s21+$0x380]  }
0x415: {  	v22 =	vld [tilespmem:s21+$0x300]  }
0x416: {  	v23 =	vld [tilespmem:s21+$0x100]  }
0x417: {  	v24 =	vld [tilespmem:s21+$0x200];
	_ =	sdelay $0x1  }
0x418: {  	v25 =	vld [tilespmem:s21+$0x4280]  }
0x419: {  	v26 =	vld [tilespmem:s21+$0x4200];
	v6 =	vmul.f32 v22, v6;
	v7 =	vmul.f32 v21, v7  }
0x41a: {  	v21 =	vld [tilespmem:s21+$0x4480];
	v4 =	vmul.f32 v23, v4;
	v5 =	vmul.f32 v20, v5  }
0x41b: {  	v20 =	vld [tilespmem:s21+$0x4380];
	v9 =	vmul.f32 v19, v9;
	v8 =	vmul.f32 v24, v8;
	v6 =	vadd.f32 v7, v6  }
0x41c: {  	v7 =	vld [tilespmem:s21+$0x4180];
	v4 =	vadd.f32 v5, v4  }
0x41d: {  	v5 =	vld [tilespmem:s21+$0x4300];
	[tilespmem:s21+$0x10200] =	vst v6;
	v6 =	vadd.f32 v9, v8  }
0x41e: {  	[tilespmem:s21+$0x10100] =	vst v4;
	v4 =	vld [tilespmem:s21+$0x4100]  }
0x41f: {  	s26 =	sor.u32 $0x380, s4;
	[tilespmem:s21+$0x10180] =	vst v6;
	v6 =	vld [tilespmem:s21+$0x400]  }
0x420: {  	v8 =	vld [tilespmem:s26+$0x100]  }
0x421: {  	v22 =	vld [tilespmem:s21+$0x4400]  }
0x422: {  	v9 =	vmul.f32 v20, v18;
	v5 =	vmul.f32 v5, v17  }
0x423: {  	v12 =	vmul.f32 v26, v12;
	v13 =	vmul.f32 v25, v13  }
0x424: {  	v7 =	vmul.f32 v7, v15;
	v4 =	vmul.f32 v4, v11;
	v5 =	vadd.f32 v9, v5  }
0x425: {  	v9 =	vadd.f32 v13, v12;
	v3 =	vmul.f32 v6, v3;
	v6 =	vmul.f32 v8, v10  }
0x426: {  	v4 =	vadd.f32 v7, v4;
	[tilespmem:s21+$0x10400] =	vst v5;
	v8 =	vmul.f32 v22, v14;
	v10 =	vmul.f32 v21, v16  }
0x427: {  	[tilespmem:s21+$0x10380] =	vst v9;
	v3 =	vadd.f32 v6, v3  }
0x428: {  	[tilespmem:s21+$0x10300] =	vst v4;
	v5 =	vadd.f32 v10, v8  }
0x429: {  	[tilespmem:s21+$0x10280] =	vst v3  }
0x42a: {  	s28 =	simm.s32 $0x0;
	s1 =	rddreg [dreg:$0xb];
	[tilespmem:s26+$0x10100] =	vst v5  }
0x42b: {  	[hbm4b:s1+s28] =	stream.linear.scatter [tilespmem:s15], [sflag:$0x3], $0x4000, $0x38;
	[tilespmem:$0x18100] =	vst v63  }
0x42c: {  	_ =	swait.ge [sflag:s16], $0x8000  }
0x42d: {  	[sflag:s16] =	ssyncset.done $0x0  }
0x42e: {  	[sflag:s16] =	ssyncadd.s32 $0xFFFF8000  }
0x42f: {  	_ =	swait.ge [sflag:s19], $0x4000  }
0x430: {  	[sflag:s19] =	ssyncset.done $0x0  }
0x431: {  	s29 =	sand.u32 $0x70, s28;
	s0 =	sand.u32 $0x3C00, s28;
	[sflag:s19] =	ssyncadd.s32 $0xFFFFC000  }
0x432: {  	s4 =	sor.u32 s29, s0;
	v18 =	vld [tilespmem:$0xF0]  }
0x433: {  	v3 =	vld [tilespmem:s4+$0xC400]  }
0x434: {  	v4 =	vld [tilespmem:s4+$0xC480]  }
0x435: {  	v5 =	vld [tilespmem:s4+$0x8100]  }
0x436: {  	v9 =	vld [tilespmem:s4+$0x8180]  }
0x437: {  	v10 =	vld [tilespmem:s4+$0x8200];
	v12 =	vbroadcast v18, $0xE  }
0x438: {  	v11 =	vld [tilespmem:s4+$0x8280];
	v13 =	vbroadcast v18, $0xF;
	v7 =	vbroadcast v18, $0x0  }
0x439: {  	v8 =	vbroadcast v18, $0x1;
	v6 =	vbroadcast v18, $0x2  }
0x43a: {  	v17 =	vbroadcast v18, $0x3;
	v3 =	vmul.f32 v3, v12  }
0x43b: {  	v22 =	vld [tilespmem:s4+$0x8300];
	v4 =	vmul.f32 v4, v13;
	v14 =	vmul.f32 v5, v7  }
0x43c: {  	v23 =	vld [tilespmem:s4+$0x8380];
	v9 =	vmul.f32 v9, v8;
	v5 =	vbroadcast v18, $0x6  }
0x43d: {  	v24 =	vld [tilespmem:s4+$0x8400];
	v20 =	vmul.f32 v10, v6;
	v11 =	vmul.f32 v11, v17  }
0x43e: {  	v25 =	vld [tilespmem:s4+$0x8480];
	v10 =	vbroadcast v18, $0xA;
	v15 =	vadd.f32 v4, v3;
	v3 =	vbroadcast v18, $0x4  }
0x43f: {  	v28 =	vld [tilespmem:s4+$0xC100];
	v4 =	vbroadcast v18, $0x5;
	v16 =	vadd.f32 v9, v14;
	v14 =	vbroadcast v18, $0x7  }
0x440: {  	v19 =	vld [tilespmem:s4+$0xC180];
	v9 =	vbroadcast v18, $0x8;
	v26 =	vadd.f32 v11, v20;
	v11 =	vbroadcast v18, $0xC  }
0x441: {  	v20 =	vld [tilespmem:s4+$0xC200];
	[tilespmem:s4+$0x14480] =	vst v15;
	v27 =	vmul.f32 v22, v3;
	v23 =	vmul.f32 v23, v4  }
0x442: {  	s30 =	simm.s32 $0x10;
	s21 =	simm.s32 $0x80;
	v21 =	vld [tilespmem:s4+$0xC280];
	v24 =	vmul.f32 v24, v5;
	[tilespmem:s4+$0x14100] =	vst v16;
	v15 =	vbroadcast v18, $0x9  }
0x443: {  	s0 =	sand.u32 $0x70, s30;
	s31 =	sand.u32 $0x3C00, s21;
	v16 =	vbroadcast v18, $0xB;
	[tilespmem:s4+$0x14180] =	vst v26;
	v22 =	vld [tilespmem:s4+$0xC300];
	v26 =	vadd.f32 v23, v27;
	v27 =	vmul.f32 v25, v14  }
0x444: {  	s11 =	sor.u32 s0, s31;
	s0 =	simm.s32 $0x20;
	v18 =	vbroadcast v18, $0xD;
	v25 =	vmul.f32 v28, v9;
	v23 =	vld [tilespmem:s4+$0xC380]  }
.LBB2_16:
0x445: {  	p0 =	sne.s32 s0, $0x7F0;
	v28 =	vld [tilespmem:s11+$0xC400];
	[tilespmem:s4+$0x14200] =	vst v26;
	v24 =	vadd.f32 v27, v24;
	v19 =	vmul.f32 v19, v15  }
0x446: {  	v26 =	vld [tilespmem:s11+$0xC480];
	v20 =	vmul.f32 v20, v10  }
0x447: {  	v27 =	vld [tilespmem:s11+$0x8100];
	[tilespmem:s4+$0x14280] =	vst v24;
	v19 =	vadd.f32 v19, v25;
	v21 =	vmul.f32 v21, v16  }
0x448: {  	v24 =	vld [tilespmem:s11+$0x8180];
	v22 =	vmul.f32 v22, v11  }
0x449: {  	v25 =	vld [tilespmem:s11+$0x8200];
	[tilespmem:s4+$0x14300] =	vst v19;
	v19 =	vadd.f32 v21, v20;
	v20 =	vmul.f32 v23, v18  }
0x44a: {  	v21 =	vld [tilespmem:s11+$0x8280]  }
0x44b: {  	v28 =	vmul.f32 v28, v12;
	v23 =	vld [tilespmem:s11+$0x8300];
	v26 =	vmul.f32 v26, v13;
	[tilespmem:s4+$0x14380] =	vst v19;
	v19 =	vadd.f32 v20, v22  }
0x44c: {  	v20 =	vmul.f32 v27, v7;
	v22 =	vld [tilespmem:s11+$0x8380]  }
0x44d: {  	v24 =	vmul.f32 v24, v8;
	v27 =	vld [tilespmem:s11+$0x8400];
	v26 =	vadd.f32 v26, v28;
	[tilespmem:s4+$0x14400] =	vst v19;
	s4 =	smov.u32 s11  }
0x44e: {  	v25 =	vmul.f32 v25, v6;
	v28 =	vld [tilespmem:s4+$0x8480]  }
0x44f: {  	v20 =	vadd.f32 v24, v20;
	v21 =	vmul.f32 v21, v17;
	v29 =	vld [tilespmem:s4+$0xC100];
	[tilespmem:s4+$0x14480] =	vst v26  }
.Ltmp7:
0x450: {  	v23 =	vmul.f32 v23, v3;
	v19 =	vld [tilespmem:s4+$0xC180];
	(pc) =	sbr.rel @p0 .LBB2_16-.Ltmp7, $4  }
0x451: {  	[tilespmem:s4+$0x14100] =	vst v20;
	v25 =	vadd.f32 v21, v25;
	v22 =	vmul.f32 v22, v4;
	v20 =	vld [tilespmem:s4+$0xC200]  }
0x452: {  	s21 =	sadd.s32 $0x80, s21;
	v24 =	vmul.f32 v27, v5;
	v21 =	vld [tilespmem:s4+$0xC280]  }
0x453: {  	s1 =	sand.u32 $0x70, s0;
	s5 =	sand.u32 $0x3C00, s21;
	[tilespmem:s4+$0x14180] =	vst v25;
	v26 =	vadd.f32 v22, v23;
	v27 =	vmul.f32 v28, v14;
	v22 =	vld [tilespmem:s4+$0xC300]  }
0x454: {  	s0 =	sadd.s32 $0x10, s0;
	s11 =	sor.u32 s1, s5;
	v25 =	vmul.f32 v29, v9;
	v23 =	vld [tilespmem:s4+$0xC380]  }
0x455: {  	v28 =	vld [tilespmem:s11+$0xC400];
	[tilespmem:s4+$0x14200] =	vst v26;
	v24 =	vadd.f32 v27, v24;
	v19 =	vmul.f32 v19, v15  }
0x456: {  	v26 =	vld [tilespmem:s11+$0xC480]  }
0x457: {  	v42 =	vld [tilespmem:s11+$0x8100];
	v20 =	vmul.f32 v20, v10;
	[tilespmem:s4+$0x14280] =	vst v24;
	v19 =	vadd.f32 v19, v25;
	v21 =	vmul.f32 v21, v16  }
0x458: {  	v24 =	vld [tilespmem:s11+$0x8180]  }
0x459: {  	v43 =	vld [tilespmem:s11+$0x8200];
	v46 =	vmul.f32 v22, v11;
	[tilespmem:s4+$0x14300] =	vst v19;
	v44 =	vadd.f32 v21, v20;
	v47 =	vmul.f32 v23, v18  }
0x45a: {  	v45 =	vld [tilespmem:s11+$0x8280]  }
0x45b: {  	v48 =	vld [tilespmem:s11+$0x8300];
	[tilespmem:s4+$0x14380] =	vst v44;
	v49 =	vadd.f32 v47, v46  }
0x45c: {  	v50 =	vld [tilespmem:s11+$0x8380]  }
0x45d: {  	v51 =	vld [tilespmem:s11+$0x8400];
	[tilespmem:s4+$0x14400] =	vst v49  }
0x45e: {  	v52 =	vld [tilespmem:s11+$0x8480]  }
0x45f: {  	v19 =	vld [tilespmem:s11+$0xC100]  }
0x460: {  	v54 =	vld [tilespmem:s11+$0xC180]  }
0x461: {  	v55 =	vld [tilespmem:s11+$0xC200]  }
0x462: {  	v12 =	vmul.f32 v28, v12;
	v13 =	vmul.f32 v26, v13;
	v56 =	vld [tilespmem:s11+$0xC280]  }
0x463: {  	v7 =	vmul.f32 v42, v7;
	v8 =	vmul.f32 v24, v8;
	v57 =	vld [tilespmem:s11+$0xC300]  }
0x464: {  	v12 =	vadd.f32 v13, v12;
	v6 =	vmul.f32 v43, v6;
	v58 =	vld [tilespmem:s11+$0xC380];
	v53 =	vmul.f32 v45, v17  }
0x465: {  	v7 =	vadd.f32 v8, v7;
	v3 =	vmul.f32 v48, v3;
	v4 =	vmul.f32 v50, v4  }
0x466: {  	[tilespmem:s11+$0x14480] =	vst v12;
	v6 =	vadd.f32 v53, v6;
	v5 =	vmul.f32 v51, v5;
	v13 =	vmul.f32 v52, v14  }
0x467: {  	[tilespmem:s11+$0x14100] =	vst v7;
	v3 =	vadd.f32 v4, v3;
	v59 =	vmul.f32 v19, v9;
	v60 =	vmul.f32 v54, v15  }
0x468: {  	[tilespmem:s11+$0x14180] =	vst v6;
	v7 =	vmul.f32 v55, v10;
	v8 =	vmul.f32 v56, v16;
	v5 =	vadd.f32 v13, v5  }
0x469: {  	v61 =	vmul.f32 v57, v11;
	v62 =	vmul.f32 v58, v18;
	[tilespmem:s11+$0x14200] =	vst v3;
	v3 =	vadd.f32 v60, v59  }
0x46a: {  	v63 =	vadd.f32 v8, v7;
	[tilespmem:s11+$0x14280] =	vst v5  }
0x46b: {  	[tilespmem:s11+$0x14300] =	vst v3;
	v3 =	vadd.f32 v62, v61  }
0x46c: {  	[tilespmem:s11+$0x14380] =	vst v63  }
0x46d: {  	s0 =	rddreg [dreg:$0xc];
	[tilespmem:s11+$0x14400] =	vst v3  }
0x46e: {  	[hbm4b:s0+s2] =	stream.linear.scatter [tilespmem:s17], [sflag:$0x4], $0x4000, $0x38;
	[tilespmem:$0x18100] =	vst v63  }
0x46f: {  	_ =	swait.ge [sflag:s18], $0x4000  }
0x470: {  	[sflag:s18] =	ssyncset.done $0x0  }
0x471: {  	[sflag:s18] =	ssyncadd.s32 $0xFFFFC000  }
0x472: {  	_ =	swait.ge [sflag:s19], $0x4000  }
0x473: {  	s20 =	sadd.s32 $0x1, s20;
	s31 =	rddreg [dreg:$0xd]  }
0x474: {  	p0 =	sne.s32 s20, s31  }
.Ltmp8:
0x475: {  	_ = 	snop;
	(pc) =	sbr.rel @p0 .LBB2_1-.Ltmp8, $3  }
0x476: {  	_ =	sdelay $0x1  }
0x477: {  	[sflag:s19] =	ssyncset.done $0x0  }
0x478: {  	[sflag:s19] =	ssyncadd.s32 $0xFFFFC000  }
0x479: {  	_ =	sfence.sel $0x180000  }
0x47a: {  	[bflag:$0x0] =	sbarrier.arrive $0xFFFF  }
0x47b: {  	_ =	strace $0x9000004A  }
0x47c: {  	s0 =	stileid.u32;
	[bflag:$0x2] =	sbarrier.arrive $0xFFFF  }
0x47d: {  	p0 =	sne.s32 s0, $0x0;
	s0 =	rddreg [dreg:$0x2]  }
0x47e: {  	s0 =	sadd.s32 @!p0 $0x100000, s0  }
0x47f: {  	[sflag:s0] =	ssyncadd.tile.s32 @!p0 $0x1;
	_ =	shalt  }
.Lfunc_end2:
_tile_overlayer_lowered:
.L_overlay_start_2:
0x480: {  	(tag) =	ssettag $0x2  }
0x481: {  	s0 =	rddreg [dreg:$0x0];
	s2 =	stileid.u32  }
0x482: {  	s1 =	rddreg [dreg:$0x1];
	p0 =	sne.s32 s2, $0x0  }
0x483: {  	s3 =	rddreg [dreg:$0x2];
	[bflag:$0x3] =	sbarrier.arrive $0xFFFF;
	s2 =	simm.s32 @!p0 $0x1C05  }
0x484: {  	[timem:s3], [sflag:s2] =	dma.local @!p0 [hbm:s0], s1  }
0x485: {  	s0 =	simm.s32 @!p0 $0x5  }
0x486: {  	_ =	swait.ge @!p0 [sflag:s0], s1  }
0x487: {  	s1 =	ssub.s32 @!p0 $0x0, s1;
	[sflag:s0] =	ssyncset.done @!p0 $0x0  }
0x488: {  	[sflag:s0] =	ssyncadd.s32 @!p0 s1  }
0x489: {  	[bflag:$0x3] =	sbarrier.arrive $0xFFFF  }
0x48a: {  	_ =	shalt  }

</sc_bundles>
